<compile_context>
chip_gen: v7x
topology: tpu7x:2x2x1
jax: 0.10.2.dev20260603
libtpu: 0.0.44.dev20260713+nightly
codegen_flags: <defaults>
</compile_context>

<pallas_src>
import jax
import jax.numpy as jnp
from jax import lax
from jax.experimental import pallas as pl
from jax.experimental.pallas import tpu as pltpu
from jax.experimental.pallas import tpu_sc as plsc

_NL = 8
_SIG = 0.5
_NW = 32
_CHUNK = 512 * 512 // _NW


def _sc_sums(km_h, kl_h, rl_h, p_h, out_h, klv, rlv, kmv, pv, hist):
    wid = lax.axis_index("s") * 2 + lax.axis_index("c")
    base = wid * _CHUNK
    for img in range(4):
        for j in range(48):
            hist[img, j] = jnp.zeros((16,), jnp.float32)
    lanes = lax.iota(jnp.int32, 16)
    for img in range(4):
        pltpu.sync_copy(kl_h.at[img, pl.ds(base, _CHUNK)], klv)
        pltpu.sync_copy(rl_h.at[img, pl.ds(base, _CHUNK)], rlv)
        pltpu.sync_copy(km_h.at[img, pl.ds(base, _CHUNK)], kmv)
        for c in range(4):
            pltpu.sync_copy(p_h.at[img, c, pl.ds(base, _CHUNK)], pv.at[c])
        imgs = jnp.full((16,), img, jnp.int32)

        def body(i, _):
            off = i * 16
            kle = klv[pl.ds(off, 16)]
            rle = rlv[pl.ds(off, 16)]
            kme = kmv[pl.ds(off, 16)]
            plsc.addupdate_scatter(hist, [imgs, kle, lanes], kme)
            for c in range(4):
                pe = pv[c, pl.ds(off, 16)]
                plsc.addupdate_scatter(hist, [imgs, kle + 8 * (1 + c), lanes], pe)
            plsc.addupdate_scatter(hist, [imgs, rle + 40, lanes], kme)
            return 0

        lax.fori_loop(0, _CHUNK // 16, body, 0)
    pltpu.sync_copy(hist, out_h.at[wid])


def _tc_body(hist_ref, pred_ref, rm_ref, rl_ref, kl_ref, loss_ref):
    b = pl.program_id(0)
    nb = pl.num_programs(0)
    kl = kl_ref[0, 0]
    rl = rl_ref[0, 0]
    rm = rm_ref[0, 0]
    H = kl.shape[0]

    t48 = jnp.sum(hist_ref[...], axis=(0, 1, 3))[None, :]
    lane = jax.lax.broadcasted_iota(jnp.int32, (1, _NL), 1)
    inv_k = 1.0 / (t48[:, 0:_NL] + 1.0)
    g_t = [jnp.where(lane > 0, t48[:, _NL * (1 + c):_NL * (2 + c)] * inv_k, 0.0)
           for c in range(4)]
    rinv_t = jnp.where(lane > 0, 1.0 / (t48[:, 40:48] + 1.0), 1.0)

    def gather(t, idx):
        tb = jnp.broadcast_to(t, (H, _NL))
        return jnp.take_along_axis(tb, idx, axis=1, mode="promise_in_bounds")

    acc = jnp.zeros_like(rm)
    for c in range(4):
        fp = pred_ref[0, c] * rm
        d = fp - gather(g_t[c], kl)
        acc = acc + d * d
    dd = jnp.maximum(jnp.sqrt(acc) - _SIG, 0.0)
    dd = jnp.log(dd * dd + 1.0)
    s = jnp.sum(dd * gather(rinv_t, rl))

    @pl.when(b == 0)
    def _():
        loss_ref[0, 0] = s

    @pl.when(jnp.logical_and(b != 0, b != nb - 1))
    def _():
        loss_ref[0, 0] = loss_ref[0, 0] + s

    @pl.when(jnp.logical_and(b != 0, b == nb - 1))
    def _():
        numk = jnp.max(kl).astype(jnp.float32)
        loss_ref[0, 0] = (loss_ref[0, 0] + s) / numk


def kernel(pred_similarities, regions_mask, kernels_mask, text_mask_ndi_labels, kernel_mask_ndi_labels):
    B, C, H, W = pred_similarities.shape
    N = H * W

    km2 = kernels_mask.reshape(B, N)
    kl2 = kernel_mask_ndi_labels.reshape(B, N)
    rl2 = text_mask_ndi_labels.reshape(B, N)
    p2 = pred_similarities.reshape(B, C, N)

    mesh = plsc.VectorSubcoreMesh(core_axis_name="c", subcore_axis_name="s")
    hist = pl.kernel(
        _sc_sums,
        out_type=jax.ShapeDtypeStruct((_NW, B, 48, 16), jnp.float32),
        mesh=mesh,
        compiler_params=pltpu.CompilerParams(needs_layout_passes=False),
        scratch_types=[
            pltpu.VMEM((_CHUNK,), jnp.int32),
            pltpu.VMEM((_CHUNK,), jnp.int32),
            pltpu.VMEM((_CHUNK,), jnp.float32),
            pltpu.VMEM((C, _CHUNK), jnp.float32),
            pltpu.VMEM((B, 48, 16), jnp.float32),
        ],
    )(km2, kl2, rl2, p2)

    img_spec = lambda: pl.BlockSpec((1, 1, H, W), lambda b: (b, 0, 0, 0))
    loss = pl.pallas_call(
        _tc_body,
        grid=(B,),
        in_specs=[
            pl.BlockSpec((_NW, 1, 48, 16), lambda b: (0, b, 0, 0)),
            pl.BlockSpec((1, C, H, W), lambda b: (b, 0, 0, 0)),
            img_spec(),
            img_spec(),
            img_spec(),
        ],
        out_specs=pl.BlockSpec(memory_space=pltpu.SMEM),
        out_shape=jax.ShapeDtypeStruct((1, 1), jnp.float32),
    )(hist, pred_similarities, regions_mask, text_mask_ndi_labels, kernel_mask_ndi_labels)

    return loss[0, 0]

# --- scband reference (transcript-rebuilt; emitter-appended) ---
"""Pipeline reference for scband-aggregation-loss-32908039422363 (READ-ONLY COPY).

The authoritative reference and input builder live on the scoring server;
editing this copy changes nothing except your own understanding.
"""

import jax, jax.numpy as jnp
import numpy as np

NUM_LABELS = 8
SIGMA_AGG = 0.5


def setup_inputs(seed: int = 0) -> dict:
    key = jax.random.key(seed)
    k1, k2, k3, k4, k5 = jax.random.split(key, 5)
    B, C, H, W = 4, 4, 512, 512
    pred_similarities = jax.random.normal(k1, (B, C, H, W), dtype=jnp.float32)
    regions_mask = jax.random.uniform(k2, (B, 1, H, W), dtype=jnp.float32)
    kernels_mask = jax.random.uniform(k3, (B, 1, H, W), dtype=jnp.float32)
    text_mask_ndi_labels = jax.random.randint(k4, (B, 1, H, W), 0, NUM_LABELS).astype(jnp.int32)
    kernel_mask_ndi_labels = jax.random.randint(k5, (B, 1, H, W), 0, NUM_LABELS).astype(jnp.int32)
    return {
        'pred_similarities': pred_similarities,
        'regions_mask': regions_mask,
        'kernels_mask': kernels_mask,
        'text_mask_ndi_labels': text_mask_ndi_labels,
        'kernel_mask_ndi_labels': kernel_mask_ndi_labels,
    }


def reference(pred_similarities, regions_mask, kernels_mask, text_mask_ndi_labels, kernel_mask_ndi_labels):
    B, C, H, W = pred_similarities.shape
    kcards, Gks, rcards = [], [], []
    for b in range(B):
        kl = kernel_mask_ndi_labels[b].reshape(-1)
        rl = text_mask_ndi_labels[b].reshape(-1)
        km = kernels_mask[b].reshape(-1)
        # per-kernel-label cardinality: sum of kernels_mask over each label region,
        # scattered back to pixels of that region (label 0 stays 0)
        ksums = jax.ops.segment_sum(km, kl, num_segments=NUM_LABELS)
        kcard = jnp.where(kl > 0, jnp.take(ksums, kl), 0.0).reshape(1, H, W)
        # Gk: per-channel sum of pred_similarities over each kernel label region
        pf = pred_similarities[b].reshape(C, -1)
        csums = jax.vmap(lambda p: jax.ops.segment_sum(p, kl, num_segments=NUM_LABELS))(pf)
        Gk = jnp.where(kl[None, :] > 0, jnp.take(csums, kl, axis=1), 0.0).reshape(C, H, W)
        # region cardinality (faithful to original: sums kernels_mask over region labels)
        rsums = jax.ops.segment_sum(km, rl, num_segments=NUM_LABELS)
        rcard = jnp.where(rl > 0, jnp.take(rsums, rl), 0.0).reshape(1, H, W)
        kcards.append(kcard)
        Gks.append(Gk)
        rcards.append(rcard)
    kcard = jnp.stack(kcards)
    Gk = jnp.stack(Gks)
    rcard = jnp.stack(rcards)
    # faithful to original bug: num_kernel is from the LAST batch element
    num_kernel = kernel_mask_ndi_labels[B - 1].max().astype(jnp.float32)
    Gk = Gk / (kcard + 1.0)
    Fp = pred_similarities * regions_mask
    norm = jnp.linalg.norm(Fp - Gk, axis=1)
    norm = norm - SIGMA_AGG
    D = jnp.where(norm > 0.0, norm, jnp.zeros_like(norm))
    D = jnp.log(D ** 2 + 1.0) / (rcard.squeeze(1) + 1.0)
    L_agg = (D / num_kernel).sum(axis=(1, 2)).sum()
    return L_agg

if __name__ == "__main__":
    import jax
    _d = setup_inputs()
    print(jax.jit(kernel)(*tuple(_d.values())))

</pallas_src>

<mosaic_0001>
#map = affine_map<(d0, d1) -> (0, 0)>
#map1 = affine_map<(d0, d1) -> (0, 0, 0)>
#map2 = affine_map<(d0, d1) -> (0, 0, 0, 0)>
module attributes {stable_mosaic.version = 14 : i64} {
  func.func @_sc_sums(%arg0: i32, %arg1: i32, %arg2: memref<4x262144xf32, #tpu.memory_space<hbm>>, %arg3: memref<4x262144xi32, #tpu.memory_space<hbm>>, %arg4: memref<4x262144xi32, #tpu.memory_space<hbm>>, %arg5: memref<4x4x262144xf32, #tpu.memory_space<hbm>>, %arg6: memref<32x4x48x16xf32, #tpu.memory_space<hbm>>, %arg7: memref<8192xi32, #tpu.memory_space<vmem>>, %arg8: memref<8192xi32, #tpu.memory_space<vmem>>, %arg9: memref<8192xf32, #tpu.memory_space<vmem>>, %arg10: memref<4x8192xf32, #tpu.memory_space<vmem>>, %arg11: memref<4x48x16xf32, #tpu.memory_space<vmem>>) attributes {dimension_semantics = [#tpu.dimension_semantics<core_parallel>, #tpu.dimension_semantics<subcore_parallel>], iteration_bounds = array<i64: 2, 16>, scalar_prefetch = 0 : i64, scratch_operands = 5 : i64, tpu.core_type = #tpu.core_type<sc_vector_subcore>, window_params = [{transform_indices = #map}, {transform_indices = #map}, {transform_indices = #map}, {transform_indices = #map1}, {transform_indices = #map2}]} {
    %mul3A = arith.constant 2 : i32
    %mul3A_0 = arith.muli %arg1, %mul3A : i32
    %add3A = arith.addi %mul3A_0, %arg0 : i32
    %mul3A_1 = arith.constant 8192 : i32
    %mul3A_2 = arith.muli %add3A, %mul3A_1 : i32
    %broadcast_in_dim3A = arith.constant 0.000000e+00 : f32
    %broadcast_in_dim3A_3 = vector.broadcast %broadcast_in_dim3A : f32 to vector<16xf32>
    %swap3A = arith.constant 0 : i32
    %swap3A_4 = arith.constant 0 : i32
    %swap3A_5 = arith.index_cast %swap3A : i32 to index
    %swap3A_6 = arith.index_cast %swap3A_4 : i32 to index
    %swap3A_7 = arith.constant 0 : index
    %swap3A_8 = tpu.vector_load %arg11[%swap3A_5, %swap3A_6, %swap3A_7] {strides = array<i32>} : memref<4x48x16xf32, #tpu.memory_space<vmem>>, vector<16xf32>,
    tpu.vector_store %arg11[%swap3A_5, %swap3A_6, %swap3A_7], %broadcast_in_dim3A_3 {strides = array<i32>} : memref<4x48x16xf32, #tpu.memory_space<vmem>>, vector<16xf32>,
    %broadcast_in_dim3A_9 = arith.constant 0.000000e+00 : f32
    %broadcast_in_dim3A_10 = vector.broadcast %broadcast_in_dim3A_9 : f32 to vector<16xf32>
    %swap3A_11 = arith.constant 0 : i32
    %swap3A_12 = arith.constant 1 : i32
    %swap3A_13 = arith.index_cast %swap3A_11 : i32 to index
    %swap3A_14 = arith.index_cast %swap3A_12 : i32 to index
    %swap3A_15 = arith.constant 0 : index
    %swap3A_16 = tpu.vector_load %arg11[%swap3A_13, %swap3A_14, %swap3A_15] {strides = array<i32>} : memref<4x48x16xf32, #tpu.memory_space<vmem>>, vector<16xf32>,
    tpu.vector_store %arg11[%swap3A_13, %swap3A_14, %swap3A_15], %broadcast_in_dim3A_10 {strides = array<i32>} : memref<4x48x16xf32, #tpu.memory_space<vmem>>, vector<16xf32>,
    %broadcast_in_dim3A_17 = arith.constant 0.000000e+00 : f32
    %broadcast_in_dim3A_18 = vector.broadcast %broadcast_in_dim3A_17 : f32 to vector<16xf32>
    %swap3A_19 = arith.constant 0 : i32
    %swap3A_20 = arith.constant 2 : i32
    %swap3A_21 = arith.index_cast %swap3A_19 : i32 to index
    %swap3A_22 = arith.index_cast %swap3A_20 : i32 to index
    %swap3A_23 = arith.constant 0 : index
    %swap3A_24 = tpu.vector_load %arg11[%swap3A_21, %swap3A_22, %swap3A_23] {strides = array<i32>} : memref<4x48x16xf32, #tpu.memory_space<vmem>>, vector<16xf32>,
    tpu.vector_store %arg11[%swap3A_21, %swap3A_22, %swap3A_23], %broadcast_in_dim3A_18 {strides = array<i32>} : memref<4x48x16xf32, #tpu.memory_space<vmem>>, vector<16xf32>,
    %broadcast_in_dim3A_25 = arith.constant 0.000000e+00 : f32
    %broadcast_in_dim3A_26 = vector.broadcast %broadcast_in_dim3A_25 : f32 to vector<16xf32>
    %swap3A_27 = arith.constant 0 : i32
    %swap3A_28 = arith.constant 3 : i32
    %swap3A_29 = arith.index_cast %swap3A_27 : i32 to index
    %swap3A_30 = arith.index_cast %swap3A_28 : i32 to index
    %swap3A_31 = arith.constant 0 : index
    %swap3A_32 = tpu.vector_load %arg11[%swap3A_29, %swap3A_30, %swap3A_31] {strides = array<i32>} : memref<4x48x16xf32, #tpu.memory_space<vmem>>, vector<16xf32>,
    tpu.vector_store %arg11[%swap3A_29, %swap3A_30, %swap3A_31], %broadcast_in_dim3A_26 {strides = array<i32>} : memref<4x48x16xf32, #tpu.memory_space<vmem>>, vector<16xf32>,
    %broadcast_in_dim3A_33 = arith.constant 0.000000e+00 : f32
    %broadcast_in_dim3A_34 = vector.broadcast %broadcast_in_dim3A_33 : f32 to vector<16xf32>
    %swap3A_35 = arith.constant 0 : i32
    %swap3A_36 = arith.constant 4 : i32
    %swap3A_37 = arith.index_cast %swap3A_35 : i32 to index
    %swap3A_38 = arith.index_cast %swap3A_36 : i32 to index
    %swap3A_39 = arith.constant 0 : index
    %swap3A_40 = tpu.vector_load %arg11[%swap3A_37, %swap3A_38, %swap3A_39] {strides = array<i32>} : memref<4x48x16xf32, #tpu.memory_space<vmem>>, vector<16xf32>,
    tpu.vector_store %arg11[%swap3A_37, %swap3A_38, %swap3A_39], %broadcast_in_dim3A_34 {strides = array<i32>} : memref<4x48x16xf32, #tpu.memory_space<vmem>>, vector<16xf32>,
    %broadcast_in_dim3A_41 = arith.constant 0.000000e+00 : f32
    %broadcast_in_dim3A_42 = vector.broadcast %broadcast_in_dim3A_41 : f32 to vector<16xf32>
    %swap3A_43 = arith.constant 0 : i32
    %swap3A_44 = arith.constant 5 : i32
    %swap3A_45 = arith.index_cast %swap3A_43 : i32 to index
    %swap3A_46 = arith.index_cast %swap3A_44 : i32 to index
    %swap3A_47 = arith.constant 0 : index
    %swap3A_48 = tpu.vector_load %arg11[%swap3A_45, %swap3A_46, %swap3A_47] {strides = array<i32>} : memref<4x48x16xf32, #tpu.memory_space<vmem>>, vector<16xf32>,
    tpu.vector_store %arg11[%swap3A_45, %swap3A_46, %swap3A_47], %broadcast_in_dim3A_42 {strides = array<i32>} : memref<4x48x16xf32, #tpu.memory_space<vmem>>, vector<16xf32>,
    %broadcast_in_dim3A_49 = arith.constant 0.000000e+00 : f32
    %broadcast_in_dim3A_50 = vector.broadcast %broadcast_in_dim3A_49 : f32 to vector<16xf32>
    %swap3A_51 = arith.constant 0 : i32
    %swap3A_52 = arith.constant 6 : i32
    %swap3A_53 = arith.index_cast %swap3A_51 : i32 to index
    %swap3A_54 = arith.index_cast %swap3A_52 : i32 to index
    %swap3A_55 = arith.constant 0 : index
    %swap3A_56 = tpu.vector_load %arg11[%swap3A_53, %swap3A_54, %swap3A_55] {strides = array<i32>} : memref<4x48x16xf32, #tpu.memory_space<vmem>>, vector<16xf32>,
    tpu.vector_store %arg11[%swap3A_53, %swap3A_54, %swap3A_55], %broadcast_in_dim3A_50 {strides = array<i32>} : memref<4x48x16xf32, #tpu.memory_space<vmem>>, vector<16xf32>,
    %broadcast_in_dim3A_57 = arith.constant 0.000000e+00 : f32
    %broadcast_in_dim3A_58 = vector.broadcast %broadcast_in_dim3A_57 : f32 to vector<16xf32>
    %swap3A_59 = arith.constant 0 : i32
    %swap3A_60 = arith.constant 7 : i32
    %swap3A_61 = arith.index_cast %swap3A_59 : i32 to index
    %swap3A_62 = arith.index_cast %swap3A_60 : i32 to index
    %swap3A_63 = arith.constant 0 : index
    %swap3A_64 = tpu.vector_load %arg11[%swap3A_61, %swap3A_62, %swap3A_63] {strides = array<i32>} : memref<4x48x16xf32, #tpu.memory_space<vmem>>, vector<16xf32>,
    tpu.vector_store %arg11[%swap3A_61, %swap3A_62, %swap3A_63], %broadcast_in_dim3A_58 {strides = array<i32>} : memref<4x48x16xf32, #tpu.memory_space<vmem>>, vector<16xf32>,
    %broadcast_in_dim3A_65 = arith.constant 0.000000e+00 : f32
    %broadcast_in_dim3A_66 = vector.broadcast %broadcast_in_dim3A_65 : f32 to vector<16xf32>
    %swap3A_67 = arith.constant 0 : i32
    %swap3A_68 = arith.constant 8 : i32
    %swap3A_69 = arith.index_cast %swap3A_67 : i32 to index
    %swap3A_70 = arith.index_cast %swap3A_68 : i32 to index
    %swap3A_71 = arith.constant 0 : index
    %swap3A_72 = tpu.vector_load %arg11[%swap3A_69, %swap3A_70, %swap3A_71] {strides = array<i32>} : memref<4x48x16xf32, #tpu.memory_space<vmem>>, vector<16xf32>,
    tpu.vector_store %arg11[%swap3A_69, %swap3A_70, %swap3A_71], %broadcast_in_dim3A_66 {strides = array<i32>} : memref<4x48x16xf32, #tpu.memory_space<vmem>>, vector<16xf32>,
    %broadcast_in_dim3A_73 = arith.constant 0.000000e+00 : f32
    %broadcast_in_dim3A_74 = vector.broadcast %broadcast_in_dim3A_73 : f32 to vector<16xf32>
    %swap3A_75 = arith.constant 0 : i32
    %swap3A_76 = arith.constant 9 : i32
    %swap3A_77 = arith.index_cast %swap3A_75 : i32 to index
    %swap3A_78 = arith.index_cast %swap3A_76 : i32 to index
    %swap3A_79 = arith.constant 0 : index
    %swap3A_80 = tpu.vector_load %arg11[%swap3A_77, %swap3A_78, %swap3A_79] {strides = array<i32>} : memref<4x48x16xf32, #tpu.memory_space<vmem>>, vector<16xf32>,
    tpu.vector_store %arg11[%swap3A_77, %swap3A_78, %swap3A_79], %broadcast_in_dim3A_74 {strides = array<i32>} : memref<4x48x16xf32, #tpu.memory_space<vmem>>, vector<16xf32>,
    %broadcast_in_dim3A_81 = arith.constant 0.000000e+00 : f32
    %broadcast_in_dim3A_82 = vector.broadcast %broadcast_in_dim3A_81 : f32 to vector<16xf32>
    %swap3A_83 = arith.constant 0 : i32
    %swap3A_84 = arith.constant 10 : i32
    %swap3A_85 = arith.index_cast %swap3A_83 : i32 to index
    %swap3A_86 = arith.index_cast %swap3A_84 : i32 to index
    %swap3A_87 = arith.constant 0 : index
    %swap3A_88 = tpu.vector_load %arg11[%swap3A_85, %swap3A_86, %swap3A_87] {strides = array<i32>} : memref<4x48x16xf32, #tpu.memory_space<vmem>>, vector<16xf32>,
    tpu.vector_store %arg11[%swap3A_85, %swap3A_86, %swap3A_87], %broadcast_in_dim3A_82 {strides = array<i32>} : memref<4x48x16xf32, #tpu.memory_space<vmem>>, vector<16xf32>,
    %broadcast_in_dim3A_89 = arith.constant 0.000000e+00 : f32
    %broadcast_in_dim3A_90 = vector.broadcast %broadcast_in_dim3A_89 : f32 to vector<16xf32>
    %swap3A_91 = arith.constant 0 : i32
    %swap3A_92 = arith.constant 11 : i32
    %swap3A_93 = arith.index_cast %swap3A_91 : i32 to index
    %swap3A_94 = arith.index_cast %swap3A_92 : i32 to index
    %swap3A_95 = arith.constant 0 : index
    %swap3A_96 = tpu.vector_load %arg11[%swap3A_93, %swap3A_94, %swap3A_95] {strides = array<i32>} : memref<4x48x16xf32, #tpu.memory_space<vmem>>, vector<16xf32>,
    tpu.vector_store %arg11[%swap3A_93, %swap3A_94, %swap3A_95], %broadcast_in_dim3A_90 {strides = array<i32>} : memref<4x48x16xf32, #tpu.memory_space<vmem>>, vector<16xf32>,
    %broadcast_in_dim3A_97 = arith.constant 0.000000e+00 : f32
    %broadcast_in_dim3A_98 = vector.broadcast %broadcast_in_dim3A_97 : f32 to vector<16xf32>
    %swap3A_99 = arith.constant 0 : i32
    %swap3A_100 = arith.constant 12 : i32
    %swap3A_101 = arith.index_cast %swap3A_99 : i32 to index
    %swap3A_102 = arith.index_cast %swap3A_100 : i32 to index
    %swap3A_103 = arith.constant 0 : index
    %swap3A_104 = tpu.vector_load %arg11[%swap3A_101, %swap3A_102, %swap3A_103] {strides = array<i32>} : memref<4x48x16xf32, #tpu.memory_space<vmem>>, vector<16xf32>,
    tpu.vector_store %arg11[%swap3A_101, %swap3A_102, %swap3A_103], %broadcast_in_dim3A_98 {strides = array<i32>} : memref<4x48x16xf32, #tpu.memory_space<vmem>>, vector<16xf32>,
    %broadcast_in_dim3A_105 = arith.constant 0.000000e+00 : f32
    %broadcast_in_dim3A_106 = vector.broadcast %broadcast_in_dim3A_105 : f32 to vector<16xf32>
    %swap3A_107 = arith.constant 0 : i32
    %swap3A_108 = arith.constant 13 : i32
    %swap3A_109 = arith.index_cast %swap3A_107 : i32 to index
    %swap3A_110 = arith.index_cast %swap3A_108 : i32 to index
    %swap3A_111 = arith.constant 0 : index
    %swap3A_112 = tpu.vector_load %arg11[%swap3A_109, %swap3A_110, %swap3A_111] {strides = array<i32>} : memref<4x48x16xf32, #tpu.memory_space<vmem>>, vector<16xf32>,
    tpu.vector_store %arg11[%swap3A_109, %swap3A_110, %swap3A_111], %broadcast_in_dim3A_106 {strides = array<i32>} : memref<4x48x16xf32, #tpu.memory_space<vmem>>, vector<16xf32>,
    %broadcast_in_dim3A_113 = arith.constant 0.000000e+00 : f32
    %broadcast_in_dim3A_114 = vector.broadcast %broadcast_in_dim3A_113 : f32 to vector<16xf32>
    %swap3A_115 = arith.constant 0 : i32
    %swap3A_116 = arith.constant 14 : i32
    %swap3A_117 = arith.index_cast %swap3A_115 : i32 to index
    %swap3A_118 = arith.index_cast %swap3A_116 : i32 to index
    %swap3A_119 = arith.constant 0 : index
    %swap3A_120 = tpu.vector_load %arg11[%swap3A_117, %swap3A_118, %swap3A_119] {strides = array<i32>} : memref<4x48x16xf32, #tpu.memory_space<vmem>>, vector<16xf32>,
    tpu.vector_store %arg11[%swap3A_117, %swap3A_118, %swap3A_119], %broadcast_in_dim3A_114 {strides = array<i32>} : memref<4x48x16xf32, #tpu.memory_space<vmem>>, vector<16xf32>,
    %broadcast_in_dim3A_121 = arith.constant 0.000000e+00 : f32
    %broadcast_in_dim3A_122 = vector.broadcast %broadcast_in_dim3A_121 : f32 to vector<16xf32>
    %swap3A_123 = arith.constant 0 : i32
    %swap3A_124 = arith.constant 15 : i32
    %swap3A_125 = arith.index_cast %swap3A_123 : i32 to index
    %swap3A_126 = arith.index_cast %swap3A_124 : i32 to index
    %swap3A_127 = arith.constant 0 : index
    %swap3A_128 = tpu.vector_load %arg11[%swap3A_125, %swap3A_126, %swap3A_127] {strides = array<i32>} : memref<4x48x16xf32, #tpu.memory_space<vmem>>, vector<16xf32>,
    tpu.vector_store %arg11[%swap3A_125, %swap3A_126, %swap3A_127], %broadcast_in_dim3A_122 {strides = array<i32>} : memref<4x48x16xf32, #tpu.memory_space<vmem>>, vector<16xf32>,
    %broadcast_in_dim3A_129 = arith.constant 0.000000e+00 : f32
    %broadcast_in_dim3A_130 = vector.broadcast %broadcast_in_dim3A_129 : f32 to vector<16xf32>
    %swap3A_131 = arith.constant 0 : i32
    %swap3A_132 = arith.constant 16 : i32
    %swap3A_133 = arith.index_cast %swap3A_131 : i32 to index
    %swap3A_134 = arith.index_cast %swap3A_132 : i32 to index
    %swap3A_135 = arith.constant 0 : index
    %swap3A_136 = tpu.vector_load %arg11[%swap3A_133, %swap3A_134, %swap3A_135] {strides = array<i32>} : memref<4x48x16xf32, #tpu.memory_space<vmem>>, vector<16xf32>,
    tpu.vector_store %arg11[%swap3A_133, %swap3A_134, %swap3A_135], %broadcast_in_dim3A_130 {strides = array<i32>} : memref<4x48x16xf32, #tpu.memory_space<vmem>>, vector<16xf32>,
    %broadcast_in_dim3A_137 = arith.constant 0.000000e+00 : f32
    %broadcast_in_dim3A_138 = vector.broadcast %broadcast_in_dim3A_137 : f32 to vector<16xf32>
    %swap3A_139 = arith.constant 0 : i32
    %swap3A_140 = arith.constant 17 : i32
    %swap3A_141 = arith.index_cast %swap3A_139 : i32 to index
    %swap3A_142 = arith.index_cast %swap3A_140 : i32 to index
    %swap3A_143 = arith.constant 0 : index
    %swap3A_144 = tpu.vector_load %arg11[%swap3A_141, %swap3A_142, %swap3A_143] {strides = array<i32>} : memref<4x48x16xf32, #tpu.memory_space<vmem>>, vector<16xf32>,
    tpu.vector_store %arg11[%swap3A_141, %swap3A_142, %swap3A_143], %broadcast_in_dim3A_138 {strides = array<i32>} : memref<4x48x16xf32, #tpu.memory_space<vmem>>, vector<16xf32>,
    %broadcast_in_dim3A_145 = arith.constant 0.000000e+00 : f32
    %broadcast_in_dim3A_146 = vector.broadcast %broadcast_in_dim3A_145 : f32 to vector<16xf32>
    %swap3A_147 = arith.constant 0 : i32
    %swap3A_148 = arith.constant 18 : i32
    %swap3A_149 = arith.index_cast %swap3A_147 : i32 to index
    %swap3A_150 = arith.index_cast %swap3A_148 : i32 to index
    %swap3A_151 = arith.constant 0 : index
    %swap3A_152 = tpu.vector_load %arg11[%swap3A_149, %swap3A_150, %swap3A_151] {strides = array<i32>} : memref<4x48x16xf32, #tpu.memory_space<vmem>>, vector<16xf32>,
    tpu.vector_store %arg11[%swap3A_149, %swap3A_150, %swap3A_151], %broadcast_in_dim3A_146 {strides = array<i32>} : memref<4x48x16xf32, #tpu.memory_space<vmem>>, vector<16xf32>,
    %broadcast_in_dim3A_153 = arith.constant 0.000000e+00 : f32
    %broadcast_in_dim3A_154 = vector.broadcast %broadcast_in_dim3A_153 : f32 to vector<16xf32>
    %swap3A_155 = arith.constant 0 : i32
    %swap3A_156 = arith.constant 19 : i32
    %swap3A_157 = arith.index_cast %swap3A_155 : i32 to index
    %swap3A_158 = arith.index_cast %swap3A_156 : i32 to index
    %swap3A_159 = arith.constant 0 : index
    %swap3A_160 = tpu.vector_load %arg11[%swap3A_157, %swap3A_158, %swap3A_159] {strides = array<i32>} : memref<4x48x16xf32, #tpu.memory_space<vmem>>, vector<16xf32>,
    tpu.vector_store %arg11[%swap3A_157, %swap3A_158, %swap3A_159], %broadcast_in_dim3A_154 {strides = array<i32>} : memref<4x48x16xf32, #tpu.memory_space<vmem>>, vector<16xf32>,
    %broadcast_in_dim3A_161 = arith.constant 0.000000e+00 : f32
    %broadcast_in_dim3A_162 = vector.broadcast %broadcast_in_dim3A_161 : f32 to vector<16xf32>
    %swap3A_163 = arith.constant 0 : i32
    %swap3A_164 = arith.constant 20 : i32
    %swap3A_165 = arith.index_cast %swap3A_163 : i32 to index
    %swap3A_166 = arith.index_cast %swap3A_164 : i32 to index
    %swap3A_167 = arith.constant 0 : index
    %swap3A_168 = tpu.vector_load %arg11[%swap3A_165, %swap3A_166, %swap3A_167] {strides = array<i32>} : memref<4x48x16xf32, #tpu.memory_space<vmem>>, vector<16xf32>,
    tpu.vector_store %arg11[%swap3A_165, %swap3A_166, %swap3A_167], %broadcast_in_dim3A_162 {strides = array<i32>} : memref<4x48x16xf32, #tpu.memory_space<vmem>>, vector<16xf32>,
    %broadcast_in_dim3A_169 = arith.constant 0.000000e+00 : f32
    %broadcast_in_dim3A_170 = vector.broadcast %broadcast_in_dim3A_169 : f32 to vector<16xf32>
    %swap3A_171 = arith.constant 0 : i32
    %swap3A_172 = arith.constant 21 : i32
    %swap3A_173 = arith.index_cast %swap3A_171 : i32 to index
    %swap3A_174 = arith.index_cast %swap3A_172 : i32 to index
    %swap3A_175 = arith.constant 0 : index
    %swap3A_176 = tpu.vector_load %arg11[%swap3A_173, %swap3A_174, %swap3A_175] {strides = array<i32>} : memref<4x48x16xf32, #tpu.memory_space<vmem>>, vector<16xf32>,
    tpu.vector_store %arg11[%swap3A_173, %swap3A_174, %swap3A_175], %broadcast_in_dim3A_170 {strides = array<i32>} : memref<4x48x16xf32, #tpu.memory_space<vmem>>, vector<16xf32>,
    %broadcast_in_dim3A_177 = arith.constant 0.000000e+00 : f32
    %broadcast_in_dim3A_178 = vector.broadcast %broadcast_in_dim3A_177 : f32 to vector<16xf32>
    %swap3A_179 = arith.constant 0 : i32
    %swap3A_180 = arith.constant 22 : i32
    %swap3A_181 = arith.index_cast %swap3A_179 : i32 to index
    %swap3A_182 = arith.index_cast %swap3A_180 : i32 to index
    %swap3A_183 = arith.constant 0 : index
    %swap3A_184 = tpu.vector_load %arg11[%swap3A_181, %swap3A_182, %swap3A_183] {strides = array<i32>} : memref<4x48x16xf32, #tpu.memory_space<vmem>>, vector<16xf32>,
    tpu.vector_store %arg11[%swap3A_181, %swap3A_182, %swap3A_183], %broadcast_in_dim3A_178 {strides = array<i32>} : memref<4x48x16xf32, #tpu.memory_space<vmem>>, vector<16xf32>,
    %broadcast_in_dim3A_185 = arith.constant 0.000000e+00 : f32
    %broadcast_in_dim3A_186 = vector.broadcast %broadcast_in_dim3A_185 : f32 to vector<16xf32>
    %swap3A_187 = arith.constant 0 : i32
    %swap3A_188 = arith.constant 23 : i32
    %swap3A_189 = arith.index_cast %swap3A_187 : i32 to index
    %swap3A_190 = arith.index_cast %swap3A_188 : i32 to index
    %swap3A_191 = arith.constant 0 : index
    %swap3A_192 = tpu.vector_load %arg11[%swap3A_189, %swap3A_190, %swap3A_191] {strides = array<i32>} : memref<4x48x16xf32, #tpu.memory_space<vmem>>, vector<16xf32>,
    tpu.vector_store %arg11[%swap3A_189, %swap3A_190, %swap3A_191], %broadcast_in_dim3A_186 {strides = array<i32>} : memref<4x48x16xf32, #tpu.memory_space<vmem>>, vector<16xf32>,
    %broadcast_in_dim3A_193 = arith.constant 0.000000e+00 : f32
    %broadcast_in_dim3A_194 = vector.broadcast %broadcast_in_dim3A_193 : f32 to vector<16xf32>
    %swap3A_195 = arith.constant 0 : i32
    %swap3A_196 = arith.constant 24 : i32
    %swap3A_197 = arith.index_cast %swap3A_195 : i32 to index
    %swap3A_198 = arith.index_cast %swap3A_196 : i32 to index
    %swap3A_199 = arith.constant 0 : index
    %swap3A_200 = tpu.vector_load %arg11[%swap3A_197, %swap3A_198, %swap3A_199] {strides = array<i32>} : memref<4x48x16xf32, #tpu.memory_space<vmem>>, vector<16xf32>,
    tpu.vector_store %arg11[%swap3A_197, %swap3A_198, %swap3A_199], %broadcast_in_dim3A_194 {strides = array<i32>} : memref<4x48x16xf32, #tpu.memory_space<vmem>>, vector<16xf32>,
    %broadcast_in_dim3A_201 = arith.constant 0.000000e+00 : f32
    %broadcast_in_dim3A_202 = vector.broadcast %broadcast_in_dim3A_201 : f32 to vector<16xf32>
    %swap3A_203 = arith.constant 0 : i32
    %swap3A_204 = arith.constant 25 : i32
    %swap3A_205 = arith.index_cast %swap3A_203 : i32 to index
    %swap3A_206 = arith.index_cast %swap3A_204 : i32 to index
    %swap3A_207 = arith.constant 0 : index
    %swap3A_208 = tpu.vector_load %arg11[%swap3A_205, %swap3A_206, %swap3A_207] {strides = array<i32>} : memref<4x48x16xf32, #tpu.memory_space<vmem>>, vector<16xf32>,
    tpu.vector_store %arg11[%swap3A_205, %swap3A_206, %swap3A_207], %broadcast_in_dim3A_202 {strides = array<i32>} : memref<4x48x16xf32, #tpu.memory_space<vmem>>, vector<16xf32>,
    %broadcast_in_dim3A_209 = arith.constant 0.000000e+00 : f32
    %broadcast_in_dim3A_210 = vector.broadcast %broadcast_in_dim3A_209 : f32 to vector<16xf32>
    %swap3A_211 = arith.constant 0 : i32
    %swap3A_212 = arith.constant 26 : i32
    %swap3A_213 = arith.index_cast %swap3A_211 : i32 to index
    %swap3A_214 = arith.index_cast %swap3A_212 : i32 to index
    %swap3A_215 = arith.constant 0 : index
    %swap3A_216 = tpu.vector_load %arg11[%swap3A_213, %swap3A_214, %swap3A_215] {strides = array<i32>} : memref<4x48x16xf32, #tpu.memory_space<vmem>>, vector<16xf32>,
    tpu.vector_store %arg11[%swap3A_213, %swap3A_214, %swap3A_215], %broadcast_in_dim3A_210 {strides = array<i32>} : memref<4x48x16xf32, #tpu.memory_space<vmem>>, vector<16xf32>,
    %broadcast_in_dim3A_217 = arith.constant 0.000000e+00 : f32
    %broadcast_in_dim3A_218 = vector.broadcast %broadcast_in_dim3A_217 : f32 to vector<16xf32>
    %swap3A_219 = arith.constant 0 : i32
    %swap3A_220 = arith.constant 27 : i32
    %swap3A_221 = arith.index_cast %swap3A_219 : i32 to index
    %swap3A_222 = arith.index_cast %swap3A_220 : i32 to index
    %swap3A_223 = arith.constant 0 : index
    %swap3A_224 = tpu.vector_load %arg11[%swap3A_221, %swap3A_222, %swap3A_223] {strides = array<i32>} : memref<4x48x16xf32, #tpu.memory_space<vmem>>, vector<16xf32>,
    tpu.vector_store %arg11[%swap3A_221, %swap3A_222, %swap3A_223], %broadcast_in_dim3A_218 {strides = array<i32>} : memref<4x48x16xf32, #tpu.memory_space<vmem>>, vector<16xf32>,
    %broadcast_in_dim3A_225 = arith.constant 0.000000e+00 : f32
    %broadcast_in_dim3A_226 = vector.broadcast %broadcast_in_dim3A_225 : f32 to vector<16xf32>
    %swap3A_227 = arith.constant 0 : i32
    %swap3A_228 = arith.constant 28 : i32
    %swap3A_229 = arith.index_cast %swap3A_227 : i32 to index
    %swap3A_230 = arith.index_cast %swap3A_228 : i32 to index
    %swap3A_231 = arith.constant 0 : index
    %swap3A_232 = tpu.vector_load %arg11[%swap3A_229, %swap3A_230, %swap3A_231] {strides = array<i32>} : memref<4x48x16xf32, #tpu.memory_space<vmem>>, vector<16xf32>,
    tpu.vector_store %arg11[%swap3A_229, %swap3A_230, %swap3A_231], %broadcast_in_dim3A_226 {strides = array<i32>} : memref<4x48x16xf32, #tpu.memory_space<vmem>>, vector<16xf32>,
    %broadcast_in_dim3A_233 = arith.constant 0.000000e+00 : f32
    %broadcast_in_dim3A_234 = vector.broadcast %broadcast_in_dim3A_233 : f32 to vector<16xf32>
    %swap3A_235 = arith.constant 0 : i32
    %swap3A_236 = arith.constant 29 : i32
    %swap3A_237 = arith.index_cast %swap3A_235 : i32 to index
    %swap3A_238 = arith.index_cast %swap3A_236 : i32 to index
    %swap3A_239 = arith.constant 0 : index
    %swap3A_240 = tpu.vector_load %arg11[%swap3A_237, %swap3A_238, %swap3A_239] {strides = array<i32>} : memref<4x48x16xf32, #tpu.memory_space<vmem>>, vector<16xf32>,
    tpu.vector_store %arg11[%swap3A_237, %swap3A_238, %swap3A_239], %broadcast_in_dim3A_234 {strides = array<i32>} : memref<4x48x16xf32, #tpu.memory_space<vmem>>, vector<16xf32>,
    %broadcast_in_dim3A_241 = arith.constant 0.000000e+00 : f32
    %broadcast_in_dim3A_242 = vector.broadcast %broadcast_in_dim3A_241 : f32 to vector<16xf32>
    %swap3A_243 = arith.constant 0 : i32
    %swap3A_244 = arith.constant 30 : i32
    %swap3A_245 = arith.index_cast %swap3A_243 : i32 to index
    %swap3A_246 = arith.index_cast %swap3A_244 : i32 to index
    %swap3A_247 = arith.constant 0 : index
    %swap3A_248 = tpu.vector_load %arg11[%swap3A_245, %swap3A_246, %swap3A_247] {strides = array<i32>} : memref<4x48x16xf32, #tpu.memory_space<vmem>>, vector<16xf32>,
    tpu.vector_store %arg11[%swap3A_245, %swap3A_246, %swap3A_247], %broadcast_in_dim3A_242 {strides = array<i32>} : memref<4x48x16xf32, #tpu.memory_space<vmem>>, vector<16xf32>,
    %broadcast_in_dim3A_249 = arith.constant 0.000000e+00 : f32
    %broadcast_in_dim3A_250 = vector.broadcast %broadcast_in_dim3A_249 : f32 to vector<16xf32>
    %swap3A_251 = arith.constant 0 : i32
    %swap3A_252 = arith.constant 31 : i32
    %swap3A_253 = arith.index_cast %swap3A_251 : i32 to index
    %swap3A_254 = arith.index_cast %swap3A_252 : i32 to index
    %swap3A_255 = arith.constant 0 : index
    %swap3A_256 = tpu.vector_load %arg11[%swap3A_253, %swap3A_254, %swap3A_255] {strides = array<i32>} : memref<4x48x16xf32, #tpu.memory_space<vmem>>, vector<16xf32>,
    tpu.vector_store %arg11[%swap3A_253, %swap3A_254, %swap3A_255], %broadcast_in_dim3A_250 {strides = array<i32>} : memref<4x48x16xf32, #tpu.memory_space<vmem>>, vector<16xf32>,
    %broadcast_in_dim3A_257 = arith.constant 0.000000e+00 : f32
    %broadcast_in_dim3A_258 = vector.broadcast %broadcast_in_dim3A_257 : f32 to vector<16xf32>
    %swap3A_259 = arith.constant 0 : i32
    %swap3A_260 = arith.constant 32 : i32
    %swap3A_261 = arith.index_cast %swap3A_259 : i32 to index
    %swap3A_262 = arith.index_cast %swap3A_260 : i32 to index
    %swap3A_263 = arith.constant 0 : index
    %swap3A_264 = tpu.vector_load %arg11[%swap3A_261, %swap3A_262, %swap3A_263] {strides = array<i32>} : memref<4x48x16xf32, #tpu.memory_space<vmem>>, vector<16xf32>,
    tpu.vector_store %arg11[%swap3A_261, %swap3A_262, %swap3A_263], %broadcast_in_dim3A_258 {strides = array<i32>} : memref<4x48x16xf32, #tpu.memory_space<vmem>>, vector<16xf32>,
    %broadcast_in_dim3A_265 = arith.constant 0.000000e+00 : f32
    %broadcast_in_dim3A_266 = vector.broadcast %broadcast_in_dim3A_265 : f32 to vector<16xf32>
    %swap3A_267 = arith.constant 0 : i32
    %swap3A_268 = arith.constant 33 : i32
    %swap3A_269 = arith.index_cast %swap3A_267 : i32 to index
    %swap3A_270 = arith.index_cast %swap3A_268 : i32 to index
    %swap3A_271 = arith.constant 0 : index
    %swap3A_272 = tpu.vector_load %arg11[%swap3A_269, %swap3A_270, %swap3A_271] {strides = array<i32>} : memref<4x48x16xf32, #tpu.memory_space<vmem>>, vector<16xf32>,
    tpu.vector_store %arg11[%swap3A_269, %swap3A_270, %swap3A_271], %broadcast_in_dim3A_266 {strides = array<i32>} : memref<4x48x16xf32, #tpu.memory_space<vmem>>, vector<16xf32>,
    %broadcast_in_dim3A_273 = arith.constant 0.000000e+00 : f32
    %broadcast_in_dim3A_274 = vector.broadcast %broadcast_in_dim3A_273 : f32 to vector<16xf32>
    %swap3A_275 = arith.constant 0 : i32
    %swap3A_276 = arith.constant 34 : i32
    %swap3A_277 = arith.index_cast %swap3A_275 : i32 to index
    %swap3A_278 = arith.index_cast %swap3A_276 : i32 to index
    %swap3A_279 = arith.constant 0 : index
    %swap3A_280 = tpu.vector_load %arg11[%swap3A_277, %swap3A_278, %swap3A_279] {strides = array<i32>} : memref<4x48x16xf32, #tpu.memory_space<vmem>>, vector<16xf32>,
    tpu.vector_store %arg11[%swap3A_277, %swap3A_278, %swap3A_279], %broadcast_in_dim3A_274 {strides = array<i32>} : memref<4x48x16xf32, #tpu.memory_space<vmem>>, vector<16xf32>,
    %broadcast_in_dim3A_281 = arith.constant 0.000000e+00 : f32
    %broadcast_in_dim3A_282 = vector.broadcast %broadcast_in_dim3A_281 : f32 to vector<16xf32>
    %swap3A_283 = arith.constant 0 : i32
    %swap3A_284 = arith.constant 35 : i32
    %swap3A_285 = arith.index_cast %swap3A_283 : i32 to index
    %swap3A_286 = arith.index_cast %swap3A_284 : i32 to index
    %swap3A_287 = arith.constant 0 : index
    %swap3A_288 = tpu.vector_load %arg11[%swap3A_285, %swap3A_286, %swap3A_287] {strides = array<i32>} : memref<4x48x16xf32, #tpu.memory_space<vmem>>, vector<16xf32>,
    tpu.vector_store %arg11[%swap3A_285, %swap3A_286, %swap3A_287], %broadcast_in_dim3A_282 {strides = array<i32>} : memref<4x48x16xf32, #tpu.memory_space<vmem>>, vector<16xf32>,
    %broadcast_in_dim3A_289 = arith.constant 0.000000e+00 : f32
    %broadcast_in_dim3A_290 = vector.broadcast %broadcast_in_dim3A_289 : f32 to vector<16xf32>
    %swap3A_291 = arith.constant 0 : i32
    %swap3A_292 = arith.constant 36 : i32
    %swap3A_293 = arith.index_cast %swap3A_291 : i32 to index
    %swap3A_294 = arith.index_cast %swap3A_292 : i32 to index
    %swap3A_295 = arith.constant 0 : index
    %swap3A_296 = tpu.vector_load %arg11[%swap3A_293, %swap3A_294, %swap3A_295] {strides = array<i32>} : memref<4x48x16xf32, #tpu.memory_space<vmem>>, vector<16xf32>,
    tpu.vector_store %arg11[%swap3A_293, %swap3A_294, %swap3A_295], %broadcast_in_dim3A_290 {strides = array<i32>} : memref<4x48x16xf32, #tpu.memory_space<vmem>>, vector<16xf32>,
    %broadcast_in_dim3A_297 = arith.constant 0.000000e+00 : f32
    %broadcast_in_dim3A_298 = vector.broadcast %broadcast_in_dim3A_297 : f32 to vector<16xf32>
    %swap3A_299 = arith.constant 0 : i32
    %swap3A_300 = arith.constant 37 : i32
    %swap3A_301 = arith.index_cast %swap3A_299 : i32 to index
    %swap3A_302 = arith.index_cast %swap3A_300 : i32 to index
    %swap3A_303 = arith.constant 0 : index
    %swap3A_304 = tpu.vector_load %arg11[%swap3A_301, %swap3A_302, %swap3A_303] {strides = array<i32>} : memref<4x48x16xf32, #tpu.memory_space<vmem>>, vector<16xf32>,
    tpu.vector_store %arg11[%swap3A_301, %swap3A_302, %swap3A_303], %broadcast_in_dim3A_298 {strides = array<i32>} : memref<4x48x16xf32, #tpu.memory_space<vmem>>, vector<16xf32>,
    %broadcast_in_dim3A_305 = arith.constant 0.000000e+00 : f32
    %broadcast_in_dim3A_306 = vector.broadcast %broadcast_in_dim3A_305 : f32 to vector<16xf32>
    %swap3A_307 = arith.constant 0 : i32
    %swap3A_308 = arith.constant 38 : i32
    %swap3A_309 = arith.index_cast %swap3A_307 : i32 to index
    %swap3A_310 = arith.index_cast %swap3A_308 : i32 to index
    %swap3A_311 = arith.constant 0 : index
    %swap3A_312 = tpu.vector_load %arg11[%swap3A_309, %swap3A_310, %swap3A_311] {strides = array<i32>} : memref<4x48x16xf32, #tpu.memory_space<vmem>>, vector<16xf32>,
    tpu.vector_store %arg11[%swap3A_309, %swap3A_310, %swap3A_311], %broadcast_in_dim3A_306 {strides = array<i32>} : memref<4x48x16xf32, #tpu.memory_space<vmem>>, vector<16xf32>,
    %broadcast_in_dim3A_313 = arith.constant 0.000000e+00 : f32
    %broadcast_in_dim3A_314 = vector.broadcast %broadcast_in_dim3A_313 : f32 to vector<16xf32>
    %swap3A_315 = arith.constant 0 : i32
    %swap3A_316 = arith.constant 39 : i32
    %swap3A_317 = arith.index_cast %swap3A_315 : i32 to index
    %swap3A_318 = arith.index_cast %swap3A_316 : i32 to index
    %swap3A_319 = arith.constant 0 : index
    %swap3A_320 = tpu.vector_load %arg11[%swap3A_317, %swap3A_318, %swap3A_319] {strides = array<i32>} : memref<4x48x16xf32, #tpu.memory_space<vmem>>, vector<16xf32>,
    tpu.vector_store %arg11[%swap3A_317, %swap3A_318, %swap3A_319], %broadcast_in_dim3A_314 {strides = array<i32>} : memref<4x48x16xf32, #tpu.memory_space<vmem>>, vector<16xf32>,
    %broadcast_in_dim3A_321 = arith.constant 0.000000e+00 : f32
    %broadcast_in_dim3A_322 = vector.broadcast %broadcast_in_dim3A_321 : f32 to vector<16xf32>
    %swap3A_323 = arith.constant 0 : i32
    %swap3A_324 = arith.constant 40 : i32
    %swap3A_325 = arith.index_cast %swap3A_323 : i32 to index
    %swap3A_326 = arith.index_cast %swap3A_324 : i32 to index
    %swap3A_327 = arith.constant 0 : index
    %swap3A_328 = tpu.vector_load %arg11[%swap3A_325, %swap3A_326, %swap3A_327] {strides = array<i32>} : memref<4x48x16xf32, #tpu.memory_space<vmem>>, vector<16xf32>,
    tpu.vector_store %arg11[%swap3A_325, %swap3A_326, %swap3A_327], %broadcast_in_dim3A_322 {strides = array<i32>} : memref<4x48x16xf32, #tpu.memory_space<vmem>>, vector<16xf32>,
    %broadcast_in_dim3A_329 = arith.constant 0.000000e+00 : f32
    %broadcast_in_dim3A_330 = vector.broadcast %broadcast_in_dim3A_329 : f32 to vector<16xf32>
    %swap3A_331 = arith.constant 0 : i32
    %swap3A_332 = arith.constant 41 : i32
    %swap3A_333 = arith.index_cast %swap3A_331 : i32 to index
    %swap3A_334 = arith.index_cast %swap3A_332 : i32 to index
    %swap3A_335 = arith.constant 0 : index
    %swap3A_336 = tpu.vector_load %arg11[%swap3A_333, %swap3A_334, %swap3A_335] {strides = array<i32>} : memref<4x48x16xf32, #tpu.memory_space<vmem>>, vector<16xf32>,
    tpu.vector_store %arg11[%swap3A_333, %swap3A_334, %swap3A_335], %broadcast_in_dim3A_330 {strides = array<i32>} : memref<4x48x16xf32, #tpu.memory_space<vmem>>, vector<16xf32>,
    %broadcast_in_dim3A_337 = arith.constant 0.000000e+00 : f32
    %broadcast_in_dim3A_338 = vector.broadcast %broadcast_in_dim3A_337 : f32 to vector<16xf32>
    %swap3A_339 = arith.constant 0 : i32
    %swap3A_340 = arith.constant 42 : i32
    %swap3A_341 = arith.index_cast %swap3A_339 : i32 to index
    %swap3A_342 = arith.index_cast %swap3A_340 : i32 to index
    %swap3A_343 = arith.constant 0 : index
    %swap3A_344 = tpu.vector_load %arg11[%swap3A_341, %swap3A_342, %swap3A_343] {strides = array<i32>} : memref<4x48x16xf32, #tpu.memory_space<vmem>>, vector<16xf32>,
    tpu.vector_store %arg11[%swap3A_341, %swap3A_342, %swap3A_343], %broadcast_in_dim3A_338 {strides = array<i32>} : memref<4x48x16xf32, #tpu.memory_space<vmem>>, vector<16xf32>,
    %broadcast_in_dim3A_345 = arith.constant 0.000000e+00 : f32
    %broadcast_in_dim3A_346 = vector.broadcast %broadcast_in_dim3A_345 : f32 to vector<16xf32>
    %swap3A_347 = arith.constant 0 : i32
    %swap3A_348 = arith.constant 43 : i32
    %swap3A_349 = arith.index_cast %swap3A_347 : i32 to index
    %swap3A_350 = arith.index_cast %swap3A_348 : i32 to index
    %swap3A_351 = arith.constant 0 : index
    %swap3A_352 = tpu.vector_load %arg11[%swap3A_349, %swap3A_350, %swap3A_351] {strides = array<i32>} : memref<4x48x16xf32, #tpu.memory_space<vmem>>, vector<16xf32>,
    tpu.vector_store %arg11[%swap3A_349, %swap3A_350, %swap3A_351], %broadcast_in_dim3A_346 {strides = array<i32>} : memref<4x48x16xf32, #tpu.memory_space<vmem>>, vector<16xf32>,
    %broadcast_in_dim3A_353 = arith.constant 0.000000e+00 : f32
    %broadcast_in_dim3A_354 = vector.broadcast %broadcast_in_dim3A_353 : f32 to vector<16xf32>
    %swap3A_355 = arith.constant 0 : i32
    %swap3A_356 = arith.constant 44 : i32
    %swap3A_357 = arith.index_cast %swap3A_355 : i32 to index
    %swap3A_358 = arith.index_cast %swap3A_356 : i32 to index
    %swap3A_359 = arith.constant 0 : index
    %swap3A_360 = tpu.vector_load %arg11[%swap3A_357, %swap3A_358, %swap3A_359] {strides = array<i32>} : memref<4x48x16xf32, #tpu.memory_space<vmem>>, vector<16xf32>,
    tpu.vector_store %arg11[%swap3A_357, %swap3A_358, %swap3A_359], %broadcast_in_dim3A_354 {strides = array<i32>} : memref<4x48x16xf32, #tpu.memory_space<vmem>>, vector<16xf32>,
    %broadcast_in_dim3A_361 = arith.constant 0.000000e+00 : f32
    %broadcast_in_dim3A_362 = vector.broadcast %broadcast_in_dim3A_361 : f32 to vector<16xf32>
    %swap3A_363 = arith.constant 0 : i32
    %swap3A_364 = arith.constant 45 : i32
    %swap3A_365 = arith.index_cast %swap3A_363 : i32 to index
    %swap3A_366 = arith.index_cast %swap3A_364 : i32 to index
    %swap3A_367 = arith.constant 0 : index
    %swap3A_368 = tpu.vector_load %arg11[%swap3A_365, %swap3A_366, %swap3A_367] {strides = array<i32>} : memref<4x48x16xf32, #tpu.memory_space<vmem>>, vector<16xf32>,
    tpu.vector_store %arg11[%swap3A_365, %swap3A_366, %swap3A_367], %broadcast_in_dim3A_362 {strides = array<i32>} : memref<4x48x16xf32, #tpu.memory_space<vmem>>, vector<16xf32>,
    %broadcast_in_dim3A_369 = arith.constant 0.000000e+00 : f32
    %broadcast_in_dim3A_370 = vector.broadcast %broadcast_in_dim3A_369 : f32 to vector<16xf32>
    %swap3A_371 = arith.constant 0 : i32
    %swap3A_372 = arith.constant 46 : i32
    %swap3A_373 = arith.index_cast %swap3A_371 : i32 to index
    %swap3A_374 = arith.index_cast %swap3A_372 : i32 to index
    %swap3A_375 = arith.constant 0 : index
    %swap3A_376 = tpu.vector_load %arg11[%swap3A_373, %swap3A_374, %swap3A_375] {strides = array<i32>} : memref<4x48x16xf32, #tpu.memory_space<vmem>>, vector<16xf32>,
    tpu.vector_store %arg11[%swap3A_373, %swap3A_374, %swap3A_375], %broadcast_in_dim3A_370 {strides = array<i32>} : memref<4x48x16xf32, #tpu.memory_space<vmem>>, vector<16xf32>,
    %broadcast_in_dim3A_377 = arith.constant 0.000000e+00 : f32
    %broadcast_in_dim3A_378 = vector.broadcast %broadcast_in_dim3A_377 : f32 to vector<16xf32>
    %swap3A_379 = arith.constant 0 : i32
    %swap3A_380 = arith.constant 47 : i32
    %swap3A_381 = arith.index_cast %swap3A_379 : i32 to index
    %swap3A_382 = arith.index_cast %swap3A_380 : i32 to index
    %swap3A_383 = arith.constant 0 : index
    %swap3A_384 = tpu.vector_load %arg11[%swap3A_381, %swap3A_382, %swap3A_383] {strides = array<i32>} : memref<4x48x16xf32, #tpu.memory_space<vmem>>, vector<16xf32>,
    tpu.vector_store %arg11[%swap3A_381, %swap3A_382, %swap3A_383], %broadcast_in_dim3A_378 {strides = array<i32>} : memref<4x48x16xf32, #tpu.memory_space<vmem>>, vector<16xf32>,
    %broadcast_in_dim3A_385 = arith.constant 0.000000e+00 : f32
    %broadcast_in_dim3A_386 = vector.broadcast %broadcast_in_dim3A_385 : f32 to vector<16xf32>
    %swap3A_387 = arith.constant 1 : i32
    %swap3A_388 = arith.constant 0 : i32
    %swap3A_389 = arith.index_cast %swap3A_387 : i32 to index
    %swap3A_390 = arith.index_cast %swap3A_388 : i32 to index
    %swap3A_391 = arith.constant 0 : index
    %swap3A_392 = tpu.vector_load %arg11[%swap3A_389, %swap3A_390, %swap3A_391] {strides = array<i32>} : memref<4x48x16xf32, #tpu.memory_space<vmem>>, vector<16xf32>,
    tpu.vector_store %arg11[%swap3A_389, %swap3A_390, %swap3A_391], %broadcast_in_dim3A_386 {strides = array<i32>} : memref<4x48x16xf32, #tpu.memory_space<vmem>>, vector<16xf32>,
    %broadcast_in_dim3A_393 = arith.constant 0.000000e+00 : f32
    %broadcast_in_dim3A_394 = vector.broadcast %broadcast_in_dim3A_393 : f32 to vector<16xf32>
    %swap3A_395 = arith.constant 1 : i32
    %swap3A_396 = arith.constant 1 : i32
    %swap3A_397 = arith.index_cast %swap3A_395 : i32 to index
    %swap3A_398 = arith.index_cast %swap3A_396 : i32 to index
    %swap3A_399 = arith.constant 0 : index
    %swap3A_400 = tpu.vector_load %arg11[%swap3A_397, %swap3A_398, %swap3A_399] {strides = array<i32>} : memref<4x48x16xf32, #tpu.memory_space<vmem>>, vector<16xf32>,
    tpu.vector_store %arg11[%swap3A_397, %swap3A_398, %swap3A_399], %broadcast_in_dim3A_394 {strides = array<i32>} : memref<4x48x16xf32, #tpu.memory_space<vmem>>, vector<16xf32>,
    %broadcast_in_dim3A_401 = arith.constant 0.000000e+00 : f32
    %broadcast_in_dim3A_402 = vector.broadcast %broadcast_in_dim3A_401 : f32 to vector<16xf32>
    %swap3A_403 = arith.constant 1 : i32
    %swap3A_404 = arith.constant 2 : i32
    %swap3A_405 = arith.index_cast %swap3A_403 : i32 to index
    %swap3A_406 = arith.index_cast %swap3A_404 : i32 to index
    %swap3A_407 = arith.constant 0 : index
    %swap3A_408 = tpu.vector_load %arg11[%swap3A_405, %swap3A_406, %swap3A_407] {strides = array<i32>} : memref<4x48x16xf32, #tpu.memory_space<vmem>>, vector<16xf32>,
    tpu.vector_store %arg11[%swap3A_405, %swap3A_406, %swap3A_407], %broadcast_in_dim3A_402 {strides = array<i32>} : memref<4x48x16xf32, #tpu.memory_space<vmem>>, vector<16xf32>,
    %broadcast_in_dim3A_409 = arith.constant 0.000000e+00 : f32
    %broadcast_in_dim3A_410 = vector.broadcast %broadcast_in_dim3A_409 : f32 to vector<16xf32>
    %swap3A_411 = arith.constant 1 : i32
    %swap3A_412 = arith.constant 3 : i32
    %swap3A_413 = arith.index_cast %swap3A_411 : i32 to index
    %swap3A_414 = arith.index_cast %swap3A_412 : i32 to index
    %swap3A_415 = arith.constant 0 : index
    %swap3A_416 = tpu.vector_load %arg11[%swap3A_413, %swap3A_414, %swap3A_415] {strides = array<i32>} : memref<4x48x16xf32, #tpu.memory_space<vmem>>, vector<16xf32>,
    tpu.vector_store %arg11[%swap3A_413, %swap3A_414, %swap3A_415], %broadcast_in_dim3A_410 {strides = array<i32>} : memref<4x48x16xf32, #tpu.memory_space<vmem>>, vector<16xf32>,
    %broadcast_in_dim3A_417 = arith.constant 0.000000e+00 : f32
    %broadcast_in_dim3A_418 = vector.broadcast %broadcast_in_dim3A_417 : f32 to vector<16xf32>
    %swap3A_419 = arith.constant 1 : i32
    %swap3A_420 = arith.constant 4 : i32
    %swap3A_421 = arith.index_cast %swap3A_419 : i32 to index
    %swap3A_422 = arith.index_cast %swap3A_420 : i32 to index
    %swap3A_423 = arith.constant 0 : index
    %swap3A_424 = tpu.vector_load %arg11[%swap3A_421, %swap3A_422, %swap3A_423] {strides = array<i32>} : memref<4x48x16xf32, #tpu.memory_space<vmem>>, vector<16xf32>,
    tpu.vector_store %arg11[%swap3A_421, %swap3A_422, %swap3A_423], %broadcast_in_dim3A_418 {strides = array<i32>} : memref<4x48x16xf32, #tpu.memory_space<vmem>>, vector<16xf32>,
    %broadcast_in_dim3A_425 = arith.constant 0.000000e+00 : f32
    %broadcast_in_dim3A_426 = vector.broadcast %broadcast_in_dim3A_425 : f32 to vector<16xf32>
    %swap3A_427 = arith.constant 1 : i32
    %swap3A_428 = arith.constant 5 : i32
    %swap3A_429 = arith.index_cast %swap3A_427 : i32 to index
    %swap3A_430 = arith.index_cast %swap3A_428 : i32 to index
    %swap3A_431 = arith.constant 0 : index
    %swap3A_432 = tpu.vector_load %arg11[%swap3A_429, %swap3A_430, %swap3A_431] {strides = array<i32>} : memref<4x48x16xf32, #tpu.memory_space<vmem>>, vector<16xf32>,
    tpu.vector_store %arg11[%swap3A_429, %swap3A_430, %swap3A_431], %broadcast_in_dim3A_426 {strides = array<i32>} : memref<4x48x16xf32, #tpu.memory_space<vmem>>, vector<16xf32>,
    %broadcast_in_dim3A_433 = arith.constant 0.000000e+00 : f32
    %broadcast_in_dim3A_434 = vector.broadcast %broadcast_in_dim3A_433 : f32 to vector<16xf32>
    %swap3A_435 = arith.constant 1 : i32
    %swap3A_436 = arith.constant 6 : i32
    %swap3A_437 = arith.index_cast %swap3A_435 : i32 to index
    %swap3A_438 = arith.index_cast %swap3A_436 : i32 to index
    %swap3A_439 = arith.constant 0 : index
    %swap3A_440 = tpu.vector_load %arg11[%swap3A_437, %swap3A_438, %swap3A_439] {strides = array<i32>} : memref<4x48x16xf32, #tpu.memory_space<vmem>>, vector<16xf32>,
    tpu.vector_store %arg11[%swap3A_437, %swap3A_438, %swap3A_439], %broadcast_in_dim3A_434 {strides = array<i32>} : memref<4x48x16xf32, #tpu.memory_space<vmem>>, vector<16xf32>,
    %broadcast_in_dim3A_441 = arith.constant 0.000000e+00 : f32
    %broadcast_in_dim3A_442 = vector.broadcast %broadcast_in_dim3A_441 : f32 to vector<16xf32>
    %swap3A_443 = arith.constant 1 : i32
    %swap3A_444 = arith.constant 7 : i32
    %swap3A_445 = arith.index_cast %swap3A_443 : i32 to index
    %swap3A_446 = arith.index_cast %swap3A_444 : i32 to index
    %swap3A_447 = arith.constant 0 : index
    %swap3A_448 = tpu.vector_load %arg11[%swap3A_445, %swap3A_446, %swap3A_447] {strides = array<i32>} : memref<4x48x16xf32, #tpu.memory_space<vmem>>, vector<16xf32>,
    tpu.vector_store %arg11[%swap3A_445, %swap3A_446, %swap3A_447], %broadcast_in_dim3A_442 {strides = array<i32>} : memref<4x48x16xf32, #tpu.memory_space<vmem>>, vector<16xf32>,
    %broadcast_in_dim3A_449 = arith.constant 0.000000e+00 : f32
    %broadcast_in_dim3A_450 = vector.broadcast %broadcast_in_dim3A_449 : f32 to vector<16xf32>
    %swap3A_451 = arith.constant 1 : i32
    %swap3A_452 = arith.constant 8 : i32
    %swap3A_453 = arith.index_cast %swap3A_451 : i32 to index
    %swap3A_454 = arith.index_cast %swap3A_452 : i32 to index
    %swap3A_455 = arith.constant 0 : index
    %swap3A_456 = tpu.vector_load %arg11[%swap3A_453, %swap3A_454, %swap3A_455] {strides = array<i32>} : memref<4x48x16xf32, #tpu.memory_space<vmem>>, vector<16xf32>,
    tpu.vector_store %arg11[%swap3A_453, %swap3A_454, %swap3A_455], %broadcast_in_dim3A_450 {strides = array<i32>} : memref<4x48x16xf32, #tpu.memory_space<vmem>>, vector<16xf32>,
    %broadcast_in_dim3A_457 = arith.constant 0.000000e+00 : f32
    %broadcast_in_dim3A_458 = vector.broadcast %broadcast_in_dim3A_457 : f32 to vector<16xf32>
    %swap3A_459 = arith.constant 1 : i32
    %swap3A_460 = arith.constant 9 : i32
    %swap3A_461 = arith.index_cast %swap3A_459 : i32 to index
    %swap3A_462 = arith.index_cast %swap3A_460 : i32 to index
    %swap3A_463 = arith.constant 0 : index
    %swap3A_464 = tpu.vector_load %arg11[%swap3A_461, %swap3A_462, %swap3A_463] {strides = array<i32>} : memref<4x48x16xf32, #tpu.memory_space<vmem>>, vector<16xf32>,
    tpu.vector_store %arg11[%swap3A_461, %swap3A_462, %swap3A_463], %broadcast_in_dim3A_458 {strides = array<i32>} : memref<4x48x16xf32, #tpu.memory_space<vmem>>, vector<16xf32>,
    %broadcast_in_dim3A_465 = arith.constant 0.000000e+00 : f32
    %broadcast_in_dim3A_466 = vector.broadcast %broadcast_in_dim3A_465 : f32 to vector<16xf32>
    %swap3A_467 = arith.constant 1 : i32
    %swap3A_468 = arith.constant 10 : i32
    %swap3A_469 = arith.index_cast %swap3A_467 : i32 to index
    %swap3A_470 = arith.index_cast %swap3A_468 : i32 to index
    %swap3A_471 = arith.constant 0 : index
    %swap3A_472 = tpu.vector_load %arg11[%swap3A_469, %swap3A_470, %swap3A_471] {strides = array<i32>} : memref<4x48x16xf32, #tpu.memory_space<vmem>>, vector<16xf32>,
    tpu.vector_store %arg11[%swap3A_469, %swap3A_470, %swap3A_471], %broadcast_in_dim3A_466 {strides = array<i32>} : memref<4x48x16xf32, #tpu.memory_space<vmem>>, vector<16xf32>,
    %broadcast_in_dim3A_473 = arith.constant 0.000000e+00 : f32
    %broadcast_in_dim3A_474 = vector.broadcast %broadcast_in_dim3A_473 : f32 to vector<16xf32>
    %swap3A_475 = arith.constant 1 : i32
    %swap3A_476 = arith.constant 11 : i32
    %swap3A_477 = arith.index_cast %swap3A_475 : i32 to index
    %swap3A_478 = arith.index_cast %swap3A_476 : i32 to index
    %swap3A_479 = arith.constant 0 : index
    %swap3A_480 = tpu.vector_load %arg11[%swap3A_477, %swap3A_478, %swap3A_479] {strides = array<i32>} : memref<4x48x16xf32, #tpu.memory_space<vmem>>, vector<16xf32>,
    tpu.vector_store %arg11[%swap3A_477, %swap3A_478, %swap3A_479], %broadcast_in_dim3A_474 {strides = array<i32>} : memref<4x48x16xf32, #tpu.memory_space<vmem>>, vector<16xf32>,
    %broadcast_in_dim3A_481 = arith.constant 0.000000e+00 : f32
    %broadcast_in_dim3A_482 = vector.broadcast %broadcast_in_dim3A_481 : f32 to vector<16xf32>
    %swap3A_483 = arith.constant 1 : i32
    %swap3A_484 = arith.constant 12 : i32
    %swap3A_485 = arith.index_cast %swap3A_483 : i32 to index
    %swap3A_486 = arith.index_cast %swap3A_484 : i32 to index
    %swap3A_487 = arith.constant 0 : index
    %swap3A_488 = tpu.vector_load %arg11[%swap3A_485, %swap3A_486, %swap3A_487] {strides = array<i32>} : memref<4x48x16xf32, #tpu.memory_space<vmem>>, vector<16xf32>,
    tpu.vector_store %arg11[%swap3A_485, %swap3A_486, %swap3A_487], %broadcast_in_dim3A_482 {strides = array<i32>} : memref<4x48x16xf32, #tpu.memory_space<vmem>>, vector<16xf32>,
    %broadcast_in_dim3A_489 = arith.constant 0.000000e+00 : f32
    %broadcast_in_dim3A_490 = vector.broadcast %broadcast_in_dim3A_489 : f32 to vector<16xf32>
    %swap3A_491 = arith.constant 1 : i32
    %swap3A_492 = arith.constant 13 : i32
    %swap3A_493 = arith.index_cast %swap3A_491 : i32 to index
    %swap3A_494 = arith.index_cast %swap3A_492 : i32 to index
    %swap3A_495 = arith.constant 0 : index
    %swap3A_496 = tpu.vector_load %arg11[%swap3A_493, %swap3A_494, %swap3A_495] {strides = array<i32>} : memref<4x48x16xf32, #tpu.memory_space<vmem>>, vector<16xf32>,
    tpu.vector_store %arg11[%swap3A_493, %swap3A_494, %swap3A_495], %broadcast_in_dim3A_490 {strides = array<i32>} : memref<4x48x16xf32, #tpu.memory_space<vmem>>, vector<16xf32>,
    %broadcast_in_dim3A_497 = arith.constant 0.000000e+00 : f32
    %broadcast_in_dim3A_498 = vector.broadcast %broadcast_in_dim3A_497 : f32 to vector<16xf32>
    %swap3A_499 = arith.constant 1 : i32
    %swap3A_500 = arith.constant 14 : i32
    %swap3A_501 = arith.index_cast %swap3A_499 : i32 to index
    %swap3A_502 = arith.index_cast %swap3A_500 : i32 to index
    %swap3A_503 = arith.constant 0 : index
    %swap3A_504 = tpu.vector_load %arg11[%swap3A_501, %swap3A_502, %swap3A_503] {strides = array<i32>} : memref<4x48x16xf32, #tpu.memory_space<vmem>>, vector<16xf32>,
    tpu.vector_store %arg11[%swap3A_501, %swap3A_502, %swap3A_503], %broadcast_in_dim3A_498 {strides = array<i32>} : memref<4x48x16xf32, #tpu.memory_space<vmem>>, vector<16xf32>,
    %broadcast_in_dim3A_505 = arith.constant 0.000000e+00 : f32
    %broadcast_in_dim3A_506 = vector.broadcast %broadcast_in_dim3A_505 : f32 to vector<16xf32>
    %swap3A_507 = arith.constant 1 : i32
    %swap3A_508 = arith.constant 15 : i32
    %swap3A_509 = arith.index_cast %swap3A_507 : i32 to index
    %swap3A_510 = arith.index_cast %swap3A_508 : i32 to index
    %swap3A_511 = arith.constant 0 : index
    %swap3A_512 = tpu.vector_load %arg11[%swap3A_509, %swap3A_510, %swap3A_511] {strides = array<i32>} : memref<4x48x16xf32, #tpu.memory_space<vmem>>, vector<16xf32>,
    tpu.vector_store %arg11[%swap3A_509, %swap3A_510, %swap3A_511], %broadcast_in_dim3A_506 {strides = array<i32>} : memref<4x48x16xf32, #tpu.memory_space<vmem>>, vector<16xf32>,
    %broadcast_in_dim3A_513 = arith.constant 0.000000e+00 : f32
    %broadcast_in_dim3A_514 = vector.broadcast %broadcast_in_dim3A_513 : f32 to vector<16xf32>
    %swap3A_515 = arith.constant 1 : i32
    %swap3A_516 = arith.constant 16 : i32
    %swap3A_517 = arith.index_cast %swap3A_515 : i32 to index
    %swap3A_518 = arith.index_cast %swap3A_516 : i32 to index
    %swap3A_519 = arith.constant 0 : index
    %swap3A_520 = tpu.vector_load %arg11[%swap3A_517, %swap3A_518, %swap3A_519] {strides = array<i32>} : memref<4x48x16xf32, #tpu.memory_space<vmem>>, vector<16xf32>,
    tpu.vector_store %arg11[%swap3A_517, %swap3A_518, %swap3A_519], %broadcast_in_dim3A_514 {strides = array<i32>} : memref<4x48x16xf32, #tpu.memory_space<vmem>>, vector<16xf32>,
    %broadcast_in_dim3A_521 = arith.constant 0.000000e+00 : f32
    %broadcast_in_dim3A_522 = vector.broadcast %broadcast_in_dim3A_521 : f32 to vector<16xf32>
    %swap3A_523 = arith.constant 1 : i32
    %swap3A_524 = arith.constant 17 : i32
    %swap3A_525 = arith.index_cast %swap3A_523 : i32 to index
    %swap3A_526 = arith.index_cast %swap3A_524 : i32 to index
    %swap3A_527 = arith.constant 0 : index
    %swap3A_528 = tpu.vector_load %arg11[%swap3A_525, %swap3A_526, %swap3A_527] {strides = array<i32>} : memref<4x48x16xf32, #tpu.memory_space<vmem>>, vector<16xf32>,
    tpu.vector_store %arg11[%swap3A_525, %swap3A_526, %swap3A_527], %broadcast_in_dim3A_522 {strides = array<i32>} : memref<4x48x16xf32, #tpu.memory_space<vmem>>, vector<16xf32>,
    %broadcast_in_dim3A_529 = arith.constant 0.000000e+00 : f32
    %broadcast_in_dim3A_530 = vector.broadcast %broadcast_in_dim3A_529 : f32 to vector<16xf32>
    %swap3A_531 = arith.constant 1 : i32
    %swap3A_532 = arith.constant 18 : i32
    %swap3A_533 = arith.index_cast %swap3A_531 : i32 to index
    %swap3A_534 = arith.index_cast %swap3A_532 : i32 to index
    %swap3A_535 = arith.constant 0 : index
    %swap3A_536 = tpu.vector_load %arg11[%swap3A_533, %swap3A_534, %swap3A_535] {strides = array<i32>} : memref<4x48x16xf32, #tpu.memory_space<vmem>>, vector<16xf32>,
    tpu.vector_store %arg11[%swap3A_533, %swap3A_534, %swap3A_535], %broadcast_in_dim3A_530 {strides = array<i32>} : memref<4x48x16xf32, #tpu.memory_space<vmem>>, vector<16xf32>,
    %broadcast_in_dim3A_537 = arith.constant 0.000000e+00 : f32
    %broadcast_in_dim3A_538 = vector.broadcast %broadcast_in_dim3A_537 : f32 to vector<16xf32>
    %swap3A_539 = arith.constant 1 : i32
    %swap3A_540 = arith.constant 19 : i32
    %swap3A_541 = arith.index_cast %swap3A_539 : i32 to index
    %swap3A_542 = arith.index_cast %swap3A_540 : i32 to index
    %swap3A_543 = arith.constant 0 : index
    %swap3A_544 = tpu.vector_load %arg11[%swap3A_541, %swap3A_542, %swap3A_543] {strides = array<i32>} : memref<4x48x16xf32, #tpu.memory_space<vmem>>, vector<16xf32>,
    tpu.vector_store %arg11[%swap3A_541, %swap3A_542, %swap3A_543], %broadcast_in_dim3A_538 {strides = array<i32>} : memref<4x48x16xf32, #tpu.memory_space<vmem>>, vector<16xf32>,
    %broadcast_in_dim3A_545 = arith.constant 0.000000e+00 : f32
    %broadcast_in_dim3A_546 = vector.broadcast %broadcast_in_dim3A_545 : f32 to vector<16xf32>
    %swap3A_547 = arith.constant 1 : i32
    %swap3A_548 = arith.constant 20 : i32
    %swap3A_549 = arith.index_cast %swap3A_547 : i32 to index
    %swap3A_550 = arith.index_cast %swap3A_548 : i32 to index
    %swap3A_551 = arith.constant 0 : index
    %swap3A_552 = tpu.vector_load %arg11[%swap3A_549, %swap3A_550, %swap3A_551] {strides = array<i32>} : memref<4x48x16xf32, #tpu.memory_space<vmem>>, vector<16xf32>,
    tpu.vector_store %arg11[%swap3A_549, %swap3A_550, %swap3A_551], %broadcast_in_dim3A_546 {strides = array<i32>} : memref<4x48x16xf32, #tpu.memory_space<vmem>>, vector<16xf32>,
    %broadcast_in_dim3A_553 = arith.constant 0.000000e+00 : f32
    %broadcast_in_dim3A_554 = vector.broadcast %broadcast_in_dim3A_553 : f32 to vector<16xf32>
    %swap3A_555 = arith.constant 1 : i32
    %swap3A_556 = arith.constant 21 : i32
    %swap3A_557 = arith.index_cast %swap3A_555 : i32 to index
    %swap3A_558 = arith.index_cast %swap3A_556 : i32 to index
    %swap3A_559 = arith.constant 0 : index
    %swap3A_560 = tpu.vector_load %arg11[%swap3A_557, %swap3A_558, %swap3A_559] {strides = array<i32>} : memref<4x48x16xf32, #tpu.memory_space<vmem>>, vector<16xf32>,
    tpu.vector_store %arg11[%swap3A_557, %swap3A_558, %swap3A_559], %broadcast_in_dim3A_554 {strides = array<i32>} : memref<4x48x16xf32, #tpu.memory_space<vmem>>, vector<16xf32>,
    %broadcast_in_dim3A_561 = arith.constant 0.000000e+00 : f32
    %broadcast_in_dim3A_562 = vector.broadcast %broadcast_in_dim3A_561 : f32 to vector<16xf32>
    %swap3A_563 = arith.constant 1 : i32
    %swap3A_564 = arith.constant 22 : i32
    %swap3A_565 = arith.index_cast %swap3A_563 : i32 to index
    %swap3A_566 = arith.index_cast %swap3A_564 : i32 to index
    %swap3A_567 = arith.constant 0 : index
    %swap3A_568 = tpu.vector_load %arg11[%swap3A_565, %swap3A_566, %swap3A_567] {strides = array<i32>} : memref<4x48x16xf32, #tpu.memory_space<vmem>>, vector<16xf32>,
    tpu.vector_store %arg11[%swap3A_565, %swap3A_566, %swap3A_567], %broadcast_in_dim3A_562 {strides = array<i32>} : memref<4x48x16xf32, #tpu.memory_space<vmem>>, vector<16xf32>,
    %broadcast_in_dim3A_569 = arith.constant 0.000000e+00 : f32
    %broadcast_in_dim3A_570 = vector.broadcast %broadcast_in_dim3A_569 : f32 to vector<16xf32>
    %swap3A_571 = arith.constant 1 : i32
    %swap3A_572 = arith.constant 23 : i32
    %swap3A_573 = arith.index_cast %swap3A_571 : i32 to index
    %swap3A_574 = arith.index_cast %swap3A_572 : i32 to index
    %swap3A_575 = arith.constant 0 : index
    %swap3A_576 = tpu.vector_load %arg11[%swap3A_573, %swap3A_574, %swap3A_575] {strides = array<i32>} : memref<4x48x16xf32, #tpu.memory_space<vmem>>, vector<16xf32>,
    tpu.vector_store %arg11[%swap3A_573, %swap3A_574, %swap3A_575], %broadcast_in_dim3A_570 {strides = array<i32>} : memref<4x48x16xf32, #tpu.memory_space<vmem>>, vector<16xf32>,
    %broadcast_in_dim3A_577 = arith.constant 0.000000e+00 : f32
    %broadcast_in_dim3A_578 = vector.broadcast %broadcast_in_dim3A_577 : f32 to vector<16xf32>
    %swap3A_579 = arith.constant 1 : i32
    %swap3A_580 = arith.constant 24 : i32
    %swap3A_581 = arith.index_cast %swap3A_579 : i32 to index
    %swap3A_582 = arith.index_cast %swap3A_580 : i32 to index
    %swap3A_583 = arith.constant 0 : index
    %swap3A_584 = tpu.vector_load %arg11[%swap3A_581, %swap3A_582, %swap3A_583] {strides = array<i32>} : memref<4x48x16xf32, #tpu.memory_space<vmem>>, vector<16xf32>,
    tpu.vector_store %arg11[%swap3A_581, %swap3A_582, %swap3A_583], %broadcast_in_dim3A_578 {strides = array<i32>} : memref<4x48x16xf32, #tpu.memory_space<vmem>>, vector<16xf32>,
    %broadcast_in_dim3A_585 = arith.constant 0.000000e+00 : f32
    %broadcast_in_dim3A_586 = vector.broadcast %broadcast_in_dim3A_585 : f32 to vector<16xf32>
    %swap3A_587 = arith.constant 1 : i32
    %swap3A_588 = arith.constant 25 : i32
    %swap3A_589 = arith.index_cast %swap3A_587 : i32 to index
    %swap3A_590 = arith.index_cast %swap3A_588 : i32 to index
    %swap3A_591 = arith.constant 0 : index
    %swap3A_592 = tpu.vector_load %arg11[%swap3A_589, %swap3A_590, %swap3A_591] {strides = array<i32>} : memref<4x48x16xf32, #tpu.memory_space<vmem>>, vector<16xf32>,
    tpu.vector_store %arg11[%swap3A_589, %swap3A_590, %swap3A_591], %broadcast_in_dim3A_586 {strides = array<i32>} : memref<4x48x16xf32, #tpu.memory_space<vmem>>, vector<16xf32>,
    %broadcast_in_dim3A_593 = arith.constant 0.000000e+00 : f32
    %broadcast_in_dim3A_594 = vector.broadcast %broadcast_in_dim3A_593 : f32 to vector<16xf32>
    %swap3A_595 = arith.constant 1 : i32
    %swap3A_596 = arith.constant 26 : i32
    %swap3A_597 = arith.index_cast %swap3A_595 : i32 to index
    %swap3A_598 = arith.index_cast %swap3A_596 : i32 to index
    %swap3A_599 = arith.constant 0 : index
    %swap3A_600 = tpu.vector_load %arg11[%swap3A_597, %swap3A_598, %swap3A_599] {strides = array<i32>} : memref<4x48x16xf32, #tpu.memory_space<vmem>>, vector<16xf32>,
    tpu.vector_store %arg11[%swap3A_597, %swap3A_598, %swap3A_599], %broadcast_in_dim3A_594 {strides = array<i32>} : memref<4x48x16xf32, #tpu.memory_space<vmem>>, vector<16xf32>,
    %broadcast_in_dim3A_601 = arith.constant 0.000000e+00 : f32
    %broadcast_in_dim3A_602 = vector.broadcast %broadcast_in_dim3A_601 : f32 to vector<16xf32>
    %swap3A_603 = arith.constant 1 : i32
    %swap3A_604 = arith.constant 27 : i32
    %swap3A_605 = arith.index_cast %swap3A_603 : i32 to index
    %swap3A_606 = arith.index_cast %swap3A_604 : i32 to index
    %swap3A_607 = arith.constant 0 : index
    %swap3A_608 = tpu.vector_load %arg11[%swap3A_605, %swap3A_606, %swap3A_607] {strides = array<i32>} : memref<4x48x16xf32, #tpu.memory_space<vmem>>, vector<16xf32>,
    tpu.vector_store %arg11[%swap3A_605, %swap3A_606, %swap3A_607], %broadcast_in_dim3A_602 {strides = array<i32>} : memref<4x48x16xf32, #tpu.memory_space<vmem>>, vector<16xf32>,
    %broadcast_in_dim3A_609 = arith.constant 0.000000e+00 : f32
    %broadcast_in_dim3A_610 = vector.broadcast %broadcast_in_dim3A_609 : f32 to vector<16xf32>
    %swap3A_611 = arith.constant 1 : i32
    %swap3A_612 = arith.constant 28 : i32
    %swap3A_613 = arith.index_cast %swap3A_611 : i32 to index
    %swap3A_614 = arith.index_cast %swap3A_612 : i32 to index
    %swap3A_615 = arith.constant 0 : index
    %swap3A_616 = tpu.vector_load %arg11[%swap3A_613, %swap3A_614, %swap3A_615] {strides = array<i32>} : memref<4x48x16xf32, #tpu.memory_space<vmem>>, vector<16xf32>,
    tpu.vector_store %arg11[%swap3A_613, %swap3A_614, %swap3A_615], %broadcast_in_dim3A_610 {strides = array<i32>} : memref<4x48x16xf32, #tpu.memory_space<vmem>>, vector<16xf32>,
    %broadcast_in_dim3A_617 = arith.constant 0.000000e+00 : f32
    %broadcast_in_dim3A_618 = vector.broadcast %broadcast_in_dim3A_617 : f32 to vector<16xf32>
    %swap3A_619 = arith.constant 1 : i32
    %swap3A_620 = arith.constant 29 : i32
    %swap3A_621 = arith.index_cast %swap3A_619 : i32 to index
    %swap3A_622 = arith.index_cast %swap3A_620 : i32 to index
    %swap3A_623 = arith.constant 0 : index
    %swap3A_624 = tpu.vector_load %arg11[%swap3A_621, %swap3A_622, %swap3A_623] {strides = array<i32>} : memref<4x48x16xf32, #tpu.memory_space<vmem>>, vector<16xf32>,
    tpu.vector_store %arg11[%swap3A_621, %swap3A_622, %swap3A_623], %broadcast_in_dim3A_618 {strides = array<i32>} : memref<4x48x16xf32, #tpu.memory_space<vmem>>, vector<16xf32>,
    %broadcast_in_dim3A_625 = arith.constant 0.000000e+00 : f32
    %broadcast_in_dim3A_626 = vector.broadcast %broadcast_in_dim3A_625 : f32 to vector<16xf32>
    %swap3A_627 = arith.constant 1 : i32
    %swap3A_628 = arith.constant 30 : i32
    %swap3A_629 = arith.index_cast %swap3A_627 : i32 to index
    %swap3A_630 = arith.index_cast %swap3A_628 : i32 to index
    %swap3A_631 = arith.constant 0 : index
    %swap3A_632 = tpu.vector_load %arg11[%swap3A_629, %swap3A_630, %swap3A_631] {strides = array<i32>} : memref<4x48x16xf32, #tpu.memory_space<vmem>>, vector<16xf32>,
    tpu.vector_store %arg11[%swap3A_629, %swap3A_630, %swap3A_631], %broadcast_in_dim3A_626 {strides = array<i32>} : memref<4x48x16xf32, #tpu.memory_space<vmem>>, vector<16xf32>,
    %broadcast_in_dim3A_633 = arith.constant 0.000000e+00 : f32
    %broadcast_in_dim3A_634 = vector.broadcast %broadcast_in_dim3A_633 : f32 to vector<16xf32>
    %swap3A_635 = arith.constant 1 : i32
    %swap3A_636 = arith.constant 31 : i32
    %swap3A_637 = arith.index_cast %swap3A_635 : i32 to index
    %swap3A_638 = arith.index_cast %swap3A_636 : i32 to index
    %swap3A_639 = arith.constant 0 : index
    %swap3A_640 = tpu.vector_load %arg11[%swap3A_637, %swap3A_638, %swap3A_639] {strides = array<i32>} : memref<4x48x16xf32, #tpu.memory_space<vmem>>, vector<16xf32>,
    tpu.vector_store %arg11[%swap3A_637, %swap3A_638, %swap3A_639], %broadcast_in_dim3A_634 {strides = array<i32>} : memref<4x48x16xf32, #tpu.memory_space<vmem>>, vector<16xf32>,
    %broadcast_in_dim3A_641 = arith.constant 0.000000e+00 : f32
    %broadcast_in_dim3A_642 = vector.broadcast %broadcast_in_dim3A_641 : f32 to vector<16xf32>
    %swap3A_643 = arith.constant 1 : i32
    %swap3A_644 = arith.constant 32 : i32
    %swap3A_645 = arith.index_cast %swap3A_643 : i32 to index
    %swap3A_646 = arith.index_cast %swap3A_644 : i32 to index
    %swap3A_647 = arith.constant 0 : index
    %swap3A_648 = tpu.vector_load %arg11[%swap3A_645, %swap3A_646, %swap3A_647] {strides = array<i32>} : memref<4x48x16xf32, #tpu.memory_space<vmem>>, vector<16xf32>,
    tpu.vector_store %arg11[%swap3A_645, %swap3A_646, %swap3A_647], %broadcast_in_dim3A_642 {strides = array<i32>} : memref<4x48x16xf32, #tpu.memory_space<vmem>>, vector<16xf32>,
    %broadcast_in_dim3A_649 = arith.constant 0.000000e+00 : f32
    %broadcast_in_dim3A_650 = vector.broadcast %broadcast_in_dim3A_649 : f32 to vector<16xf32>
    %swap3A_651 = arith.constant 1 : i32
    %swap3A_652 = arith.constant 33 : i32
    %swap3A_653 = arith.index_cast %swap3A_651 : i32 to index
    %swap3A_654 = arith.index_cast %swap3A_652 : i32 to index
    %swap3A_655 = arith.constant 0 : index
    %swap3A_656 = tpu.vector_load %arg11[%swap3A_653, %swap3A_654, %swap3A_655] {strides = array<i32>} : memref<4x48x16xf32, #tpu.memory_space<vmem>>, vector<16xf32>,
    tpu.vector_store %arg11[%swap3A_653, %swap3A_654, %swap3A_655], %broadcast_in_dim3A_650 {strides = array<i32>} : memref<4x48x16xf32, #tpu.memory_space<vmem>>, vector<16xf32>,
    %broadcast_in_dim3A_657 = arith.constant 0.000000e+00 : f32
    %broadcast_in_dim3A_658 = vector.broadcast %broadcast_in_dim3A_657 : f32 to vector<16xf32>
    %swap3A_659 = arith.constant 1 : i32
    %swap3A_660 = arith.constant 34 : i32
    %swap3A_661 = arith.index_cast %swap3A_659 : i32 to index
    %swap3A_662 = arith.index_cast %swap3A_660 : i32 to index
    %swap3A_663 = arith.constant 0 : index
    %swap3A_664 = tpu.vector_load %arg11[%swap3A_661, %swap3A_662, %swap3A_663] {strides = array<i32>} : memref<4x48x16xf32, #tpu.memory_space<vmem>>, vector<16xf32>,
    tpu.vector_store %arg11[%swap3A_661, %swap3A_662, %swap3A_663], %broadcast_in_dim3A_658 {strides = array<i32>} : memref<4x48x16xf32, #tpu.memory_space<vmem>>, vector<16xf32>,
    %broadcast_in_dim3A_665 = arith.constant 0.000000e+00 : f32
    %broadcast_in_dim3A_666 = vector.broadcast %broadcast_in_dim3A_665 : f32 to vector<16xf32>
    %swap3A_667 = arith.constant 1 : i32
    %swap3A_668 = arith.constant 35 : i32
    %swap3A_669 = arith.index_cast %swap3A_667 : i32 to index
    %swap3A_670 = arith.index_cast %swap3A_668 : i32 to index
    %swap3A_671 = arith.constant 0 : index
    %swap3A_672 = tpu.vector_load %arg11[%swap3A_669, %swap3A_670, %swap3A_671] {strides = array<i32>} : memref<4x48x16xf32, #tpu.memory_space<vmem>>, vector<16xf32>,
    tpu.vector_store %arg11[%swap3A_669, %swap3A_670, %swap3A_671], %broadcast_in_dim3A_666 {strides = array<i32>} : memref<4x48x16xf32, #tpu.memory_space<vmem>>, vector<16xf32>,
    %broadcast_in_dim3A_673 = arith.constant 0.000000e+00 : f32
    %broadcast_in_dim3A_674 = vector.broadcast %broadcast_in_dim3A_673 : f32 to vector<16xf32>
    %swap3A_675 = arith.constant 1 : i32
    %swap3A_676 = arith.constant 36 : i32
    %swap3A_677 = arith.index_cast %swap3A_675 : i32 to index
    %swap3A_678 = arith.index_cast %swap3A_676 : i32 to index
    %swap3A_679 = arith.constant 0 : index
    %swap3A_680 = tpu.vector_load %arg11[%swap3A_677, %swap3A_678, %swap3A_679] {strides = array<i32>} : memref<4x48x16xf32, #tpu.memory_space<vmem>>, vector<16xf32>,
    tpu.vector_store %arg11[%swap3A_677, %swap3A_678, %swap3A_679], %broadcast_in_dim3A_674 {strides = array<i32>} : memref<4x48x16xf32, #tpu.memory_space<vmem>>, vector<16xf32>,
    %broadcast_in_dim3A_681 = arith.constant 0.000000e+00 : f32
    %broadcast_in_dim3A_682 = vector.broadcast %broadcast_in_dim3A_681 : f32 to vector<16xf32>
    %swap3A_683 = arith.constant 1 : i32
    %swap3A_684 = arith.constant 37 : i32
    %swap3A_685 = arith.index_cast %swap3A_683 : i32 to index
    %swap3A_686 = arith.index_cast %swap3A_684 : i32 to index
    %swap3A_687 = arith.constant 0 : index
    %swap3A_688 = tpu.vector_load %arg11[%swap3A_685, %swap3A_686, %swap3A_687] {strides = array<i32>} : memref<4x48x16xf32, #tpu.memory_space<vmem>>, vector<16xf32>,
    tpu.vector_store %arg11[%swap3A_685, %swap3A_686, %swap3A_687], %broadcast_in_dim3A_682 {strides = array<i32>} : memref<4x48x16xf32, #tpu.memory_space<vmem>>, vector<16xf32>,
    %broadcast_in_dim3A_689 = arith.constant 0.000000e+00 : f32
    %broadcast_in_dim3A_690 = vector.broadcast %broadcast_in_dim3A_689 : f32 to vector<16xf32>
    %swap3A_691 = arith.constant 1 : i32
    %swap3A_692 = arith.constant 38 : i32
    %swap3A_693 = arith.index_cast %swap3A_691 : i32 to index
    %swap3A_694 = arith.index_cast %swap3A_692 : i32 to index
    %swap3A_695 = arith.constant 0 : index
    %swap3A_696 = tpu.vector_load %arg11[%swap3A_693, %swap3A_694, %swap3A_695] {strides = array<i32>} : memref<4x48x16xf32, #tpu.memory_space<vmem>>, vector<16xf32>,
    tpu.vector_store %arg11[%swap3A_693, %swap3A_694, %swap3A_695], %broadcast_in_dim3A_690 {strides = array<i32>} : memref<4x48x16xf32, #tpu.memory_space<vmem>>, vector<16xf32>,
    %broadcast_in_dim3A_697 = arith.constant 0.000000e+00 : f32
    %broadcast_in_dim3A_698 = vector.broadcast %broadcast_in_dim3A_697 : f32 to vector<16xf32>
    %swap3A_699 = arith.constant 1 : i32
    %swap3A_700 = arith.constant 39 : i32
    %swap3A_701 = arith.index_cast %swap3A_699 : i32 to index
    %swap3A_702 = arith.index_cast %swap3A_700 : i32 to index
    %swap3A_703 = arith.constant 0 : index
    %swap3A_704 = tpu.vector_load %arg11[%swap3A_701, %swap3A_702, %swap3A_703] {strides = array<i32>} : memref<4x48x16xf32, #tpu.memory_space<vmem>>, vector<16xf32>,
    tpu.vector_store %arg11[%swap3A_701, %swap3A_702, %swap3A_703], %broadcast_in_dim3A_698 {strides = array<i32>} : memref<4x48x16xf32, #tpu.memory_space<vmem>>, vector<16xf32>,
    %broadcast_in_dim3A_705 = arith.constant 0.000000e+00 : f32
    %broadcast_in_dim3A_706 = vector.broadcast %broadcast_in_dim3A_705 : f32 to vector<16xf32>
    %swap3A_707 = arith.constant 1 : i32
    %swap3A_708 = arith.constant 40 : i32
    %swap3A_709 = arith.index_cast %swap3A_707 : i32 to index
    %swap3A_710 = arith.index_cast %swap3A_708 : i32 to index
    %swap3A_711 = arith.constant 0 : index
    %swap3A_712 = tpu.vector_load %arg11[%swap3A_709, %swap3A_710, %swap3A_711] {strides = array<i32>} : memref<4x48x16xf32, #tpu.memory_space<vmem>>, vector<16xf32>,
    tpu.vector_store %arg11[%swap3A_709, %swap3A_710, %swap3A_711], %broadcast_in_dim3A_706 {strides = array<i32>} : memref<4x48x16xf32, #tpu.memory_space<vmem>>, vector<16xf32>,
    %broadcast_in_dim3A_713 = arith.constant 0.000000e+00 : f32
    %broadcast_in_dim3A_714 = vector.broadcast %broadcast_in_dim3A_713 : f32 to vector<16xf32>
    %swap3A_715 = arith.constant 1 : i32
    %swap3A_716 = arith.constant 41 : i32
    %swap3A_717 = arith.index_cast %swap3A_715 : i32 to index
    %swap3A_718 = arith.index_cast %swap3A_716 : i32 to index
    %swap3A_719 = arith.constant 0 : index
    %swap3A_720 = tpu.vector_load %arg11[%swap3A_717, %swap3A_718, %swap3A_719] {strides = array<i32>} : memref<4x48x16xf32, #tpu.memory_space<vmem>>, vector<16xf32>,
    tpu.vector_store %arg11[%swap3A_717, %swap3A_718, %swap3A_719], %broadcast_in_dim3A_714 {strides = array<i32>} : memref<4x48x16xf32, #tpu.memory_space<vmem>>, vector<16xf32>,
    %broadcast_in_dim3A_721 = arith.constant 0.000000e+00 : f32
    %broadcast_in_dim3A_722 = vector.broadcast %broadcast_in_dim3A_721 : f32 to vector<16xf32>
    %swap3A_723 = arith.constant 1 : i32
    %swap3A_724 = arith.constant 42 : i32
    %swap3A_725 = arith.index_cast %swap3A_723 : i32 to index
    %swap3A_726 = arith.index_cast %swap3A_724 : i32 to index
    %swap3A_727 = arith.constant 0 : index
    %swap3A_728 = tpu.vector_load %arg11[%swap3A_725, %swap3A_726, %swap3A_727] {strides = array<i32>} : memref<4x48x16xf32, #tpu.memory_space<vmem>>, vector<16xf32>,
    tpu.vector_store %arg11[%swap3A_725, %swap3A_726, %swap3A_727], %broadcast_in_dim3A_722 {strides = array<i32>} : memref<4x48x16xf32, #tpu.memory_space<vmem>>, vector<16xf32>,
    %broadcast_in_dim3A_729 = arith.constant 0.000000e+00 : f32
    %broadcast_in_dim3A_730 = vector.broadcast %broadcast_in_dim3A_729 : f32 to vector<16xf32>
    %swap3A_731 = arith.constant 1 : i32
    %swap3A_732 = arith.constant 43 : i32
    %swap3A_733 = arith.index_cast %swap3A_731 : i32 to index
    %swap3A_734 = arith.index_cast %swap3A_732 : i32 to index
    %swap3A_735 = arith.constant 0 : index
    %swap3A_736 = tpu.vector_load %arg11[%swap3A_733, %swap3A_734, %swap3A_735] {strides = array<i32>} : memref<4x48x16xf32, #tpu.memory_space<vmem>>, vector<16xf32>,
    tpu.vector_store %arg11[%swap3A_733, %swap3A_734, %swap3A_735], %broadcast_in_dim3A_730 {strides = array<i32>} : memref<4x48x16xf32, #tpu.memory_space<vmem>>, vector<16xf32>,
    %broadcast_in_dim3A_737 = arith.constant 0.000000e+00 : f32
    %broadcast_in_dim3A_738 = vector.broadcast %broadcast_in_dim3A_737 : f32 to vector<16xf32>
    %swap3A_739 = arith.constant 1 : i32
    %swap3A_740 = arith.constant 44 : i32
    %swap3A_741 = arith.index_cast %swap3A_739 : i32 to index
    %swap3A_742 = arith.index_cast %swap3A_740 : i32 to index
    %swap3A_743 = arith.constant 0 : index
    %swap3A_744 = tpu.vector_load %arg11[%swap3A_741, %swap3A_742, %swap3A_743] {strides = array<i32>} : memref<4x48x16xf32, #tpu.memory_space<vmem>>, vector<16xf32>,
    tpu.vector_store %arg11[%swap3A_741, %swap3A_742, %swap3A_743], %broadcast_in_dim3A_738 {strides = array<i32>} : memref<4x48x16xf32, #tpu.memory_space<vmem>>, vector<16xf32>,
    %broadcast_in_dim3A_745 = arith.constant 0.000000e+00 : f32
    %broadcast_in_dim3A_746 = vector.broadcast %broadcast_in_dim3A_745 : f32 to vector<16xf32>
    %swap3A_747 = arith.constant 1 : i32
    %swap3A_748 = arith.constant 45 : i32
    %swap3A_749 = arith.index_cast %swap3A_747 : i32 to index
    %swap3A_750 = arith.index_cast %swap3A_748 : i32 to index
    %swap3A_751 = arith.constant 0 : index
    %swap3A_752 = tpu.vector_load %arg11[%swap3A_749, %swap3A_750, %swap3A_751] {strides = array<i32>} : memref<4x48x16xf32, #tpu.memory_space<vmem>>, vector<16xf32>,
    tpu.vector_store %arg11[%swap3A_749, %swap3A_750, %swap3A_751], %broadcast_in_dim3A_746 {strides = array<i32>} : memref<4x48x16xf32, #tpu.memory_space<vmem>>, vector<16xf32>,
    %broadcast_in_dim3A_753 = arith.constant 0.000000e+00 : f32
    %broadcast_in_dim3A_754 = vector.broadcast %broadcast_in_dim3A_753 : f32 to vector<16xf32>
    %swap3A_755 = arith.constant 1 : i32
    %swap3A_756 = arith.constant 46 : i32
    %swap3A_757 = arith.index_cast %swap3A_755 : i32 to index
    %swap3A_758 = arith.index_cast %swap3A_756 : i32 to index
    %swap3A_759 = arith.constant 0 : index
    %swap3A_760 = tpu.vector_load %arg11[%swap3A_757, %swap3A_758, %swap3A_759] {strides = array<i32>} : memref<4x48x16xf32, #tpu.memory_space<vmem>>, vector<16xf32>,
    tpu.vector_store %arg11[%swap3A_757, %swap3A_758, %swap3A_759], %broadcast_in_dim3A_754 {strides = array<i32>} : memref<4x48x16xf32, #tpu.memory_space<vmem>>, vector<16xf32>,
    %broadcast_in_dim3A_761 = arith.constant 0.000000e+00 : f32
    %broadcast_in_dim3A_762 = vector.broadcast %broadcast_in_dim3A_761 : f32 to vector<16xf32>
    %swap3A_763 = arith.constant 1 : i32
    %swap3A_764 = arith.constant 47 : i32
    %swap3A_765 = arith.index_cast %swap3A_763 : i32 to index
    %swap3A_766 = arith.index_cast %swap3A_764 : i32 to index
    %swap3A_767 = arith.constant 0 : index
    %swap3A_768 = tpu.vector_load %arg11[%swap3A_765, %swap3A_766, %swap3A_767] {strides = array<i32>} : memref<4x48x16xf32, #tpu.memory_space<vmem>>, vector<16xf32>,
    tpu.vector_store %arg11[%swap3A_765, %swap3A_766, %swap3A_767], %broadcast_in_dim3A_762 {strides = array<i32>} : memref<4x48x16xf32, #tpu.memory_space<vmem>>, vector<16xf32>,
    %broadcast_in_dim3A_769 = arith.constant 0.000000e+00 : f32
    %broadcast_in_dim3A_770 = vector.broadcast %broadcast_in_dim3A_769 : f32 to vector<16xf32>
    %swap3A_771 = arith.constant 2 : i32
    %swap3A_772 = arith.constant 0 : i32
    %swap3A_773 = arith.index_cast %swap3A_771 : i32 to index
    %swap3A_774 = arith.index_cast %swap3A_772 : i32 to index
    %swap3A_775 = arith.constant 0 : index
    %swap3A_776 = tpu.vector_load %arg11[%swap3A_773, %swap3A_774, %swap3A_775] {strides = array<i32>} : memref<4x48x16xf32, #tpu.memory_space<vmem>>, vector<16xf32>,
    tpu.vector_store %arg11[%swap3A_773, %swap3A_774, %swap3A_775], %broadcast_in_dim3A_770 {strides = array<i32>} : memref<4x48x16xf32, #tpu.memory_space<vmem>>, vector<16xf32>,
    %broadcast_in_dim3A_777 = arith.constant 0.000000e+00 : f32
    %broadcast_in_dim3A_778 = vector.broadcast %broadcast_in_dim3A_777 : f32 to vector<16xf32>
    %swap3A_779 = arith.constant 2 : i32
    %swap3A_780 = arith.constant 1 : i32
    %swap3A_781 = arith.index_cast %swap3A_779 : i32 to index
    %swap3A_782 = arith.index_cast %swap3A_780 : i32 to index
    %swap3A_783 = arith.constant 0 : index
    %swap3A_784 = tpu.vector_load %arg11[%swap3A_781, %swap3A_782, %swap3A_783] {strides = array<i32>} : memref<4x48x16xf32, #tpu.memory_space<vmem>>, vector<16xf32>,
    tpu.vector_store %arg11[%swap3A_781, %swap3A_782, %swap3A_783], %broadcast_in_dim3A_778 {strides = array<i32>} : memref<4x48x16xf32, #tpu.memory_space<vmem>>, vector<16xf32>,
    %broadcast_in_dim3A_785 = arith.constant 0.000000e+00 : f32
    %broadcast_in_dim3A_786 = vector.broadcast %broadcast_in_dim3A_785 : f32 to vector<16xf32>
    %swap3A_787 = arith.constant 2 : i32
    %swap3A_788 = arith.constant 2 : i32
    %swap3A_789 = arith.index_cast %swap3A_787 : i32 to index
    %swap3A_790 = arith.index_cast %swap3A_788 : i32 to index
    %swap3A_791 = arith.constant 0 : index
    %swap3A_792 = tpu.vector_load %arg11[%swap3A_789, %swap3A_790, %swap3A_791] {strides = array<i32>} : memref<4x48x16xf32, #tpu.memory_space<vmem>>, vector<16xf32>,
    tpu.vector_store %arg11[%swap3A_789, %swap3A_790, %swap3A_791], %broadcast_in_dim3A_786 {strides = array<i32>} : memref<4x48x16xf32, #tpu.memory_space<vmem>>, vector<16xf32>,
    %broadcast_in_dim3A_793 = arith.constant 0.000000e+00 : f32
    %broadcast_in_dim3A_794 = vector.broadcast %broadcast_in_dim3A_793 : f32 to vector<16xf32>
    %swap3A_795 = arith.constant 2 : i32
    %swap3A_796 = arith.constant 3 : i32
    %swap3A_797 = arith.index_cast %swap3A_795 : i32 to index
    %swap3A_798 = arith.index_cast %swap3A_796 : i32 to index
    %swap3A_799 = arith.constant 0 : index
    %swap3A_800 = tpu.vector_load %arg11[%swap3A_797, %swap3A_798, %swap3A_799] {strides = array<i32>} : memref<4x48x16xf32, #tpu.memory_space<vmem>>, vector<16xf32>,
    tpu.vector_store %arg11[%swap3A_797, %swap3A_798, %swap3A_799], %broadcast_in_dim3A_794 {strides = array<i32>} : memref<4x48x16xf32, #tpu.memory_space<vmem>>, vector<16xf32>,
    %broadcast_in_dim3A_801 = arith.constant 0.000000e+00 : f32
    %broadcast_in_dim3A_802 = vector.broadcast %broadcast_in_dim3A_801 : f32 to vector<16xf32>
    %swap3A_803 = arith.constant 2 : i32
    %swap3A_804 = arith.constant 4 : i32
    %swap3A_805 = arith.index_cast %swap3A_803 : i32 to index
    %swap3A_806 = arith.index_cast %swap3A_804 : i32 to index
    %swap3A_807 = arith.constant 0 : index
    %swap3A_808 = tpu.vector_load %arg11[%swap3A_805, %swap3A_806, %swap3A_807] {strides = array<i32>} : memref<4x48x16xf32, #tpu.memory_space<vmem>>, vector<16xf32>,
    tpu.vector_store %arg11[%swap3A_805, %swap3A_806, %swap3A_807], %broadcast_in_dim3A_802 {strides = array<i32>} : memref<4x48x16xf32, #tpu.memory_space<vmem>>, vector<16xf32>,
    %broadcast_in_dim3A_809 = arith.constant 0.000000e+00 : f32
    %broadcast_in_dim3A_810 = vector.broadcast %broadcast_in_dim3A_809 : f32 to vector<16xf32>
    %swap3A_811 = arith.constant 2 : i32
    %swap3A_812 = arith.constant 5 : i32
    %swap3A_813 = arith.index_cast %swap3A_811 : i32 to index
    %swap3A_814 = arith.index_cast %swap3A_812 : i32 to index
    %swap3A_815 = arith.constant 0 : index
    %swap3A_816 = tpu.vector_load %arg11[%swap3A_813, %swap3A_814, %swap3A_815] {strides = array<i32>} : memref<4x48x16xf32, #tpu.memory_space<vmem>>, vector<16xf32>,
    tpu.vector_store %arg11[%swap3A_813, %swap3A_814, %swap3A_815], %broadcast_in_dim3A_810 {strides = array<i32>} : memref<4x48x16xf32, #tpu.memory_space<vmem>>, vector<16xf32>,
    %broadcast_in_dim3A_817 = arith.constant 0.000000e+00 : f32
    %broadcast_in_dim3A_818 = vector.broadcast %broadcast_in_dim3A_817 : f32 to vector<16xf32>
    %swap3A_819 = arith.constant 2 : i32
    %swap3A_820 = arith.constant 6 : i32
    %swap3A_821 = arith.index_cast %swap3A_819 : i32 to index
    %swap3A_822 = arith.index_cast %swap3A_820 : i32 to index
    %swap3A_823 = arith.constant 0 : index
    %swap3A_824 = tpu.vector_load %arg11[%swap3A_821, %swap3A_822, %swap3A_823] {strides = array<i32>} : memref<4x48x16xf32, #tpu.memory_space<vmem>>, vector<16xf32>,
    tpu.vector_store %arg11[%swap3A_821, %swap3A_822, %swap3A_823], %broadcast_in_dim3A_818 {strides = array<i32>} : memref<4x48x16xf32, #tpu.memory_space<vmem>>, vector<16xf32>,
    %broadcast_in_dim3A_825 = arith.constant 0.000000e+00 : f32
    %broadcast_in_dim3A_826 = vector.broadcast %broadcast_in_dim3A_825 : f32 to vector<16xf32>
    %swap3A_827 = arith.constant 2 : i32
    %swap3A_828 = arith.constant 7 : i32
    %swap3A_829 = arith.index_cast %swap3A_827 : i32 to index
    %swap3A_830 = arith.index_cast %swap3A_828 : i32 to index
    %swap3A_831 = arith.constant 0 : index
    %swap3A_832 = tpu.vector_load %arg11[%swap3A_829, %swap3A_830, %swap3A_831] {strides = array<i32>} : memref<4x48x16xf32, #tpu.memory_space<vmem>>, vector<16xf32>,
    tpu.vector_store %arg11[%swap3A_829, %swap3A_830, %swap3A_831], %broadcast_in_dim3A_826 {strides = array<i32>} : memref<4x48x16xf32, #tpu.memory_space<vmem>>, vector<16xf32>,
    %broadcast_in_dim3A_833 = arith.constant 0.000000e+00 : f32
    %broadcast_in_dim3A_834 = vector.broadcast %broadcast_in_dim3A_833 : f32 to vector<16xf32>
    %swap3A_835 = arith.constant 2 : i32
    %swap3A_836 = arith.constant 8 : i32
    %swap3A_837 = arith.index_cast %swap3A_835 : i32 to index
    %swap3A_838 = arith.index_cast %swap3A_836 : i32 to index
    %swap3A_839 = arith.constant 0 : index
    %swap3A_840 = tpu.vector_load %arg11[%swap3A_837, %swap3A_838, %swap3A_839] {strides = array<i32>} : memref<4x48x16xf32, #tpu.memory_space<vmem>>, vector<16xf32>,
    tpu.vector_store %arg11[%swap3A_837, %swap3A_838, %swap3A_839], %broadcast_in_dim3A_834 {strides = array<i32>} : memref<4x48x16xf32, #tpu.memory_space<vmem>>, vector<16xf32>,
    %broadcast_in_dim3A_841 = arith.constant 0.000000e+00 : f32
    %broadcast_in_dim3A_842 = vector.broadcast %broadcast_in_dim3A_841 : f32 to vector<16xf32>
    %swap3A_843 = arith.constant 2 : i32
    %swap3A_844 = arith.constant 9 : i32
    %swap3A_845 = arith.index_cast %swap3A_843 : i32 to index
    %swap3A_846 = arith.index_cast %swap3A_844 : i32 to index
    %swap3A_847 = arith.constant 0 : index
    %swap3A_848 = tpu.vector_load %arg11[%swap3A_845, %swap3A_846, %swap3A_847] {strides = array<i32>} : memref<4x48x16xf32, #tpu.memory_space<vmem>>, vector<16xf32>,
    tpu.vector_store %arg11[%swap3A_845, %swap3A_846, %swap3A_847], %broadcast_in_dim3A_842 {strides = array<i32>} : memref<4x48x16xf32, #tpu.memory_space<vmem>>, vector<16xf32>,
    %broadcast_in_dim3A_849 = arith.constant 0.000000e+00 : f32
    %broadcast_in_dim3A_850 = vector.broadcast %broadcast_in_dim3A_849 : f32 to vector<16xf32>
    %swap3A_851 = arith.constant 2 : i32
    %swap3A_852 = arith.constant 10 : i32
    %swap3A_853 = arith.index_cast %swap3A_851 : i32 to index
    %swap3A_854 = arith.index_cast %swap3A_852 : i32 to index
    %swap3A_855 = arith.constant 0 : index
    %swap3A_856 = tpu.vector_load %arg11[%swap3A_853, %swap3A_854, %swap3A_855] {strides = array<i32>} : memref<4x48x16xf32, #tpu.memory_space<vmem>>, vector<16xf32>,
    tpu.vector_store %arg11[%swap3A_853, %swap3A_854, %swap3A_855], %broadcast_in_dim3A_850 {strides = array<i32>} : memref<4x48x16xf32, #tpu.memory_space<vmem>>, vector<16xf32>,
    %broadcast_in_dim3A_857 = arith.constant 0.000000e+00 : f32
    %broadcast_in_dim3A_858 = vector.broadcast %broadcast_in_dim3A_857 : f32 to vector<16xf32>
    %swap3A_859 = arith.constant 2 : i32
    %swap3A_860 = arith.constant 11 : i32
    %swap3A_861 = arith.index_cast %swap3A_859 : i32 to index
    %swap3A_862 = arith.index_cast %swap3A_860 : i32 to index
    %swap3A_863 = arith.constant 0 : index
    %swap3A_864 = tpu.vector_load %arg11[%swap3A_861, %swap3A_862, %swap3A_863] {strides = array<i32>} : memref<4x48x16xf32, #tpu.memory_space<vmem>>, vector<16xf32>,
    tpu.vector_store %arg11[%swap3A_861, %swap3A_862, %swap3A_863], %broadcast_in_dim3A_858 {strides = array<i32>} : memref<4x48x16xf32, #tpu.memory_space<vmem>>, vector<16xf32>,
    %broadcast_in_dim3A_865 = arith.constant 0.000000e+00 : f32
    %broadcast_in_dim3A_866 = vector.broadcast %broadcast_in_dim3A_865 : f32 to vector<16xf32>
    %swap3A_867 = arith.constant 2 : i32
    %swap3A_868 = arith.constant 12 : i32
    %swap3A_869 = arith.index_cast %swap3A_867 : i32 to index
    %swap3A_870 = arith.index_cast %swap3A_868 : i32 to index
    %swap3A_871 = arith.constant 0 : index
    %swap3A_872 = tpu.vector_load %arg11[%swap3A_869, %swap3A_870, %swap3A_871] {strides = array<i32>} : memref<4x48x16xf32, #tpu.memory_space<vmem>>, vector<16xf32>,
    tpu.vector_store %arg11[%swap3A_869, %swap3A_870, %swap3A_871], %broadcast_in_dim3A_866 {strides = array<i32>} : memref<4x48x16xf32, #tpu.memory_space<vmem>>, vector<16xf32>,
    %broadcast_in_dim3A_873 = arith.constant 0.000000e+00 : f32
    %broadcast_in_dim3A_874 = vector.broadcast %broadcast_in_dim3A_873 : f32 to vector<16xf32>
    %swap3A_875 = arith.constant 2 : i32
    %swap3A_876 = arith.constant 13 : i32
    %swap3A_877 = arith.index_cast %swap3A_875 : i32 to index
    %swap3A_878 = arith.index_cast %swap3A_876 : i32 to index
    %swap3A_879 = arith.constant 0 : index
    %swap3A_880 = tpu.vector_load %arg11[%swap3A_877, %swap3A_878, %swap3A_879] {strides = array<i32>} : memref<4x48x16xf32, #tpu.memory_space<vmem>>, vector<16xf32>,
    tpu.vector_store %arg11[%swap3A_877, %swap3A_878, %swap3A_879], %broadcast_in_dim3A_874 {strides = array<i32>} : memref<4x48x16xf32, #tpu.memory_space<vmem>>, vector<16xf32>,
    %broadcast_in_dim3A_881 = arith.constant 0.000000e+00 : f32
    %broadcast_in_dim3A_882 = vector.broadcast %broadcast_in_dim3A_881 : f32 to vector<16xf32>
    %swap3A_883 = arith.constant 2 : i32
    %swap3A_884 = arith.constant 14 : i32
    %swap3A_885 = arith.index_cast %swap3A_883 : i32 to index
    %swap3A_886 = arith.index_cast %swap3A_884 : i32 to index
    %swap3A_887 = arith.constant 0 : index
    %swap3A_888 = tpu.vector_load %arg11[%swap3A_885, %swap3A_886, %swap3A_887] {strides = array<i32>} : memref<4x48x16xf32, #tpu.memory_space<vmem>>, vector<16xf32>,
    tpu.vector_store %arg11[%swap3A_885, %swap3A_886, %swap3A_887], %broadcast_in_dim3A_882 {strides = array<i32>} : memref<4x48x16xf32, #tpu.memory_space<vmem>>, vector<16xf32>,
    %broadcast_in_dim3A_889 = arith.constant 0.000000e+00 : f32
    %broadcast_in_dim3A_890 = vector.broadcast %broadcast_in_dim3A_889 : f32 to vector<16xf32>
    %swap3A_891 = arith.constant 2 : i32
    %swap3A_892 = arith.constant 15 : i32
    %swap3A_893 = arith.index_cast %swap3A_891 : i32 to index
    %swap3A_894 = arith.index_cast %swap3A_892 : i32 to index
    %swap3A_895 = arith.constant 0 : index
    %swap3A_896 = tpu.vector_load %arg11[%swap3A_893, %swap3A_894, %swap3A_895] {strides = array<i32>} : memref<4x48x16xf32, #tpu.memory_space<vmem>>, vector<16xf32>,
    tpu.vector_store %arg11[%swap3A_893, %swap3A_894, %swap3A_895], %broadcast_in_dim3A_890 {strides = array<i32>} : memref<4x48x16xf32, #tpu.memory_space<vmem>>, vector<16xf32>,
    %broadcast_in_dim3A_897 = arith.constant 0.000000e+00 : f32
    %broadcast_in_dim3A_898 = vector.broadcast %broadcast_in_dim3A_897 : f32 to vector<16xf32>
    %swap3A_899 = arith.constant 2 : i32
    %swap3A_900 = arith.constant 16 : i32
    %swap3A_901 = arith.index_cast %swap3A_899 : i32 to index
    %swap3A_902 = arith.index_cast %swap3A_900 : i32 to index
    %swap3A_903 = arith.constant 0 : index
    %swap3A_904 = tpu.vector_load %arg11[%swap3A_901, %swap3A_902, %swap3A_903] {strides = array<i32>} : memref<4x48x16xf32, #tpu.memory_space<vmem>>, vector<16xf32>,
    tpu.vector_store %arg11[%swap3A_901, %swap3A_902, %swap3A_903], %broadcast_in_dim3A_898 {strides = array<i32>} : memref<4x48x16xf32, #tpu.memory_space<vmem>>, vector<16xf32>,
    %broadcast_in_dim3A_905 = arith.constant 0.000000e+00 : f32
    %broadcast_in_dim3A_906 = vector.broadcast %broadcast_in_dim3A_905 : f32 to vector<16xf32>
    %swap3A_907 = arith.constant 2 : i32
    %swap3A_908 = arith.constant 17 : i32
    %swap3A_909 = arith.index_cast %swap3A_907 : i32 to index
    %swap3A_910 = arith.index_cast %swap3A_908 : i32 to index
    %swap3A_911 = arith.constant 0 : index
    %swap3A_912 = tpu.vector_load %arg11[%swap3A_909, %swap3A_910, %swap3A_911] {strides = array<i32>} : memref<4x48x16xf32, #tpu.memory_space<vmem>>, vector<16xf32>,
    tpu.vector_store %arg11[%swap3A_909, %swap3A_910, %swap3A_911], %broadcast_in_dim3A_906 {strides = array<i32>} : memref<4x48x16xf32, #tpu.memory_space<vmem>>, vector<16xf32>,
    %broadcast_in_dim3A_913 = arith.constant 0.000000e+00 : f32
    %broadcast_in_dim3A_914 = vector.broadcast %broadcast_in_dim3A_913 : f32 to vector<16xf32>
    %swap3A_915 = arith.constant 2 : i32
    %swap3A_916 = arith.constant 18 : i32
    %swap3A_917 = arith.index_cast %swap3A_915 : i32 to index
    %swap3A_918 = arith.index_cast %swap3A_916 : i32 to index
    %swap3A_919 = arith.constant 0 : index
    %swap3A_920 = tpu.vector_load %arg11[%swap3A_917, %swap3A_918, %swap3A_919] {strides = array<i32>} : memref<4x48x16xf32, #tpu.memory_space<vmem>>, vector<16xf32>,
    tpu.vector_store %arg11[%swap3A_917, %swap3A_918, %swap3A_919], %broadcast_in_dim3A_914 {strides = array<i32>} : memref<4x48x16xf32, #tpu.memory_space<vmem>>, vector<16xf32>,
    %broadcast_in_dim3A_921 = arith.constant 0.000000e+00 : f32
    %broadcast_in_dim3A_922 = vector.broadcast %broadcast_in_dim3A_921 : f32 to vector<16xf32>
    %swap3A_923 = arith.constant 2 : i32
    %swap3A_924 = arith.constant 19 : i32
    %swap3A_925 = arith.index_cast %swap3A_923 : i32 to index
    %swap3A_926 = arith.index_cast %swap3A_924 : i32 to index
    %swap3A_927 = arith.constant 0 : index
    %swap3A_928 = tpu.vector_load %arg11[%swap3A_925, %swap3A_926, %swap3A_927] {strides = array<i32>} : memref<4x48x16xf32, #tpu.memory_space<vmem>>, vector<16xf32>,
    tpu.vector_store %arg11[%swap3A_925, %swap3A_926, %swap3A_927], %broadcast_in_dim3A_922 {strides = array<i32>} : memref<4x48x16xf32, #tpu.memory_space<vmem>>, vector<16xf32>,
    %broadcast_in_dim3A_929 = arith.constant 0.000000e+00 : f32
    %broadcast_in_dim3A_930 = vector.broadcast %broadcast_in_dim3A_929 : f32 to vector<16xf32>
    %swap3A_931 = arith.constant 2 : i32
    %swap3A_932 = arith.constant 20 : i32
    %swap3A_933 = arith.index_cast %swap3A_931 : i32 to index
    %swap3A_934 = arith.index_cast %swap3A_932 : i32 to index
    %swap3A_935 = arith.constant 0 : index
    %swap3A_936 = tpu.vector_load %arg11[%swap3A_933, %swap3A_934, %swap3A_935] {strides = array<i32>} : memref<4x48x16xf32, #tpu.memory_space<vmem>>, vector<16xf32>,
    tpu.vector_store %arg11[%swap3A_933, %swap3A_934, %swap3A_935], %broadcast_in_dim3A_930 {strides = array<i32>} : memref<4x48x16xf32, #tpu.memory_space<vmem>>, vector<16xf32>,
    %broadcast_in_dim3A_937 = arith.constant 0.000000e+00 : f32
    %broadcast_in_dim3A_938 = vector.broadcast %broadcast_in_dim3A_937 : f32 to vector<16xf32>
    %swap3A_939 = arith.constant 2 : i32
    %swap3A_940 = arith.constant 21 : i32
    %swap3A_941 = arith.index_cast %swap3A_939 : i32 to index
    %swap3A_942 = arith.index_cast %swap3A_940 : i32 to index
    %swap3A_943 = arith.constant 0 : index
    %swap3A_944 = tpu.vector_load %arg11[%swap3A_941, %swap3A_942, %swap3A_943] {strides = array<i32>} : memref<4x48x16xf32, #tpu.memory_space<vmem>>, vector<16xf32>,
    tpu.vector_store %arg11[%swap3A_941, %swap3A_942, %swap3A_943], %broadcast_in_dim3A_938 {strides = array<i32>} : memref<4x48x16xf32, #tpu.memory_space<vmem>>, vector<16xf32>,
    %broadcast_in_dim3A_945 = arith.constant 0.000000e+00 : f32
    %broadcast_in_dim3A_946 = vector.broadcast %broadcast_in_dim3A_945 : f32 to vector<16xf32>
    %swap3A_947 = arith.constant 2 : i32
    %swap3A_948 = arith.constant 22 : i32
    %swap3A_949 = arith.index_cast %swap3A_947 : i32 to index
    %swap3A_950 = arith.index_cast %swap3A_948 : i32 to index
    %swap3A_951 = arith.constant 0 : index
    %swap3A_952 = tpu.vector_load %arg11[%swap3A_949, %swap3A_950, %swap3A_951] {strides = array<i32>} : memref<4x48x16xf32, #tpu.memory_space<vmem>>, vector<16xf32>,
    tpu.vector_store %arg11[%swap3A_949, %swap3A_950, %swap3A_951], %broadcast_in_dim3A_946 {strides = array<i32>} : memref<4x48x16xf32, #tpu.memory_space<vmem>>, vector<16xf32>,
    %broadcast_in_dim3A_953 = arith.constant 0.000000e+00 : f32
    %broadcast_in_dim3A_954 = vector.broadcast %broadcast_in_dim3A_953 : f32 to vector<16xf32>
    %swap3A_955 = arith.constant 2 : i32
    %swap3A_956 = arith.constant 23 : i32
    %swap3A_957 = arith.index_cast %swap3A_955 : i32 to index
    %swap3A_958 = arith.index_cast %swap3A_956 : i32 to index
    %swap3A_959 = arith.constant 0 : index
    %swap3A_960 = tpu.vector_load %arg11[%swap3A_957, %swap3A_958, %swap3A_959] {strides = array<i32>} : memref<4x48x16xf32, #tpu.memory_space<vmem>>, vector<16xf32>,
    tpu.vector_store %arg11[%swap3A_957, %swap3A_958, %swap3A_959], %broadcast_in_dim3A_954 {strides = array<i32>} : memref<4x48x16xf32, #tpu.memory_space<vmem>>, vector<16xf32>,
    %broadcast_in_dim3A_961 = arith.constant 0.000000e+00 : f32
    %broadcast_in_dim3A_962 = vector.broadcast %broadcast_in_dim3A_961 : f32 to vector<16xf32>
    %swap3A_963 = arith.constant 2 : i32
    %swap3A_964 = arith.constant 24 : i32
    %swap3A_965 = arith.index_cast %swap3A_963 : i32 to index
    %swap3A_966 = arith.index_cast %swap3A_964 : i32 to index
    %swap3A_967 = arith.constant 0 : index
    %swap3A_968 = tpu.vector_load %arg11[%swap3A_965, %swap3A_966, %swap3A_967] {strides = array<i32>} : memref<4x48x16xf32, #tpu.memory_space<vmem>>, vector<16xf32>,
    tpu.vector_store %arg11[%swap3A_965, %swap3A_966, %swap3A_967], %broadcast_in_dim3A_962 {strides = array<i32>} : memref<4x48x16xf32, #tpu.memory_space<vmem>>, vector<16xf32>,
    %broadcast_in_dim3A_969 = arith.constant 0.000000e+00 : f32
    %broadcast_in_dim3A_970 = vector.broadcast %broadcast_in_dim3A_969 : f32 to vector<16xf32>
    %swap3A_971 = arith.constant 2 : i32
    %swap3A_972 = arith.constant 25 : i32
    %swap3A_973 = arith.index_cast %swap3A_971 : i32 to index
    %swap3A_974 = arith.index_cast %swap3A_972 : i32 to index
    %swap3A_975 = arith.constant 0 : index
    %swap3A_976 = tpu.vector_load %arg11[%swap3A_973, %swap3A_974, %swap3A_975] {strides = array<i32>} : memref<4x48x16xf32, #tpu.memory_space<vmem>>, vector<16xf32>,
    tpu.vector_store %arg11[%swap3A_973, %swap3A_974, %swap3A_975], %broadcast_in_dim3A_970 {strides = array<i32>} : memref<4x48x16xf32, #tpu.memory_space<vmem>>, vector<16xf32>,
    %broadcast_in_dim3A_977 = arith.constant 0.000000e+00 : f32
    %broadcast_in_dim3A_978 = vector.broadcast %broadcast_in_dim3A_977 : f32 to vector<16xf32>
    %swap3A_979 = arith.constant 2 : i32
    %swap3A_980 = arith.constant 26 : i32
    %swap3A_981 = arith.index_cast %swap3A_979 : i32 to index
    %swap3A_982 = arith.index_cast %swap3A_980 : i32 to index
    %swap3A_983 = arith.constant 0 : index
    %swap3A_984 = tpu.vector_load %arg11[%swap3A_981, %swap3A_982, %swap3A_983] {strides = array<i32>} : memref<4x48x16xf32, #tpu.memory_space<vmem>>, vector<16xf32>,
    tpu.vector_store %arg11[%swap3A_981, %swap3A_982, %swap3A_983], %broadcast_in_dim3A_978 {strides = array<i32>} : memref<4x48x16xf32, #tpu.memory_space<vmem>>, vector<16xf32>,
    %broadcast_in_dim3A_985 = arith.constant 0.000000e+00 : f32
    %broadcast_in_dim3A_986 = vector.broadcast %broadcast_in_dim3A_985 : f32 to vector<16xf32>
    %swap3A_987 = arith.constant 2 : i32
    %swap3A_988 = arith.constant 27 : i32
    %swap3A_989 = arith.index_cast %swap3A_987 : i32 to index
    %swap3A_990 = arith.index_cast %swap3A_988 : i32 to index
    %swap3A_991 = arith.constant 0 : index
    %swap3A_992 = tpu.vector_load %arg11[%swap3A_989, %swap3A_990, %swap3A_991] {strides = array<i32>} : memref<4x48x16xf32, #tpu.memory_space<vmem>>, vector<16xf32>,
    tpu.vector_store %arg11[%swap3A_989, %swap3A_990, %swap3A_991], %broadcast_in_dim3A_986 {strides = array<i32>} : memref<4x48x16xf32, #tpu.memory_space<vmem>>, vector<16xf32>,
    %broadcast_in_dim3A_993 = arith.constant 0.000000e+00 : f32
    %broadcast_in_dim3A_994 = vector.broadcast %broadcast_in_dim3A_993 : f32 to vector<16xf32>
    %swap3A_995 = arith.constant 2 : i32
    %swap3A_996 = arith.constant 28 : i32
    %swap3A_997 = arith.index_cast %swap3A_995 : i32 to index
    %swap3A_998 = arith.index_cast %swap3A_996 : i32 to index
    %swap3A_999 = arith.constant 0 : index
    %swap3A_1000 = tpu.vector_load %arg11[%swap3A_997, %swap3A_998, %swap3A_999] {strides = array<i32>} : memref<4x48x16xf32, #tpu.memory_space<vmem>>, vector<16xf32>,
    tpu.vector_store %arg11[%swap3A_997, %swap3A_998, %swap3A_999], %broadcast_in_dim3A_994 {strides = array<i32>} : memref<4x48x16xf32, #tpu.memory_space<vmem>>, vector<16xf32>,
    %broadcast_in_dim3A_1001 = arith.constant 0.000000e+00 : f32
    %broadcast_in_dim3A_1002 = vector.broadcast %broadcast_in_dim3A_1001 : f32 to vector<16xf32>
    %swap3A_1003 = arith.constant 2 : i32
    %swap3A_1004 = arith.constant 29 : i32
    %swap3A_1005 = arith.index_cast %swap3A_1003 : i32 to index
    %swap3A_1006 = arith.index_cast %swap3A_1004 : i32 to index
    %swap3A_1007 = arith.constant 0 : index
    %swap3A_1008 = tpu.vector_load %arg11[%swap3A_1005, %swap3A_1006, %swap3A_1007] {strides = array<i32>} : memref<4x48x16xf32, #tpu.memory_space<vmem>>, vector<16xf32>,
    tpu.vector_store %arg11[%swap3A_1005, %swap3A_1006, %swap3A_1007], %broadcast_in_dim3A_1002 {strides = array<i32>} : memref<4x48x16xf32, #tpu.memory_space<vmem>>, vector<16xf32>,
    %broadcast_in_dim3A_1009 = arith.constant 0.000000e+00 : f32
    %broadcast_in_dim3A_1010 = vector.broadcast %broadcast_in_dim3A_1009 : f32 to vector<16xf32>
    %swap3A_1011 = arith.constant 2 : i32
    %swap3A_1012 = arith.constant 30 : i32
    %swap3A_1013 = arith.index_cast %swap3A_1011 : i32 to index
    %swap3A_1014 = arith.index_cast %swap3A_1012 : i32 to index
    %swap3A_1015 = arith.constant 0 : index
    %swap3A_1016 = tpu.vector_load %arg11[%swap3A_1013, %swap3A_1014, %swap3A_1015] {strides = array<i32>} : memref<4x48x16xf32, #tpu.memory_space<vmem>>, vector<16xf32>,
    tpu.vector_store %arg11[%swap3A_1013, %swap3A_1014, %swap3A_1015], %broadcast_in_dim3A_1010 {strides = array<i32>} : memref<4x48x16xf32, #tpu.memory_space<vmem>>, vector<16xf32>,
    %broadcast_in_dim3A_1017 = arith.constant 0.000000e+00 : f32
    %broadcast_in_dim3A_1018 = vector.broadcast %broadcast_in_dim3A_1017 : f32 to vector<16xf32>
    %swap3A_1019 = arith.constant 2 : i32
    %swap3A_1020 = arith.constant 31 : i32
    %swap3A_1021 = arith.index_cast %swap3A_1019 : i32 to index
    %swap3A_1022 = arith.index_cast %swap3A_1020 : i32 to index
    %swap3A_1023 = arith.constant 0 : index
    %swap3A_1024 = tpu.vector_load %arg11[%swap3A_1021, %swap3A_1022, %swap3A_1023] {strides = array<i32>} : memref<4x48x16xf32, #tpu.memory_space<vmem>>, vector<16xf32>,
    tpu.vector_store %arg11[%swap3A_1021, %swap3A_1022, %swap3A_1023], %broadcast_in_dim3A_1018 {strides = array<i32>} : memref<4x48x16xf32, #tpu.memory_space<vmem>>, vector<16xf32>,
    %broadcast_in_dim3A_1025 = arith.constant 0.000000e+00 : f32
    %broadcast_in_dim3A_1026 = vector.broadcast %broadcast_in_dim3A_1025 : f32 to vector<16xf32>
    %swap3A_1027 = arith.constant 2 : i32
    %swap3A_1028 = arith.constant 32 : i32
    %swap3A_1029 = arith.index_cast %swap3A_1027 : i32 to index
    %swap3A_1030 = arith.index_cast %swap3A_1028 : i32 to index
    %swap3A_1031 = arith.constant 0 : index
    %swap3A_1032 = tpu.vector_load %arg11[%swap3A_1029, %swap3A_1030, %swap3A_1031] {strides = array<i32>} : memref<4x48x16xf32, #tpu.memory_space<vmem>>, vector<16xf32>,
    tpu.vector_store %arg11[%swap3A_1029, %swap3A_1030, %swap3A_1031], %broadcast_in_dim3A_1026 {strides = array<i32>} : memref<4x48x16xf32, #tpu.memory_space<vmem>>, vector<16xf32>,
    %broadcast_in_dim3A_1033 = arith.constant 0.000000e+00 : f32
    %broadcast_in_dim3A_1034 = vector.broadcast %broadcast_in_dim3A_1033 : f32 to vector<16xf32>
    %swap3A_1035 = arith.constant 2 : i32
    %swap3A_1036 = arith.constant 33 : i32
    %swap3A_1037 = arith.index_cast %swap3A_1035 : i32 to index
    %swap3A_1038 = arith.index_cast %swap3A_1036 : i32 to index
    %swap3A_1039 = arith.constant 0 : index
    %swap3A_1040 = tpu.vector_load %arg11[%swap3A_1037, %swap3A_1038, %swap3A_1039] {strides = array<i32>} : memref<4x48x16xf32, #tpu.memory_space<vmem>>, vector<16xf32>,
    tpu.vector_store %arg11[%swap3A_1037, %swap3A_1038, %swap3A_1039], %broadcast_in_dim3A_1034 {strides = array<i32>} : memref<4x48x16xf32, #tpu.memory_space<vmem>>, vector<16xf32>,
    %broadcast_in_dim3A_1041 = arith.constant 0.000000e+00 : f32
    %broadcast_in_dim3A_1042 = vector.broadcast %broadcast_in_dim3A_1041 : f32 to vector<16xf32>
    %swap3A_1043 = arith.constant 2 : i32
    %swap3A_1044 = arith.constant 34 : i32
    %swap3A_1045 = arith.index_cast %swap3A_1043 : i32 to index
    %swap3A_1046 = arith.index_cast %swap3A_1044 : i32 to index
    %swap3A_1047 = arith.constant 0 : index
    %swap3A_1048 = tpu.vector_load %arg11[%swap3A_1045, %swap3A_1046, %swap3A_1047] {strides = array<i32>} : memref<4x48x16xf32, #tpu.memory_space<vmem>>, vector<16xf32>,
    tpu.vector_store %arg11[%swap3A_1045, %swap3A_1046, %swap3A_1047], %broadcast_in_dim3A_1042 {strides = array<i32>} : memref<4x48x16xf32, #tpu.memory_space<vmem>>, vector<16xf32>,
    %broadcast_in_dim3A_1049 = arith.constant 0.000000e+00 : f32
    %broadcast_in_dim3A_1050 = vector.broadcast %broadcast_in_dim3A_1049 : f32 to vector<16xf32>
    %swap3A_1051 = arith.constant 2 : i32
    %swap3A_1052 = arith.constant 35 : i32
    %swap3A_1053 = arith.index_cast %swap3A_1051 : i32 to index
    %swap3A_1054 = arith.index_cast %swap3A_1052 : i32 to index
    %swap3A_1055 = arith.constant 0 : index
    %swap3A_1056 = tpu.vector_load %arg11[%swap3A_1053, %swap3A_1054, %swap3A_1055] {strides = array<i32>} : memref<4x48x16xf32, #tpu.memory_space<vmem>>, vector<16xf32>,
    tpu.vector_store %arg11[%swap3A_1053, %swap3A_1054, %swap3A_1055], %broadcast_in_dim3A_1050 {strides = array<i32>} : memref<4x48x16xf32, #tpu.memory_space<vmem>>, vector<16xf32>,
    %broadcast_in_dim3A_1057 = arith.constant 0.000000e+00 : f32
    %broadcast_in_dim3A_1058 = vector.broadcast %broadcast_in_dim3A_1057 : f32 to vector<16xf32>
    %swap3A_1059 = arith.constant 2 : i32
    %swap3A_1060 = arith.constant 36 : i32
    %swap3A_1061 = arith.index_cast %swap3A_1059 : i32 to index
    %swap3A_1062 = arith.index_cast %swap3A_1060 : i32 to index
    %swap3A_1063 = arith.constant 0 : index
    %swap3A_1064 = tpu.vector_load %arg11[%swap3A_1061, %swap3A_1062, %swap3A_1063] {strides = array<i32>} : memref<4x48x16xf32, #tpu.memory_space<vmem>>, vector<16xf32>,
    tpu.vector_store %arg11[%swap3A_1061, %swap3A_1062, %swap3A_1063], %broadcast_in_dim3A_1058 {strides = array<i32>} : memref<4x48x16xf32, #tpu.memory_space<vmem>>, vector<16xf32>,
    %broadcast_in_dim3A_1065 = arith.constant 0.000000e+00 : f32
    %broadcast_in_dim3A_1066 = vector.broadcast %broadcast_in_dim3A_1065 : f32 to vector<16xf32>
    %swap3A_1067 = arith.constant 2 : i32
    %swap3A_1068 = arith.constant 37 : i32
    %swap3A_1069 = arith.index_cast %swap3A_1067 : i32 to index
    %swap3A_1070 = arith.index_cast %swap3A_1068 : i32 to index
    %swap3A_1071 = arith.constant 0 : index
    %swap3A_1072 = tpu.vector_load %arg11[%swap3A_1069, %swap3A_1070, %swap3A_1071] {strides = array<i32>} : memref<4x48x16xf32, #tpu.memory_space<vmem>>, vector<16xf32>,
    tpu.vector_store %arg11[%swap3A_1069, %swap3A_1070, %swap3A_1071], %broadcast_in_dim3A_1066 {strides = array<i32>} : memref<4x48x16xf32, #tpu.memory_space<vmem>>, vector<16xf32>,
    %broadcast_in_dim3A_1073 = arith.constant 0.000000e+00 : f32
    %broadcast_in_dim3A_1074 = vector.broadcast %broadcast_in_dim3A_1073 : f32 to vector<16xf32>
    %swap3A_1075 = arith.constant 2 : i32
    %swap3A_1076 = arith.constant 38 : i32
    %swap3A_1077 = arith.index_cast %swap3A_1075 : i32 to index
    %swap3A_1078 = arith.index_cast %swap3A_1076 : i32 to index
    %swap3A_1079 = arith.constant 0 : index
    %swap3A_1080 = tpu.vector_load %arg11[%swap3A_1077, %swap3A_1078, %swap3A_1079] {strides = array<i32>} : memref<4x48x16xf32, #tpu.memory_space<vmem>>, vector<16xf32>,
    tpu.vector_store %arg11[%swap3A_1077, %swap3A_1078, %swap3A_1079], %broadcast_in_dim3A_1074 {strides = array<i32>} : memref<4x48x16xf32, #tpu.memory_space<vmem>>, vector<16xf32>,
    %broadcast_in_dim3A_1081 = arith.constant 0.000000e+00 : f32
    %broadcast_in_dim3A_1082 = vector.broadcast %broadcast_in_dim3A_1081 : f32 to vector<16xf32>
    %swap3A_1083 = arith.constant 2 : i32
    %swap3A_1084 = arith.constant 39 : i32
    %swap3A_1085 = arith.index_cast %swap3A_1083 : i32 to index
    %swap3A_1086 = arith.index_cast %swap3A_1084 : i32 to index
    %swap3A_1087 = arith.constant 0 : index
    %swap3A_1088 = tpu.vector_load %arg11[%swap3A_1085, %swap3A_1086, %swap3A_1087] {strides = array<i32>} : memref<4x48x16xf32, #tpu.memory_space<vmem>>, vector<16xf32>,
    tpu.vector_store %arg11[%swap3A_1085, %swap3A_1086, %swap3A_1087], %broadcast_in_dim3A_1082 {strides = array<i32>} : memref<4x48x16xf32, #tpu.memory_space<vmem>>, vector<16xf32>,
    %broadcast_in_dim3A_1089 = arith.constant 0.000000e+00 : f32
    %broadcast_in_dim3A_1090 = vector.broadcast %broadcast_in_dim3A_1089 : f32 to vector<16xf32>
    %swap3A_1091 = arith.constant 2 : i32
    %swap3A_1092 = arith.constant 40 : i32
    %swap3A_1093 = arith.index_cast %swap3A_1091 : i32 to index
    %swap3A_1094 = arith.index_cast %swap3A_1092 : i32 to index
    %swap3A_1095 = arith.constant 0 : index
    %swap3A_1096 = tpu.vector_load %arg11[%swap3A_1093, %swap3A_1094, %swap3A_1095] {strides = array<i32>} : memref<4x48x16xf32, #tpu.memory_space<vmem>>, vector<16xf32>,
    tpu.vector_store %arg11[%swap3A_1093, %swap3A_1094, %swap3A_1095], %broadcast_in_dim3A_1090 {strides = array<i32>} : memref<4x48x16xf32, #tpu.memory_space<vmem>>, vector<16xf32>,
    %broadcast_in_dim3A_1097 = arith.constant 0.000000e+00 : f32
    %broadcast_in_dim3A_1098 = vector.broadcast %broadcast_in_dim3A_1097 : f32 to vector<16xf32>
    %swap3A_1099 = arith.constant 2 : i32
    %swap3A_1100 = arith.constant 41 : i32
    %swap3A_1101 = arith.index_cast %swap3A_1099 : i32 to index
    %swap3A_1102 = arith.index_cast %swap3A_1100 : i32 to index
    %swap3A_1103 = arith.constant 0 : index
    %swap3A_1104 = tpu.vector_load %arg11[%swap3A_1101, %swap3A_1102, %swap3A_1103] {strides = array<i32>} : memref<4x48x16xf32, #tpu.memory_space<vmem>>, vector<16xf32>,
    tpu.vector_store %arg11[%swap3A_1101, %swap3A_1102, %swap3A_1103], %broadcast_in_dim3A_1098 {strides = array<i32>} : memref<4x48x16xf32, #tpu.memory_space<vmem>>, vector<16xf32>,
    %broadcast_in_dim3A_1105 = arith.constant 0.000000e+00 : f32
    %broadcast_in_dim3A_1106 = vector.broadcast %broadcast_in_dim3A_1105 : f32 to vector<16xf32>
    %swap3A_1107 = arith.constant 2 : i32
    %swap3A_1108 = arith.constant 42 : i32
    %swap3A_1109 = arith.index_cast %swap3A_1107 : i32 to index
    %swap3A_1110 = arith.index_cast %swap3A_1108 : i32 to index
    %swap3A_1111 = arith.constant 0 : index
    %swap3A_1112 = tpu.vector_load %arg11[%swap3A_1109, %swap3A_1110, %swap3A_1111] {strides = array<i32>} : memref<4x48x16xf32, #tpu.memory_space<vmem>>, vector<16xf32>,
    tpu.vector_store %arg11[%swap3A_1109, %swap3A_1110, %swap3A_1111], %broadcast_in_dim3A_1106 {strides = array<i32>} : memref<4x48x16xf32, #tpu.memory_space<vmem>>, vector<16xf32>,
    %broadcast_in_dim3A_1113 = arith.constant 0.000000e+00 : f32
    %broadcast_in_dim3A_1114 = vector.broadcast %broadcast_in_dim3A_1113 : f32 to vector<16xf32>
    %swap3A_1115 = arith.constant 2 : i32
    %swap3A_1116 = arith.constant 43 : i32
    %swap3A_1117 = arith.index_cast %swap3A_1115 : i32 to index
    %swap3A_1118 = arith.index_cast %swap3A_1116 : i32 to index
    %swap3A_1119 = arith.constant 0 : index
    %swap3A_1120 = tpu.vector_load %arg11[%swap3A_1117, %swap3A_1118, %swap3A_1119] {strides = array<i32>} : memref<4x48x16xf32, #tpu.memory_space<vmem>>, vector<16xf32>,
    tpu.vector_store %arg11[%swap3A_1117, %swap3A_1118, %swap3A_1119], %broadcast_in_dim3A_1114 {strides = array<i32>} : memref<4x48x16xf32, #tpu.memory_space<vmem>>, vector<16xf32>,
    %broadcast_in_dim3A_1121 = arith.constant 0.000000e+00 : f32
    %broadcast_in_dim3A_1122 = vector.broadcast %broadcast_in_dim3A_1121 : f32 to vector<16xf32>
    %swap3A_1123 = arith.constant 2 : i32
    %swap3A_1124 = arith.constant 44 : i32
    %swap3A_1125 = arith.index_cast %swap3A_1123 : i32 to index
    %swap3A_1126 = arith.index_cast %swap3A_1124 : i32 to index
    %swap3A_1127 = arith.constant 0 : index
    %swap3A_1128 = tpu.vector_load %arg11[%swap3A_1125, %swap3A_1126, %swap3A_1127] {strides = array<i32>} : memref<4x48x16xf32, #tpu.memory_space<vmem>>, vector<16xf32>,
    tpu.vector_store %arg11[%swap3A_1125, %swap3A_1126, %swap3A_1127], %broadcast_in_dim3A_1122 {strides = array<i32>} : memref<4x48x16xf32, #tpu.memory_space<vmem>>, vector<16xf32>,
    %broadcast_in_dim3A_1129 = arith.constant 0.000000e+00 : f32
    %broadcast_in_dim3A_1130 = vector.broadcast %broadcast_in_dim3A_1129 : f32 to vector<16xf32>
    %swap3A_1131 = arith.constant 2 : i32
    %swap3A_1132 = arith.constant 45 : i32
    %swap3A_1133 = arith.index_cast %swap3A_1131 : i32 to index
    %swap3A_1134 = arith.index_cast %swap3A_1132 : i32 to index
    %swap3A_1135 = arith.constant 0 : index
    %swap3A_1136 = tpu.vector_load %arg11[%swap3A_1133, %swap3A_1134, %swap3A_1135] {strides = array<i32>} : memref<4x48x16xf32, #tpu.memory_space<vmem>>, vector<16xf32>,
    tpu.vector_store %arg11[%swap3A_1133, %swap3A_1134, %swap3A_1135], %broadcast_in_dim3A_1130 {strides = array<i32>} : memref<4x48x16xf32, #tpu.memory_space<vmem>>, vector<16xf32>,
    %broadcast_in_dim3A_1137 = arith.constant 0.000000e+00 : f32
    %broadcast_in_dim3A_1138 = vector.broadcast %broadcast_in_dim3A_1137 : f32 to vector<16xf32>
    %swap3A_1139 = arith.constant 2 : i32
    %swap3A_1140 = arith.constant 46 : i32
    %swap3A_1141 = arith.index_cast %swap3A_1139 : i32 to index
    %swap3A_1142 = arith.index_cast %swap3A_1140 : i32 to index
    %swap3A_1143 = arith.constant 0 : index
    %swap3A_1144 = tpu.vector_load %arg11[%swap3A_1141, %swap3A_1142, %swap3A_1143] {strides = array<i32>} : memref<4x48x16xf32, #tpu.memory_space<vmem>>, vector<16xf32>,
    tpu.vector_store %arg11[%swap3A_1141, %swap3A_1142, %swap3A_1143], %broadcast_in_dim3A_1138 {strides = array<i32>} : memref<4x48x16xf32, #tpu.memory_space<vmem>>, vector<16xf32>,
    %broadcast_in_dim3A_1145 = arith.constant 0.000000e+00 : f32
    %broadcast_in_dim3A_1146 = vector.broadcast %broadcast_in_dim3A_1145 : f32 to vector<16xf32>
    %swap3A_1147 = arith.constant 2 : i32
    %swap3A_1148 = arith.constant 47 : i32
    %swap3A_1149 = arith.index_cast %swap3A_1147 : i32 to index
    %swap3A_1150 = arith.index_cast %swap3A_1148 : i32 to index
    %swap3A_1151 = arith.constant 0 : index
    %swap3A_1152 = tpu.vector_load %arg11[%swap3A_1149, %swap3A_1150, %swap3A_1151] {strides = array<i32>} : memref<4x48x16xf32, #tpu.memory_space<vmem>>, vector<16xf32>,
    tpu.vector_store %arg11[%swap3A_1149, %swap3A_1150, %swap3A_1151], %broadcast_in_dim3A_1146 {strides = array<i32>} : memref<4x48x16xf32, #tpu.memory_space<vmem>>, vector<16xf32>,
    %broadcast_in_dim3A_1153 = arith.constant 0.000000e+00 : f32
    %broadcast_in_dim3A_1154 = vector.broadcast %broadcast_in_dim3A_1153 : f32 to vector<16xf32>
    %swap3A_1155 = arith.constant 3 : i32
    %swap3A_1156 = arith.constant 0 : i32
    %swap3A_1157 = arith.index_cast %swap3A_1155 : i32 to index
    %swap3A_1158 = arith.index_cast %swap3A_1156 : i32 to index
    %swap3A_1159 = arith.constant 0 : index
    %swap3A_1160 = tpu.vector_load %arg11[%swap3A_1157, %swap3A_1158, %swap3A_1159] {strides = array<i32>} : memref<4x48x16xf32, #tpu.memory_space<vmem>>, vector<16xf32>,
    tpu.vector_store %arg11[%swap3A_1157, %swap3A_1158, %swap3A_1159], %broadcast_in_dim3A_1154 {strides = array<i32>} : memref<4x48x16xf32, #tpu.memory_space<vmem>>, vector<16xf32>,
    %broadcast_in_dim3A_1161 = arith.constant 0.000000e+00 : f32
    %broadcast_in_dim3A_1162 = vector.broadcast %broadcast_in_dim3A_1161 : f32 to vector<16xf32>
    %swap3A_1163 = arith.constant 3 : i32
    %swap3A_1164 = arith.constant 1 : i32
    %swap3A_1165 = arith.index_cast %swap3A_1163 : i32 to index
    %swap3A_1166 = arith.index_cast %swap3A_1164 : i32 to index
    %swap3A_1167 = arith.constant 0 : index
    %swap3A_1168 = tpu.vector_load %arg11[%swap3A_1165, %swap3A_1166, %swap3A_1167] {strides = array<i32>} : memref<4x48x16xf32, #tpu.memory_space<vmem>>, vector<16xf32>,
    tpu.vector_store %arg11[%swap3A_1165, %swap3A_1166, %swap3A_1167], %broadcast_in_dim3A_1162 {strides = array<i32>} : memref<4x48x16xf32, #tpu.memory_space<vmem>>, vector<16xf32>,
    %broadcast_in_dim3A_1169 = arith.constant 0.000000e+00 : f32
    %broadcast_in_dim3A_1170 = vector.broadcast %broadcast_in_dim3A_1169 : f32 to vector<16xf32>
    %swap3A_1171 = arith.constant 3 : i32
    %swap3A_1172 = arith.constant 2 : i32
    %swap3A_1173 = arith.index_cast %swap3A_1171 : i32 to index
    %swap3A_1174 = arith.index_cast %swap3A_1172 : i32 to index
    %swap3A_1175 = arith.constant 0 : index
    %swap3A_1176 = tpu.vector_load %arg11[%swap3A_1173, %swap3A_1174, %swap3A_1175] {strides = array<i32>} : memref<4x48x16xf32, #tpu.memory_space<vmem>>, vector<16xf32>,
    tpu.vector_store %arg11[%swap3A_1173, %swap3A_1174, %swap3A_1175], %broadcast_in_dim3A_1170 {strides = array<i32>} : memref<4x48x16xf32, #tpu.memory_space<vmem>>, vector<16xf32>,
    %broadcast_in_dim3A_1177 = arith.constant 0.000000e+00 : f32
    %broadcast_in_dim3A_1178 = vector.broadcast %broadcast_in_dim3A_1177 : f32 to vector<16xf32>
    %swap3A_1179 = arith.constant 3 : i32
    %swap3A_1180 = arith.constant 3 : i32
    %swap3A_1181 = arith.index_cast %swap3A_1179 : i32 to index
    %swap3A_1182 = arith.index_cast %swap3A_1180 : i32 to index
    %swap3A_1183 = arith.constant 0 : index
    %swap3A_1184 = tpu.vector_load %arg11[%swap3A_1181, %swap3A_1182, %swap3A_1183] {strides = array<i32>} : memref<4x48x16xf32, #tpu.memory_space<vmem>>, vector<16xf32>,
    tpu.vector_store %arg11[%swap3A_1181, %swap3A_1182, %swap3A_1183], %broadcast_in_dim3A_1178 {strides = array<i32>} : memref<4x48x16xf32, #tpu.memory_space<vmem>>, vector<16xf32>,
    %broadcast_in_dim3A_1185 = arith.constant 0.000000e+00 : f32
    %broadcast_in_dim3A_1186 = vector.broadcast %broadcast_in_dim3A_1185 : f32 to vector<16xf32>
    %swap3A_1187 = arith.constant 3 : i32
    %swap3A_1188 = arith.constant 4 : i32
    %swap3A_1189 = arith.index_cast %swap3A_1187 : i32 to index
    %swap3A_1190 = arith.index_cast %swap3A_1188 : i32 to index
    %swap3A_1191 = arith.constant 0 : index
    %swap3A_1192 = tpu.vector_load %arg11[%swap3A_1189, %swap3A_1190, %swap3A_1191] {strides = array<i32>} : memref<4x48x16xf32, #tpu.memory_space<vmem>>, vector<16xf32>,
    tpu.vector_store %arg11[%swap3A_1189, %swap3A_1190, %swap3A_1191], %broadcast_in_dim3A_1186 {strides = array<i32>} : memref<4x48x16xf32, #tpu.memory_space<vmem>>, vector<16xf32>,
    %broadcast_in_dim3A_1193 = arith.constant 0.000000e+00 : f32
    %broadcast_in_dim3A_1194 = vector.broadcast %broadcast_in_dim3A_1193 : f32 to vector<16xf32>
    %swap3A_1195 = arith.constant 3 : i32
    %swap3A_1196 = arith.constant 5 : i32
    %swap3A_1197 = arith.index_cast %swap3A_1195 : i32 to index
    %swap3A_1198 = arith.index_cast %swap3A_1196 : i32 to index
    %swap3A_1199 = arith.constant 0 : index
    %swap3A_1200 = tpu.vector_load %arg11[%swap3A_1197, %swap3A_1198, %swap3A_1199] {strides = array<i32>} : memref<4x48x16xf32, #tpu.memory_space<vmem>>, vector<16xf32>,
    tpu.vector_store %arg11[%swap3A_1197, %swap3A_1198, %swap3A_1199], %broadcast_in_dim3A_1194 {strides = array<i32>} : memref<4x48x16xf32, #tpu.memory_space<vmem>>, vector<16xf32>,
    %broadcast_in_dim3A_1201 = arith.constant 0.000000e+00 : f32
    %broadcast_in_dim3A_1202 = vector.broadcast %broadcast_in_dim3A_1201 : f32 to vector<16xf32>
    %swap3A_1203 = arith.constant 3 : i32
    %swap3A_1204 = arith.constant 6 : i32
    %swap3A_1205 = arith.index_cast %swap3A_1203 : i32 to index
    %swap3A_1206 = arith.index_cast %swap3A_1204 : i32 to index
    %swap3A_1207 = arith.constant 0 : index
    %swap3A_1208 = tpu.vector_load %arg11[%swap3A_1205, %swap3A_1206, %swap3A_1207] {strides = array<i32>} : memref<4x48x16xf32, #tpu.memory_space<vmem>>, vector<16xf32>,
    tpu.vector_store %arg11[%swap3A_1205, %swap3A_1206, %swap3A_1207], %broadcast_in_dim3A_1202 {strides = array<i32>} : memref<4x48x16xf32, #tpu.memory_space<vmem>>, vector<16xf32>,
    %broadcast_in_dim3A_1209 = arith.constant 0.000000e+00 : f32
    %broadcast_in_dim3A_1210 = vector.broadcast %broadcast_in_dim3A_1209 : f32 to vector<16xf32>
    %swap3A_1211 = arith.constant 3 : i32
    %swap3A_1212 = arith.constant 7 : i32
    %swap3A_1213 = arith.index_cast %swap3A_1211 : i32 to index
    %swap3A_1214 = arith.index_cast %swap3A_1212 : i32 to index
    %swap3A_1215 = arith.constant 0 : index
    %swap3A_1216 = tpu.vector_load %arg11[%swap3A_1213, %swap3A_1214, %swap3A_1215] {strides = array<i32>} : memref<4x48x16xf32, #tpu.memory_space<vmem>>, vector<16xf32>,
    tpu.vector_store %arg11[%swap3A_1213, %swap3A_1214, %swap3A_1215], %broadcast_in_dim3A_1210 {strides = array<i32>} : memref<4x48x16xf32, #tpu.memory_space<vmem>>, vector<16xf32>,
    %broadcast_in_dim3A_1217 = arith.constant 0.000000e+00 : f32
    %broadcast_in_dim3A_1218 = vector.broadcast %broadcast_in_dim3A_1217 : f32 to vector<16xf32>
    %swap3A_1219 = arith.constant 3 : i32
    %swap3A_1220 = arith.constant 8 : i32
    %swap3A_1221 = arith.index_cast %swap3A_1219 : i32 to index
    %swap3A_1222 = arith.index_cast %swap3A_1220 : i32 to index
    %swap3A_1223 = arith.constant 0 : index
    %swap3A_1224 = tpu.vector_load %arg11[%swap3A_1221, %swap3A_1222, %swap3A_1223] {strides = array<i32>} : memref<4x48x16xf32, #tpu.memory_space<vmem>>, vector<16xf32>,
    tpu.vector_store %arg11[%swap3A_1221, %swap3A_1222, %swap3A_1223], %broadcast_in_dim3A_1218 {strides = array<i32>} : memref<4x48x16xf32, #tpu.memory_space<vmem>>, vector<16xf32>,
    %broadcast_in_dim3A_1225 = arith.constant 0.000000e+00 : f32
    %broadcast_in_dim3A_1226 = vector.broadcast %broadcast_in_dim3A_1225 : f32 to vector<16xf32>
    %swap3A_1227 = arith.constant 3 : i32
    %swap3A_1228 = arith.constant 9 : i32
    %swap3A_1229 = arith.index_cast %swap3A_1227 : i32 to index
    %swap3A_1230 = arith.index_cast %swap3A_1228 : i32 to index
    %swap3A_1231 = arith.constant 0 : index
    %swap3A_1232 = tpu.vector_load %arg11[%swap3A_1229, %swap3A_1230, %swap3A_1231] {strides = array<i32>} : memref<4x48x16xf32, #tpu.memory_space<vmem>>, vector<16xf32>,
    tpu.vector_store %arg11[%swap3A_1229, %swap3A_1230, %swap3A_1231], %broadcast_in_dim3A_1226 {strides = array<i32>} : memref<4x48x16xf32, #tpu.memory_space<vmem>>, vector<16xf32>,
    %broadcast_in_dim3A_1233 = arith.constant 0.000000e+00 : f32
    %broadcast_in_dim3A_1234 = vector.broadcast %broadcast_in_dim3A_1233 : f32 to vector<16xf32>
    %swap3A_1235 = arith.constant 3 : i32
    %swap3A_1236 = arith.constant 10 : i32
    %swap3A_1237 = arith.index_cast %swap3A_1235 : i32 to index
    %swap3A_1238 = arith.index_cast %swap3A_1236 : i32 to index
    %swap3A_1239 = arith.constant 0 : index
    %swap3A_1240 = tpu.vector_load %arg11[%swap3A_1237, %swap3A_1238, %swap3A_1239] {strides = array<i32>} : memref<4x48x16xf32, #tpu.memory_space<vmem>>, vector<16xf32>,
    tpu.vector_store %arg11[%swap3A_1237, %swap3A_1238, %swap3A_1239], %broadcast_in_dim3A_1234 {strides = array<i32>} : memref<4x48x16xf32, #tpu.memory_space<vmem>>, vector<16xf32>,
    %broadcast_in_dim3A_1241 = arith.constant 0.000000e+00 : f32
    %broadcast_in_dim3A_1242 = vector.broadcast %broadcast_in_dim3A_1241 : f32 to vector<16xf32>
    %swap3A_1243 = arith.constant 3 : i32
    %swap3A_1244 = arith.constant 11 : i32
    %swap3A_1245 = arith.index_cast %swap3A_1243 : i32 to index
    %swap3A_1246 = arith.index_cast %swap3A_1244 : i32 to index
    %swap3A_1247 = arith.constant 0 : index
    %swap3A_1248 = tpu.vector_load %arg11[%swap3A_1245, %swap3A_1246, %swap3A_1247] {strides = array<i32>} : memref<4x48x16xf32, #tpu.memory_space<vmem>>, vector<16xf32>,
    tpu.vector_store %arg11[%swap3A_1245, %swap3A_1246, %swap3A_1247], %broadcast_in_dim3A_1242 {strides = array<i32>} : memref<4x48x16xf32, #tpu.memory_space<vmem>>, vector<16xf32>,
    %broadcast_in_dim3A_1249 = arith.constant 0.000000e+00 : f32
    %broadcast_in_dim3A_1250 = vector.broadcast %broadcast_in_dim3A_1249 : f32 to vector<16xf32>
    %swap3A_1251 = arith.constant 3 : i32
    %swap3A_1252 = arith.constant 12 : i32
    %swap3A_1253 = arith.index_cast %swap3A_1251 : i32 to index
    %swap3A_1254 = arith.index_cast %swap3A_1252 : i32 to index
    %swap3A_1255 = arith.constant 0 : index
    %swap3A_1256 = tpu.vector_load %arg11[%swap3A_1253, %swap3A_1254, %swap3A_1255] {strides = array<i32>} : memref<4x48x16xf32, #tpu.memory_space<vmem>>, vector<16xf32>,
    tpu.vector_store %arg11[%swap3A_1253, %swap3A_1254, %swap3A_1255], %broadcast_in_dim3A_1250 {strides = array<i32>} : memref<4x48x16xf32, #tpu.memory_space<vmem>>, vector<16xf32>,
    %broadcast_in_dim3A_1257 = arith.constant 0.000000e+00 : f32
    %broadcast_in_dim3A_1258 = vector.broadcast %broadcast_in_dim3A_1257 : f32 to vector<16xf32>
    %swap3A_1259 = arith.constant 3 : i32
    %swap3A_1260 = arith.constant 13 : i32
    %swap3A_1261 = arith.index_cast %swap3A_1259 : i32 to index
    %swap3A_1262 = arith.index_cast %swap3A_1260 : i32 to index
    %swap3A_1263 = arith.constant 0 : index
    %swap3A_1264 = tpu.vector_load %arg11[%swap3A_1261, %swap3A_1262, %swap3A_1263] {strides = array<i32>} : memref<4x48x16xf32, #tpu.memory_space<vmem>>, vector<16xf32>,
    tpu.vector_store %arg11[%swap3A_1261, %swap3A_1262, %swap3A_1263], %broadcast_in_dim3A_1258 {strides = array<i32>} : memref<4x48x16xf32, #tpu.memory_space<vmem>>, vector<16xf32>,
    %broadcast_in_dim3A_1265 = arith.constant 0.000000e+00 : f32
    %broadcast_in_dim3A_1266 = vector.broadcast %broadcast_in_dim3A_1265 : f32 to vector<16xf32>
    %swap3A_1267 = arith.constant 3 : i32
    %swap3A_1268 = arith.constant 14 : i32
    %swap3A_1269 = arith.index_cast %swap3A_1267 : i32 to index
    %swap3A_1270 = arith.index_cast %swap3A_1268 : i32 to index
    %swap3A_1271 = arith.constant 0 : index
    %swap3A_1272 = tpu.vector_load %arg11[%swap3A_1269, %swap3A_1270, %swap3A_1271] {strides = array<i32>} : memref<4x48x16xf32, #tpu.memory_space<vmem>>, vector<16xf32>,
    tpu.vector_store %arg11[%swap3A_1269, %swap3A_1270, %swap3A_1271], %broadcast_in_dim3A_1266 {strides = array<i32>} : memref<4x48x16xf32, #tpu.memory_space<vmem>>, vector<16xf32>,
    %broadcast_in_dim3A_1273 = arith.constant 0.000000e+00 : f32
    %broadcast_in_dim3A_1274 = vector.broadcast %broadcast_in_dim3A_1273 : f32 to vector<16xf32>
    %swap3A_1275 = arith.constant 3 : i32
    %swap3A_1276 = arith.constant 15 : i32
    %swap3A_1277 = arith.index_cast %swap3A_1275 : i32 to index
    %swap3A_1278 = arith.index_cast %swap3A_1276 : i32 to index
    %swap3A_1279 = arith.constant 0 : index
    %swap3A_1280 = tpu.vector_load %arg11[%swap3A_1277, %swap3A_1278, %swap3A_1279] {strides = array<i32>} : memref<4x48x16xf32, #tpu.memory_space<vmem>>, vector<16xf32>,
    tpu.vector_store %arg11[%swap3A_1277, %swap3A_1278, %swap3A_1279], %broadcast_in_dim3A_1274 {strides = array<i32>} : memref<4x48x16xf32, #tpu.memory_space<vmem>>, vector<16xf32>,
    %broadcast_in_dim3A_1281 = arith.constant 0.000000e+00 : f32
    %broadcast_in_dim3A_1282 = vector.broadcast %broadcast_in_dim3A_1281 : f32 to vector<16xf32>
    %swap3A_1283 = arith.constant 3 : i32
    %swap3A_1284 = arith.constant 16 : i32
    %swap3A_1285 = arith.index_cast %swap3A_1283 : i32 to index
    %swap3A_1286 = arith.index_cast %swap3A_1284 : i32 to index
    %swap3A_1287 = arith.constant 0 : index
    %swap3A_1288 = tpu.vector_load %arg11[%swap3A_1285, %swap3A_1286, %swap3A_1287] {strides = array<i32>} : memref<4x48x16xf32, #tpu.memory_space<vmem>>, vector<16xf32>,
    tpu.vector_store %arg11[%swap3A_1285, %swap3A_1286, %swap3A_1287], %broadcast_in_dim3A_1282 {strides = array<i32>} : memref<4x48x16xf32, #tpu.memory_space<vmem>>, vector<16xf32>,
    %broadcast_in_dim3A_1289 = arith.constant 0.000000e+00 : f32
    %broadcast_in_dim3A_1290 = vector.broadcast %broadcast_in_dim3A_1289 : f32 to vector<16xf32>
    %swap3A_1291 = arith.constant 3 : i32
    %swap3A_1292 = arith.constant 17 : i32
    %swap3A_1293 = arith.index_cast %swap3A_1291 : i32 to index
    %swap3A_1294 = arith.index_cast %swap3A_1292 : i32 to index
    %swap3A_1295 = arith.constant 0 : index
    %swap3A_1296 = tpu.vector_load %arg11[%swap3A_1293, %swap3A_1294, %swap3A_1295] {strides = array<i32>} : memref<4x48x16xf32, #tpu.memory_space<vmem>>, vector<16xf32>,
    tpu.vector_store %arg11[%swap3A_1293, %swap3A_1294, %swap3A_1295], %broadcast_in_dim3A_1290 {strides = array<i32>} : memref<4x48x16xf32, #tpu.memory_space<vmem>>, vector<16xf32>,
    %broadcast_in_dim3A_1297 = arith.constant 0.000000e+00 : f32
    %broadcast_in_dim3A_1298 = vector.broadcast %broadcast_in_dim3A_1297 : f32 to vector<16xf32>
    %swap3A_1299 = arith.constant 3 : i32
    %swap3A_1300 = arith.constant 18 : i32
    %swap3A_1301 = arith.index_cast %swap3A_1299 : i32 to index
    %swap3A_1302 = arith.index_cast %swap3A_1300 : i32 to index
    %swap3A_1303 = arith.constant 0 : index
    %swap3A_1304 = tpu.vector_load %arg11[%swap3A_1301, %swap3A_1302, %swap3A_1303] {strides = array<i32>} : memref<4x48x16xf32, #tpu.memory_space<vmem>>, vector<16xf32>,
    tpu.vector_store %arg11[%swap3A_1301, %swap3A_1302, %swap3A_1303], %broadcast_in_dim3A_1298 {strides = array<i32>} : memref<4x48x16xf32, #tpu.memory_space<vmem>>, vector<16xf32>,
    %broadcast_in_dim3A_1305 = arith.constant 0.000000e+00 : f32
    %broadcast_in_dim3A_1306 = vector.broadcast %broadcast_in_dim3A_1305 : f32 to vector<16xf32>
    %swap3A_1307 = arith.constant 3 : i32
    %swap3A_1308 = arith.constant 19 : i32
    %swap3A_1309 = arith.index_cast %swap3A_1307 : i32 to index
    %swap3A_1310 = arith.index_cast %swap3A_1308 : i32 to index
    %swap3A_1311 = arith.constant 0 : index
    %swap3A_1312 = tpu.vector_load %arg11[%swap3A_1309, %swap3A_1310, %swap3A_1311] {strides = array<i32>} : memref<4x48x16xf32, #tpu.memory_space<vmem>>, vector<16xf32>,
    tpu.vector_store %arg11[%swap3A_1309, %swap3A_1310, %swap3A_1311], %broadcast_in_dim3A_1306 {strides = array<i32>} : memref<4x48x16xf32, #tpu.memory_space<vmem>>, vector<16xf32>,
    %broadcast_in_dim3A_1313 = arith.constant 0.000000e+00 : f32
    %broadcast_in_dim3A_1314 = vector.broadcast %broadcast_in_dim3A_1313 : f32 to vector<16xf32>
    %swap3A_1315 = arith.constant 3 : i32
    %swap3A_1316 = arith.constant 20 : i32
    %swap3A_1317 = arith.index_cast %swap3A_1315 : i32 to index
    %swap3A_1318 = arith.index_cast %swap3A_1316 : i32 to index
    %swap3A_1319 = arith.constant 0 : index
    %swap3A_1320 = tpu.vector_load %arg11[%swap3A_1317, %swap3A_1318, %swap3A_1319] {strides = array<i32>} : memref<4x48x16xf32, #tpu.memory_space<vmem>>, vector<16xf32>,
    tpu.vector_store %arg11[%swap3A_1317, %swap3A_1318, %swap3A_1319], %broadcast_in_dim3A_1314 {strides = array<i32>} : memref<4x48x16xf32, #tpu.memory_space<vmem>>, vector<16xf32>,
    %broadcast_in_dim3A_1321 = arith.constant 0.000000e+00 : f32
    %broadcast_in_dim3A_1322 = vector.broadcast %broadcast_in_dim3A_1321 : f32 to vector<16xf32>
    %swap3A_1323 = arith.constant 3 : i32
    %swap3A_1324 = arith.constant 21 : i32
    %swap3A_1325 = arith.index_cast %swap3A_1323 : i32 to index
    %swap3A_1326 = arith.index_cast %swap3A_1324 : i32 to index
    %swap3A_1327 = arith.constant 0 : index
    %swap3A_1328 = tpu.vector_load %arg11[%swap3A_1325, %swap3A_1326, %swap3A_1327] {strides = array<i32>} : memref<4x48x16xf32, #tpu.memory_space<vmem>>, vector<16xf32>,
    tpu.vector_store %arg11[%swap3A_1325, %swap3A_1326, %swap3A_1327], %broadcast_in_dim3A_1322 {strides = array<i32>} : memref<4x48x16xf32, #tpu.memory_space<vmem>>, vector<16xf32>,
    %broadcast_in_dim3A_1329 = arith.constant 0.000000e+00 : f32
    %broadcast_in_dim3A_1330 = vector.broadcast %broadcast_in_dim3A_1329 : f32 to vector<16xf32>
    %swap3A_1331 = arith.constant 3 : i32
    %swap3A_1332 = arith.constant 22 : i32
    %swap3A_1333 = arith.index_cast %swap3A_1331 : i32 to index
    %swap3A_1334 = arith.index_cast %swap3A_1332 : i32 to index
    %swap3A_1335 = arith.constant 0 : index
    %swap3A_1336 = tpu.vector_load %arg11[%swap3A_1333, %swap3A_1334, %swap3A_1335] {strides = array<i32>} : memref<4x48x16xf32, #tpu.memory_space<vmem>>, vector<16xf32>,
    tpu.vector_store %arg11[%swap3A_1333, %swap3A_1334, %swap3A_1335], %broadcast_in_dim3A_1330 {strides = array<i32>} : memref<4x48x16xf32, #tpu.memory_space<vmem>>, vector<16xf32>,
    %broadcast_in_dim3A_1337 = arith.constant 0.000000e+00 : f32
    %broadcast_in_dim3A_1338 = vector.broadcast %broadcast_in_dim3A_1337 : f32 to vector<16xf32>
    %swap3A_1339 = arith.constant 3 : i32
    %swap3A_1340 = arith.constant 23 : i32
    %swap3A_1341 = arith.index_cast %swap3A_1339 : i32 to index
    %swap3A_1342 = arith.index_cast %swap3A_1340 : i32 to index
    %swap3A_1343 = arith.constant 0 : index
    %swap3A_1344 = tpu.vector_load %arg11[%swap3A_1341, %swap3A_1342, %swap3A_1343] {strides = array<i32>} : memref<4x48x16xf32, #tpu.memory_space<vmem>>, vector<16xf32>,
    tpu.vector_store %arg11[%swap3A_1341, %swap3A_1342, %swap3A_1343], %broadcast_in_dim3A_1338 {strides = array<i32>} : memref<4x48x16xf32, #tpu.memory_space<vmem>>, vector<16xf32>,
    %broadcast_in_dim3A_1345 = arith.constant 0.000000e+00 : f32
    %broadcast_in_dim3A_1346 = vector.broadcast %broadcast_in_dim3A_1345 : f32 to vector<16xf32>
    %swap3A_1347 = arith.constant 3 : i32
    %swap3A_1348 = arith.constant 24 : i32
    %swap3A_1349 = arith.index_cast %swap3A_1347 : i32 to index
    %swap3A_1350 = arith.index_cast %swap3A_1348 : i32 to index
    %swap3A_1351 = arith.constant 0 : index
    %swap3A_1352 = tpu.vector_load %arg11[%swap3A_1349, %swap3A_1350, %swap3A_1351] {strides = array<i32>} : memref<4x48x16xf32, #tpu.memory_space<vmem>>, vector<16xf32>,
    tpu.vector_store %arg11[%swap3A_1349, %swap3A_1350, %swap3A_1351], %broadcast_in_dim3A_1346 {strides = array<i32>} : memref<4x48x16xf32, #tpu.memory_space<vmem>>, vector<16xf32>,
    %broadcast_in_dim3A_1353 = arith.constant 0.000000e+00 : f32
    %broadcast_in_dim3A_1354 = vector.broadcast %broadcast_in_dim3A_1353 : f32 to vector<16xf32>
    %swap3A_1355 = arith.constant 3 : i32
    %swap3A_1356 = arith.constant 25 : i32
    %swap3A_1357 = arith.index_cast %swap3A_1355 : i32 to index
    %swap3A_1358 = arith.index_cast %swap3A_1356 : i32 to index
    %swap3A_1359 = arith.constant 0 : index
    %swap3A_1360 = tpu.vector_load %arg11[%swap3A_1357, %swap3A_1358, %swap3A_1359] {strides = array<i32>} : memref<4x48x16xf32, #tpu.memory_space<vmem>>, vector<16xf32>,
    tpu.vector_store %arg11[%swap3A_1357, %swap3A_1358, %swap3A_1359], %broadcast_in_dim3A_1354 {strides = array<i32>} : memref<4x48x16xf32, #tpu.memory_space<vmem>>, vector<16xf32>,
    %broadcast_in_dim3A_1361 = arith.constant 0.000000e+00 : f32
    %broadcast_in_dim3A_1362 = vector.broadcast %broadcast_in_dim3A_1361 : f32 to vector<16xf32>
    %swap3A_1363 = arith.constant 3 : i32
    %swap3A_1364 = arith.constant 26 : i32
    %swap3A_1365 = arith.index_cast %swap3A_1363 : i32 to index
    %swap3A_1366 = arith.index_cast %swap3A_1364 : i32 to index
    %swap3A_1367 = arith.constant 0 : index
    %swap3A_1368 = tpu.vector_load %arg11[%swap3A_1365, %swap3A_1366, %swap3A_1367] {strides = array<i32>} : memref<4x48x16xf32, #tpu.memory_space<vmem>>, vector<16xf32>,
    tpu.vector_store %arg11[%swap3A_1365, %swap3A_1366, %swap3A_1367], %broadcast_in_dim3A_1362 {strides = array<i32>} : memref<4x48x16xf32, #tpu.memory_space<vmem>>, vector<16xf32>,
    %broadcast_in_dim3A_1369 = arith.constant 0.000000e+00 : f32
    %broadcast_in_dim3A_1370 = vector.broadcast %broadcast_in_dim3A_1369 : f32 to vector<16xf32>
    %swap3A_1371 = arith.constant 3 : i32
    %swap3A_1372 = arith.constant 27 : i32
    %swap3A_1373 = arith.index_cast %swap3A_1371 : i32 to index
    %swap3A_1374 = arith.index_cast %swap3A_1372 : i32 to index
    %swap3A_1375 = arith.constant 0 : index
    %swap3A_1376 = tpu.vector_load %arg11[%swap3A_1373, %swap3A_1374, %swap3A_1375] {strides = array<i32>} : memref<4x48x16xf32, #tpu.memory_space<vmem>>, vector<16xf32>,
    tpu.vector_store %arg11[%swap3A_1373, %swap3A_1374, %swap3A_1375], %broadcast_in_dim3A_1370 {strides = array<i32>} : memref<4x48x16xf32, #tpu.memory_space<vmem>>, vector<16xf32>,
    %broadcast_in_dim3A_1377 = arith.constant 0.000000e+00 : f32
    %broadcast_in_dim3A_1378 = vector.broadcast %broadcast_in_dim3A_1377 : f32 to vector<16xf32>
    %swap3A_1379 = arith.constant 3 : i32
    %swap3A_1380 = arith.constant 28 : i32
    %swap3A_1381 = arith.index_cast %swap3A_1379 : i32 to index
    %swap3A_1382 = arith.index_cast %swap3A_1380 : i32 to index
    %swap3A_1383 = arith.constant 0 : index
    %swap3A_1384 = tpu.vector_load %arg11[%swap3A_1381, %swap3A_1382, %swap3A_1383] {strides = array<i32>} : memref<4x48x16xf32, #tpu.memory_space<vmem>>, vector<16xf32>,
    tpu.vector_store %arg11[%swap3A_1381, %swap3A_1382, %swap3A_1383], %broadcast_in_dim3A_1378 {strides = array<i32>} : memref<4x48x16xf32, #tpu.memory_space<vmem>>, vector<16xf32>,
    %broadcast_in_dim3A_1385 = arith.constant 0.000000e+00 : f32
    %broadcast_in_dim3A_1386 = vector.broadcast %broadcast_in_dim3A_1385 : f32 to vector<16xf32>
    %swap3A_1387 = arith.constant 3 : i32
    %swap3A_1388 = arith.constant 29 : i32
    %swap3A_1389 = arith.index_cast %swap3A_1387 : i32 to index
    %swap3A_1390 = arith.index_cast %swap3A_1388 : i32 to index
    %swap3A_1391 = arith.constant 0 : index
    %swap3A_1392 = tpu.vector_load %arg11[%swap3A_1389, %swap3A_1390, %swap3A_1391] {strides = array<i32>} : memref<4x48x16xf32, #tpu.memory_space<vmem>>, vector<16xf32>,
    tpu.vector_store %arg11[%swap3A_1389, %swap3A_1390, %swap3A_1391], %broadcast_in_dim3A_1386 {strides = array<i32>} : memref<4x48x16xf32, #tpu.memory_space<vmem>>, vector<16xf32>,
    %broadcast_in_dim3A_1393 = arith.constant 0.000000e+00 : f32
    %broadcast_in_dim3A_1394 = vector.broadcast %broadcast_in_dim3A_1393 : f32 to vector<16xf32>
    %swap3A_1395 = arith.constant 3 : i32
    %swap3A_1396 = arith.constant 30 : i32
    %swap3A_1397 = arith.index_cast %swap3A_1395 : i32 to index
    %swap3A_1398 = arith.index_cast %swap3A_1396 : i32 to index
    %swap3A_1399 = arith.constant 0 : index
    %swap3A_1400 = tpu.vector_load %arg11[%swap3A_1397, %swap3A_1398, %swap3A_1399] {strides = array<i32>} : memref<4x48x16xf32, #tpu.memory_space<vmem>>, vector<16xf32>,
    tpu.vector_store %arg11[%swap3A_1397, %swap3A_1398, %swap3A_1399], %broadcast_in_dim3A_1394 {strides = array<i32>} : memref<4x48x16xf32, #tpu.memory_space<vmem>>, vector<16xf32>,
    %broadcast_in_dim3A_1401 = arith.constant 0.000000e+00 : f32
    %broadcast_in_dim3A_1402 = vector.broadcast %broadcast_in_dim3A_1401 : f32 to vector<16xf32>
    %swap3A_1403 = arith.constant 3 : i32
    %swap3A_1404 = arith.constant 31 : i32
    %swap3A_1405 = arith.index_cast %swap3A_1403 : i32 to index
    %swap3A_1406 = arith.index_cast %swap3A_1404 : i32 to index
    %swap3A_1407 = arith.constant 0 : index
    %swap3A_1408 = tpu.vector_load %arg11[%swap3A_1405, %swap3A_1406, %swap3A_1407] {strides = array<i32>} : memref<4x48x16xf32, #tpu.memory_space<vmem>>, vector<16xf32>,
    tpu.vector_store %arg11[%swap3A_1405, %swap3A_1406, %swap3A_1407], %broadcast_in_dim3A_1402 {strides = array<i32>} : memref<4x48x16xf32, #tpu.memory_space<vmem>>, vector<16xf32>,
    %broadcast_in_dim3A_1409 = arith.constant 0.000000e+00 : f32
    %broadcast_in_dim3A_1410 = vector.broadcast %broadcast_in_dim3A_1409 : f32 to vector<16xf32>
    %swap3A_1411 = arith.constant 3 : i32
    %swap3A_1412 = arith.constant 32 : i32
    %swap3A_1413 = arith.index_cast %swap3A_1411 : i32 to index
    %swap3A_1414 = arith.index_cast %swap3A_1412 : i32 to index
    %swap3A_1415 = arith.constant 0 : index
    %swap3A_1416 = tpu.vector_load %arg11[%swap3A_1413, %swap3A_1414, %swap3A_1415] {strides = array<i32>} : memref<4x48x16xf32, #tpu.memory_space<vmem>>, vector<16xf32>,
    tpu.vector_store %arg11[%swap3A_1413, %swap3A_1414, %swap3A_1415], %broadcast_in_dim3A_1410 {strides = array<i32>} : memref<4x48x16xf32, #tpu.memory_space<vmem>>, vector<16xf32>,
    %broadcast_in_dim3A_1417 = arith.constant 0.000000e+00 : f32
    %broadcast_in_dim3A_1418 = vector.broadcast %broadcast_in_dim3A_1417 : f32 to vector<16xf32>
    %swap3A_1419 = arith.constant 3 : i32
    %swap3A_1420 = arith.constant 33 : i32
    %swap3A_1421 = arith.index_cast %swap3A_1419 : i32 to index
    %swap3A_1422 = arith.index_cast %swap3A_1420 : i32 to index
    %swap3A_1423 = arith.constant 0 : index
    %swap3A_1424 = tpu.vector_load %arg11[%swap3A_1421, %swap3A_1422, %swap3A_1423] {strides = array<i32>} : memref<4x48x16xf32, #tpu.memory_space<vmem>>, vector<16xf32>,
    tpu.vector_store %arg11[%swap3A_1421, %swap3A_1422, %swap3A_1423], %broadcast_in_dim3A_1418 {strides = array<i32>} : memref<4x48x16xf32, #tpu.memory_space<vmem>>, vector<16xf32>,
    %broadcast_in_dim3A_1425 = arith.constant 0.000000e+00 : f32
    %broadcast_in_dim3A_1426 = vector.broadcast %broadcast_in_dim3A_1425 : f32 to vector<16xf32>
    %swap3A_1427 = arith.constant 3 : i32
    %swap3A_1428 = arith.constant 34 : i32
    %swap3A_1429 = arith.index_cast %swap3A_1427 : i32 to index
    %swap3A_1430 = arith.index_cast %swap3A_1428 : i32 to index
    %swap3A_1431 = arith.constant 0 : index
    %swap3A_1432 = tpu.vector_load %arg11[%swap3A_1429, %swap3A_1430, %swap3A_1431] {strides = array<i32>} : memref<4x48x16xf32, #tpu.memory_space<vmem>>, vector<16xf32>,
    tpu.vector_store %arg11[%swap3A_1429, %swap3A_1430, %swap3A_1431], %broadcast_in_dim3A_1426 {strides = array<i32>} : memref<4x48x16xf32, #tpu.memory_space<vmem>>, vector<16xf32>,
    %broadcast_in_dim3A_1433 = arith.constant 0.000000e+00 : f32
    %broadcast_in_dim3A_1434 = vector.broadcast %broadcast_in_dim3A_1433 : f32 to vector<16xf32>
    %swap3A_1435 = arith.constant 3 : i32
    %swap3A_1436 = arith.constant 35 : i32
    %swap3A_1437 = arith.index_cast %swap3A_1435 : i32 to index
    %swap3A_1438 = arith.index_cast %swap3A_1436 : i32 to index
    %swap3A_1439 = arith.constant 0 : index
    %swap3A_1440 = tpu.vector_load %arg11[%swap3A_1437, %swap3A_1438, %swap3A_1439] {strides = array<i32>} : memref<4x48x16xf32, #tpu.memory_space<vmem>>, vector<16xf32>,
    tpu.vector_store %arg11[%swap3A_1437, %swap3A_1438, %swap3A_1439], %broadcast_in_dim3A_1434 {strides = array<i32>} : memref<4x48x16xf32, #tpu.memory_space<vmem>>, vector<16xf32>,
    %broadcast_in_dim3A_1441 = arith.constant 0.000000e+00 : f32
    %broadcast_in_dim3A_1442 = vector.broadcast %broadcast_in_dim3A_1441 : f32 to vector<16xf32>
    %swap3A_1443 = arith.constant 3 : i32
    %swap3A_1444 = arith.constant 36 : i32
    %swap3A_1445 = arith.index_cast %swap3A_1443 : i32 to index
    %swap3A_1446 = arith.index_cast %swap3A_1444 : i32 to index
    %swap3A_1447 = arith.constant 0 : index
    %swap3A_1448 = tpu.vector_load %arg11[%swap3A_1445, %swap3A_1446, %swap3A_1447] {strides = array<i32>} : memref<4x48x16xf32, #tpu.memory_space<vmem>>, vector<16xf32>,
    tpu.vector_store %arg11[%swap3A_1445, %swap3A_1446, %swap3A_1447], %broadcast_in_dim3A_1442 {strides = array<i32>} : memref<4x48x16xf32, #tpu.memory_space<vmem>>, vector<16xf32>,
    %broadcast_in_dim3A_1449 = arith.constant 0.000000e+00 : f32
    %broadcast_in_dim3A_1450 = vector.broadcast %broadcast_in_dim3A_1449 : f32 to vector<16xf32>
    %swap3A_1451 = arith.constant 3 : i32
    %swap3A_1452 = arith.constant 37 : i32
    %swap3A_1453 = arith.index_cast %swap3A_1451 : i32 to index
    %swap3A_1454 = arith.index_cast %swap3A_1452 : i32 to index
    %swap3A_1455 = arith.constant 0 : index
    %swap3A_1456 = tpu.vector_load %arg11[%swap3A_1453, %swap3A_1454, %swap3A_1455] {strides = array<i32>} : memref<4x48x16xf32, #tpu.memory_space<vmem>>, vector<16xf32>,
    tpu.vector_store %arg11[%swap3A_1453, %swap3A_1454, %swap3A_1455], %broadcast_in_dim3A_1450 {strides = array<i32>} : memref<4x48x16xf32, #tpu.memory_space<vmem>>, vector<16xf32>,
    %broadcast_in_dim3A_1457 = arith.constant 0.000000e+00 : f32
    %broadcast_in_dim3A_1458 = vector.broadcast %broadcast_in_dim3A_1457 : f32 to vector<16xf32>
    %swap3A_1459 = arith.constant 3 : i32
    %swap3A_1460 = arith.constant 38 : i32
    %swap3A_1461 = arith.index_cast %swap3A_1459 : i32 to index
    %swap3A_1462 = arith.index_cast %swap3A_1460 : i32 to index
    %swap3A_1463 = arith.constant 0 : index
    %swap3A_1464 = tpu.vector_load %arg11[%swap3A_1461, %swap3A_1462, %swap3A_1463] {strides = array<i32>} : memref<4x48x16xf32, #tpu.memory_space<vmem>>, vector<16xf32>,
    tpu.vector_store %arg11[%swap3A_1461, %swap3A_1462, %swap3A_1463], %broadcast_in_dim3A_1458 {strides = array<i32>} : memref<4x48x16xf32, #tpu.memory_space<vmem>>, vector<16xf32>,
    %broadcast_in_dim3A_1465 = arith.constant 0.000000e+00 : f32
    %broadcast_in_dim3A_1466 = vector.broadcast %broadcast_in_dim3A_1465 : f32 to vector<16xf32>
    %swap3A_1467 = arith.constant 3 : i32
    %swap3A_1468 = arith.constant 39 : i32
    %swap3A_1469 = arith.index_cast %swap3A_1467 : i32 to index
    %swap3A_1470 = arith.index_cast %swap3A_1468 : i32 to index
    %swap3A_1471 = arith.constant 0 : index
    %swap3A_1472 = tpu.vector_load %arg11[%swap3A_1469, %swap3A_1470, %swap3A_1471] {strides = array<i32>} : memref<4x48x16xf32, #tpu.memory_space<vmem>>, vector<16xf32>,
    tpu.vector_store %arg11[%swap3A_1469, %swap3A_1470, %swap3A_1471], %broadcast_in_dim3A_1466 {strides = array<i32>} : memref<4x48x16xf32, #tpu.memory_space<vmem>>, vector<16xf32>,
    %broadcast_in_dim3A_1473 = arith.constant 0.000000e+00 : f32
    %broadcast_in_dim3A_1474 = vector.broadcast %broadcast_in_dim3A_1473 : f32 to vector<16xf32>
    %swap3A_1475 = arith.constant 3 : i32
    %swap3A_1476 = arith.constant 40 : i32
    %swap3A_1477 = arith.index_cast %swap3A_1475 : i32 to index
    %swap3A_1478 = arith.index_cast %swap3A_1476 : i32 to index
    %swap3A_1479 = arith.constant 0 : index
    %swap3A_1480 = tpu.vector_load %arg11[%swap3A_1477, %swap3A_1478, %swap3A_1479] {strides = array<i32>} : memref<4x48x16xf32, #tpu.memory_space<vmem>>, vector<16xf32>,
    tpu.vector_store %arg11[%swap3A_1477, %swap3A_1478, %swap3A_1479], %broadcast_in_dim3A_1474 {strides = array<i32>} : memref<4x48x16xf32, #tpu.memory_space<vmem>>, vector<16xf32>,
    %broadcast_in_dim3A_1481 = arith.constant 0.000000e+00 : f32
    %broadcast_in_dim3A_1482 = vector.broadcast %broadcast_in_dim3A_1481 : f32 to vector<16xf32>
    %swap3A_1483 = arith.constant 3 : i32
    %swap3A_1484 = arith.constant 41 : i32
    %swap3A_1485 = arith.index_cast %swap3A_1483 : i32 to index
    %swap3A_1486 = arith.index_cast %swap3A_1484 : i32 to index
    %swap3A_1487 = arith.constant 0 : index
    %swap3A_1488 = tpu.vector_load %arg11[%swap3A_1485, %swap3A_1486, %swap3A_1487] {strides = array<i32>} : memref<4x48x16xf32, #tpu.memory_space<vmem>>, vector<16xf32>,
    tpu.vector_store %arg11[%swap3A_1485, %swap3A_1486, %swap3A_1487], %broadcast_in_dim3A_1482 {strides = array<i32>} : memref<4x48x16xf32, #tpu.memory_space<vmem>>, vector<16xf32>,
    %broadcast_in_dim3A_1489 = arith.constant 0.000000e+00 : f32
    %broadcast_in_dim3A_1490 = vector.broadcast %broadcast_in_dim3A_1489 : f32 to vector<16xf32>
    %swap3A_1491 = arith.constant 3 : i32
    %swap3A_1492 = arith.constant 42 : i32
    %swap3A_1493 = arith.index_cast %swap3A_1491 : i32 to index
    %swap3A_1494 = arith.index_cast %swap3A_1492 : i32 to index
    %swap3A_1495 = arith.constant 0 : index
    %swap3A_1496 = tpu.vector_load %arg11[%swap3A_1493, %swap3A_1494, %swap3A_1495] {strides = array<i32>} : memref<4x48x16xf32, #tpu.memory_space<vmem>>, vector<16xf32>,
    tpu.vector_store %arg11[%swap3A_1493, %swap3A_1494, %swap3A_1495], %broadcast_in_dim3A_1490 {strides = array<i32>} : memref<4x48x16xf32, #tpu.memory_space<vmem>>, vector<16xf32>,
    %broadcast_in_dim3A_1497 = arith.constant 0.000000e+00 : f32
    %broadcast_in_dim3A_1498 = vector.broadcast %broadcast_in_dim3A_1497 : f32 to vector<16xf32>
    %swap3A_1499 = arith.constant 3 : i32
    %swap3A_1500 = arith.constant 43 : i32
    %swap3A_1501 = arith.index_cast %swap3A_1499 : i32 to index
    %swap3A_1502 = arith.index_cast %swap3A_1500 : i32 to index
    %swap3A_1503 = arith.constant 0 : index
    %swap3A_1504 = tpu.vector_load %arg11[%swap3A_1501, %swap3A_1502, %swap3A_1503] {strides = array<i32>} : memref<4x48x16xf32, #tpu.memory_space<vmem>>, vector<16xf32>,
    tpu.vector_store %arg11[%swap3A_1501, %swap3A_1502, %swap3A_1503], %broadcast_in_dim3A_1498 {strides = array<i32>} : memref<4x48x16xf32, #tpu.memory_space<vmem>>, vector<16xf32>,
    %broadcast_in_dim3A_1505 = arith.constant 0.000000e+00 : f32
    %broadcast_in_dim3A_1506 = vector.broadcast %broadcast_in_dim3A_1505 : f32 to vector<16xf32>
    %swap3A_1507 = arith.constant 3 : i32
    %swap3A_1508 = arith.constant 44 : i32
    %swap3A_1509 = arith.index_cast %swap3A_1507 : i32 to index
    %swap3A_1510 = arith.index_cast %swap3A_1508 : i32 to index
    %swap3A_1511 = arith.constant 0 : index
    %swap3A_1512 = tpu.vector_load %arg11[%swap3A_1509, %swap3A_1510, %swap3A_1511] {strides = array<i32>} : memref<4x48x16xf32, #tpu.memory_space<vmem>>, vector<16xf32>,
    tpu.vector_store %arg11[%swap3A_1509, %swap3A_1510, %swap3A_1511], %broadcast_in_dim3A_1506 {strides = array<i32>} : memref<4x48x16xf32, #tpu.memory_space<vmem>>, vector<16xf32>,
    %broadcast_in_dim3A_1513 = arith.constant 0.000000e+00 : f32
    %broadcast_in_dim3A_1514 = vector.broadcast %broadcast_in_dim3A_1513 : f32 to vector<16xf32>
    %swap3A_1515 = arith.constant 3 : i32
    %swap3A_1516 = arith.constant 45 : i32
    %swap3A_1517 = arith.index_cast %swap3A_1515 : i32 to index
    %swap3A_1518 = arith.index_cast %swap3A_1516 : i32 to index
    %swap3A_1519 = arith.constant 0 : index
    %swap3A_1520 = tpu.vector_load %arg11[%swap3A_1517, %swap3A_1518, %swap3A_1519] {strides = array<i32>} : memref<4x48x16xf32, #tpu.memory_space<vmem>>, vector<16xf32>,
    tpu.vector_store %arg11[%swap3A_1517, %swap3A_1518, %swap3A_1519], %broadcast_in_dim3A_1514 {strides = array<i32>} : memref<4x48x16xf32, #tpu.memory_space<vmem>>, vector<16xf32>,
    %broadcast_in_dim3A_1521 = arith.constant 0.000000e+00 : f32
    %broadcast_in_dim3A_1522 = vector.broadcast %broadcast_in_dim3A_1521 : f32 to vector<16xf32>
    %swap3A_1523 = arith.constant 3 : i32
    %swap3A_1524 = arith.constant 46 : i32
    %swap3A_1525 = arith.index_cast %swap3A_1523 : i32 to index
    %swap3A_1526 = arith.index_cast %swap3A_1524 : i32 to index
    %swap3A_1527 = arith.constant 0 : index
    %swap3A_1528 = tpu.vector_load %arg11[%swap3A_1525, %swap3A_1526, %swap3A_1527] {strides = array<i32>} : memref<4x48x16xf32, #tpu.memory_space<vmem>>, vector<16xf32>,
    tpu.vector_store %arg11[%swap3A_1525, %swap3A_1526, %swap3A_1527], %broadcast_in_dim3A_1522 {strides = array<i32>} : memref<4x48x16xf32, #tpu.memory_space<vmem>>, vector<16xf32>,
    %broadcast_in_dim3A_1529 = arith.constant 0.000000e+00 : f32
    %broadcast_in_dim3A_1530 = vector.broadcast %broadcast_in_dim3A_1529 : f32 to vector<16xf32>
    %swap3A_1531 = arith.constant 3 : i32
    %swap3A_1532 = arith.constant 47 : i32
    %swap3A_1533 = arith.index_cast %swap3A_1531 : i32 to index
    %swap3A_1534 = arith.index_cast %swap3A_1532 : i32 to index
    %swap3A_1535 = arith.constant 0 : index
    %swap3A_1536 = tpu.vector_load %arg11[%swap3A_1533, %swap3A_1534, %swap3A_1535] {strides = array<i32>} : memref<4x48x16xf32, #tpu.memory_space<vmem>>, vector<16xf32>,
    tpu.vector_store %arg11[%swap3A_1533, %swap3A_1534, %swap3A_1535], %broadcast_in_dim3A_1530 {strides = array<i32>} : memref<4x48x16xf32, #tpu.memory_space<vmem>>, vector<16xf32>,
    %iota3A = tpu.iota {dimensions = array<i32: 0>} : vector<16xi32>
    %run_scoped3A = arith.constant 0 : i32
    "tpu.region"() ({
      %run_scoped3A_1631 = tpu.sem_alloc : memref<!tpu.dma_semaphore, #tpu.memory_space<semaphore_mem>>
      %dma_start3A = tpu.memref_slice %arg3[%run_scoped3A, %mul3A_2] : memref<4x262144xi32, #tpu.memory_space<hbm>> -> memref<1x8192xi32, #tpu.memory_space<hbm>>
      %dma_start3A_1632 = tpu.memref_squeeze %dma_start3A : memref<1x8192xi32, #tpu.memory_space<hbm>> -> memref<8192xi32, #tpu.memory_space<hbm>>
      %dma_start3A_1633 = tpu.memref_slice %arg3[%run_scoped3A, %mul3A_2] : memref<4x262144xi32, #tpu.memory_space<hbm>> -> memref<1x8192xi32, #tpu.memory_space<hbm>>
      %dma_start3A_1634 = tpu.memref_squeeze %dma_start3A_1633 : memref<1x8192xi32, #tpu.memory_space<hbm>> -> memref<8192xi32, #tpu.memory_space<hbm>>
      tpu.enqueue_dma source(%dma_start3A_1634 : memref<8192xi32, #tpu.memory_space<hbm>>) target(%arg7 : memref<8192xi32, #tpu.memory_space<vmem>>) target_semaphore(%run_scoped3A_1631 : memref<!tpu.dma_semaphore, #tpu.memory_space<semaphore_mem>>)
      %dma_wait3A = tpu.memref_slice %arg3[%run_scoped3A, %mul3A_2] : memref<4x262144xi32, #tpu.memory_space<hbm>> -> memref<1x8192xi32, #tpu.memory_space<hbm>>
      %dma_wait3A_1635 = tpu.memref_squeeze %dma_wait3A : memref<1x8192xi32, #tpu.memory_space<hbm>> -> memref<8192xi32, #tpu.memory_space<hbm>>
      %dma_wait3A_1636 = tpu.memref_slice %arg3[%run_scoped3A, %mul3A_2] : memref<4x262144xi32, #tpu.memory_space<hbm>> -> memref<1x8192xi32, #tpu.memory_space<hbm>>
      %dma_wait3A_1637 = tpu.memref_squeeze %dma_wait3A_1636 : memref<1x8192xi32, #tpu.memory_space<hbm>> -> memref<8192xi32, #tpu.memory_space<hbm>>
      tpu.wait_dma2 semaphore(%run_scoped3A_1631 : memref<!tpu.dma_semaphore, #tpu.memory_space<semaphore_mem>>) src(%dma_wait3A_1637 : memref<8192xi32, #tpu.memory_space<hbm>>) dst(%arg7 : memref<8192xi32, #tpu.memory_space<vmem>>)
      tpu.yield
    }) : () -> ()
    %run_scoped3A_1537 = arith.constant 0 : i32
    "tpu.region"() ({
      %run_scoped3A_1631 = tpu.sem_alloc : memref<!tpu.dma_semaphore, #tpu.memory_space<semaphore_mem>>
      %dma_start3A = tpu.memref_slice %arg4[%run_scoped3A_1537, %mul3A_2] : memref<4x262144xi32, #tpu.memory_space<hbm>> -> memref<1x8192xi32, #tpu.memory_space<hbm>>
      %dma_start3A_1632 = tpu.memref_squeeze %dma_start3A : memref<1x8192xi32, #tpu.memory_space<hbm>> -> memref<8192xi32, #tpu.memory_space<hbm>>
      %dma_start3A_1633 = tpu.memref_slice %arg4[%run_scoped3A_1537, %mul3A_2] : memref<4x262144xi32, #tpu.memory_space<hbm>> -> memref<1x8192xi32, #tpu.memory_space<hbm>>
      %dma_start3A_1634 = tpu.memref_squeeze %dma_start3A_1633 : memref<1x8192xi32, #tpu.memory_space<hbm>> -> memref<8192xi32, #tpu.memory_space<hbm>>
      tpu.enqueue_dma source(%dma_start3A_1634 : memref<8192xi32, #tpu.memory_space<hbm>>) target(%arg8 : memref<8192xi32, #tpu.memory_space<vmem>>) target_semaphore(%run_scoped3A_1631 : memref<!tpu.dma_semaphore, #tpu.memory_space<semaphore_mem>>)
      %dma_wait3A = tpu.memref_slice %arg4[%run_scoped3A_1537, %mul3A_2] : memref<4x262144xi32, #tpu.memory_space<hbm>> -> memref<1x8192xi32, #tpu.memory_space<hbm>>
      %dma_wait3A_1635 = tpu.memref_squeeze %dma_wait3A : memref<1x8192xi32, #tpu.memory_space<hbm>> -> memref<8192xi32, #tpu.memory_space<hbm>>
      %dma_wait3A_1636 = tpu.memref_slice %arg4[%run_scoped3A_1537, %mul3A_2] : memref<4x262144xi32, #tpu.memory_space<hbm>> -> memref<1x8192xi32, #tpu.memory_space<hbm>>
      %dma_wait3A_1637 = tpu.memref_squeeze %dma_wait3A_1636 : memref<1x8192xi32, #tpu.memory_space<hbm>> -> memref<8192xi32, #tpu.memory_space<hbm>>
      tpu.wait_dma2 semaphore(%run_scoped3A_1631 : memref<!tpu.dma_semaphore, #tpu.memory_space<semaphore_mem>>) src(%dma_wait3A_1637 : memref<8192xi32, #tpu.memory_space<hbm>>) dst(%arg8 : memref<8192xi32, #tpu.memory_space<vmem>>)
      tpu.yield
    }) : () -> ()
    %run_scoped3A_1538 = arith.constant 0 : i32
    "tpu.region"() ({
      %run_scoped3A_1631 = tpu.sem_alloc : memref<!tpu.dma_semaphore, #tpu.memory_space<semaphore_mem>>
      %dma_start3A = tpu.memref_slice %arg2[%run_scoped3A_1538, %mul3A_2] : memref<4x262144xf32, #tpu.memory_space<hbm>> -> memref<1x8192xf32, #tpu.memory_space<hbm>>
      %dma_start3A_1632 = tpu.memref_squeeze %dma_start3A : memref<1x8192xf32, #tpu.memory_space<hbm>> -> memref<8192xf32, #tpu.memory_space<hbm>>
      %dma_start3A_1633 = tpu.memref_slice %arg2[%run_scoped3A_1538, %mul3A_2] : memref<4x262144xf32, #tpu.memory_space<hbm>> -> memref<1x8192xf32, #tpu.memory_space<hbm>>
      %dma_start3A_1634 = tpu.memref_squeeze %dma_start3A_1633 : memref<1x8192xf32, #tpu.memory_space<hbm>> -> memref<8192xf32, #tpu.memory_space<hbm>>
      tpu.enqueue_dma source(%dma_start3A_1634 : memref<8192xf32, #tpu.memory_space<hbm>>) target(%arg9 : memref<8192xf32, #tpu.memory_space<vmem>>) target_semaphore(%run_scoped3A_1631 : memref<!tpu.dma_semaphore, #tpu.memory_space<semaphore_mem>>)
      %dma_wait3A = tpu.memref_slice %arg2[%run_scoped3A_1538, %mul3A_2] : memref<4x262144xf32, #tpu.memory_space<hbm>> -> memref<1x8192xf32, #tpu.memory_space<hbm>>
      %dma_wait3A_1635 = tpu.memref_squeeze %dma_wait3A : memref<1x8192xf32, #tpu.memory_space<hbm>> -> memref<8192xf32, #tpu.memory_space<hbm>>
      %dma_wait3A_1636 = tpu.memref_slice %arg2[%run_scoped3A_1538, %mul3A_2] : memref<4x262144xf32, #tpu.memory_space<hbm>> -> memref<1x8192xf32, #tpu.memory_space<hbm>>
      %dma_wait3A_1637 = tpu.memref_squeeze %dma_wait3A_1636 : memref<1x8192xf32, #tpu.memory_space<hbm>> -> memref<8192xf32, #tpu.memory_space<hbm>>
      tpu.wait_dma2 semaphore(%run_scoped3A_1631 : memref<!tpu.dma_semaphore, #tpu.memory_space<semaphore_mem>>) src(%dma_wait3A_1637 : memref<8192xf32, #tpu.memory_space<hbm>>) dst(%arg9 : memref<8192xf32, #tpu.memory_space<vmem>>)
      tpu.yield
    }) : () -> ()
    %run_scoped3A_1539 = arith.constant 0 : i32
    %run_scoped3A_1540 = arith.constant 0 : i32
    %run_scoped3A_1541 = arith.constant 0 : i32
    "tpu.region"() ({
      %run_scoped3A_1631 = tpu.sem_alloc : memref<!tpu.dma_semaphore, #tpu.memory_space<semaphore_mem>>
      %dma_start3A = arith.constant 0 : i32
      %dma_start3A_1632 = tpu.memref_slice %arg10[%run_scoped3A_1541, %dma_start3A] : memref<4x8192xf32, #tpu.memory_space<vmem>> -> memref<1x8192xf32, #tpu.memory_space<vmem>>
      %dma_start3A_1633 = tpu.memref_squeeze %dma_start3A_1632 : memref<1x8192xf32, #tpu.memory_space<vmem>> -> memref<8192xf32, #tpu.memory_space<vmem>>
      %dma_start3A_1634 = tpu.memref_slice %arg5[%run_scoped3A_1539, %run_scoped3A_1540, %mul3A_2] : memref<4x4x262144xf32, #tpu.memory_space<hbm>> -> memref<1x1x8192xf32, #tpu.memory_space<hbm>>
      %dma_start3A_1635 = tpu.memref_squeeze %dma_start3A_1634 : memref<1x1x8192xf32, #tpu.memory_space<hbm>> -> memref<8192xf32, #tpu.memory_space<hbm>>
      %dma_start3A_1636 = arith.constant 0 : i32
      %dma_start3A_1637 = tpu.memref_slice %arg10[%run_scoped3A_1541, %dma_start3A_1636] : memref<4x8192xf32, #tpu.memory_space<vmem>> -> memref<1x8192xf32, #tpu.memory_space<vmem>>
      %dma_start3A_1638 = tpu.memref_squeeze %dma_start3A_1637 : memref<1x8192xf32, #tpu.memory_space<vmem>> -> memref<8192xf32, #tpu.memory_space<vmem>>
      %dma_start3A_1639 = tpu.memref_slice %arg5[%run_scoped3A_1539, %run_scoped3A_1540, %mul3A_2] : memref<4x4x262144xf32, #tpu.memory_space<hbm>> -> memref<1x1x8192xf32, #tpu.memory_space<hbm>>
      %dma_start3A_1640 = tpu.memref_squeeze %dma_start3A_1639 : memref<1x1x8192xf32, #tpu.memory_space<hbm>> -> memref<8192xf32, #tpu.memory_space<hbm>>
      tpu.enqueue_dma source(%dma_start3A_1640 : memref<8192xf32, #tpu.memory_space<hbm>>) target(%dma_start3A_1638 : memref<8192xf32, #tpu.memory_space<vmem>>) target_semaphore(%run_scoped3A_1631 : memref<!tpu.dma_semaphore, #tpu.memory_space<semaphore_mem>>)
      %dma_wait3A = arith.constant 0 : i32
      %dma_wait3A_1641 = tpu.memref_slice %arg10[%run_scoped3A_1541, %dma_wait3A] : memref<4x8192xf32, #tpu.memory_space<vmem>> -> memref<1x8192xf32, #tpu.memory_space<vmem>>
      %dma_wait3A_1642 = tpu.memref_squeeze %dma_wait3A_1641 : memref<1x8192xf32, #tpu.memory_space<vmem>> -> memref<8192xf32, #tpu.memory_space<vmem>>
      %dma_wait3A_1643 = tpu.memref_slice %arg5[%run_scoped3A_1539, %run_scoped3A_1540, %mul3A_2] : memref<4x4x262144xf32, #tpu.memory_space<hbm>> -> memref<1x1x8192xf32, #tpu.memory_space<hbm>>
      %dma_wait3A_1644 = tpu.memref_squeeze %dma_wait3A_1643 : memref<1x1x8192xf32, #tpu.memory_space<hbm>> -> memref<8192xf32, #tpu.memory_space<hbm>>
      %dma_wait3A_1645 = arith.constant 0 : i32
      %dma_wait3A_1646 = tpu.memref_slice %arg10[%run_scoped3A_1541, %dma_wait3A_1645] : memref<4x8192xf32, #tpu.memory_space<vmem>> -> memref<1x8192xf32, #tpu.memory_space<vmem>>
      %dma_wait3A_1647 = tpu.memref_squeeze %dma_wait3A_1646 : memref<1x8192xf32, #tpu.memory_space<vmem>> -> memref<8192xf32, #tpu.memory_space<vmem>>
      %dma_wait3A_1648 = tpu.memref_slice %arg5[%run_scoped3A_1539, %run_scoped3A_1540, %mul3A_2] : memref<4x4x262144xf32, #tpu.memory_space<hbm>> -> memref<1x1x8192xf32, #tpu.memory_space<hbm>>
      %dma_wait3A_1649 = tpu.memref_squeeze %dma_wait3A_1648 : memref<1x1x8192xf32, #tpu.memory_space<hbm>> -> memref<8192xf32, #tpu.memory_space<hbm>>
      tpu.wait_dma2 semaphore(%run_scoped3A_1631 : memref<!tpu.dma_semaphore, #tpu.memory_space<semaphore_mem>>) src(%dma_wait3A_1649 : memref<8192xf32, #tpu.memory_space<hbm>>) dst(%dma_wait3A_1647 : memref<8192xf32, #tpu.memory_space<vmem>>)
      tpu.yield
    }) : () -> ()
    %run_scoped3A_1542 = arith.constant 0 : i32
    %run_scoped3A_1543 = arith.constant 1 : i32
    %run_scoped3A_1544 = arith.constant 1 : i32
    "tpu.region"() ({
      %run_scoped3A_1631 = tpu.sem_alloc : memref<!tpu.dma_semaphore, #tpu.memory_space<semaphore_mem>>
      %dma_start3A = arith.constant 0 : i32
      %dma_start3A_1632 = tpu.memref_slice %arg10[%run_scoped3A_1544, %dma_start3A] : memref<4x8192xf32, #tpu.memory_space<vmem>> -> memref<1x8192xf32, #tpu.memory_space<vmem>>
      %dma_start3A_1633 = tpu.memref_squeeze %dma_start3A_1632 : memref<1x8192xf32, #tpu.memory_space<vmem>> -> memref<8192xf32, #tpu.memory_space<vmem>>
      %dma_start3A_1634 = tpu.memref_slice %arg5[%run_scoped3A_1542, %run_scoped3A_1543, %mul3A_2] : memref<4x4x262144xf32, #tpu.memory_space<hbm>> -> memref<1x1x8192xf32, #tpu.memory_space<hbm>>
      %dma_start3A_1635 = tpu.memref_squeeze %dma_start3A_1634 : memref<1x1x8192xf32, #tpu.memory_space<hbm>> -> memref<8192xf32, #tpu.memory_space<hbm>>
      %dma_start3A_1636 = arith.constant 0 : i32
      %dma_start3A_1637 = tpu.memref_slice %arg10[%run_scoped3A_1544, %dma_start3A_1636] : memref<4x8192xf32, #tpu.memory_space<vmem>> -> memref<1x8192xf32, #tpu.memory_space<vmem>>
      %dma_start3A_1638 = tpu.memref_squeeze %dma_start3A_1637 : memref<1x8192xf32, #tpu.memory_space<vmem>> -> memref<8192xf32, #tpu.memory_space<vmem>>
      %dma_start3A_1639 = tpu.memref_slice %arg5[%run_scoped3A_1542, %run_scoped3A_1543, %mul3A_2] : memref<4x4x262144xf32, #tpu.memory_space<hbm>> -> memref<1x1x8192xf32, #tpu.memory_space<hbm>>
      %dma_start3A_1640 = tpu.memref_squeeze %dma_start3A_1639 : memref<1x1x8192xf32, #tpu.memory_space<hbm>> -> memref<8192xf32, #tpu.memory_space<hbm>>
      tpu.enqueue_dma source(%dma_start3A_1640 : memref<8192xf32, #tpu.memory_space<hbm>>) target(%dma_start3A_1638 : memref<8192xf32, #tpu.memory_space<vmem>>) target_semaphore(%run_scoped3A_1631 : memref<!tpu.dma_semaphore, #tpu.memory_space<semaphore_mem>>)
      %dma_wait3A = arith.constant 0 : i32
      %dma_wait3A_1641 = tpu.memref_slice %arg10[%run_scoped3A_1544, %dma_wait3A] : memref<4x8192xf32, #tpu.memory_space<vmem>> -> memref<1x8192xf32, #tpu.memory_space<vmem>>
      %dma_wait3A_1642 = tpu.memref_squeeze %dma_wait3A_1641 : memref<1x8192xf32, #tpu.memory_space<vmem>> -> memref<8192xf32, #tpu.memory_space<vmem>>
      %dma_wait3A_1643 = tpu.memref_slice %arg5[%run_scoped3A_1542, %run_scoped3A_1543, %mul3A_2] : memref<4x4x262144xf32, #tpu.memory_space<hbm>> -> memref<1x1x8192xf32, #tpu.memory_space<hbm>>
      %dma_wait3A_1644 = tpu.memref_squeeze %dma_wait3A_1643 : memref<1x1x8192xf32, #tpu.memory_space<hbm>> -> memref<8192xf32, #tpu.memory_space<hbm>>
      %dma_wait3A_1645 = arith.constant 0 : i32
      %dma_wait3A_1646 = tpu.memref_slice %arg10[%run_scoped3A_1544, %dma_wait3A_1645] : memref<4x8192xf32, #tpu.memory_space<vmem>> -> memref<1x8192xf32, #tpu.memory_space<vmem>>
      %dma_wait3A_1647 = tpu.memref_squeeze %dma_wait3A_1646 : memref<1x8192xf32, #tpu.memory_space<vmem>> -> memref<8192xf32, #tpu.memory_space<vmem>>
      %dma_wait3A_1648 = tpu.memref_slice %arg5[%run_scoped3A_1542, %run_scoped3A_1543, %mul3A_2] : memref<4x4x262144xf32, #tpu.memory_space<hbm>> -> memref<1x1x8192xf32, #tpu.memory_space<hbm>>
      %dma_wait3A_1649 = tpu.memref_squeeze %dma_wait3A_1648 : memref<1x1x8192xf32, #tpu.memory_space<hbm>> -> memref<8192xf32, #tpu.memory_space<hbm>>
      tpu.wait_dma2 semaphore(%run_scoped3A_1631 : memref<!tpu.dma_semaphore, #tpu.memory_space<semaphore_mem>>) src(%dma_wait3A_1649 : memref<8192xf32, #tpu.memory_space<hbm>>) dst(%dma_wait3A_1647 : memref<8192xf32, #tpu.memory_space<vmem>>)
      tpu.yield
    }) : () -> ()
    %run_scoped3A_1545 = arith.constant 0 : i32
    %run_scoped3A_1546 = arith.constant 2 : i32
    %run_scoped3A_1547 = arith.constant 2 : i32
    "tpu.region"() ({
      %run_scoped3A_1631 = tpu.sem_alloc : memref<!tpu.dma_semaphore, #tpu.memory_space<semaphore_mem>>
      %dma_start3A = arith.constant 0 : i32
      %dma_start3A_1632 = tpu.memref_slice %arg10[%run_scoped3A_1547, %dma_start3A] : memref<4x8192xf32, #tpu.memory_space<vmem>> -> memref<1x8192xf32, #tpu.memory_space<vmem>>
      %dma_start3A_1633 = tpu.memref_squeeze %dma_start3A_1632 : memref<1x8192xf32, #tpu.memory_space<vmem>> -> memref<8192xf32, #tpu.memory_space<vmem>>
      %dma_start3A_1634 = tpu.memref_slice %arg5[%run_scoped3A_1545, %run_scoped3A_1546, %mul3A_2] : memref<4x4x262144xf32, #tpu.memory_space<hbm>> -> memref<1x1x8192xf32, #tpu.memory_space<hbm>>
      %dma_start3A_1635 = tpu.memref_squeeze %dma_start3A_1634 : memref<1x1x8192xf32, #tpu.memory_space<hbm>> -> memref<8192xf32, #tpu.memory_space<hbm>>
      %dma_start3A_1636 = arith.constant 0 : i32
      %dma_start3A_1637 = tpu.memref_slice %arg10[%run_scoped3A_1547, %dma_start3A_1636] : memref<4x8192xf32, #tpu.memory_space<vmem>> -> memref<1x8192xf32, #tpu.memory_space<vmem>>
      %dma_start3A_1638 = tpu.memref_squeeze %dma_start3A_1637 : memref<1x8192xf32, #tpu.memory_space<vmem>> -> memref<8192xf32, #tpu.memory_space<vmem>>
      %dma_start3A_1639 = tpu.memref_slice %arg5[%run_scoped3A_1545, %run_scoped3A_1546, %mul3A_2] : memref<4x4x262144xf32, #tpu.memory_space<hbm>> -> memref<1x1x8192xf32, #tpu.memory_space<hbm>>
      %dma_start3A_1640 = tpu.memref_squeeze %dma_start3A_1639 : memref<1x1x8192xf32, #tpu.memory_space<hbm>> -> memref<8192xf32, #tpu.memory_space<hbm>>
      tpu.enqueue_dma source(%dma_start3A_1640 : memref<8192xf32, #tpu.memory_space<hbm>>) target(%dma_start3A_1638 : memref<8192xf32, #tpu.memory_space<vmem>>) target_semaphore(%run_scoped3A_1631 : memref<!tpu.dma_semaphore, #tpu.memory_space<semaphore_mem>>)
      %dma_wait3A = arith.constant 0 : i32
      %dma_wait3A_1641 = tpu.memref_slice %arg10[%run_scoped3A_1547, %dma_wait3A] : memref<4x8192xf32, #tpu.memory_space<vmem>> -> memref<1x8192xf32, #tpu.memory_space<vmem>>
      %dma_wait3A_1642 = tpu.memref_squeeze %dma_wait3A_1641 : memref<1x8192xf32, #tpu.memory_space<vmem>> -> memref<8192xf32, #tpu.memory_space<vmem>>
      %dma_wait3A_1643 = tpu.memref_slice %arg5[%run_scoped3A_1545, %run_scoped3A_1546, %mul3A_2] : memref<4x4x262144xf32, #tpu.memory_space<hbm>> -> memref<1x1x8192xf32, #tpu.memory_space<hbm>>
      %dma_wait3A_1644 = tpu.memref_squeeze %dma_wait3A_1643 : memref<1x1x8192xf32, #tpu.memory_space<hbm>> -> memref<8192xf32, #tpu.memory_space<hbm>>
      %dma_wait3A_1645 = arith.constant 0 : i32
      %dma_wait3A_1646 = tpu.memref_slice %arg10[%run_scoped3A_1547, %dma_wait3A_1645] : memref<4x8192xf32, #tpu.memory_space<vmem>> -> memref<1x8192xf32, #tpu.memory_space<vmem>>
      %dma_wait3A_1647 = tpu.memref_squeeze %dma_wait3A_1646 : memref<1x8192xf32, #tpu.memory_space<vmem>> -> memref<8192xf32, #tpu.memory_space<vmem>>
      %dma_wait3A_1648 = tpu.memref_slice %arg5[%run_scoped3A_1545, %run_scoped3A_1546, %mul3A_2] : memref<4x4x262144xf32, #tpu.memory_space<hbm>> -> memref<1x1x8192xf32, #tpu.memory_space<hbm>>
      %dma_wait3A_1649 = tpu.memref_squeeze %dma_wait3A_1648 : memref<1x1x8192xf32, #tpu.memory_space<hbm>> -> memref<8192xf32, #tpu.memory_space<hbm>>
      tpu.wait_dma2 semaphore(%run_scoped3A_1631 : memref<!tpu.dma_semaphore, #tpu.memory_space<semaphore_mem>>) src(%dma_wait3A_1649 : memref<8192xf32, #tpu.memory_space<hbm>>) dst(%dma_wait3A_1647 : memref<8192xf32, #tpu.memory_space<vmem>>)
      tpu.yield
    }) : () -> ()
    %run_scoped3A_1548 = arith.constant 0 : i32
    %run_scoped3A_1549 = arith.constant 3 : i32
    %run_scoped3A_1550 = arith.constant 3 : i32
    "tpu.region"() ({
      %run_scoped3A_1631 = tpu.sem_alloc : memref<!tpu.dma_semaphore, #tpu.memory_space<semaphore_mem>>
      %dma_start3A = arith.constant 0 : i32
      %dma_start3A_1632 = tpu.memref_slice %arg10[%run_scoped3A_1550, %dma_start3A] : memref<4x8192xf32, #tpu.memory_space<vmem>> -> memref<1x8192xf32, #tpu.memory_space<vmem>>
      %dma_start3A_1633 = tpu.memref_squeeze %dma_start3A_1632 : memref<1x8192xf32, #tpu.memory_space<vmem>> -> memref<8192xf32, #tpu.memory_space<vmem>>
      %dma_start3A_1634 = tpu.memref_slice %arg5[%run_scoped3A_1548, %run_scoped3A_1549, %mul3A_2] : memref<4x4x262144xf32, #tpu.memory_space<hbm>> -> memref<1x1x8192xf32, #tpu.memory_space<hbm>>
      %dma_start3A_1635 = tpu.memref_squeeze %dma_start3A_1634 : memref<1x1x8192xf32, #tpu.memory_space<hbm>> -> memref<8192xf32, #tpu.memory_space<hbm>>
      %dma_start3A_1636 = arith.constant 0 : i32
      %dma_start3A_1637 = tpu.memref_slice %arg10[%run_scoped3A_1550, %dma_start3A_1636] : memref<4x8192xf32, #tpu.memory_space<vmem>> -> memref<1x8192xf32, #tpu.memory_space<vmem>>
      %dma_start3A_1638 = tpu.memref_squeeze %dma_start3A_1637 : memref<1x8192xf32, #tpu.memory_space<vmem>> -> memref<8192xf32, #tpu.memory_space<vmem>>
      %dma_start3A_1639 = tpu.memref_slice %arg5[%run_scoped3A_1548, %run_scoped3A_1549, %mul3A_2] : memref<4x4x262144xf32, #tpu.memory_space<hbm>> -> memref<1x1x8192xf32, #tpu.memory_space<hbm>>
      %dma_start3A_1640 = tpu.memref_squeeze %dma_start3A_1639 : memref<1x1x8192xf32, #tpu.memory_space<hbm>> -> memref<8192xf32, #tpu.memory_space<hbm>>
      tpu.enqueue_dma source(%dma_start3A_1640 : memref<8192xf32, #tpu.memory_space<hbm>>) target(%dma_start3A_1638 : memref<8192xf32, #tpu.memory_space<vmem>>) target_semaphore(%run_scoped3A_1631 : memref<!tpu.dma_semaphore, #tpu.memory_space<semaphore_mem>>)
      %dma_wait3A = arith.constant 0 : i32
      %dma_wait3A_1641 = tpu.memref_slice %arg10[%run_scoped3A_1550, %dma_wait3A] : memref<4x8192xf32, #tpu.memory_space<vmem>> -> memref<1x8192xf32, #tpu.memory_space<vmem>>
      %dma_wait3A_1642 = tpu.memref_squeeze %dma_wait3A_1641 : memref<1x8192xf32, #tpu.memory_space<vmem>> -> memref<8192xf32, #tpu.memory_space<vmem>>
      %dma_wait3A_1643 = tpu.memref_slice %arg5[%run_scoped3A_1548, %run_scoped3A_1549, %mul3A_2] : memref<4x4x262144xf32, #tpu.memory_space<hbm>> -> memref<1x1x8192xf32, #tpu.memory_space<hbm>>
      %dma_wait3A_1644 = tpu.memref_squeeze %dma_wait3A_1643 : memref<1x1x8192xf32, #tpu.memory_space<hbm>> -> memref<8192xf32, #tpu.memory_space<hbm>>
      %dma_wait3A_1645 = arith.constant 0 : i32
      %dma_wait3A_1646 = tpu.memref_slice %arg10[%run_scoped3A_1550, %dma_wait3A_1645] : memref<4x8192xf32, #tpu.memory_space<vmem>> -> memref<1x8192xf32, #tpu.memory_space<vmem>>
      %dma_wait3A_1647 = tpu.memref_squeeze %dma_wait3A_1646 : memref<1x8192xf32, #tpu.memory_space<vmem>> -> memref<8192xf32, #tpu.memory_space<vmem>>
      %dma_wait3A_1648 = tpu.memref_slice %arg5[%run_scoped3A_1548, %run_scoped3A_1549, %mul3A_2] : memref<4x4x262144xf32, #tpu.memory_space<hbm>> -> memref<1x1x8192xf32, #tpu.memory_space<hbm>>
      %dma_wait3A_1649 = tpu.memref_squeeze %dma_wait3A_1648 : memref<1x1x8192xf32, #tpu.memory_space<hbm>> -> memref<8192xf32, #tpu.memory_space<hbm>>
      tpu.wait_dma2 semaphore(%run_scoped3A_1631 : memref<!tpu.dma_semaphore, #tpu.memory_space<semaphore_mem>>) src(%dma_wait3A_1649 : memref<8192xf32, #tpu.memory_space<hbm>>) dst(%dma_wait3A_1647 : memref<8192xf32, #tpu.memory_space<vmem>>)
      tpu.yield
    }) : () -> ()
    %broadcast_in_dim3A_1551 = arith.constant 0 : i32
    %broadcast_in_dim3A_1552 = vector.broadcast %broadcast_in_dim3A_1551 : i32 to vector<16xi32>
    %scan3A = arith.constant 0 : i32
    %scan3A_1553 = arith.constant 0 : i32
    %scan3A_1554 = arith.constant 512 : i32
    %scan3A_1555 = arith.addi %scan3A_1553, %scan3A_1554 : i32
    %scan3A_1556 = arith.constant 1 : i32
    %scan3A_1557 = scf.for %scan3A_1631 = %scan3A_1553 to %scan3A_1555 step %scan3A_1556 iter_args(%scan3A_1632 = %scan3A) -> (i32)  : i32 {
      %mul3A_1633 = arith.constant 16 : i32
      %mul3A_1634 = arith.muli %scan3A_1631, %mul3A_1633 : i32
      %get3A = arith.index_cast %mul3A_1634 : i32 to index
      %get3A_1635 = tpu.vector_load %arg7[%get3A] {strides = array<i32>} : memref<8192xi32, #tpu.memory_space<vmem>>, vector<16xi32>,
      %get3A_1636 = arith.index_cast %mul3A_1634 : i32 to index
      %get3A_1637 = tpu.vector_load %arg8[%get3A_1636] {strides = array<i32>} : memref<8192xi32, #tpu.memory_space<vmem>>, vector<16xi32>,
      %get3A_1638 = arith.index_cast %mul3A_1634 : i32 to index
      %get3A_1639 = tpu.vector_load %arg9[%get3A_1638] {strides = array<i32>} : memref<8192xf32, #tpu.memory_space<vmem>>, vector<16xf32>,
      tpu.vector_store_idx %arg11[%broadcast_in_dim3A_1552, %get3A_1635, %iota3A], %get3A_1639 {add = true} : memref<4x48x16xf32, #tpu.memory_space<vmem>>[vector<16xi32>, vector<16xi32>, vector<16xi32>], vector<16xf32>,
      %get3A_1640 = arith.constant 0 : i32
      %get3A_1641 = arith.index_cast %get3A_1640 : i32 to index
      %get3A_1642 = arith.index_cast %mul3A_1634 : i32 to index
      %get3A_1643 = tpu.vector_load %arg10[%get3A_1641, %get3A_1642] {strides = array<i32>} : memref<4x8192xf32, #tpu.memory_space<vmem>>, vector<16xf32>,
      %add3A_1644 = arith.constant 8 : i32
      %add3A_1645 = vector.broadcast %add3A_1644 : i32 to vector<16xi32>
      %add3A_1646 = arith.addi %get3A_1635, %add3A_1645 : vector<16xi32>
      tpu.vector_store_idx %arg11[%broadcast_in_dim3A_1552, %add3A_1646, %iota3A], %get3A_1643 {add = true} : memref<4x48x16xf32, #tpu.memory_space<vmem>>[vector<16xi32>, vector<16xi32>, vector<16xi32>], vector<16xf32>,
      %get3A_1647 = arith.constant 1 : i32
      %get3A_1648 = arith.index_cast %get3A_1647 : i32 to index
      %get3A_1649 = arith.index_cast %mul3A_1634 : i32 to index
      %get3A_1650 = tpu.vector_load %arg10[%get3A_1648, %get3A_1649] {strides = array<i32>} : memref<4x8192xf32, #tpu.memory_space<vmem>>, vector<16xf32>,
      %add3A_1651 = arith.constant 16 : i32
      %add3A_1652 = vector.broadcast %add3A_1651 : i32 to vector<16xi32>
      %add3A_1653 = arith.addi %get3A_1635, %add3A_1652 : vector<16xi32>
      tpu.vector_store_idx %arg11[%broadcast_in_dim3A_1552, %add3A_1653, %iota3A], %get3A_1650 {add = true} : memref<4x48x16xf32, #tpu.memory_space<vmem>>[vector<16xi32>, vector<16xi32>, vector<16xi32>], vector<16xf32>,
      %get3A_1654 = arith.constant 2 : i32
      %get3A_1655 = arith.index_cast %get3A_1654 : i32 to index
      %get3A_1656 = arith.index_cast %mul3A_1634 : i32 to index
      %get3A_1657 = tpu.vector_load %arg10[%get3A_1655, %get3A_1656] {strides = array<i32>} : memref<4x8192xf32, #tpu.memory_space<vmem>>, vector<16xf32>,
      %add3A_1658 = arith.constant 24 : i32
      %add3A_1659 = vector.broadcast %add3A_1658 : i32 to vector<16xi32>
      %add3A_1660 = arith.addi %get3A_1635, %add3A_1659 : vector<16xi32>
      tpu.vector_store_idx %arg11[%broadcast_in_dim3A_1552, %add3A_1660, %iota3A], %get3A_1657 {add = true} : memref<4x48x16xf32, #tpu.memory_space<vmem>>[vector<16xi32>, vector<16xi32>, vector<16xi32>], vector<16xf32>,
      %get3A_1661 = arith.constant 3 : i32
      %get3A_1662 = arith.index_cast %get3A_1661 : i32 to index
      %get3A_1663 = arith.index_cast %mul3A_1634 : i32 to index
      %get3A_1664 = tpu.vector_load %arg10[%get3A_1662, %get3A_1663] {strides = array<i32>} : memref<4x8192xf32, #tpu.memory_space<vmem>>, vector<16xf32>,
      %add3A_1665 = arith.constant 32 : i32
      %add3A_1666 = vector.broadcast %add3A_1665 : i32 to vector<16xi32>
      %add3A_1667 = arith.addi %get3A_1635, %add3A_1666 : vector<16xi32>
      tpu.vector_store_idx %arg11[%broadcast_in_dim3A_1552, %add3A_1667, %iota3A], %get3A_1664 {add = true} : memref<4x48x16xf32, #tpu.memory_space<vmem>>[vector<16xi32>, vector<16xi32>, vector<16xi32>], vector<16xf32>,
      %add3A_1668 = arith.constant 40 : i32
      %add3A_1669 = vector.broadcast %add3A_1668 : i32 to vector<16xi32>
      %add3A_1670 = arith.addi %get3A_1637, %add3A_1669 : vector<16xi32>
      tpu.vector_store_idx %arg11[%broadcast_in_dim3A_1552, %add3A_1670, %iota3A], %get3A_1639 {add = true} : memref<4x48x16xf32, #tpu.memory_space<vmem>>[vector<16xi32>, vector<16xi32>, vector<16xi32>], vector<16xf32>,
      %scan3A_1671 = arith.constant 0 : i32
      scf.yield %scan3A_1671 : i32
    }
    %scan3A_1558 = arith.constant 512 : i32
    %run_scoped3A_1559 = arith.constant 1 : i32
    "tpu.region"() ({
      %run_scoped3A_1631 = tpu.sem_alloc : memref<!tpu.dma_semaphore, #tpu.memory_space<semaphore_mem>>
      %dma_start3A = tpu.memref_slice %arg3[%run_scoped3A_1559, %mul3A_2] : memref<4x262144xi32, #tpu.memory_space<hbm>> -> memref<1x8192xi32, #tpu.memory_space<hbm>>
      %dma_start3A_1632 = tpu.memref_squeeze %dma_start3A : memref<1x8192xi32, #tpu.memory_space<hbm>> -> memref<8192xi32, #tpu.memory_space<hbm>>
      %dma_start3A_1633 = tpu.memref_slice %arg3[%run_scoped3A_1559, %mul3A_2] : memref<4x262144xi32, #tpu.memory_space<hbm>> -> memref<1x8192xi32, #tpu.memory_space<hbm>>
      %dma_start3A_1634 = tpu.memref_squeeze %dma_start3A_1633 : memref<1x8192xi32, #tpu.memory_space<hbm>> -> memref<8192xi32, #tpu.memory_space<hbm>>
      tpu.enqueue_dma source(%dma_start3A_1634 : memref<8192xi32, #tpu.memory_space<hbm>>) target(%arg7 : memref<8192xi32, #tpu.memory_space<vmem>>) target_semaphore(%run_scoped3A_1631 : memref<!tpu.dma_semaphore, #tpu.memory_space<semaphore_mem>>)
      %dma_wait3A = tpu.memref_slice %arg3[%run_scoped3A_1559, %mul3A_2] : memref<4x262144xi32, #tpu.memory_space<hbm>> -> memref<1x8192xi32, #tpu.memory_space<hbm>>
      %dma_wait3A_1635 = tpu.memref_squeeze %dma_wait3A : memref<1x8192xi32, #tpu.memory_space<hbm>> -> memref<8192xi32, #tpu.memory_space<hbm>>
      %dma_wait3A_1636 = tpu.memref_slice %arg3[%run_scoped3A_1559, %mul3A_2] : memref<4x262144xi32, #tpu.memory_space<hbm>> -> memref<1x8192xi32, #tpu.memory_space<hbm>>
      %dma_wait3A_1637 = tpu.memref_squeeze %dma_wait3A_1636 : memref<1x8192xi32, #tpu.memory_space<hbm>> -> memref<8192xi32, #tpu.memory_space<hbm>>
      tpu.wait_dma2 semaphore(%run_scoped3A_1631 : memref<!tpu.dma_semaphore, #tpu.memory_space<semaphore_mem>>) src(%dma_wait3A_1637 : memref<8192xi32, #tpu.memory_space<hbm>>) dst(%arg7 : memref<8192xi32, #tpu.memory_space<vmem>>)
      tpu.yield
    }) : () -> ()
    %run_scoped3A_1560 = arith.constant 1 : i32
    "tpu.region"() ({
      %run_scoped3A_1631 = tpu.sem_alloc : memref<!tpu.dma_semaphore, #tpu.memory_space<semaphore_mem>>
      %dma_start3A = tpu.memref_slice %arg4[%run_scoped3A_1560, %mul3A_2] : memref<4x262144xi32, #tpu.memory_space<hbm>> -> memref<1x8192xi32, #tpu.memory_space<hbm>>
      %dma_start3A_1632 = tpu.memref_squeeze %dma_start3A : memref<1x8192xi32, #tpu.memory_space<hbm>> -> memref<8192xi32, #tpu.memory_space<hbm>>
      %dma_start3A_1633 = tpu.memref_slice %arg4[%run_scoped3A_1560, %mul3A_2] : memref<4x262144xi32, #tpu.memory_space<hbm>> -> memref<1x8192xi32, #tpu.memory_space<hbm>>
      %dma_start3A_1634 = tpu.memref_squeeze %dma_start3A_1633 : memref<1x8192xi32, #tpu.memory_space<hbm>> -> memref<8192xi32, #tpu.memory_space<hbm>>
      tpu.enqueue_dma source(%dma_start3A_1634 : memref<8192xi32, #tpu.memory_space<hbm>>) target(%arg8 : memref<8192xi32, #tpu.memory_space<vmem>>) target_semaphore(%run_scoped3A_1631 : memref<!tpu.dma_semaphore, #tpu.memory_space<semaphore_mem>>)
      %dma_wait3A = tpu.memref_slice %arg4[%run_scoped3A_1560, %mul3A_2] : memref<4x262144xi32, #tpu.memory_space<hbm>> -> memref<1x8192xi32, #tpu.memory_space<hbm>>
      %dma_wait3A_1635 = tpu.memref_squeeze %dma_wait3A : memref<1x8192xi32, #tpu.memory_space<hbm>> -> memref<8192xi32, #tpu.memory_space<hbm>>
      %dma_wait3A_1636 = tpu.memref_slice %arg4[%run_scoped3A_1560, %mul3A_2] : memref<4x262144xi32, #tpu.memory_space<hbm>> -> memref<1x8192xi32, #tpu.memory_space<hbm>>
      %dma_wait3A_1637 = tpu.memref_squeeze %dma_wait3A_1636 : memref<1x8192xi32, #tpu.memory_space<hbm>> -> memref<8192xi32, #tpu.memory_space<hbm>>
      tpu.wait_dma2 semaphore(%run_scoped3A_1631 : memref<!tpu.dma_semaphore, #tpu.memory_space<semaphore_mem>>) src(%dma_wait3A_1637 : memref<8192xi32, #tpu.memory_space<hbm>>) dst(%arg8 : memref<8192xi32, #tpu.memory_space<vmem>>)
      tpu.yield
    }) : () -> ()
    %run_scoped3A_1561 = arith.constant 1 : i32
    "tpu.region"() ({
      %run_scoped3A_1631 = tpu.sem_alloc : memref<!tpu.dma_semaphore, #tpu.memory_space<semaphore_mem>>
      %dma_start3A = tpu.memref_slice %arg2[%run_scoped3A_1561, %mul3A_2] : memref<4x262144xf32, #tpu.memory_space<hbm>> -> memref<1x8192xf32, #tpu.memory_space<hbm>>
      %dma_start3A_1632 = tpu.memref_squeeze %dma_start3A : memref<1x8192xf32, #tpu.memory_space<hbm>> -> memref<8192xf32, #tpu.memory_space<hbm>>
      %dma_start3A_1633 = tpu.memref_slice %arg2[%run_scoped3A_1561, %mul3A_2] : memref<4x262144xf32, #tpu.memory_space<hbm>> -> memref<1x8192xf32, #tpu.memory_space<hbm>>
      %dma_start3A_1634 = tpu.memref_squeeze %dma_start3A_1633 : memref<1x8192xf32, #tpu.memory_space<hbm>> -> memref<8192xf32, #tpu.memory_space<hbm>>
      tpu.enqueue_dma source(%dma_start3A_1634 : memref<8192xf32, #tpu.memory_space<hbm>>) target(%arg9 : memref<8192xf32, #tpu.memory_space<vmem>>) target_semaphore(%run_scoped3A_1631 : memref<!tpu.dma_semaphore, #tpu.memory_space<semaphore_mem>>)
      %dma_wait3A = tpu.memref_slice %arg2[%run_scoped3A_1561, %mul3A_2] : memref<4x262144xf32, #tpu.memory_space<hbm>> -> memref<1x8192xf32, #tpu.memory_space<hbm>>
      %dma_wait3A_1635 = tpu.memref_squeeze %dma_wait3A : memref<1x8192xf32, #tpu.memory_space<hbm>> -> memref<8192xf32, #tpu.memory_space<hbm>>
      %dma_wait3A_1636 = tpu.memref_slice %arg2[%run_scoped3A_1561, %mul3A_2] : memref<4x262144xf32, #tpu.memory_space<hbm>> -> memref<1x8192xf32, #tpu.memory_space<hbm>>
      %dma_wait3A_1637 = tpu.memref_squeeze %dma_wait3A_1636 : memref<1x8192xf32, #tpu.memory_space<hbm>> -> memref<8192xf32, #tpu.memory_space<hbm>>
      tpu.wait_dma2 semaphore(%run_scoped3A_1631 : memref<!tpu.dma_semaphore, #tpu.memory_space<semaphore_mem>>) src(%dma_wait3A_1637 : memref<8192xf32, #tpu.memory_space<hbm>>) dst(%arg9 : memref<8192xf32, #tpu.memory_space<vmem>>)
      tpu.yield
    }) : () -> ()
    %run_scoped3A_1562 = arith.constant 1 : i32
    %run_scoped3A_1563 = arith.constant 0 : i32
    %run_scoped3A_1564 = arith.constant 0 : i32
    "tpu.region"() ({
      %run_scoped3A_1631 = tpu.sem_alloc : memref<!tpu.dma_semaphore, #tpu.memory_space<semaphore_mem>>
      %dma_start3A = arith.constant 0 : i32
      %dma_start3A_1632 = tpu.memref_slice %arg10[%run_scoped3A_1564, %dma_start3A] : memref<4x8192xf32, #tpu.memory_space<vmem>> -> memref<1x8192xf32, #tpu.memory_space<vmem>>
      %dma_start3A_1633 = tpu.memref_squeeze %dma_start3A_1632 : memref<1x8192xf32, #tpu.memory_space<vmem>> -> memref<8192xf32, #tpu.memory_space<vmem>>
      %dma_start3A_1634 = tpu.memref_slice %arg5[%run_scoped3A_1562, %run_scoped3A_1563, %mul3A_2] : memref<4x4x262144xf32, #tpu.memory_space<hbm>> -> memref<1x1x8192xf32, #tpu.memory_space<hbm>>
      %dma_start3A_1635 = tpu.memref_squeeze %dma_start3A_1634 : memref<1x1x8192xf32, #tpu.memory_space<hbm>> -> memref<8192xf32, #tpu.memory_space<hbm>>
      %dma_start3A_1636 = arith.constant 0 : i32
      %dma_start3A_1637 = tpu.memref_slice %arg10[%run_scoped3A_1564, %dma_start3A_1636] : memref<4x8192xf32, #tpu.memory_space<vmem>> -> memref<1x8192xf32, #tpu.memory_space<vmem>>
      %dma_start3A_1638 = tpu.memref_squeeze %dma_start3A_1637 : memref<1x8192xf32, #tpu.memory_space<vmem>> -> memref<8192xf32, #tpu.memory_space<vmem>>
      %dma_start3A_1639 = tpu.memref_slice %arg5[%run_scoped3A_1562, %run_scoped3A_1563, %mul3A_2] : memref<4x4x262144xf32, #tpu.memory_space<hbm>> -> memref<1x1x8192xf32, #tpu.memory_space<hbm>>
      %dma_start3A_1640 = tpu.memref_squeeze %dma_start3A_1639 : memref<1x1x8192xf32, #tpu.memory_space<hbm>> -> memref<8192xf32, #tpu.memory_space<hbm>>
      tpu.enqueue_dma source(%dma_start3A_1640 : memref<8192xf32, #tpu.memory_space<hbm>>) target(%dma_start3A_1638 : memref<8192xf32, #tpu.memory_space<vmem>>) target_semaphore(%run_scoped3A_1631 : memref<!tpu.dma_semaphore, #tpu.memory_space<semaphore_mem>>)
      %dma_wait3A = arith.constant 0 : i32
      %dma_wait3A_1641 = tpu.memref_slice %arg10[%run_scoped3A_1564, %dma_wait3A] : memref<4x8192xf32, #tpu.memory_space<vmem>> -> memref<1x8192xf32, #tpu.memory_space<vmem>>
      %dma_wait3A_1642 = tpu.memref_squeeze %dma_wait3A_1641 : memref<1x8192xf32, #tpu.memory_space<vmem>> -> memref<8192xf32, #tpu.memory_space<vmem>>
      %dma_wait3A_1643 = tpu.memref_slice %arg5[%run_scoped3A_1562, %run_scoped3A_1563, %mul3A_2] : memref<4x4x262144xf32, #tpu.memory_space<hbm>> -> memref<1x1x8192xf32, #tpu.memory_space<hbm>>
      %dma_wait3A_1644 = tpu.memref_squeeze %dma_wait3A_1643 : memref<1x1x8192xf32, #tpu.memory_space<hbm>> -> memref<8192xf32, #tpu.memory_space<hbm>>
      %dma_wait3A_1645 = arith.constant 0 : i32
      %dma_wait3A_1646 = tpu.memref_slice %arg10[%run_scoped3A_1564, %dma_wait3A_1645] : memref<4x8192xf32, #tpu.memory_space<vmem>> -> memref<1x8192xf32, #tpu.memory_space<vmem>>
      %dma_wait3A_1647 = tpu.memref_squeeze %dma_wait3A_1646 : memref<1x8192xf32, #tpu.memory_space<vmem>> -> memref<8192xf32, #tpu.memory_space<vmem>>
      %dma_wait3A_1648 = tpu.memref_slice %arg5[%run_scoped3A_1562, %run_scoped3A_1563, %mul3A_2] : memref<4x4x262144xf32, #tpu.memory_space<hbm>> -> memref<1x1x8192xf32, #tpu.memory_space<hbm>>
      %dma_wait3A_1649 = tpu.memref_squeeze %dma_wait3A_1648 : memref<1x1x8192xf32, #tpu.memory_space<hbm>> -> memref<8192xf32, #tpu.memory_space<hbm>>
      tpu.wait_dma2 semaphore(%run_scoped3A_1631 : memref<!tpu.dma_semaphore, #tpu.memory_space<semaphore_mem>>) src(%dma_wait3A_1649 : memref<8192xf32, #tpu.memory_space<hbm>>) dst(%dma_wait3A_1647 : memref<8192xf32, #tpu.memory_space<vmem>>)
      tpu.yield
    }) : () -> ()
    %run_scoped3A_1565 = arith.constant 1 : i32
    %run_scoped3A_1566 = arith.constant 1 : i32
    %run_scoped3A_1567 = arith.constant 1 : i32
    "tpu.region"() ({
      %run_scoped3A_1631 = tpu.sem_alloc : memref<!tpu.dma_semaphore, #tpu.memory_space<semaphore_mem>>
      %dma_start3A = arith.constant 0 : i32
      %dma_start3A_1632 = tpu.memref_slice %arg10[%run_scoped3A_1567, %dma_start3A] : memref<4x8192xf32, #tpu.memory_space<vmem>> -> memref<1x8192xf32, #tpu.memory_space<vmem>>
      %dma_start3A_1633 = tpu.memref_squeeze %dma_start3A_1632 : memref<1x8192xf32, #tpu.memory_space<vmem>> -> memref<8192xf32, #tpu.memory_space<vmem>>
      %dma_start3A_1634 = tpu.memref_slice %arg5[%run_scoped3A_1565, %run_scoped3A_1566, %mul3A_2] : memref<4x4x262144xf32, #tpu.memory_space<hbm>> -> memref<1x1x8192xf32, #tpu.memory_space<hbm>>
      %dma_start3A_1635 = tpu.memref_squeeze %dma_start3A_1634 : memref<1x1x8192xf32, #tpu.memory_space<hbm>> -> memref<8192xf32, #tpu.memory_space<hbm>>
      %dma_start3A_1636 = arith.constant 0 : i32
      %dma_start3A_1637 = tpu.memref_slice %arg10[%run_scoped3A_1567, %dma_start3A_1636] : memref<4x8192xf32, #tpu.memory_space<vmem>> -> memref<1x8192xf32, #tpu.memory_space<vmem>>
      %dma_start3A_1638 = tpu.memref_squeeze %dma_start3A_1637 : memref<1x8192xf32, #tpu.memory_space<vmem>> -> memref<8192xf32, #tpu.memory_space<vmem>>
      %dma_start3A_1639 = tpu.memref_slice %arg5[%run_scoped3A_1565, %run_scoped3A_1566, %mul3A_2] : memref<4x4x262144xf32, #tpu.memory_space<hbm>> -> memref<1x1x8192xf32, #tpu.memory_space<hbm>>
      %dma_start3A_1640 = tpu.memref_squeeze %dma_start3A_1639 : memref<1x1x8192xf32, #tpu.memory_space<hbm>> -> memref<8192xf32, #tpu.memory_space<hbm>>
      tpu.enqueue_dma source(%dma_start3A_1640 : memref<8192xf32, #tpu.memory_space<hbm>>) target(%dma_start3A_1638 : memref<8192xf32, #tpu.memory_space<vmem>>) target_semaphore(%run_scoped3A_1631 : memref<!tpu.dma_semaphore, #tpu.memory_space<semaphore_mem>>)
      %dma_wait3A = arith.constant 0 : i32
      %dma_wait3A_1641 = tpu.memref_slice %arg10[%run_scoped3A_1567, %dma_wait3A] : memref<4x8192xf32, #tpu.memory_space<vmem>> -> memref<1x8192xf32, #tpu.memory_space<vmem>>
      %dma_wait3A_1642 = tpu.memref_squeeze %dma_wait3A_1641 : memref<1x8192xf32, #tpu.memory_space<vmem>> -> memref<8192xf32, #tpu.memory_space<vmem>>
      %dma_wait3A_1643 = tpu.memref_slice %arg5[%run_scoped3A_1565, %run_scoped3A_1566, %mul3A_2] : memref<4x4x262144xf32, #tpu.memory_space<hbm>> -> memref<1x1x8192xf32, #tpu.memory_space<hbm>>
      %dma_wait3A_1644 = tpu.memref_squeeze %dma_wait3A_1643 : memref<1x1x8192xf32, #tpu.memory_space<hbm>> -> memref<8192xf32, #tpu.memory_space<hbm>>
      %dma_wait3A_1645 = arith.constant 0 : i32
      %dma_wait3A_1646 = tpu.memref_slice %arg10[%run_scoped3A_1567, %dma_wait3A_1645] : memref<4x8192xf32, #tpu.memory_space<vmem>> -> memref<1x8192xf32, #tpu.memory_space<vmem>>
      %dma_wait3A_1647 = tpu.memref_squeeze %dma_wait3A_1646 : memref<1x8192xf32, #tpu.memory_space<vmem>> -> memref<8192xf32, #tpu.memory_space<vmem>>
      %dma_wait3A_1648 = tpu.memref_slice %arg5[%run_scoped3A_1565, %run_scoped3A_1566, %mul3A_2] : memref<4x4x262144xf32, #tpu.memory_space<hbm>> -> memref<1x1x8192xf32, #tpu.memory_space<hbm>>
      %dma_wait3A_1649 = tpu.memref_squeeze %dma_wait3A_1648 : memref<1x1x8192xf32, #tpu.memory_space<hbm>> -> memref<8192xf32, #tpu.memory_space<hbm>>
      tpu.wait_dma2 semaphore(%run_scoped3A_1631 : memref<!tpu.dma_semaphore, #tpu.memory_space<semaphore_mem>>) src(%dma_wait3A_1649 : memref<8192xf32, #tpu.memory_space<hbm>>) dst(%dma_wait3A_1647 : memref<8192xf32, #tpu.memory_space<vmem>>)
      tpu.yield
    }) : () -> ()
    %run_scoped3A_1568 = arith.constant 1 : i32
    %run_scoped3A_1569 = arith.constant 2 : i32
    %run_scoped3A_1570 = arith.constant 2 : i32
    "tpu.region"() ({
      %run_scoped3A_1631 = tpu.sem_alloc : memref<!tpu.dma_semaphore, #tpu.memory_space<semaphore_mem>>
      %dma_start3A = arith.constant 0 : i32
      %dma_start3A_1632 = tpu.memref_slice %arg10[%run_scoped3A_1570, %dma_start3A] : memref<4x8192xf32, #tpu.memory_space<vmem>> -> memref<1x8192xf32, #tpu.memory_space<vmem>>
      %dma_start3A_1633 = tpu.memref_squeeze %dma_start3A_1632 : memref<1x8192xf32, #tpu.memory_space<vmem>> -> memref<8192xf32, #tpu.memory_space<vmem>>
      %dma_start3A_1634 = tpu.memref_slice %arg5[%run_scoped3A_1568, %run_scoped3A_1569, %mul3A_2] : memref<4x4x262144xf32, #tpu.memory_space<hbm>> -> memref<1x1x8192xf32, #tpu.memory_space<hbm>>
      %dma_start3A_1635 = tpu.memref_squeeze %dma_start3A_1634 : memref<1x1x8192xf32, #tpu.memory_space<hbm>> -> memref<8192xf32, #tpu.memory_space<hbm>>
      %dma_start3A_1636 = arith.constant 0 : i32
      %dma_start3A_1637 = tpu.memref_slice %arg10[%run_scoped3A_1570, %dma_start3A_1636] : memref<4x8192xf32, #tpu.memory_space<vmem>> -> memref<1x8192xf32, #tpu.memory_space<vmem>>
      %dma_start3A_1638 = tpu.memref_squeeze %dma_start3A_1637 : memref<1x8192xf32, #tpu.memory_space<vmem>> -> memref<8192xf32, #tpu.memory_space<vmem>>
      %dma_start3A_1639 = tpu.memref_slice %arg5[%run_scoped3A_1568, %run_scoped3A_1569, %mul3A_2] : memref<4x4x262144xf32, #tpu.memory_space<hbm>> -> memref<1x1x8192xf32, #tpu.memory_space<hbm>>
      %dma_start3A_1640 = tpu.memref_squeeze %dma_start3A_1639 : memref<1x1x8192xf32, #tpu.memory_space<hbm>> -> memref<8192xf32, #tpu.memory_space<hbm>>
      tpu.enqueue_dma source(%dma_start3A_1640 : memref<8192xf32, #tpu.memory_space<hbm>>) target(%dma_start3A_1638 : memref<8192xf32, #tpu.memory_space<vmem>>) target_semaphore(%run_scoped3A_1631 : memref<!tpu.dma_semaphore, #tpu.memory_space<semaphore_mem>>)
      %dma_wait3A = arith.constant 0 : i32
      %dma_wait3A_1641 = tpu.memref_slice %arg10[%run_scoped3A_1570, %dma_wait3A] : memref<4x8192xf32, #tpu.memory_space<vmem>> -> memref<1x8192xf32, #tpu.memory_space<vmem>>
      %dma_wait3A_1642 = tpu.memref_squeeze %dma_wait3A_1641 : memref<1x8192xf32, #tpu.memory_space<vmem>> -> memref<8192xf32, #tpu.memory_space<vmem>>
      %dma_wait3A_1643 = tpu.memref_slice %arg5[%run_scoped3A_1568, %run_scoped3A_1569, %mul3A_2] : memref<4x4x262144xf32, #tpu.memory_space<hbm>> -> memref<1x1x8192xf32, #tpu.memory_space<hbm>>
      %dma_wait3A_1644 = tpu.memref_squeeze %dma_wait3A_1643 : memref<1x1x8192xf32, #tpu.memory_space<hbm>> -> memref<8192xf32, #tpu.memory_space<hbm>>
      %dma_wait3A_1645 = arith.constant 0 : i32
      %dma_wait3A_1646 = tpu.memref_slice %arg10[%run_scoped3A_1570, %dma_wait3A_1645] : memref<4x8192xf32, #tpu.memory_space<vmem>> -> memref<1x8192xf32, #tpu.memory_space<vmem>>
      %dma_wait3A_1647 = tpu.memref_squeeze %dma_wait3A_1646 : memref<1x8192xf32, #tpu.memory_space<vmem>> -> memref<8192xf32, #tpu.memory_space<vmem>>
      %dma_wait3A_1648 = tpu.memref_slice %arg5[%run_scoped3A_1568, %run_scoped3A_1569, %mul3A_2] : memref<4x4x262144xf32, #tpu.memory_space<hbm>> -> memref<1x1x8192xf32, #tpu.memory_space<hbm>>
      %dma_wait3A_1649 = tpu.memref_squeeze %dma_wait3A_1648 : memref<1x1x8192xf32, #tpu.memory_space<hbm>> -> memref<8192xf32, #tpu.memory_space<hbm>>
      tpu.wait_dma2 semaphore(%run_scoped3A_1631 : memref<!tpu.dma_semaphore, #tpu.memory_space<semaphore_mem>>) src(%dma_wait3A_1649 : memref<8192xf32, #tpu.memory_space<hbm>>) dst(%dma_wait3A_1647 : memref<8192xf32, #tpu.memory_space<vmem>>)
      tpu.yield
    }) : () -> ()
    %run_scoped3A_1571 = arith.constant 1 : i32
    %run_scoped3A_1572 = arith.constant 3 : i32
    %run_scoped3A_1573 = arith.constant 3 : i32
    "tpu.region"() ({
      %run_scoped3A_1631 = tpu.sem_alloc : memref<!tpu.dma_semaphore, #tpu.memory_space<semaphore_mem>>
      %dma_start3A = arith.constant 0 : i32
      %dma_start3A_1632 = tpu.memref_slice %arg10[%run_scoped3A_1573, %dma_start3A] : memref<4x8192xf32, #tpu.memory_space<vmem>> -> memref<1x8192xf32, #tpu.memory_space<vmem>>
      %dma_start3A_1633 = tpu.memref_squeeze %dma_start3A_1632 : memref<1x8192xf32, #tpu.memory_space<vmem>> -> memref<8192xf32, #tpu.memory_space<vmem>>
      %dma_start3A_1634 = tpu.memref_slice %arg5[%run_scoped3A_1571, %run_scoped3A_1572, %mul3A_2] : memref<4x4x262144xf32, #tpu.memory_space<hbm>> -> memref<1x1x8192xf32, #tpu.memory_space<hbm>>
      %dma_start3A_1635 = tpu.memref_squeeze %dma_start3A_1634 : memref<1x1x8192xf32, #tpu.memory_space<hbm>> -> memref<8192xf32, #tpu.memory_space<hbm>>
      %dma_start3A_1636 = arith.constant 0 : i32
      %dma_start3A_1637 = tpu.memref_slice %arg10[%run_scoped3A_1573, %dma_start3A_1636] : memref<4x8192xf32, #tpu.memory_space<vmem>> -> memref<1x8192xf32, #tpu.memory_space<vmem>>
      %dma_start3A_1638 = tpu.memref_squeeze %dma_start3A_1637 : memref<1x8192xf32, #tpu.memory_space<vmem>> -> memref<8192xf32, #tpu.memory_space<vmem>>
      %dma_start3A_1639 = tpu.memref_slice %arg5[%run_scoped3A_1571, %run_scoped3A_1572, %mul3A_2] : memref<4x4x262144xf32, #tpu.memory_space<hbm>> -> memref<1x1x8192xf32, #tpu.memory_space<hbm>>
      %dma_start3A_1640 = tpu.memref_squeeze %dma_start3A_1639 : memref<1x1x8192xf32, #tpu.memory_space<hbm>> -> memref<8192xf32, #tpu.memory_space<hbm>>
      tpu.enqueue_dma source(%dma_start3A_1640 : memref<8192xf32, #tpu.memory_space<hbm>>) target(%dma_start3A_1638 : memref<8192xf32, #tpu.memory_space<vmem>>) target_semaphore(%run_scoped3A_1631 : memref<!tpu.dma_semaphore, #tpu.memory_space<semaphore_mem>>)
      %dma_wait3A = arith.constant 0 : i32
      %dma_wait3A_1641 = tpu.memref_slice %arg10[%run_scoped3A_1573, %dma_wait3A] : memref<4x8192xf32, #tpu.memory_space<vmem>> -> memref<1x8192xf32, #tpu.memory_space<vmem>>
      %dma_wait3A_1642 = tpu.memref_squeeze %dma_wait3A_1641 : memref<1x8192xf32, #tpu.memory_space<vmem>> -> memref<8192xf32, #tpu.memory_space<vmem>>
      %dma_wait3A_1643 = tpu.memref_slice %arg5[%run_scoped3A_1571, %run_scoped3A_1572, %mul3A_2] : memref<4x4x262144xf32, #tpu.memory_space<hbm>> -> memref<1x1x8192xf32, #tpu.memory_space<hbm>>
      %dma_wait3A_1644 = tpu.memref_squeeze %dma_wait3A_1643 : memref<1x1x8192xf32, #tpu.memory_space<hbm>> -> memref<8192xf32, #tpu.memory_space<hbm>>
      %dma_wait3A_1645 = arith.constant 0 : i32
      %dma_wait3A_1646 = tpu.memref_slice %arg10[%run_scoped3A_1573, %dma_wait3A_1645] : memref<4x8192xf32, #tpu.memory_space<vmem>> -> memref<1x8192xf32, #tpu.memory_space<vmem>>
      %dma_wait3A_1647 = tpu.memref_squeeze %dma_wait3A_1646 : memref<1x8192xf32, #tpu.memory_space<vmem>> -> memref<8192xf32, #tpu.memory_space<vmem>>
      %dma_wait3A_1648 = tpu.memref_slice %arg5[%run_scoped3A_1571, %run_scoped3A_1572, %mul3A_2] : memref<4x4x262144xf32, #tpu.memory_space<hbm>> -> memref<1x1x8192xf32, #tpu.memory_space<hbm>>
      %dma_wait3A_1649 = tpu.memref_squeeze %dma_wait3A_1648 : memref<1x1x8192xf32, #tpu.memory_space<hbm>> -> memref<8192xf32, #tpu.memory_space<hbm>>
      tpu.wait_dma2 semaphore(%run_scoped3A_1631 : memref<!tpu.dma_semaphore, #tpu.memory_space<semaphore_mem>>) src(%dma_wait3A_1649 : memref<8192xf32, #tpu.memory_space<hbm>>) dst(%dma_wait3A_1647 : memref<8192xf32, #tpu.memory_space<vmem>>)
      tpu.yield
    }) : () -> ()
    %broadcast_in_dim3A_1574 = arith.constant 1 : i32
    %broadcast_in_dim3A_1575 = vector.broadcast %broadcast_in_dim3A_1574 : i32 to vector<16xi32>
    %scan3A_1576 = arith.constant 0 : i32
    %scan3A_1577 = arith.constant 0 : i32
    %scan3A_1578 = arith.constant 512 : i32
    %scan3A_1579 = arith.addi %scan3A_1577, %scan3A_1578 : i32
    %scan3A_1580 = arith.constant 1 : i32
    %scan3A_1581 = scf.for %scan3A_1631 = %scan3A_1577 to %scan3A_1579 step %scan3A_1580 iter_args(%scan3A_1632 = %scan3A_1576) -> (i32)  : i32 {
      %mul3A_1633 = arith.constant 16 : i32
      %mul3A_1634 = arith.muli %scan3A_1631, %mul3A_1633 : i32
      %get3A = arith.index_cast %mul3A_1634 : i32 to index
      %get3A_1635 = tpu.vector_load %arg7[%get3A] {strides = array<i32>} : memref<8192xi32, #tpu.memory_space<vmem>>, vector<16xi32>,
      %get3A_1636 = arith.index_cast %mul3A_1634 : i32 to index
      %get3A_1637 = tpu.vector_load %arg8[%get3A_1636] {strides = array<i32>} : memref<8192xi32, #tpu.memory_space<vmem>>, vector<16xi32>,
      %get3A_1638 = arith.index_cast %mul3A_1634 : i32 to index
      %get3A_1639 = tpu.vector_load %arg9[%get3A_1638] {strides = array<i32>} : memref<8192xf32, #tpu.memory_space<vmem>>, vector<16xf32>,
      tpu.vector_store_idx %arg11[%broadcast_in_dim3A_1575, %get3A_1635, %iota3A], %get3A_1639 {add = true} : memref<4x48x16xf32, #tpu.memory_space<vmem>>[vector<16xi32>, vector<16xi32>, vector<16xi32>], vector<16xf32>,
      %get3A_1640 = arith.constant 0 : i32
      %get3A_1641 = arith.index_cast %get3A_1640 : i32 to index
      %get3A_1642 = arith.index_cast %mul3A_1634 : i32 to index
      %get3A_1643 = tpu.vector_load %arg10[%get3A_1641, %get3A_1642] {strides = array<i32>} : memref<4x8192xf32, #tpu.memory_space<vmem>>, vector<16xf32>,
      %add3A_1644 = arith.constant 8 : i32
      %add3A_1645 = vector.broadcast %add3A_1644 : i32 to vector<16xi32>
      %add3A_1646 = arith.addi %get3A_1635, %add3A_1645 : vector<16xi32>
      tpu.vector_store_idx %arg11[%broadcast_in_dim3A_1575, %add3A_1646, %iota3A], %get3A_1643 {add = true} : memref<4x48x16xf32, #tpu.memory_space<vmem>>[vector<16xi32>, vector<16xi32>, vector<16xi32>], vector<16xf32>,
      %get3A_1647 = arith.constant 1 : i32
      %get3A_1648 = arith.index_cast %get3A_1647 : i32 to index
      %get3A_1649 = arith.index_cast %mul3A_1634 : i32 to index
      %get3A_1650 = tpu.vector_load %arg10[%get3A_1648, %get3A_1649] {strides = array<i32>} : memref<4x8192xf32, #tpu.memory_space<vmem>>, vector<16xf32>,
      %add3A_1651 = arith.constant 16 : i32
      %add3A_1652 = vector.broadcast %add3A_1651 : i32 to vector<16xi32>
      %add3A_1653 = arith.addi %get3A_1635, %add3A_1652 : vector<16xi32>
      tpu.vector_store_idx %arg11[%broadcast_in_dim3A_1575, %add3A_1653, %iota3A], %get3A_1650 {add = true} : memref<4x48x16xf32, #tpu.memory_space<vmem>>[vector<16xi32>, vector<16xi32>, vector<16xi32>], vector<16xf32>,
      %get3A_1654 = arith.constant 2 : i32
      %get3A_1655 = arith.index_cast %get3A_1654 : i32 to index
      %get3A_1656 = arith.index_cast %mul3A_1634 : i32 to index
      %get3A_1657 = tpu.vector_load %arg10[%get3A_1655, %get3A_1656] {strides = array<i32>} : memref<4x8192xf32, #tpu.memory_space<vmem>>, vector<16xf32>,
      %add3A_1658 = arith.constant 24 : i32
      %add3A_1659 = vector.broadcast %add3A_1658 : i32 to vector<16xi32>
      %add3A_1660 = arith.addi %get3A_1635, %add3A_1659 : vector<16xi32>
      tpu.vector_store_idx %arg11[%broadcast_in_dim3A_1575, %add3A_1660, %iota3A], %get3A_1657 {add = true} : memref<4x48x16xf32, #tpu.memory_space<vmem>>[vector<16xi32>, vector<16xi32>, vector<16xi32>], vector<16xf32>,
      %get3A_1661 = arith.constant 3 : i32
      %get3A_1662 = arith.index_cast %get3A_1661 : i32 to index
      %get3A_1663 = arith.index_cast %mul3A_1634 : i32 to index
      %get3A_1664 = tpu.vector_load %arg10[%get3A_1662, %get3A_1663] {strides = array<i32>} : memref<4x8192xf32, #tpu.memory_space<vmem>>, vector<16xf32>,
      %add3A_1665 = arith.constant 32 : i32
      %add3A_1666 = vector.broadcast %add3A_1665 : i32 to vector<16xi32>
      %add3A_1667 = arith.addi %get3A_1635, %add3A_1666 : vector<16xi32>
      tpu.vector_store_idx %arg11[%broadcast_in_dim3A_1575, %add3A_1667, %iota3A], %get3A_1664 {add = true} : memref<4x48x16xf32, #tpu.memory_space<vmem>>[vector<16xi32>, vector<16xi32>, vector<16xi32>], vector<16xf32>,
      %add3A_1668 = arith.constant 40 : i32
      %add3A_1669 = vector.broadcast %add3A_1668 : i32 to vector<16xi32>
      %add3A_1670 = arith.addi %get3A_1637, %add3A_1669 : vector<16xi32>
      tpu.vector_store_idx %arg11[%broadcast_in_dim3A_1575, %add3A_1670, %iota3A], %get3A_1639 {add = true} : memref<4x48x16xf32, #tpu.memory_space<vmem>>[vector<16xi32>, vector<16xi32>, vector<16xi32>], vector<16xf32>,
      %scan3A_1671 = arith.constant 0 : i32
      scf.yield %scan3A_1671 : i32
    }
    %scan3A_1582 = arith.constant 512 : i32
    %run_scoped3A_1583 = arith.constant 2 : i32
    "tpu.region"() ({
      %run_scoped3A_1631 = tpu.sem_alloc : memref<!tpu.dma_semaphore, #tpu.memory_space<semaphore_mem>>
      %dma_start3A = tpu.memref_slice %arg3[%run_scoped3A_1583, %mul3A_2] : memref<4x262144xi32, #tpu.memory_space<hbm>> -> memref<1x8192xi32, #tpu.memory_space<hbm>>
      %dma_start3A_1632 = tpu.memref_squeeze %dma_start3A : memref<1x8192xi32, #tpu.memory_space<hbm>> -> memref<8192xi32, #tpu.memory_space<hbm>>
      %dma_start3A_1633 = tpu.memref_slice %arg3[%run_scoped3A_1583, %mul3A_2] : memref<4x262144xi32, #tpu.memory_space<hbm>> -> memref<1x8192xi32, #tpu.memory_space<hbm>>
      %dma_start3A_1634 = tpu.memref_squeeze %dma_start3A_1633 : memref<1x8192xi32, #tpu.memory_space<hbm>> -> memref<8192xi32, #tpu.memory_space<hbm>>
      tpu.enqueue_dma source(%dma_start3A_1634 : memref<8192xi32, #tpu.memory_space<hbm>>) target(%arg7 : memref<8192xi32, #tpu.memory_space<vmem>>) target_semaphore(%run_scoped3A_1631 : memref<!tpu.dma_semaphore, #tpu.memory_space<semaphore_mem>>)
      %dma_wait3A = tpu.memref_slice %arg3[%run_scoped3A_1583, %mul3A_2] : memref<4x262144xi32, #tpu.memory_space<hbm>> -> memref<1x8192xi32, #tpu.memory_space<hbm>>
      %dma_wait3A_1635 = tpu.memref_squeeze %dma_wait3A : memref<1x8192xi32, #tpu.memory_space<hbm>> -> memref<8192xi32, #tpu.memory_space<hbm>>
      %dma_wait3A_1636 = tpu.memref_slice %arg3[%run_scoped3A_1583, %mul3A_2] : memref<4x262144xi32, #tpu.memory_space<hbm>> -> memref<1x8192xi32, #tpu.memory_space<hbm>>
      %dma_wait3A_1637 = tpu.memref_squeeze %dma_wait3A_1636 : memref<1x8192xi32, #tpu.memory_space<hbm>> -> memref<8192xi32, #tpu.memory_space<hbm>>
      tpu.wait_dma2 semaphore(%run_scoped3A_1631 : memref<!tpu.dma_semaphore, #tpu.memory_space<semaphore_mem>>) src(%dma_wait3A_1637 : memref<8192xi32, #tpu.memory_space<hbm>>) dst(%arg7 : memref<8192xi32, #tpu.memory_space<vmem>>)
      tpu.yield
    }) : () -> ()
    %run_scoped3A_1584 = arith.constant 2 : i32
    "tpu.region"() ({
      %run_scoped3A_1631 = tpu.sem_alloc : memref<!tpu.dma_semaphore, #tpu.memory_space<semaphore_mem>>
      %dma_start3A = tpu.memref_slice %arg4[%run_scoped3A_1584, %mul3A_2] : memref<4x262144xi32, #tpu.memory_space<hbm>> -> memref<1x8192xi32, #tpu.memory_space<hbm>>
      %dma_start3A_1632 = tpu.memref_squeeze %dma_start3A : memref<1x8192xi32, #tpu.memory_space<hbm>> -> memref<8192xi32, #tpu.memory_space<hbm>>
      %dma_start3A_1633 = tpu.memref_slice %arg4[%run_scoped3A_1584, %mul3A_2] : memref<4x262144xi32, #tpu.memory_space<hbm>> -> memref<1x8192xi32, #tpu.memory_space<hbm>>
      %dma_start3A_1634 = tpu.memref_squeeze %dma_start3A_1633 : memref<1x8192xi32, #tpu.memory_space<hbm>> -> memref<8192xi32, #tpu.memory_space<hbm>>
      tpu.enqueue_dma source(%dma_start3A_1634 : memref<8192xi32, #tpu.memory_space<hbm>>) target(%arg8 : memref<8192xi32, #tpu.memory_space<vmem>>) target_semaphore(%run_scoped3A_1631 : memref<!tpu.dma_semaphore, #tpu.memory_space<semaphore_mem>>)
      %dma_wait3A = tpu.memref_slice %arg4[%run_scoped3A_1584, %mul3A_2] : memref<4x262144xi32, #tpu.memory_space<hbm>> -> memref<1x8192xi32, #tpu.memory_space<hbm>>
      %dma_wait3A_1635 = tpu.memref_squeeze %dma_wait3A : memref<1x8192xi32, #tpu.memory_space<hbm>> -> memref<8192xi32, #tpu.memory_space<hbm>>
      %dma_wait3A_1636 = tpu.memref_slice %arg4[%run_scoped3A_1584, %mul3A_2] : memref<4x262144xi32, #tpu.memory_space<hbm>> -> memref<1x8192xi32, #tpu.memory_space<hbm>>
      %dma_wait3A_1637 = tpu.memref_squeeze %dma_wait3A_1636 : memref<1x8192xi32, #tpu.memory_space<hbm>> -> memref<8192xi32, #tpu.memory_space<hbm>>
      tpu.wait_dma2 semaphore(%run_scoped3A_1631 : memref<!tpu.dma_semaphore, #tpu.memory_space<semaphore_mem>>) src(%dma_wait3A_1637 : memref<8192xi32, #tpu.memory_space<hbm>>) dst(%arg8 : memref<8192xi32, #tpu.memory_space<vmem>>)
      tpu.yield
    }) : () -> ()
    %run_scoped3A_1585 = arith.constant 2 : i32
    "tpu.region"() ({
      %run_scoped3A_1631 = tpu.sem_alloc : memref<!tpu.dma_semaphore, #tpu.memory_space<semaphore_mem>>
      %dma_start3A = tpu.memref_slice %arg2[%run_scoped3A_1585, %mul3A_2] : memref<4x262144xf32, #tpu.memory_space<hbm>> -> memref<1x8192xf32, #tpu.memory_space<hbm>>
      %dma_start3A_1632 = tpu.memref_squeeze %dma_start3A : memref<1x8192xf32, #tpu.memory_space<hbm>> -> memref<8192xf32, #tpu.memory_space<hbm>>
      %dma_start3A_1633 = tpu.memref_slice %arg2[%run_scoped3A_1585, %mul3A_2] : memref<4x262144xf32, #tpu.memory_space<hbm>> -> memref<1x8192xf32, #tpu.memory_space<hbm>>
      %dma_start3A_1634 = tpu.memref_squeeze %dma_start3A_1633 : memref<1x8192xf32, #tpu.memory_space<hbm>> -> memref<8192xf32, #tpu.memory_space<hbm>>
      tpu.enqueue_dma source(%dma_start3A_1634 : memref<8192xf32, #tpu.memory_space<hbm>>) target(%arg9 : memref<8192xf32, #tpu.memory_space<vmem>>) target_semaphore(%run_scoped3A_1631 : memref<!tpu.dma_semaphore, #tpu.memory_space<semaphore_mem>>)
      %dma_wait3A = tpu.memref_slice %arg2[%run_scoped3A_1585, %mul3A_2] : memref<4x262144xf32, #tpu.memory_space<hbm>> -> memref<1x8192xf32, #tpu.memory_space<hbm>>
      %dma_wait3A_1635 = tpu.memref_squeeze %dma_wait3A : memref<1x8192xf32, #tpu.memory_space<hbm>> -> memref<8192xf32, #tpu.memory_space<hbm>>
      %dma_wait3A_1636 = tpu.memref_slice %arg2[%run_scoped3A_1585, %mul3A_2] : memref<4x262144xf32, #tpu.memory_space<hbm>> -> memref<1x8192xf32, #tpu.memory_space<hbm>>
      %dma_wait3A_1637 = tpu.memref_squeeze %dma_wait3A_1636 : memref<1x8192xf32, #tpu.memory_space<hbm>> -> memref<8192xf32, #tpu.memory_space<hbm>>
      tpu.wait_dma2 semaphore(%run_scoped3A_1631 : memref<!tpu.dma_semaphore, #tpu.memory_space<semaphore_mem>>) src(%dma_wait3A_1637 : memref<8192xf32, #tpu.memory_space<hbm>>) dst(%arg9 : memref<8192xf32, #tpu.memory_space<vmem>>)
      tpu.yield
    }) : () -> ()
    %run_scoped3A_1586 = arith.constant 2 : i32
    %run_scoped3A_1587 = arith.constant 0 : i32
    %run_scoped3A_1588 = arith.constant 0 : i32
    "tpu.region"() ({
      %run_scoped3A_1631 = tpu.sem_alloc : memref<!tpu.dma_semaphore, #tpu.memory_space<semaphore_mem>>
      %dma_start3A = arith.constant 0 : i32
      %dma_start3A_1632 = tpu.memref_slice %arg10[%run_scoped3A_1588, %dma_start3A] : memref<4x8192xf32, #tpu.memory_space<vmem>> -> memref<1x8192xf32, #tpu.memory_space<vmem>>
      %dma_start3A_1633 = tpu.memref_squeeze %dma_start3A_1632 : memref<1x8192xf32, #tpu.memory_space<vmem>> -> memref<8192xf32, #tpu.memory_space<vmem>>
      %dma_start3A_1634 = tpu.memref_slice %arg5[%run_scoped3A_1586, %run_scoped3A_1587, %mul3A_2] : memref<4x4x262144xf32, #tpu.memory_space<hbm>> -> memref<1x1x8192xf32, #tpu.memory_space<hbm>>
      %dma_start3A_1635 = tpu.memref_squeeze %dma_start3A_1634 : memref<1x1x8192xf32, #tpu.memory_space<hbm>> -> memref<8192xf32, #tpu.memory_space<hbm>>
      %dma_start3A_1636 = arith.constant 0 : i32
      %dma_start3A_1637 = tpu.memref_slice %arg10[%run_scoped3A_1588, %dma_start3A_1636] : memref<4x8192xf32, #tpu.memory_space<vmem>> -> memref<1x8192xf32, #tpu.memory_space<vmem>>
      %dma_start3A_1638 = tpu.memref_squeeze %dma_start3A_1637 : memref<1x8192xf32, #tpu.memory_space<vmem>> -> memref<8192xf32, #tpu.memory_space<vmem>>
      %dma_start3A_1639 = tpu.memref_slice %arg5[%run_scoped3A_1586, %run_scoped3A_1587, %mul3A_2] : memref<4x4x262144xf32, #tpu.memory_space<hbm>> -> memref<1x1x8192xf32, #tpu.memory_space<hbm>>
      %dma_start3A_1640 = tpu.memref_squeeze %dma_start3A_1639 : memref<1x1x8192xf32, #tpu.memory_space<hbm>> -> memref<8192xf32, #tpu.memory_space<hbm>>
      tpu.enqueue_dma source(%dma_start3A_1640 : memref<8192xf32, #tpu.memory_space<hbm>>) target(%dma_start3A_1638 : memref<8192xf32, #tpu.memory_space<vmem>>) target_semaphore(%run_scoped3A_1631 : memref<!tpu.dma_semaphore, #tpu.memory_space<semaphore_mem>>)
      %dma_wait3A = arith.constant 0 : i32
      %dma_wait3A_1641 = tpu.memref_slice %arg10[%run_scoped3A_1588, %dma_wait3A] : memref<4x8192xf32, #tpu.memory_space<vmem>> -> memref<1x8192xf32, #tpu.memory_space<vmem>>
      %dma_wait3A_1642 = tpu.memref_squeeze %dma_wait3A_1641 : memref<1x8192xf32, #tpu.memory_space<vmem>> -> memref<8192xf32, #tpu.memory_space<vmem>>
      %dma_wait3A_1643 = tpu.memref_slice %arg5[%run_scoped3A_1586, %run_scoped3A_1587, %mul3A_2] : memref<4x4x262144xf32, #tpu.memory_space<hbm>> -> memref<1x1x8192xf32, #tpu.memory_space<hbm>>
      %dma_wait3A_1644 = tpu.memref_squeeze %dma_wait3A_1643 : memref<1x1x8192xf32, #tpu.memory_space<hbm>> -> memref<8192xf32, #tpu.memory_space<hbm>>
      %dma_wait3A_1645 = arith.constant 0 : i32
      %dma_wait3A_1646 = tpu.memref_slice %arg10[%run_scoped3A_1588, %dma_wait3A_1645] : memref<4x8192xf32, #tpu.memory_space<vmem>> -> memref<1x8192xf32, #tpu.memory_space<vmem>>
      %dma_wait3A_1647 = tpu.memref_squeeze %dma_wait3A_1646 : memref<1x8192xf32, #tpu.memory_space<vmem>> -> memref<8192xf32, #tpu.memory_space<vmem>>
      %dma_wait3A_1648 = tpu.memref_slice %arg5[%run_scoped3A_1586, %run_scoped3A_1587, %mul3A_2] : memref<4x4x262144xf32, #tpu.memory_space<hbm>> -> memref<1x1x8192xf32, #tpu.memory_space<hbm>>
      %dma_wait3A_1649 = tpu.memref_squeeze %dma_wait3A_1648 : memref<1x1x8192xf32, #tpu.memory_space<hbm>> -> memref<8192xf32, #tpu.memory_space<hbm>>
      tpu.wait_dma2 semaphore(%run_scoped3A_1631 : memref<!tpu.dma_semaphore, #tpu.memory_space<semaphore_mem>>) src(%dma_wait3A_1649 : memref<8192xf32, #tpu.memory_space<hbm>>) dst(%dma_wait3A_1647 : memref<8192xf32, #tpu.memory_space<vmem>>)
      tpu.yield
    }) : () -> ()
    %run_scoped3A_1589 = arith.constant 2 : i32
    %run_scoped3A_1590 = arith.constant 1 : i32
    %run_scoped3A_1591 = arith.constant 1 : i32
    "tpu.region"() ({
      %run_scoped3A_1631 = tpu.sem_alloc : memref<!tpu.dma_semaphore, #tpu.memory_space<semaphore_mem>>
      %dma_start3A = arith.constant 0 : i32
      %dma_start3A_1632 = tpu.memref_slice %arg10[%run_scoped3A_1591, %dma_start3A] : memref<4x8192xf32, #tpu.memory_space<vmem>> -> memref<1x8192xf32, #tpu.memory_space<vmem>>
      %dma_start3A_1633 = tpu.memref_squeeze %dma_start3A_1632 : memref<1x8192xf32, #tpu.memory_space<vmem>> -> memref<8192xf32, #tpu.memory_space<vmem>>
      %dma_start3A_1634 = tpu.memref_slice %arg5[%run_scoped3A_1589, %run_scoped3A_1590, %mul3A_2] : memref<4x4x262144xf32, #tpu.memory_space<hbm>> -> memref<1x1x8192xf32, #tpu.memory_space<hbm>>
      %dma_start3A_1635 = tpu.memref_squeeze %dma_start3A_1634 : memref<1x1x8192xf32, #tpu.memory_space<hbm>> -> memref<8192xf32, #tpu.memory_space<hbm>>
      %dma_start3A_1636 = arith.constant 0 : i32
      %dma_start3A_1637 = tpu.memref_slice %arg10[%run_scoped3A_1591, %dma_start3A_1636] : memref<4x8192xf32, #tpu.memory_space<vmem>> -> memref<1x8192xf32, #tpu.memory_space<vmem>>
      %dma_start3A_1638 = tpu.memref_squeeze %dma_start3A_1637 : memref<1x8192xf32, #tpu.memory_space<vmem>> -> memref<8192xf32, #tpu.memory_space<vmem>>
      %dma_start3A_1639 = tpu.memref_slice %arg5[%run_scoped3A_1589, %run_scoped3A_1590, %mul3A_2] : memref<4x4x262144xf32, #tpu.memory_space<hbm>> -> memref<1x1x8192xf32, #tpu.memory_space<hbm>>
      %dma_start3A_1640 = tpu.memref_squeeze %dma_start3A_1639 : memref<1x1x8192xf32, #tpu.memory_space<hbm>> -> memref<8192xf32, #tpu.memory_space<hbm>>
      tpu.enqueue_dma source(%dma_start3A_1640 : memref<8192xf32, #tpu.memory_space<hbm>>) target(%dma_start3A_1638 : memref<8192xf32, #tpu.memory_space<vmem>>) target_semaphore(%run_scoped3A_1631 : memref<!tpu.dma_semaphore, #tpu.memory_space<semaphore_mem>>)
      %dma_wait3A = arith.constant 0 : i32
      %dma_wait3A_1641 = tpu.memref_slice %arg10[%run_scoped3A_1591, %dma_wait3A] : memref<4x8192xf32, #tpu.memory_space<vmem>> -> memref<1x8192xf32, #tpu.memory_space<vmem>>
      %dma_wait3A_1642 = tpu.memref_squeeze %dma_wait3A_1641 : memref<1x8192xf32, #tpu.memory_space<vmem>> -> memref<8192xf32, #tpu.memory_space<vmem>>
      %dma_wait3A_1643 = tpu.memref_slice %arg5[%run_scoped3A_1589, %run_scoped3A_1590, %mul3A_2] : memref<4x4x262144xf32, #tpu.memory_space<hbm>> -> memref<1x1x8192xf32, #tpu.memory_space<hbm>>
      %dma_wait3A_1644 = tpu.memref_squeeze %dma_wait3A_1643 : memref<1x1x8192xf32, #tpu.memory_space<hbm>> -> memref<8192xf32, #tpu.memory_space<hbm>>
      %dma_wait3A_1645 = arith.constant 0 : i32
      %dma_wait3A_1646 = tpu.memref_slice %arg10[%run_scoped3A_1591, %dma_wait3A_1645] : memref<4x8192xf32, #tpu.memory_space<vmem>> -> memref<1x8192xf32, #tpu.memory_space<vmem>>
      %dma_wait3A_1647 = tpu.memref_squeeze %dma_wait3A_1646 : memref<1x8192xf32, #tpu.memory_space<vmem>> -> memref<8192xf32, #tpu.memory_space<vmem>>
      %dma_wait3A_1648 = tpu.memref_slice %arg5[%run_scoped3A_1589, %run_scoped3A_1590, %mul3A_2] : memref<4x4x262144xf32, #tpu.memory_space<hbm>> -> memref<1x1x8192xf32, #tpu.memory_space<hbm>>
      %dma_wait3A_1649 = tpu.memref_squeeze %dma_wait3A_1648 : memref<1x1x8192xf32, #tpu.memory_space<hbm>> -> memref<8192xf32, #tpu.memory_space<hbm>>
      tpu.wait_dma2 semaphore(%run_scoped3A_1631 : memref<!tpu.dma_semaphore, #tpu.memory_space<semaphore_mem>>) src(%dma_wait3A_1649 : memref<8192xf32, #tpu.memory_space<hbm>>) dst(%dma_wait3A_1647 : memref<8192xf32, #tpu.memory_space<vmem>>)
      tpu.yield
    }) : () -> ()
    %run_scoped3A_1592 = arith.constant 2 : i32
    %run_scoped3A_1593 = arith.constant 2 : i32
    %run_scoped3A_1594 = arith.constant 2 : i32
    "tpu.region"() ({
      %run_scoped3A_1631 = tpu.sem_alloc : memref<!tpu.dma_semaphore, #tpu.memory_space<semaphore_mem>>
      %dma_start3A = arith.constant 0 : i32
      %dma_start3A_1632 = tpu.memref_slice %arg10[%run_scoped3A_1594, %dma_start3A] : memref<4x8192xf32, #tpu.memory_space<vmem>> -> memref<1x8192xf32, #tpu.memory_space<vmem>>
      %dma_start3A_1633 = tpu.memref_squeeze %dma_start3A_1632 : memref<1x8192xf32, #tpu.memory_space<vmem>> -> memref<8192xf32, #tpu.memory_space<vmem>>
      %dma_start3A_1634 = tpu.memref_slice %arg5[%run_scoped3A_1592, %run_scoped3A_1593, %mul3A_2] : memref<4x4x262144xf32, #tpu.memory_space<hbm>> -> memref<1x1x8192xf32, #tpu.memory_space<hbm>>
      %dma_start3A_1635 = tpu.memref_squeeze %dma_start3A_1634 : memref<1x1x8192xf32, #tpu.memory_space<hbm>> -> memref<8192xf32, #tpu.memory_space<hbm>>
      %dma_start3A_1636 = arith.constant 0 : i32
      %dma_start3A_1637 = tpu.memref_slice %arg10[%run_scoped3A_1594, %dma_start3A_1636] : memref<4x8192xf32, #tpu.memory_space<vmem>> -> memref<1x8192xf32, #tpu.memory_space<vmem>>
      %dma_start3A_1638 = tpu.memref_squeeze %dma_start3A_1637 : memref<1x8192xf32, #tpu.memory_space<vmem>> -> memref<8192xf32, #tpu.memory_space<vmem>>
      %dma_start3A_1639 = tpu.memref_slice %arg5[%run_scoped3A_1592, %run_scoped3A_1593, %mul3A_2] : memref<4x4x262144xf32, #tpu.memory_space<hbm>> -> memref<1x1x8192xf32, #tpu.memory_space<hbm>>
      %dma_start3A_1640 = tpu.memref_squeeze %dma_start3A_1639 : memref<1x1x8192xf32, #tpu.memory_space<hbm>> -> memref<8192xf32, #tpu.memory_space<hbm>>
      tpu.enqueue_dma source(%dma_start3A_1640 : memref<8192xf32, #tpu.memory_space<hbm>>) target(%dma_start3A_1638 : memref<8192xf32, #tpu.memory_space<vmem>>) target_semaphore(%run_scoped3A_1631 : memref<!tpu.dma_semaphore, #tpu.memory_space<semaphore_mem>>)
      %dma_wait3A = arith.constant 0 : i32
      %dma_wait3A_1641 = tpu.memref_slice %arg10[%run_scoped3A_1594, %dma_wait3A] : memref<4x8192xf32, #tpu.memory_space<vmem>> -> memref<1x8192xf32, #tpu.memory_space<vmem>>
      %dma_wait3A_1642 = tpu.memref_squeeze %dma_wait3A_1641 : memref<1x8192xf32, #tpu.memory_space<vmem>> -> memref<8192xf32, #tpu.memory_space<vmem>>
      %dma_wait3A_1643 = tpu.memref_slice %arg5[%run_scoped3A_1592, %run_scoped3A_1593, %mul3A_2] : memref<4x4x262144xf32, #tpu.memory_space<hbm>> -> memref<1x1x8192xf32, #tpu.memory_space<hbm>>
      %dma_wait3A_1644 = tpu.memref_squeeze %dma_wait3A_1643 : memref<1x1x8192xf32, #tpu.memory_space<hbm>> -> memref<8192xf32, #tpu.memory_space<hbm>>
      %dma_wait3A_1645 = arith.constant 0 : i32
      %dma_wait3A_1646 = tpu.memref_slice %arg10[%run_scoped3A_1594, %dma_wait3A_1645] : memref<4x8192xf32, #tpu.memory_space<vmem>> -> memref<1x8192xf32, #tpu.memory_space<vmem>>
      %dma_wait3A_1647 = tpu.memref_squeeze %dma_wait3A_1646 : memref<1x8192xf32, #tpu.memory_space<vmem>> -> memref<8192xf32, #tpu.memory_space<vmem>>
      %dma_wait3A_1648 = tpu.memref_slice %arg5[%run_scoped3A_1592, %run_scoped3A_1593, %mul3A_2] : memref<4x4x262144xf32, #tpu.memory_space<hbm>> -> memref<1x1x8192xf32, #tpu.memory_space<hbm>>
      %dma_wait3A_1649 = tpu.memref_squeeze %dma_wait3A_1648 : memref<1x1x8192xf32, #tpu.memory_space<hbm>> -> memref<8192xf32, #tpu.memory_space<hbm>>
      tpu.wait_dma2 semaphore(%run_scoped3A_1631 : memref<!tpu.dma_semaphore, #tpu.memory_space<semaphore_mem>>) src(%dma_wait3A_1649 : memref<8192xf32, #tpu.memory_space<hbm>>) dst(%dma_wait3A_1647 : memref<8192xf32, #tpu.memory_space<vmem>>)
      tpu.yield
    }) : () -> ()
    %run_scoped3A_1595 = arith.constant 2 : i32
    %run_scoped3A_1596 = arith.constant 3 : i32
    %run_scoped3A_1597 = arith.constant 3 : i32
    "tpu.region"() ({
      %run_scoped3A_1631 = tpu.sem_alloc : memref<!tpu.dma_semaphore, #tpu.memory_space<semaphore_mem>>
      %dma_start3A = arith.constant 0 : i32
      %dma_start3A_1632 = tpu.memref_slice %arg10[%run_scoped3A_1597, %dma_start3A] : memref<4x8192xf32, #tpu.memory_space<vmem>> -> memref<1x8192xf32, #tpu.memory_space<vmem>>
      %dma_start3A_1633 = tpu.memref_squeeze %dma_start3A_1632 : memref<1x8192xf32, #tpu.memory_space<vmem>> -> memref<8192xf32, #tpu.memory_space<vmem>>
      %dma_start3A_1634 = tpu.memref_slice %arg5[%run_scoped3A_1595, %run_scoped3A_1596, %mul3A_2] : memref<4x4x262144xf32, #tpu.memory_space<hbm>> -> memref<1x1x8192xf32, #tpu.memory_space<hbm>>
      %dma_start3A_1635 = tpu.memref_squeeze %dma_start3A_1634 : memref<1x1x8192xf32, #tpu.memory_space<hbm>> -> memref<8192xf32, #tpu.memory_space<hbm>>
      %dma_start3A_1636 = arith.constant 0 : i32
      %dma_start3A_1637 = tpu.memref_slice %arg10[%run_scoped3A_1597, %dma_start3A_1636] : memref<4x8192xf32, #tpu.memory_space<vmem>> -> memref<1x8192xf32, #tpu.memory_space<vmem>>
      %dma_start3A_1638 = tpu.memref_squeeze %dma_start3A_1637 : memref<1x8192xf32, #tpu.memory_space<vmem>> -> memref<8192xf32, #tpu.memory_space<vmem>>
      %dma_start3A_1639 = tpu.memref_slice %arg5[%run_scoped3A_1595, %run_scoped3A_1596, %mul3A_2] : memref<4x4x262144xf32, #tpu.memory_space<hbm>> -> memref<1x1x8192xf32, #tpu.memory_space<hbm>>
      %dma_start3A_1640 = tpu.memref_squeeze %dma_start3A_1639 : memref<1x1x8192xf32, #tpu.memory_space<hbm>> -> memref<8192xf32, #tpu.memory_space<hbm>>
      tpu.enqueue_dma source(%dma_start3A_1640 : memref<8192xf32, #tpu.memory_space<hbm>>) target(%dma_start3A_1638 : memref<8192xf32, #tpu.memory_space<vmem>>) target_semaphore(%run_scoped3A_1631 : memref<!tpu.dma_semaphore, #tpu.memory_space<semaphore_mem>>)
      %dma_wait3A = arith.constant 0 : i32
      %dma_wait3A_1641 = tpu.memref_slice %arg10[%run_scoped3A_1597, %dma_wait3A] : memref<4x8192xf32, #tpu.memory_space<vmem>> -> memref<1x8192xf32, #tpu.memory_space<vmem>>
      %dma_wait3A_1642 = tpu.memref_squeeze %dma_wait3A_1641 : memref<1x8192xf32, #tpu.memory_space<vmem>> -> memref<8192xf32, #tpu.memory_space<vmem>>
      %dma_wait3A_1643 = tpu.memref_slice %arg5[%run_scoped3A_1595, %run_scoped3A_1596, %mul3A_2] : memref<4x4x262144xf32, #tpu.memory_space<hbm>> -> memref<1x1x8192xf32, #tpu.memory_space<hbm>>
      %dma_wait3A_1644 = tpu.memref_squeeze %dma_wait3A_1643 : memref<1x1x8192xf32, #tpu.memory_space<hbm>> -> memref<8192xf32, #tpu.memory_space<hbm>>
      %dma_wait3A_1645 = arith.constant 0 : i32
      %dma_wait3A_1646 = tpu.memref_slice %arg10[%run_scoped3A_1597, %dma_wait3A_1645] : memref<4x8192xf32, #tpu.memory_space<vmem>> -> memref<1x8192xf32, #tpu.memory_space<vmem>>
      %dma_wait3A_1647 = tpu.memref_squeeze %dma_wait3A_1646 : memref<1x8192xf32, #tpu.memory_space<vmem>> -> memref<8192xf32, #tpu.memory_space<vmem>>
      %dma_wait3A_1648 = tpu.memref_slice %arg5[%run_scoped3A_1595, %run_scoped3A_1596, %mul3A_2] : memref<4x4x262144xf32, #tpu.memory_space<hbm>> -> memref<1x1x8192xf32, #tpu.memory_space<hbm>>
      %dma_wait3A_1649 = tpu.memref_squeeze %dma_wait3A_1648 : memref<1x1x8192xf32, #tpu.memory_space<hbm>> -> memref<8192xf32, #tpu.memory_space<hbm>>
      tpu.wait_dma2 semaphore(%run_scoped3A_1631 : memref<!tpu.dma_semaphore, #tpu.memory_space<semaphore_mem>>) src(%dma_wait3A_1649 : memref<8192xf32, #tpu.memory_space<hbm>>) dst(%dma_wait3A_1647 : memref<8192xf32, #tpu.memory_space<vmem>>)
      tpu.yield
    }) : () -> ()
    %broadcast_in_dim3A_1598 = arith.constant 2 : i32
    %broadcast_in_dim3A_1599 = vector.broadcast %broadcast_in_dim3A_1598 : i32 to vector<16xi32>
    %scan3A_1600 = arith.constant 0 : i32
    %scan3A_1601 = arith.constant 0 : i32
    %scan3A_1602 = arith.constant 512 : i32
    %scan3A_1603 = arith.addi %scan3A_1601, %scan3A_1602 : i32
    %scan3A_1604 = arith.constant 1 : i32
    %scan3A_1605 = scf.for %scan3A_1631 = %scan3A_1601 to %scan3A_1603 step %scan3A_1604 iter_args(%scan3A_1632 = %scan3A_1600) -> (i32)  : i32 {
      %mul3A_1633 = arith.constant 16 : i32
      %mul3A_1634 = arith.muli %scan3A_1631, %mul3A_1633 : i32
      %get3A = arith.index_cast %mul3A_1634 : i32 to index
      %get3A_1635 = tpu.vector_load %arg7[%get3A] {strides = array<i32>} : memref<8192xi32, #tpu.memory_space<vmem>>, vector<16xi32>,
      %get3A_1636 = arith.index_cast %mul3A_1634 : i32 to index
      %get3A_1637 = tpu.vector_load %arg8[%get3A_1636] {strides = array<i32>} : memref<8192xi32, #tpu.memory_space<vmem>>, vector<16xi32>,
      %get3A_1638 = arith.index_cast %mul3A_1634 : i32 to index
      %get3A_1639 = tpu.vector_load %arg9[%get3A_1638] {strides = array<i32>} : memref<8192xf32, #tpu.memory_space<vmem>>, vector<16xf32>,
      tpu.vector_store_idx %arg11[%broadcast_in_dim3A_1599, %get3A_1635, %iota3A], %get3A_1639 {add = true} : memref<4x48x16xf32, #tpu.memory_space<vmem>>[vector<16xi32>, vector<16xi32>, vector<16xi32>], vector<16xf32>,
      %get3A_1640 = arith.constant 0 : i32
      %get3A_1641 = arith.index_cast %get3A_1640 : i32 to index
      %get3A_1642 = arith.index_cast %mul3A_1634 : i32 to index
      %get3A_1643 = tpu.vector_load %arg10[%get3A_1641, %get3A_1642] {strides = array<i32>} : memref<4x8192xf32, #tpu.memory_space<vmem>>, vector<16xf32>,
      %add3A_1644 = arith.constant 8 : i32
      %add3A_1645 = vector.broadcast %add3A_1644 : i32 to vector<16xi32>
      %add3A_1646 = arith.addi %get3A_1635, %add3A_1645 : vector<16xi32>
      tpu.vector_store_idx %arg11[%broadcast_in_dim3A_1599, %add3A_1646, %iota3A], %get3A_1643 {add = true} : memref<4x48x16xf32, #tpu.memory_space<vmem>>[vector<16xi32>, vector<16xi32>, vector<16xi32>], vector<16xf32>,
      %get3A_1647 = arith.constant 1 : i32
      %get3A_1648 = arith.index_cast %get3A_1647 : i32 to index
      %get3A_1649 = arith.index_cast %mul3A_1634 : i32 to index
      %get3A_1650 = tpu.vector_load %arg10[%get3A_1648, %get3A_1649] {strides = array<i32>} : memref<4x8192xf32, #tpu.memory_space<vmem>>, vector<16xf32>,
      %add3A_1651 = arith.constant 16 : i32
      %add3A_1652 = vector.broadcast %add3A_1651 : i32 to vector<16xi32>
      %add3A_1653 = arith.addi %get3A_1635, %add3A_1652 : vector<16xi32>
      tpu.vector_store_idx %arg11[%broadcast_in_dim3A_1599, %add3A_1653, %iota3A], %get3A_1650 {add = true} : memref<4x48x16xf32, #tpu.memory_space<vmem>>[vector<16xi32>, vector<16xi32>, vector<16xi32>], vector<16xf32>,
      %get3A_1654 = arith.constant 2 : i32
      %get3A_1655 = arith.index_cast %get3A_1654 : i32 to index
      %get3A_1656 = arith.index_cast %mul3A_1634 : i32 to index
      %get3A_1657 = tpu.vector_load %arg10[%get3A_1655, %get3A_1656] {strides = array<i32>} : memref<4x8192xf32, #tpu.memory_space<vmem>>, vector<16xf32>,
      %add3A_1658 = arith.constant 24 : i32
      %add3A_1659 = vector.broadcast %add3A_1658 : i32 to vector<16xi32>
      %add3A_1660 = arith.addi %get3A_1635, %add3A_1659 : vector<16xi32>
      tpu.vector_store_idx %arg11[%broadcast_in_dim3A_1599, %add3A_1660, %iota3A], %get3A_1657 {add = true} : memref<4x48x16xf32, #tpu.memory_space<vmem>>[vector<16xi32>, vector<16xi32>, vector<16xi32>], vector<16xf32>,
      %get3A_1661 = arith.constant 3 : i32
      %get3A_1662 = arith.index_cast %get3A_1661 : i32 to index
      %get3A_1663 = arith.index_cast %mul3A_1634 : i32 to index
      %get3A_1664 = tpu.vector_load %arg10[%get3A_1662, %get3A_1663] {strides = array<i32>} : memref<4x8192xf32, #tpu.memory_space<vmem>>, vector<16xf32>,
      %add3A_1665 = arith.constant 32 : i32
      %add3A_1666 = vector.broadcast %add3A_1665 : i32 to vector<16xi32>
      %add3A_1667 = arith.addi %get3A_1635, %add3A_1666 : vector<16xi32>
      tpu.vector_store_idx %arg11[%broadcast_in_dim3A_1599, %add3A_1667, %iota3A], %get3A_1664 {add = true} : memref<4x48x16xf32, #tpu.memory_space<vmem>>[vector<16xi32>, vector<16xi32>, vector<16xi32>], vector<16xf32>,
      %add3A_1668 = arith.constant 40 : i32
      %add3A_1669 = vector.broadcast %add3A_1668 : i32 to vector<16xi32>
      %add3A_1670 = arith.addi %get3A_1637, %add3A_1669 : vector<16xi32>
      tpu.vector_store_idx %arg11[%broadcast_in_dim3A_1599, %add3A_1670, %iota3A], %get3A_1639 {add = true} : memref<4x48x16xf32, #tpu.memory_space<vmem>>[vector<16xi32>, vector<16xi32>, vector<16xi32>], vector<16xf32>,
      %scan3A_1671 = arith.constant 0 : i32
      scf.yield %scan3A_1671 : i32
    }
    %scan3A_1606 = arith.constant 512 : i32
    %run_scoped3A_1607 = arith.constant 3 : i32
    "tpu.region"() ({
      %run_scoped3A_1631 = tpu.sem_alloc : memref<!tpu.dma_semaphore, #tpu.memory_space<semaphore_mem>>
      %dma_start3A = tpu.memref_slice %arg3[%run_scoped3A_1607, %mul3A_2] : memref<4x262144xi32, #tpu.memory_space<hbm>> -> memref<1x8192xi32, #tpu.memory_space<hbm>>
      %dma_start3A_1632 = tpu.memref_squeeze %dma_start3A : memref<1x8192xi32, #tpu.memory_space<hbm>> -> memref<8192xi32, #tpu.memory_space<hbm>>
      %dma_start3A_1633 = tpu.memref_slice %arg3[%run_scoped3A_1607, %mul3A_2] : memref<4x262144xi32, #tpu.memory_space<hbm>> -> memref<1x8192xi32, #tpu.memory_space<hbm>>
      %dma_start3A_1634 = tpu.memref_squeeze %dma_start3A_1633 : memref<1x8192xi32, #tpu.memory_space<hbm>> -> memref<8192xi32, #tpu.memory_space<hbm>>
      tpu.enqueue_dma source(%dma_start3A_1634 : memref<8192xi32, #tpu.memory_space<hbm>>) target(%arg7 : memref<8192xi32, #tpu.memory_space<vmem>>) target_semaphore(%run_scoped3A_1631 : memref<!tpu.dma_semaphore, #tpu.memory_space<semaphore_mem>>)
      %dma_wait3A = tpu.memref_slice %arg3[%run_scoped3A_1607, %mul3A_2] : memref<4x262144xi32, #tpu.memory_space<hbm>> -> memref<1x8192xi32, #tpu.memory_space<hbm>>
      %dma_wait3A_1635 = tpu.memref_squeeze %dma_wait3A : memref<1x8192xi32, #tpu.memory_space<hbm>> -> memref<8192xi32, #tpu.memory_space<hbm>>
      %dma_wait3A_1636 = tpu.memref_slice %arg3[%run_scoped3A_1607, %mul3A_2] : memref<4x262144xi32, #tpu.memory_space<hbm>> -> memref<1x8192xi32, #tpu.memory_space<hbm>>
      %dma_wait3A_1637 = tpu.memref_squeeze %dma_wait3A_1636 : memref<1x8192xi32, #tpu.memory_space<hbm>> -> memref<8192xi32, #tpu.memory_space<hbm>>
      tpu.wait_dma2 semaphore(%run_scoped3A_1631 : memref<!tpu.dma_semaphore, #tpu.memory_space<semaphore_mem>>) src(%dma_wait3A_1637 : memref<8192xi32, #tpu.memory_space<hbm>>) dst(%arg7 : memref<8192xi32, #tpu.memory_space<vmem>>)
      tpu.yield
    }) : () -> ()
    %run_scoped3A_1608 = arith.constant 3 : i32
    "tpu.region"() ({
      %run_scoped3A_1631 = tpu.sem_alloc : memref<!tpu.dma_semaphore, #tpu.memory_space<semaphore_mem>>
      %dma_start3A = tpu.memref_slice %arg4[%run_scoped3A_1608, %mul3A_2] : memref<4x262144xi32, #tpu.memory_space<hbm>> -> memref<1x8192xi32, #tpu.memory_space<hbm>>
      %dma_start3A_1632 = tpu.memref_squeeze %dma_start3A : memref<1x8192xi32, #tpu.memory_space<hbm>> -> memref<8192xi32, #tpu.memory_space<hbm>>
      %dma_start3A_1633 = tpu.memref_slice %arg4[%run_scoped3A_1608, %mul3A_2] : memref<4x262144xi32, #tpu.memory_space<hbm>> -> memref<1x8192xi32, #tpu.memory_space<hbm>>
      %dma_start3A_1634 = tpu.memref_squeeze %dma_start3A_1633 : memref<1x8192xi32, #tpu.memory_space<hbm>> -> memref<8192xi32, #tpu.memory_space<hbm>>
      tpu.enqueue_dma source(%dma_start3A_1634 : memref<8192xi32, #tpu.memory_space<hbm>>) target(%arg8 : memref<8192xi32, #tpu.memory_space<vmem>>) target_semaphore(%run_scoped3A_1631 : memref<!tpu.dma_semaphore, #tpu.memory_space<semaphore_mem>>)
      %dma_wait3A = tpu.memref_slice %arg4[%run_scoped3A_1608, %mul3A_2] : memref<4x262144xi32, #tpu.memory_space<hbm>> -> memref<1x8192xi32, #tpu.memory_space<hbm>>
      %dma_wait3A_1635 = tpu.memref_squeeze %dma_wait3A : memref<1x8192xi32, #tpu.memory_space<hbm>> -> memref<8192xi32, #tpu.memory_space<hbm>>
      %dma_wait3A_1636 = tpu.memref_slice %arg4[%run_scoped3A_1608, %mul3A_2] : memref<4x262144xi32, #tpu.memory_space<hbm>> -> memref<1x8192xi32, #tpu.memory_space<hbm>>
      %dma_wait3A_1637 = tpu.memref_squeeze %dma_wait3A_1636 : memref<1x8192xi32, #tpu.memory_space<hbm>> -> memref<8192xi32, #tpu.memory_space<hbm>>
      tpu.wait_dma2 semaphore(%run_scoped3A_1631 : memref<!tpu.dma_semaphore, #tpu.memory_space<semaphore_mem>>) src(%dma_wait3A_1637 : memref<8192xi32, #tpu.memory_space<hbm>>) dst(%arg8 : memref<8192xi32, #tpu.memory_space<vmem>>)
      tpu.yield
    }) : () -> ()
    %run_scoped3A_1609 = arith.constant 3 : i32
    "tpu.region"() ({
      %run_scoped3A_1631 = tpu.sem_alloc : memref<!tpu.dma_semaphore, #tpu.memory_space<semaphore_mem>>
      %dma_start3A = tpu.memref_slice %arg2[%run_scoped3A_1609, %mul3A_2] : memref<4x262144xf32, #tpu.memory_space<hbm>> -> memref<1x8192xf32, #tpu.memory_space<hbm>>
      %dma_start3A_1632 = tpu.memref_squeeze %dma_start3A : memref<1x8192xf32, #tpu.memory_space<hbm>> -> memref<8192xf32, #tpu.memory_space<hbm>>
      %dma_start3A_1633 = tpu.memref_slice %arg2[%run_scoped3A_1609, %mul3A_2] : memref<4x262144xf32, #tpu.memory_space<hbm>> -> memref<1x8192xf32, #tpu.memory_space<hbm>>
      %dma_start3A_1634 = tpu.memref_squeeze %dma_start3A_1633 : memref<1x8192xf32, #tpu.memory_space<hbm>> -> memref<8192xf32, #tpu.memory_space<hbm>>
      tpu.enqueue_dma source(%dma_start3A_1634 : memref<8192xf32, #tpu.memory_space<hbm>>) target(%arg9 : memref<8192xf32, #tpu.memory_space<vmem>>) target_semaphore(%run_scoped3A_1631 : memref<!tpu.dma_semaphore, #tpu.memory_space<semaphore_mem>>)
      %dma_wait3A = tpu.memref_slice %arg2[%run_scoped3A_1609, %mul3A_2] : memref<4x262144xf32, #tpu.memory_space<hbm>> -> memref<1x8192xf32, #tpu.memory_space<hbm>>
      %dma_wait3A_1635 = tpu.memref_squeeze %dma_wait3A : memref<1x8192xf32, #tpu.memory_space<hbm>> -> memref<8192xf32, #tpu.memory_space<hbm>>
      %dma_wait3A_1636 = tpu.memref_slice %arg2[%run_scoped3A_1609, %mul3A_2] : memref<4x262144xf32, #tpu.memory_space<hbm>> -> memref<1x8192xf32, #tpu.memory_space<hbm>>
      %dma_wait3A_1637 = tpu.memref_squeeze %dma_wait3A_1636 : memref<1x8192xf32, #tpu.memory_space<hbm>> -> memref<8192xf32, #tpu.memory_space<hbm>>
      tpu.wait_dma2 semaphore(%run_scoped3A_1631 : memref<!tpu.dma_semaphore, #tpu.memory_space<semaphore_mem>>) src(%dma_wait3A_1637 : memref<8192xf32, #tpu.memory_space<hbm>>) dst(%arg9 : memref<8192xf32, #tpu.memory_space<vmem>>)
      tpu.yield
    }) : () -> ()
    %run_scoped3A_1610 = arith.constant 3 : i32
    %run_scoped3A_1611 = arith.constant 0 : i32
    %run_scoped3A_1612 = arith.constant 0 : i32
    "tpu.region"() ({
      %run_scoped3A_1631 = tpu.sem_alloc : memref<!tpu.dma_semaphore, #tpu.memory_space<semaphore_mem>>
      %dma_start3A = arith.constant 0 : i32
      %dma_start3A_1632 = tpu.memref_slice %arg10[%run_scoped3A_1612, %dma_start3A] : memref<4x8192xf32, #tpu.memory_space<vmem>> -> memref<1x8192xf32, #tpu.memory_space<vmem>>
      %dma_start3A_1633 = tpu.memref_squeeze %dma_start3A_1632 : memref<1x8192xf32, #tpu.memory_space<vmem>> -> memref<8192xf32, #tpu.memory_space<vmem>>
      %dma_start3A_1634 = tpu.memref_slice %arg5[%run_scoped3A_1610, %run_scoped3A_1611, %mul3A_2] : memref<4x4x262144xf32, #tpu.memory_space<hbm>> -> memref<1x1x8192xf32, #tpu.memory_space<hbm>>
      %dma_start3A_1635 = tpu.memref_squeeze %dma_start3A_1634 : memref<1x1x8192xf32, #tpu.memory_space<hbm>> -> memref<8192xf32, #tpu.memory_space<hbm>>
      %dma_start3A_1636 = arith.constant 0 : i32
      %dma_start3A_1637 = tpu.memref_slice %arg10[%run_scoped3A_1612, %dma_start3A_1636] : memref<4x8192xf32, #tpu.memory_space<vmem>> -> memref<1x8192xf32, #tpu.memory_space<vmem>>
      %dma_start3A_1638 = tpu.memref_squeeze %dma_start3A_1637 : memref<1x8192xf32, #tpu.memory_space<vmem>> -> memref<8192xf32, #tpu.memory_space<vmem>>
      %dma_start3A_1639 = tpu.memref_slice %arg5[%run_scoped3A_1610, %run_scoped3A_1611, %mul3A_2] : memref<4x4x262144xf32, #tpu.memory_space<hbm>> -> memref<1x1x8192xf32, #tpu.memory_space<hbm>>
      %dma_start3A_1640 = tpu.memref_squeeze %dma_start3A_1639 : memref<1x1x8192xf32, #tpu.memory_space<hbm>> -> memref<8192xf32, #tpu.memory_space<hbm>>
      tpu.enqueue_dma source(%dma_start3A_1640 : memref<8192xf32, #tpu.memory_space<hbm>>) target(%dma_start3A_1638 : memref<8192xf32, #tpu.memory_space<vmem>>) target_semaphore(%run_scoped3A_1631 : memref<!tpu.dma_semaphore, #tpu.memory_space<semaphore_mem>>)
      %dma_wait3A = arith.constant 0 : i32
      %dma_wait3A_1641 = tpu.memref_slice %arg10[%run_scoped3A_1612, %dma_wait3A] : memref<4x8192xf32, #tpu.memory_space<vmem>> -> memref<1x8192xf32, #tpu.memory_space<vmem>>
      %dma_wait3A_1642 = tpu.memref_squeeze %dma_wait3A_1641 : memref<1x8192xf32, #tpu.memory_space<vmem>> -> memref<8192xf32, #tpu.memory_space<vmem>>
      %dma_wait3A_1643 = tpu.memref_slice %arg5[%run_scoped3A_1610, %run_scoped3A_1611, %mul3A_2] : memref<4x4x262144xf32, #tpu.memory_space<hbm>> -> memref<1x1x8192xf32, #tpu.memory_space<hbm>>
      %dma_wait3A_1644 = tpu.memref_squeeze %dma_wait3A_1643 : memref<1x1x8192xf32, #tpu.memory_space<hbm>> -> memref<8192xf32, #tpu.memory_space<hbm>>
      %dma_wait3A_1645 = arith.constant 0 : i32
      %dma_wait3A_1646 = tpu.memref_slice %arg10[%run_scoped3A_1612, %dma_wait3A_1645] : memref<4x8192xf32, #tpu.memory_space<vmem>> -> memref<1x8192xf32, #tpu.memory_space<vmem>>
      %dma_wait3A_1647 = tpu.memref_squeeze %dma_wait3A_1646 : memref<1x8192xf32, #tpu.memory_space<vmem>> -> memref<8192xf32, #tpu.memory_space<vmem>>
      %dma_wait3A_1648 = tpu.memref_slice %arg5[%run_scoped3A_1610, %run_scoped3A_1611, %mul3A_2] : memref<4x4x262144xf32, #tpu.memory_space<hbm>> -> memref<1x1x8192xf32, #tpu.memory_space<hbm>>
      %dma_wait3A_1649 = tpu.memref_squeeze %dma_wait3A_1648 : memref<1x1x8192xf32, #tpu.memory_space<hbm>> -> memref<8192xf32, #tpu.memory_space<hbm>>
      tpu.wait_dma2 semaphore(%run_scoped3A_1631 : memref<!tpu.dma_semaphore, #tpu.memory_space<semaphore_mem>>) src(%dma_wait3A_1649 : memref<8192xf32, #tpu.memory_space<hbm>>) dst(%dma_wait3A_1647 : memref<8192xf32, #tpu.memory_space<vmem>>)
      tpu.yield
    }) : () -> ()
    %run_scoped3A_1613 = arith.constant 3 : i32
    %run_scoped3A_1614 = arith.constant 1 : i32
    %run_scoped3A_1615 = arith.constant 1 : i32
    "tpu.region"() ({
      %run_scoped3A_1631 = tpu.sem_alloc : memref<!tpu.dma_semaphore, #tpu.memory_space<semaphore_mem>>
      %dma_start3A = arith.constant 0 : i32
      %dma_start3A_1632 = tpu.memref_slice %arg10[%run_scoped3A_1615, %dma_start3A] : memref<4x8192xf32, #tpu.memory_space<vmem>> -> memref<1x8192xf32, #tpu.memory_space<vmem>>
      %dma_start3A_1633 = tpu.memref_squeeze %dma_start3A_1632 : memref<1x8192xf32, #tpu.memory_space<vmem>> -> memref<8192xf32, #tpu.memory_space<vmem>>
      %dma_start3A_1634 = tpu.memref_slice %arg5[%run_scoped3A_1613, %run_scoped3A_1614, %mul3A_2] : memref<4x4x262144xf32, #tpu.memory_space<hbm>> -> memref<1x1x8192xf32, #tpu.memory_space<hbm>>
      %dma_start3A_1635 = tpu.memref_squeeze %dma_start3A_1634 : memref<1x1x8192xf32, #tpu.memory_space<hbm>> -> memref<8192xf32, #tpu.memory_space<hbm>>
      %dma_start3A_1636 = arith.constant 0 : i32
      %dma_start3A_1637 = tpu.memref_slice %arg10[%run_scoped3A_1615, %dma_start3A_1636] : memref<4x8192xf32, #tpu.memory_space<vmem>> -> memref<1x8192xf32, #tpu.memory_space<vmem>>
      %dma_start3A_1638 = tpu.memref_squeeze %dma_start3A_1637 : memref<1x8192xf32, #tpu.memory_space<vmem>> -> memref<8192xf32, #tpu.memory_space<vmem>>
      %dma_start3A_1639 = tpu.memref_slice %arg5[%run_scoped3A_1613, %run_scoped3A_1614, %mul3A_2] : memref<4x4x262144xf32, #tpu.memory_space<hbm>> -> memref<1x1x8192xf32, #tpu.memory_space<hbm>>
      %dma_start3A_1640 = tpu.memref_squeeze %dma_start3A_1639 : memref<1x1x8192xf32, #tpu.memory_space<hbm>> -> memref<8192xf32, #tpu.memory_space<hbm>>
      tpu.enqueue_dma source(%dma_start3A_1640 : memref<8192xf32, #tpu.memory_space<hbm>>) target(%dma_start3A_1638 : memref<8192xf32, #tpu.memory_space<vmem>>) target_semaphore(%run_scoped3A_1631 : memref<!tpu.dma_semaphore, #tpu.memory_space<semaphore_mem>>)
      %dma_wait3A = arith.constant 0 : i32
      %dma_wait3A_1641 = tpu.memref_slice %arg10[%run_scoped3A_1615, %dma_wait3A] : memref<4x8192xf32, #tpu.memory_space<vmem>> -> memref<1x8192xf32, #tpu.memory_space<vmem>>
      %dma_wait3A_1642 = tpu.memref_squeeze %dma_wait3A_1641 : memref<1x8192xf32, #tpu.memory_space<vmem>> -> memref<8192xf32, #tpu.memory_space<vmem>>
      %dma_wait3A_1643 = tpu.memref_slice %arg5[%run_scoped3A_1613, %run_scoped3A_1614, %mul3A_2] : memref<4x4x262144xf32, #tpu.memory_space<hbm>> -> memref<1x1x8192xf32, #tpu.memory_space<hbm>>
      %dma_wait3A_1644 = tpu.memref_squeeze %dma_wait3A_1643 : memref<1x1x8192xf32, #tpu.memory_space<hbm>> -> memref<8192xf32, #tpu.memory_space<hbm>>
      %dma_wait3A_1645 = arith.constant 0 : i32
      %dma_wait3A_1646 = tpu.memref_slice %arg10[%run_scoped3A_1615, %dma_wait3A_1645] : memref<4x8192xf32, #tpu.memory_space<vmem>> -> memref<1x8192xf32, #tpu.memory_space<vmem>>
      %dma_wait3A_1647 = tpu.memref_squeeze %dma_wait3A_1646 : memref<1x8192xf32, #tpu.memory_space<vmem>> -> memref<8192xf32, #tpu.memory_space<vmem>>
      %dma_wait3A_1648 = tpu.memref_slice %arg5[%run_scoped3A_1613, %run_scoped3A_1614, %mul3A_2] : memref<4x4x262144xf32, #tpu.memory_space<hbm>> -> memref<1x1x8192xf32, #tpu.memory_space<hbm>>
      %dma_wait3A_1649 = tpu.memref_squeeze %dma_wait3A_1648 : memref<1x1x8192xf32, #tpu.memory_space<hbm>> -> memref<8192xf32, #tpu.memory_space<hbm>>
      tpu.wait_dma2 semaphore(%run_scoped3A_1631 : memref<!tpu.dma_semaphore, #tpu.memory_space<semaphore_mem>>) src(%dma_wait3A_1649 : memref<8192xf32, #tpu.memory_space<hbm>>) dst(%dma_wait3A_1647 : memref<8192xf32, #tpu.memory_space<vmem>>)
      tpu.yield
    }) : () -> ()
    %run_scoped3A_1616 = arith.constant 3 : i32
    %run_scoped3A_1617 = arith.constant 2 : i32
    %run_scoped3A_1618 = arith.constant 2 : i32
    "tpu.region"() ({
      %run_scoped3A_1631 = tpu.sem_alloc : memref<!tpu.dma_semaphore, #tpu.memory_space<semaphore_mem>>
      %dma_start3A = arith.constant 0 : i32
      %dma_start3A_1632 = tpu.memref_slice %arg10[%run_scoped3A_1618, %dma_start3A] : memref<4x8192xf32, #tpu.memory_space<vmem>> -> memref<1x8192xf32, #tpu.memory_space<vmem>>
      %dma_start3A_1633 = tpu.memref_squeeze %dma_start3A_1632 : memref<1x8192xf32, #tpu.memory_space<vmem>> -> memref<8192xf32, #tpu.memory_space<vmem>>
      %dma_start3A_1634 = tpu.memref_slice %arg5[%run_scoped3A_1616, %run_scoped3A_1617, %mul3A_2] : memref<4x4x262144xf32, #tpu.memory_space<hbm>> -> memref<1x1x8192xf32, #tpu.memory_space<hbm>>
      %dma_start3A_1635 = tpu.memref_squeeze %dma_start3A_1634 : memref<1x1x8192xf32, #tpu.memory_space<hbm>> -> memref<8192xf32, #tpu.memory_space<hbm>>
      %dma_start3A_1636 = arith.constant 0 : i32
      %dma_start3A_1637 = tpu.memref_slice %arg10[%run_scoped3A_1618, %dma_start3A_1636] : memref<4x8192xf32, #tpu.memory_space<vmem>> -> memref<1x8192xf32, #tpu.memory_space<vmem>>
      %dma_start3A_1638 = tpu.memref_squeeze %dma_start3A_1637 : memref<1x8192xf32, #tpu.memory_space<vmem>> -> memref<8192xf32, #tpu.memory_space<vmem>>
      %dma_start3A_1639 = tpu.memref_slice %arg5[%run_scoped3A_1616, %run_scoped3A_1617, %mul3A_2] : memref<4x4x262144xf32, #tpu.memory_space<hbm>> -> memref<1x1x8192xf32, #tpu.memory_space<hbm>>
      %dma_start3A_1640 = tpu.memref_squeeze %dma_start3A_1639 : memref<1x1x8192xf32, #tpu.memory_space<hbm>> -> memref<8192xf32, #tpu.memory_space<hbm>>
      tpu.enqueue_dma source(%dma_start3A_1640 : memref<8192xf32, #tpu.memory_space<hbm>>) target(%dma_start3A_1638 : memref<8192xf32, #tpu.memory_space<vmem>>) target_semaphore(%run_scoped3A_1631 : memref<!tpu.dma_semaphore, #tpu.memory_space<semaphore_mem>>)
      %dma_wait3A = arith.constant 0 : i32
      %dma_wait3A_1641 = tpu.memref_slice %arg10[%run_scoped3A_1618, %dma_wait3A] : memref<4x8192xf32, #tpu.memory_space<vmem>> -> memref<1x8192xf32, #tpu.memory_space<vmem>>
      %dma_wait3A_1642 = tpu.memref_squeeze %dma_wait3A_1641 : memref<1x8192xf32, #tpu.memory_space<vmem>> -> memref<8192xf32, #tpu.memory_space<vmem>>
      %dma_wait3A_1643 = tpu.memref_slice %arg5[%run_scoped3A_1616, %run_scoped3A_1617, %mul3A_2] : memref<4x4x262144xf32, #tpu.memory_space<hbm>> -> memref<1x1x8192xf32, #tpu.memory_space<hbm>>
      %dma_wait3A_1644 = tpu.memref_squeeze %dma_wait3A_1643 : memref<1x1x8192xf32, #tpu.memory_space<hbm>> -> memref<8192xf32, #tpu.memory_space<hbm>>
      %dma_wait3A_1645 = arith.constant 0 : i32
      %dma_wait3A_1646 = tpu.memref_slice %arg10[%run_scoped3A_1618, %dma_wait3A_1645] : memref<4x8192xf32, #tpu.memory_space<vmem>> -> memref<1x8192xf32, #tpu.memory_space<vmem>>
      %dma_wait3A_1647 = tpu.memref_squeeze %dma_wait3A_1646 : memref<1x8192xf32, #tpu.memory_space<vmem>> -> memref<8192xf32, #tpu.memory_space<vmem>>
      %dma_wait3A_1648 = tpu.memref_slice %arg5[%run_scoped3A_1616, %run_scoped3A_1617, %mul3A_2] : memref<4x4x262144xf32, #tpu.memory_space<hbm>> -> memref<1x1x8192xf32, #tpu.memory_space<hbm>>
      %dma_wait3A_1649 = tpu.memref_squeeze %dma_wait3A_1648 : memref<1x1x8192xf32, #tpu.memory_space<hbm>> -> memref<8192xf32, #tpu.memory_space<hbm>>
      tpu.wait_dma2 semaphore(%run_scoped3A_1631 : memref<!tpu.dma_semaphore, #tpu.memory_space<semaphore_mem>>) src(%dma_wait3A_1649 : memref<8192xf32, #tpu.memory_space<hbm>>) dst(%dma_wait3A_1647 : memref<8192xf32, #tpu.memory_space<vmem>>)
      tpu.yield
    }) : () -> ()
    %run_scoped3A_1619 = arith.constant 3 : i32
    %run_scoped3A_1620 = arith.constant 3 : i32
    %run_scoped3A_1621 = arith.constant 3 : i32
    "tpu.region"() ({
      %run_scoped3A_1631 = tpu.sem_alloc : memref<!tpu.dma_semaphore, #tpu.memory_space<semaphore_mem>>
      %dma_start3A = arith.constant 0 : i32
      %dma_start3A_1632 = tpu.memref_slice %arg10[%run_scoped3A_1621, %dma_start3A] : memref<4x8192xf32, #tpu.memory_space<vmem>> -> memref<1x8192xf32, #tpu.memory_space<vmem>>
      %dma_start3A_1633 = tpu.memref_squeeze %dma_start3A_1632 : memref<1x8192xf32, #tpu.memory_space<vmem>> -> memref<8192xf32, #tpu.memory_space<vmem>>
      %dma_start3A_1634 = tpu.memref_slice %arg5[%run_scoped3A_1619, %run_scoped3A_1620, %mul3A_2] : memref<4x4x262144xf32, #tpu.memory_space<hbm>> -> memref<1x1x8192xf32, #tpu.memory_space<hbm>>
      %dma_start3A_1635 = tpu.memref_squeeze %dma_start3A_1634 : memref<1x1x8192xf32, #tpu.memory_space<hbm>> -> memref<8192xf32, #tpu.memory_space<hbm>>
      %dma_start3A_1636 = arith.constant 0 : i32
      %dma_start3A_1637 = tpu.memref_slice %arg10[%run_scoped3A_1621, %dma_start3A_1636] : memref<4x8192xf32, #tpu.memory_space<vmem>> -> memref<1x8192xf32, #tpu.memory_space<vmem>>
      %dma_start3A_1638 = tpu.memref_squeeze %dma_start3A_1637 : memref<1x8192xf32, #tpu.memory_space<vmem>> -> memref<8192xf32, #tpu.memory_space<vmem>>
      %dma_start3A_1639 = tpu.memref_slice %arg5[%run_scoped3A_1619, %run_scoped3A_1620, %mul3A_2] : memref<4x4x262144xf32, #tpu.memory_space<hbm>> -> memref<1x1x8192xf32, #tpu.memory_space<hbm>>
      %dma_start3A_1640 = tpu.memref_squeeze %dma_start3A_1639 : memref<1x1x8192xf32, #tpu.memory_space<hbm>> -> memref<8192xf32, #tpu.memory_space<hbm>>
      tpu.enqueue_dma source(%dma_start3A_1640 : memref<8192xf32, #tpu.memory_space<hbm>>) target(%dma_start3A_1638 : memref<8192xf32, #tpu.memory_space<vmem>>) target_semaphore(%run_scoped3A_1631 : memref<!tpu.dma_semaphore, #tpu.memory_space<semaphore_mem>>)
      %dma_wait3A = arith.constant 0 : i32
      %dma_wait3A_1641 = tpu.memref_slice %arg10[%run_scoped3A_1621, %dma_wait3A] : memref<4x8192xf32, #tpu.memory_space<vmem>> -> memref<1x8192xf32, #tpu.memory_space<vmem>>
      %dma_wait3A_1642 = tpu.memref_squeeze %dma_wait3A_1641 : memref<1x8192xf32, #tpu.memory_space<vmem>> -> memref<8192xf32, #tpu.memory_space<vmem>>
      %dma_wait3A_1643 = tpu.memref_slice %arg5[%run_scoped3A_1619, %run_scoped3A_1620, %mul3A_2] : memref<4x4x262144xf32, #tpu.memory_space<hbm>> -> memref<1x1x8192xf32, #tpu.memory_space<hbm>>
      %dma_wait3A_1644 = tpu.memref_squeeze %dma_wait3A_1643 : memref<1x1x8192xf32, #tpu.memory_space<hbm>> -> memref<8192xf32, #tpu.memory_space<hbm>>
      %dma_wait3A_1645 = arith.constant 0 : i32
      %dma_wait3A_1646 = tpu.memref_slice %arg10[%run_scoped3A_1621, %dma_wait3A_1645] : memref<4x8192xf32, #tpu.memory_space<vmem>> -> memref<1x8192xf32, #tpu.memory_space<vmem>>
      %dma_wait3A_1647 = tpu.memref_squeeze %dma_wait3A_1646 : memref<1x8192xf32, #tpu.memory_space<vmem>> -> memref<8192xf32, #tpu.memory_space<vmem>>
      %dma_wait3A_1648 = tpu.memref_slice %arg5[%run_scoped3A_1619, %run_scoped3A_1620, %mul3A_2] : memref<4x4x262144xf32, #tpu.memory_space<hbm>> -> memref<1x1x8192xf32, #tpu.memory_space<hbm>>
      %dma_wait3A_1649 = tpu.memref_squeeze %dma_wait3A_1648 : memref<1x1x8192xf32, #tpu.memory_space<hbm>> -> memref<8192xf32, #tpu.memory_space<hbm>>
      tpu.wait_dma2 semaphore(%run_scoped3A_1631 : memref<!tpu.dma_semaphore, #tpu.memory_space<semaphore_mem>>) src(%dma_wait3A_1649 : memref<8192xf32, #tpu.memory_space<hbm>>) dst(%dma_wait3A_1647 : memref<8192xf32, #tpu.memory_space<vmem>>)
      tpu.yield
    }) : () -> ()
    %broadcast_in_dim3A_1622 = arith.constant 3 : i32
    %broadcast_in_dim3A_1623 = vector.broadcast %broadcast_in_dim3A_1622 : i32 to vector<16xi32>
    %scan3A_1624 = arith.constant 0 : i32
    %scan3A_1625 = arith.constant 0 : i32
    %scan3A_1626 = arith.constant 512 : i32
    %scan3A_1627 = arith.addi %scan3A_1625, %scan3A_1626 : i32
    %scan3A_1628 = arith.constant 1 : i32
    %scan3A_1629 = scf.for %scan3A_1631 = %scan3A_1625 to %scan3A_1627 step %scan3A_1628 iter_args(%scan3A_1632 = %scan3A_1624) -> (i32)  : i32 {
      %mul3A_1633 = arith.constant 16 : i32
      %mul3A_1634 = arith.muli %scan3A_1631, %mul3A_1633 : i32
      %get3A = arith.index_cast %mul3A_1634 : i32 to index
      %get3A_1635 = tpu.vector_load %arg7[%get3A] {strides = array<i32>} : memref<8192xi32, #tpu.memory_space<vmem>>, vector<16xi32>,
      %get3A_1636 = arith.index_cast %mul3A_1634 : i32 to index
      %get3A_1637 = tpu.vector_load %arg8[%get3A_1636] {strides = array<i32>} : memref<8192xi32, #tpu.memory_space<vmem>>, vector<16xi32>,
      %get3A_1638 = arith.index_cast %mul3A_1634 : i32 to index
      %get3A_1639 = tpu.vector_load %arg9[%get3A_1638] {strides = array<i32>} : memref<8192xf32, #tpu.memory_space<vmem>>, vector<16xf32>,
      tpu.vector_store_idx %arg11[%broadcast_in_dim3A_1623, %get3A_1635, %iota3A], %get3A_1639 {add = true} : memref<4x48x16xf32, #tpu.memory_space<vmem>>[vector<16xi32>, vector<16xi32>, vector<16xi32>], vector<16xf32>,
      %get3A_1640 = arith.constant 0 : i32
      %get3A_1641 = arith.index_cast %get3A_1640 : i32 to index
      %get3A_1642 = arith.index_cast %mul3A_1634 : i32 to index
      %get3A_1643 = tpu.vector_load %arg10[%get3A_1641, %get3A_1642] {strides = array<i32>} : memref<4x8192xf32, #tpu.memory_space<vmem>>, vector<16xf32>,
      %add3A_1644 = arith.constant 8 : i32
      %add3A_1645 = vector.broadcast %add3A_1644 : i32 to vector<16xi32>
      %add3A_1646 = arith.addi %get3A_1635, %add3A_1645 : vector<16xi32>
      tpu.vector_store_idx %arg11[%broadcast_in_dim3A_1623, %add3A_1646, %iota3A], %get3A_1643 {add = true} : memref<4x48x16xf32, #tpu.memory_space<vmem>>[vector<16xi32>, vector<16xi32>, vector<16xi32>], vector<16xf32>,
      %get3A_1647 = arith.constant 1 : i32
      %get3A_1648 = arith.index_cast %get3A_1647 : i32 to index
      %get3A_1649 = arith.index_cast %mul3A_1634 : i32 to index
      %get3A_1650 = tpu.vector_load %arg10[%get3A_1648, %get3A_1649] {strides = array<i32>} : memref<4x8192xf32, #tpu.memory_space<vmem>>, vector<16xf32>,
      %add3A_1651 = arith.constant 16 : i32
      %add3A_1652 = vector.broadcast %add3A_1651 : i32 to vector<16xi32>
      %add3A_1653 = arith.addi %get3A_1635, %add3A_1652 : vector<16xi32>
      tpu.vector_store_idx %arg11[%broadcast_in_dim3A_1623, %add3A_1653, %iota3A], %get3A_1650 {add = true} : memref<4x48x16xf32, #tpu.memory_space<vmem>>[vector<16xi32>, vector<16xi32>, vector<16xi32>], vector<16xf32>,
      %get3A_1654 = arith.constant 2 : i32
      %get3A_1655 = arith.index_cast %get3A_1654 : i32 to index
      %get3A_1656 = arith.index_cast %mul3A_1634 : i32 to index
      %get3A_1657 = tpu.vector_load %arg10[%get3A_1655, %get3A_1656] {strides = array<i32>} : memref<4x8192xf32, #tpu.memory_space<vmem>>, vector<16xf32>,
      %add3A_1658 = arith.constant 24 : i32
      %add3A_1659 = vector.broadcast %add3A_1658 : i32 to vector<16xi32>
      %add3A_1660 = arith.addi %get3A_1635, %add3A_1659 : vector<16xi32>
      tpu.vector_store_idx %arg11[%broadcast_in_dim3A_1623, %add3A_1660, %iota3A], %get3A_1657 {add = true} : memref<4x48x16xf32, #tpu.memory_space<vmem>>[vector<16xi32>, vector<16xi32>, vector<16xi32>], vector<16xf32>,
      %get3A_1661 = arith.constant 3 : i32
      %get3A_1662 = arith.index_cast %get3A_1661 : i32 to index
      %get3A_1663 = arith.index_cast %mul3A_1634 : i32 to index
      %get3A_1664 = tpu.vector_load %arg10[%get3A_1662, %get3A_1663] {strides = array<i32>} : memref<4x8192xf32, #tpu.memory_space<vmem>>, vector<16xf32>,
      %add3A_1665 = arith.constant 32 : i32
      %add3A_1666 = vector.broadcast %add3A_1665 : i32 to vector<16xi32>
      %add3A_1667 = arith.addi %get3A_1635, %add3A_1666 : vector<16xi32>
      tpu.vector_store_idx %arg11[%broadcast_in_dim3A_1623, %add3A_1667, %iota3A], %get3A_1664 {add = true} : memref<4x48x16xf32, #tpu.memory_space<vmem>>[vector<16xi32>, vector<16xi32>, vector<16xi32>], vector<16xf32>,
      %add3A_1668 = arith.constant 40 : i32
      %add3A_1669 = vector.broadcast %add3A_1668 : i32 to vector<16xi32>
      %add3A_1670 = arith.addi %get3A_1637, %add3A_1669 : vector<16xi32>
      tpu.vector_store_idx %arg11[%broadcast_in_dim3A_1623, %add3A_1670, %iota3A], %get3A_1639 {add = true} : memref<4x48x16xf32, #tpu.memory_space<vmem>>[vector<16xi32>, vector<16xi32>, vector<16xi32>], vector<16xf32>,
      %scan3A_1671 = arith.constant 0 : i32
      scf.yield %scan3A_1671 : i32
    }
    %scan3A_1630 = arith.constant 512 : i32
    "tpu.region"() ({
      %run_scoped3A_1631 = tpu.sem_alloc : memref<!tpu.dma_semaphore, #tpu.memory_space<semaphore_mem>>
      %dma_start3A = arith.constant 0 : i32
      %dma_start3A_1632 = arith.constant 0 : i32
      %dma_start3A_1633 = arith.constant 0 : i32
      %dma_start3A_1634 = tpu.memref_slice %arg6[%add3A, %dma_start3A, %dma_start3A_1632, %dma_start3A_1633] : memref<32x4x48x16xf32, #tpu.memory_space<hbm>> -> memref<1x4x48x16xf32, #tpu.memory_space<hbm>>
      %dma_start3A_1635 = tpu.memref_squeeze %dma_start3A_1634 : memref<1x4x48x16xf32, #tpu.memory_space<hbm>> -> memref<4x48x16xf32, #tpu.memory_space<hbm>>
      %dma_start3A_1636 = arith.constant 0 : i32
      %dma_start3A_1637 = arith.constant 0 : i32
      %dma_start3A_1638 = arith.constant 0 : i32
      %dma_start3A_1639 = tpu.memref_slice %arg6[%add3A, %dma_start3A_1636, %dma_start3A_1637, %dma_start3A_1638] : memref<32x4x48x16xf32, #tpu.memory_space<hbm>> -> memref<1x4x48x16xf32, #tpu.memory_space<hbm>>
      %dma_start3A_1640 = tpu.memref_squeeze %dma_start3A_1639 : memref<1x4x48x16xf32, #tpu.memory_space<hbm>> -> memref<4x48x16xf32, #tpu.memory_space<hbm>>
      tpu.enqueue_dma source(%arg11 : memref<4x48x16xf32, #tpu.memory_space<vmem>>) target(%dma_start3A_1640 : memref<4x48x16xf32, #tpu.memory_space<hbm>>) target_semaphore(%run_scoped3A_1631 : memref<!tpu.dma_semaphore, #tpu.memory_space<semaphore_mem>>)
      %dma_wait3A = arith.constant 0 : i32
      %dma_wait3A_1641 = arith.constant 0 : i32
      %dma_wait3A_1642 = arith.constant 0 : i32
      %dma_wait3A_1643 = tpu.memref_slice %arg6[%add3A, %dma_wait3A, %dma_wait3A_1641, %dma_wait3A_1642] : memref<32x4x48x16xf32, #tpu.memory_space<hbm>> -> memref<1x4x48x16xf32, #tpu.memory_space<hbm>>
      %dma_wait3A_1644 = tpu.memref_squeeze %dma_wait3A_1643 : memref<1x4x48x16xf32, #tpu.memory_space<hbm>> -> memref<4x48x16xf32, #tpu.memory_space<hbm>>
      %dma_wait3A_1645 = arith.constant 0 : i32
      %dma_wait3A_1646 = arith.constant 0 : i32
      %dma_wait3A_1647 = arith.constant 0 : i32
      %dma_wait3A_1648 = tpu.memref_slice %arg6[%add3A, %dma_wait3A_1645, %dma_wait3A_1646, %dma_wait3A_1647] : memref<32x4x48x16xf32, #tpu.memory_space<hbm>> -> memref<1x4x48x16xf32, #tpu.memory_space<hbm>>
      %dma_wait3A_1649 = tpu.memref_squeeze %dma_wait3A_1648 : memref<1x4x48x16xf32, #tpu.memory_space<hbm>> -> memref<4x48x16xf32, #tpu.memory_space<hbm>>
      tpu.wait_dma2 semaphore(%run_scoped3A_1631 : memref<!tpu.dma_semaphore, #tpu.memory_space<semaphore_mem>>) src(%arg11 : memref<4x48x16xf32, #tpu.memory_space<vmem>>) dst(%dma_wait3A_1649 : memref<4x48x16xf32, #tpu.memory_space<hbm>>)
      tpu.yield
    }) : () -> ()
    return
  }
}

module attributes {stable_mosaic.version = 14 : i64} {
  func.func @_tc_body(%arg0: i32, %arg1: memref<32x1x48x16xf32, #tpu.memory_space<vmem>>, %arg2: memref<1x4x512x512xf32, #tpu.memory_space<vmem>>, %arg3: memref<1x1x512x512xf32, #tpu.memory_space<vmem>>, %arg4: memref<1x1x512x512xi32, #tpu.memory_space<vmem>>, %arg5: memref<1x1x512x512xi32, #tpu.memory_space<vmem>>, %arg6: memref<1x1xf32, #tpu.memory_space<smem>>) attributes {dimension_semantics = [#tpu.dimension_semantics<arbitrary>], iteration_bounds = array<i64: 4>, scalar_prefetch = 0 : i64, scratch_operands = 0 : i64, tpu.core_type = #tpu.core_type<tc>, window_params = [{transform_indices = @transform_0, window_bounds = array<i64: 32, 1, 48, 16>}, {transform_indices = @transform_1, window_bounds = array<i64: 1, 4, 512, 512>}, {transform_indices = @transform_2, window_bounds = array<i64: 1, 1, 512, 512>}, {transform_indices = @transform_3, window_bounds = array<i64: 1, 1, 512, 512>}, {transform_indices = @transform_4, window_bounds = array<i64: 1, 1, 512, 512>}, {transform_indices = @transform_5, window_bounds = array<i64: 1, 1>}]} {
    %get3A = arith.constant 0 : index
    %get3A_0 = arith.constant 0 : index
    %get3A_1 = arith.constant 0 : index
    %get3A_2 = arith.constant 0 : index
    %get3A_3 = vector.load %arg5[%get3A, %get3A_0, %get3A_1, %get3A_2] : memref<1x1x512x512xi32, #tpu.memory_space<vmem>>, vector<1x1x512x512xi32>
    %get3A_4 = vector.shape_cast %get3A_3 : vector<1x1x512x512xi32> to vector<512x512xi32>
    %get3A_5 = arith.constant 0 : index
    %get3A_6 = arith.constant 0 : index
    %get3A_7 = arith.constant 0 : index
    %get3A_8 = arith.constant 0 : index
    %get3A_9 = vector.load %arg4[%get3A_5, %get3A_6, %get3A_7, %get3A_8] : memref<1x1x512x512xi32, #tpu.memory_space<vmem>>, vector<1x1x512x512xi32>
    %get3A_10 = vector.shape_cast %get3A_9 : vector<1x1x512x512xi32> to vector<512x512xi32>
    %get3A_11 = arith.constant 0 : index
    %get3A_12 = arith.constant 0 : index
    %get3A_13 = arith.constant 0 : index
    %get3A_14 = arith.constant 0 : index
    %get3A_15 = vector.load %arg3[%get3A_11, %get3A_12, %get3A_13, %get3A_14] : memref<1x1x512x512xf32, #tpu.memory_space<vmem>>, vector<1x1x512x512xf32>
    %get3A_16 = vector.shape_cast %get3A_15 : vector<1x1x512x512xf32> to vector<512x512xf32>
    %get3A_17 = arith.constant 0 : index
    %get3A_18 = arith.constant 0 : index
    %get3A_19 = arith.constant 0 : index
    %get3A_20 = arith.constant 0 : index
    %get3A_21 = vector.load %arg1[%get3A_17, %get3A_18, %get3A_19, %get3A_20] : memref<32x1x48x16xf32, #tpu.memory_space<vmem>>, vector<32x1x48x16xf32>
    %reduce_sum3A = arith.constant dense<0.000000e+00> : vector<48xf32>
    %reduce_sum3A_22 = vector.multi_reduction <add>, %get3A_21, %reduce_sum3A [0, 1, 3] : vector<32x1x48x16xf32> to vector<48xf32>
    %broadcast_in_dim3A = vector.shape_cast %reduce_sum3A_22 : vector<48xf32> to vector<1x48xf32>
    %iota3A = tpu.iota {dimensions = array<i32: 1>} : vector<1x8xi32>
    %slice3A = vector.extract_strided_slice %broadcast_in_dim3A {offsets = [0, 0], sizes = [1, 8], strides = [1, 1]} : vector<1x48xf32> to vector<1x8xf32>
    %add3A = arith.constant 1.000000e+00 : f32
    %add3A_23 = vector.broadcast %add3A : f32 to vector<1x8xf32>
    %add3A_24 = arith.addf %slice3A, %add3A_23 : vector<1x8xf32>
    %div3A = arith.constant 1.000000e+00 : f32
    %div3A_25 = vector.broadcast %div3A : f32 to vector<1x8xf32>
    %div3A_26 = arith.divf %div3A_25, %add3A_24 : vector<1x8xf32>
    %gt3A = arith.constant 0 : i32
    %gt3A_27 = vector.broadcast %gt3A : i32 to vector<1x8xi32>
    %gt3A_28 = arith.cmpi sgt, %iota3A, %gt3A_27 : vector<1x8xi32>
    %slice3A_29 = vector.extract_strided_slice %broadcast_in_dim3A {offsets = [0, 8], sizes = [1, 8], strides = [1, 1]} : vector<1x48xf32> to vector<1x8xf32>
    %mul3A = arith.mulf %slice3A_29, %div3A_26 : vector<1x8xf32>
    %jit3A = arith.constant 0.000000e+00 : f32
    %broadcast_in_dim3A_30 = vector.broadcast %jit3A : f32 to vector<1x8xf32>
    %select_n3A = arith.select %gt3A_28, %mul3A, %broadcast_in_dim3A_30 : vector<1x8xi1>, vector<1x8xf32>
    %gt3A_31 = arith.constant 0 : i32
    %gt3A_32 = vector.broadcast %gt3A_31 : i32 to vector<1x8xi32>
    %gt3A_33 = arith.cmpi sgt, %iota3A, %gt3A_32 : vector<1x8xi32>
    %slice3A_34 = vector.extract_strided_slice %broadcast_in_dim3A {offsets = [0, 16], sizes = [1, 8], strides = [1, 1]} : vector<1x48xf32> to vector<1x8xf32>
    %mul3A_35 = arith.mulf %slice3A_34, %div3A_26 : vector<1x8xf32>
    %jit3A_36 = arith.constant 0.000000e+00 : f32
    %broadcast_in_dim3A_37 = vector.broadcast %jit3A_36 : f32 to vector<1x8xf32>
    %select_n3A_38 = arith.select %gt3A_33, %mul3A_35, %broadcast_in_dim3A_37 : vector<1x8xi1>, vector<1x8xf32>
    %gt3A_39 = arith.constant 0 : i32
    %gt3A_40 = vector.broadcast %gt3A_39 : i32 to vector<1x8xi32>
    %gt3A_41 = arith.cmpi sgt, %iota3A, %gt3A_40 : vector<1x8xi32>
    %slice3A_42 = vector.extract_strided_slice %broadcast_in_dim3A {offsets = [0, 24], sizes = [1, 8], strides = [1, 1]} : vector<1x48xf32> to vector<1x8xf32>
    %mul3A_43 = arith.mulf %slice3A_42, %div3A_26 : vector<1x8xf32>
    %jit3A_44 = arith.constant 0.000000e+00 : f32
    %broadcast_in_dim3A_45 = vector.broadcast %jit3A_44 : f32 to vector<1x8xf32>
    %select_n3A_46 = arith.select %gt3A_41, %mul3A_43, %broadcast_in_dim3A_45 : vector<1x8xi1>, vector<1x8xf32>
    %gt3A_47 = arith.constant 0 : i32
    %gt3A_48 = vector.broadcast %gt3A_47 : i32 to vector<1x8xi32>
    %gt3A_49 = arith.cmpi sgt, %iota3A, %gt3A_48 : vector<1x8xi32>
    %slice3A_50 = vector.extract_strided_slice %broadcast_in_dim3A {offsets = [0, 32], sizes = [1, 8], strides = [1, 1]} : vector<1x48xf32> to vector<1x8xf32>
    %mul3A_51 = arith.mulf %slice3A_50, %div3A_26 : vector<1x8xf32>
    %jit3A_52 = arith.constant 0.000000e+00 : f32
    %broadcast_in_dim3A_53 = vector.broadcast %jit3A_52 : f32 to vector<1x8xf32>
    %select_n3A_54 = arith.select %gt3A_49, %mul3A_51, %broadcast_in_dim3A_53 : vector<1x8xi1>, vector<1x8xf32>
    %gt3A_55 = arith.constant 0 : i32
    %gt3A_56 = vector.broadcast %gt3A_55 : i32 to vector<1x8xi32>
    %gt3A_57 = arith.cmpi sgt, %iota3A, %gt3A_56 : vector<1x8xi32>
    %slice3A_58 = vector.extract_strided_slice %broadcast_in_dim3A {offsets = [0, 40], sizes = [1, 8], strides = [1, 1]} : vector<1x48xf32> to vector<1x8xf32>
    %add3A_59 = arith.constant 1.000000e+00 : f32
    %add3A_60 = vector.broadcast %add3A_59 : f32 to vector<1x8xf32>
    %add3A_61 = arith.addf %slice3A_58, %add3A_60 : vector<1x8xf32>
    %div3A_62 = arith.constant 1.000000e+00 : f32
    %div3A_63 = vector.broadcast %div3A_62 : f32 to vector<1x8xf32>
    %div3A_64 = arith.divf %div3A_63, %add3A_61 : vector<1x8xf32>
    %jit3A_65 = arith.constant 1.000000e+00 : f32
    %broadcast_in_dim3A_66 = vector.broadcast %jit3A_65 : f32 to vector<1x8xf32>
    %select_n3A_67 = arith.select %gt3A_57, %div3A_64, %broadcast_in_dim3A_66 : vector<1x8xi1>, vector<1x8xf32>
    %broadcast_in_dim3A_68 = arith.constant 0.000000e+00 : f32
    %broadcast_in_dim3A_69 = vector.broadcast %broadcast_in_dim3A_68 : f32 to vector<512x512xf32>
    %get3A_70 = arith.constant 0 : index
    %get3A_71 = arith.constant 0 : index
    %get3A_72 = arith.constant 0 : index
    %get3A_73 = arith.constant 0 : index
    %get3A_74 = vector.load %arg2[%get3A_70, %get3A_71, %get3A_72, %get3A_73] : memref<1x4x512x512xf32, #tpu.memory_space<vmem>>, vector<1x1x512x512xf32>
    %get3A_75 = vector.shape_cast %get3A_74 : vector<1x1x512x512xf32> to vector<512x512xf32>
    %mul3A_76 = arith.mulf %get3A_75, %get3A_16 : vector<512x512xf32>
    %broadcast_in_dim3A_77 = vector.shape_cast %select_n3A : vector<1x8xf32> to vector<1x8xf32>
    %broadcast_in_dim3A_78 = vector.broadcast %broadcast_in_dim3A_77 : vector<1x8xf32> to vector<512x8xf32>
    %reshape3A = vector.shape_cast %get3A_4 : vector<512x512xi32> to vector<512x512x1xi32>
    %gather3A = vector.shape_cast %reshape3A : vector<512x512x1xi32> to vector<512x512xi32>
    %gather3A_79 = tpu.dynamic_gather %broadcast_in_dim3A_78[%gather3A] in [1] : vector<512x8xf32>, vector<512x512xi32> -> vector<512x512xf32>
    %sub3A = arith.subf %mul3A_76, %gather3A_79 : vector<512x512xf32>
    %mul3A_80 = arith.mulf %sub3A, %sub3A : vector<512x512xf32>
    %add3A_81 = arith.addf %broadcast_in_dim3A_69, %mul3A_80 : vector<512x512xf32>
    %get3A_82 = arith.constant 0 : index
    %get3A_83 = arith.constant 1 : index
    %get3A_84 = arith.constant 0 : index
    %get3A_85 = arith.constant 0 : index
    %get3A_86 = vector.load %arg2[%get3A_82, %get3A_83, %get3A_84, %get3A_85] : memref<1x4x512x512xf32, #tpu.memory_space<vmem>>, vector<1x1x512x512xf32>
    %get3A_87 = vector.shape_cast %get3A_86 : vector<1x1x512x512xf32> to vector<512x512xf32>
    %mul3A_88 = arith.mulf %get3A_87, %get3A_16 : vector<512x512xf32>
    %broadcast_in_dim3A_89 = vector.shape_cast %select_n3A_38 : vector<1x8xf32> to vector<1x8xf32>
    %broadcast_in_dim3A_90 = vector.broadcast %broadcast_in_dim3A_89 : vector<1x8xf32> to vector<512x8xf32>
    %reshape3A_91 = vector.shape_cast %get3A_4 : vector<512x512xi32> to vector<512x512x1xi32>
    %gather3A_92 = vector.shape_cast %reshape3A_91 : vector<512x512x1xi32> to vector<512x512xi32>
    %gather3A_93 = tpu.dynamic_gather %broadcast_in_dim3A_90[%gather3A_92] in [1] : vector<512x8xf32>, vector<512x512xi32> -> vector<512x512xf32>
    %sub3A_94 = arith.subf %mul3A_88, %gather3A_93 : vector<512x512xf32>
    %mul3A_95 = arith.mulf %sub3A_94, %sub3A_94 : vector<512x512xf32>
    %add3A_96 = arith.addf %add3A_81, %mul3A_95 : vector<512x512xf32>
    %get3A_97 = arith.constant 0 : index
    %get3A_98 = arith.constant 2 : index
    %get3A_99 = arith.constant 0 : index
    %get3A_100 = arith.constant 0 : index
    %get3A_101 = vector.load %arg2[%get3A_97, %get3A_98, %get3A_99, %get3A_100] : memref<1x4x512x512xf32, #tpu.memory_space<vmem>>, vector<1x1x512x512xf32>
    %get3A_102 = vector.shape_cast %get3A_101 : vector<1x1x512x512xf32> to vector<512x512xf32>
    %mul3A_103 = arith.mulf %get3A_102, %get3A_16 : vector<512x512xf32>
    %broadcast_in_dim3A_104 = vector.shape_cast %select_n3A_46 : vector<1x8xf32> to vector<1x8xf32>
    %broadcast_in_dim3A_105 = vector.broadcast %broadcast_in_dim3A_104 : vector<1x8xf32> to vector<512x8xf32>
    %reshape3A_106 = vector.shape_cast %get3A_4 : vector<512x512xi32> to vector<512x512x1xi32>
    %gather3A_107 = vector.shape_cast %reshape3A_106 : vector<512x512x1xi32> to vector<512x512xi32>
    %gather3A_108 = tpu.dynamic_gather %broadcast_in_dim3A_105[%gather3A_107] in [1] : vector<512x8xf32>, vector<512x512xi32> -> vector<512x512xf32>
    %sub3A_109 = arith.subf %mul3A_103, %gather3A_108 : vector<512x512xf32>
    %mul3A_110 = arith.mulf %sub3A_109, %sub3A_109 : vector<512x512xf32>
    %add3A_111 = arith.addf %add3A_96, %mul3A_110 : vector<512x512xf32>
    %get3A_112 = arith.constant 0 : index
    %get3A_113 = arith.constant 3 : index
    %get3A_114 = arith.constant 0 : index
    %get3A_115 = arith.constant 0 : index
    %get3A_116 = vector.load %arg2[%get3A_112, %get3A_113, %get3A_114, %get3A_115] : memref<1x4x512x512xf32, #tpu.memory_space<vmem>>, vector<1x1x512x512xf32>
    %get3A_117 = vector.shape_cast %get3A_116 : vector<1x1x512x512xf32> to vector<512x512xf32>
    %mul3A_118 = arith.mulf %get3A_117, %get3A_16 : vector<512x512xf32>
    %broadcast_in_dim3A_119 = vector.shape_cast %select_n3A_54 : vector<1x8xf32> to vector<1x8xf32>
    %broadcast_in_dim3A_120 = vector.broadcast %broadcast_in_dim3A_119 : vector<1x8xf32> to vector<512x8xf32>
    %reshape3A_121 = vector.shape_cast %get3A_4 : vector<512x512xi32> to vector<512x512x1xi32>
    %gather3A_122 = vector.shape_cast %reshape3A_121 : vector<512x512x1xi32> to vector<512x512xi32>
    %gather3A_123 = tpu.dynamic_gather %broadcast_in_dim3A_120[%gather3A_122] in [1] : vector<512x8xf32>, vector<512x512xi32> -> vector<512x512xf32>
    %sub3A_124 = arith.subf %mul3A_118, %gather3A_123 : vector<512x512xf32>
    %mul3A_125 = arith.mulf %sub3A_124, %sub3A_124 : vector<512x512xf32>
    %add3A_126 = arith.addf %add3A_111, %mul3A_125 : vector<512x512xf32>
    %sqrt3A = math.sqrt %add3A_126 : vector<512x512xf32>
    %sub3A_127 = arith.constant 5.000000e-01 : f32
    %sub3A_128 = vector.broadcast %sub3A_127 : f32 to vector<512x512xf32>
    %sub3A_129 = arith.subf %sqrt3A, %sub3A_128 : vector<512x512xf32>
    %max3A = arith.constant 0.000000e+00 : f32
    %max3A_130 = vector.broadcast %max3A : f32 to vector<512x512xf32>
    %max3A_131 = arith.maximumf %sub3A_129, %max3A_130 : vector<512x512xf32>
    %mul3A_132 = arith.mulf %max3A_131, %max3A_131 : vector<512x512xf32>
    %add3A_133 = arith.constant 1.000000e+00 : f32
    %add3A_134 = vector.broadcast %add3A_133 : f32 to vector<512x512xf32>
    %add3A_135 = arith.addf %mul3A_132, %add3A_134 : vector<512x512xf32>
    %log3A = math.log %add3A_135 : vector<512x512xf32>
    %broadcast_in_dim3A_136 = vector.shape_cast %select_n3A_67 : vector<1x8xf32> to vector<1x8xf32>
    %broadcast_in_dim3A_137 = vector.broadcast %broadcast_in_dim3A_136 : vector<1x8xf32> to vector<512x8xf32>
    %reshape3A_138 = vector.shape_cast %get3A_10 : vector<512x512xi32> to vector<512x512x1xi32>
    %gather3A_139 = vector.shape_cast %reshape3A_138 : vector<512x512x1xi32> to vector<512x512xi32>
    %gather3A_140 = tpu.dynamic_gather %broadcast_in_dim3A_137[%gather3A_139] in [1] : vector<512x8xf32>, vector<512x512xi32> -> vector<512x512xf32>
    %mul3A_141 = arith.mulf %log3A, %gather3A_140 : vector<512x512xf32>
    %reduce_sum3A_142 = vector.shape_cast %mul3A_141 : vector<512x512xf32> to vector<1x512x512xf32>
    %reduce_sum3A_143 = arith.constant dense<0.000000e+00> : vector<1xf32>
    %reduce_sum3A_144 = vector.multi_reduction <add>, %reduce_sum3A_142, %reduce_sum3A_143 [1, 2] : vector<1x512x512xf32> to vector<1xf32>
    %reduce_sum3A_145 = vector.shape_cast %reduce_sum3A_144 : vector<1xf32> to vector<1x1x1xf32>
    %reduce_sum3A_146 = vector.extract %reduce_sum3A_145[0, 0, 0] : f32 from vector<1x1x1xf32>
    %eq3A = arith.constant 0 : i32
    %eq3A_147 = arith.cmpi eq, %arg0, %eq3A : i32
    %convert_element_type3A = arith.extui %eq3A_147 : i1 to i32
    %cond3A = arith.constant 0 : i32
    %cond3A_148 = arith.cmpi ne, %convert_element_type3A, %cond3A : i32
    scf.if %cond3A_148 {
      %swap3A = arith.constant 0 : index
      %swap3A_163 = arith.constant 0 : index
      %swap3A_164 = memref.load %arg6[%swap3A, %swap3A_163] : memref<1x1xf32, #tpu.memory_space<smem>>
      memref.store %reduce_sum3A_146, %arg6[%swap3A, %swap3A_163] : memref<1x1xf32, #tpu.memory_space<smem>>
    } else {
    }
    %ne3A = arith.constant 0 : i32
    %ne3A_149 = arith.cmpi ne, %arg0, %ne3A : i32
    %ne3A_150 = arith.constant 3 : i32
    %ne3A_151 = arith.cmpi ne, %arg0, %ne3A_150 : i32
    %and3A = arith.andi %ne3A_149, %ne3A_151 : i1
    %convert_element_type3A_152 = arith.extui %and3A : i1 to i32
    %cond3A_153 = arith.constant 0 : i32
    %cond3A_154 = arith.cmpi ne, %convert_element_type3A_152, %cond3A_153 : i32
    scf.if %cond3A_154 {
      %get3A_163 = arith.constant 0 : index
      %get3A_164 = arith.constant 0 : index
      %get3A_165 = memref.load %arg6[%get3A_163, %get3A_164] : memref<1x1xf32, #tpu.memory_space<smem>>
      %add3A_166 = arith.addf %get3A_165, %reduce_sum3A_146 : f32
      %swap3A = arith.constant 0 : index
      %swap3A_167 = arith.constant 0 : index
      %swap3A_168 = memref.load %arg6[%swap3A, %swap3A_167] : memref<1x1xf32, #tpu.memory_space<smem>>
      memref.store %add3A_166, %arg6[%swap3A, %swap3A_167] : memref<1x1xf32, #tpu.memory_space<smem>>
    } else {
    }
    %ne3A_155 = arith.constant 0 : i32
    %ne3A_156 = arith.cmpi ne, %arg0, %ne3A_155 : i32
    %eq3A_157 = arith.constant 3 : i32
    %eq3A_158 = arith.cmpi eq, %arg0, %eq3A_157 : i32
    %and3A_159 = arith.andi %ne3A_156, %eq3A_158 : i1
    %convert_element_type3A_160 = arith.extui %and3A_159 : i1 to i32
    %cond3A_161 = arith.constant 0 : i32
    %cond3A_162 = arith.cmpi ne, %convert_element_type3A_160, %cond3A_161 : i32
    scf.if %cond3A_162 {
      %reduce_max3A = vector.shape_cast %get3A_4 : vector<512x512xi32> to vector<1x512x512xi32>
      %reduce_max3A_163 = arith.constant dense<-2147483648> : vector<1xi32>
      %reduce_max3A_164 = vector.multi_reduction <maxsi>, %reduce_max3A, %reduce_max3A_163 [1, 2] : vector<1x512x512xi32> to vector<1xi32>
      %reduce_max3A_165 = vector.shape_cast %reduce_max3A_164 : vector<1xi32> to vector<1x1x1xi32>
      %reduce_max3A_166 = vector.extract %reduce_max3A_165[0, 0, 0] : i32 from vector<1x1x1xi32>
      %convert_element_type3A_167 = arith.sitofp %reduce_max3A_166 : i32 to f32
      %get3A_168 = arith.constant 0 : index
      %get3A_169 = arith.constant 0 : index
      %get3A_170 = memref.load %arg6[%get3A_168, %get3A_169] : memref<1x1xf32, #tpu.memory_space<smem>>
      %add3A_171 = arith.addf %get3A_170, %reduce_sum3A_146 : f32
      %div3A_172 = arith.divf %add3A_171, %convert_element_type3A_167 : f32
      %swap3A = arith.constant 0 : index
      %swap3A_173 = arith.constant 0 : index
      %swap3A_174 = memref.load %arg6[%swap3A, %swap3A_173] : memref<1x1xf32, #tpu.memory_space<smem>>
      memref.store %div3A_172, %arg6[%swap3A, %swap3A_173] : memref<1x1xf32, #tpu.memory_space<smem>>
    } else {
    }
    return
  }
  func.func @transform_0(%arg0: i32) -> (i32, i32, i32, i32) {
    %c0_i32 = arith.constant 0 : i32
    %c0_i32_0 = arith.constant 0 : i32
    %c0_i32_1 = arith.constant 0 : i32
    %c0_i32_2 = arith.constant 0 : i32
    return %c0_i32, %arg0, %c0_i32_0, %c0_i32_1 : i32, i32, i32, i32
  }
  func.func @transform_1(%arg0: i32) -> (i32, i32, i32, i32) {
    %c0_i32 = arith.constant 0 : i32
    %c0_i32_0 = arith.constant 0 : i32
    %c0_i32_1 = arith.constant 0 : i32
    %c0_i32_2 = arith.constant 0 : i32
    return %arg0, %c0_i32, %c0_i32_0, %c0_i32_1 : i32, i32, i32, i32
  }
  func.func @transform_2(%arg0: i32) -> (i32, i32, i32, i32) {
    %c0_i32 = arith.constant 0 : i32
    %c0_i32_0 = arith.constant 0 : i32
    %c0_i32_1 = arith.constant 0 : i32
    %c0_i32_2 = arith.constant 0 : i32
    return %arg0, %c0_i32, %c0_i32_0, %c0_i32_1 : i32, i32, i32, i32
  }
  func.func @transform_3(%arg0: i32) -> (i32, i32, i32, i32) {
    %c0_i32 = arith.constant 0 : i32
    %c0_i32_0 = arith.constant 0 : i32
    %c0_i32_1 = arith.constant 0 : i32
    %c0_i32_2 = arith.constant 0 : i32
    return %arg0, %c0_i32, %c0_i32_0, %c0_i32_1 : i32, i32, i32, i32
  }
  func.func @transform_4(%arg0: i32) -> (i32, i32, i32, i32) {
    %c0_i32 = arith.constant 0 : i32
    %c0_i32_0 = arith.constant 0 : i32
    %c0_i32_1 = arith.constant 0 : i32
    %c0_i32_2 = arith.constant 0 : i32
    return %arg0, %c0_i32, %c0_i32_0, %c0_i32_1 : i32, i32, i32, i32
  }
  func.func @transform_5(%arg0: i32) -> (i32, i32) {
    %c0_i32 = arith.constant 0 : i32
    %c0_i32_0 = arith.constant 0 : i32
    %c0_i32_1 = arith.constant 0 : i32
    return %c0_i32, %c0_i32_0 : i32, i32
  }
}

</mosaic_0001>

<sc_bundles>
// kernel: kernel.4.cloned.1.call-start
scs
__scs_entry_jumppad:
0x0: {  	(pc) =	sbr.rel $0x88, $3  }
0x1: {  	(tag) =	ssettag $0x0;
	lr =	simm.s32 $0x1  }
0x2: {  	[smem:$0x3F9C] =	sst lr;
	_ =	strace $0xD0000000  }
0x3: {  	_ = 	snop  }
0x4: {  	_ = 	snop  }
0x5: {  	_ = 	snop  }
0x6: {  	_ = 	snop  }
0x7: {  	_ = 	snop  }
__scs_overlays_trampoline_lowered:
0x8: {  	[smem:$0x3FAB] =	sst s0  }
0x9: {  	[smem:$0x3FAC] =	sst s1  }
0xa: {  	[smem:$0x3FAD] =	sst s2  }
0xb: {  	[smem:$0x3FAE] =	sst s3  }
0xc: {  	[smem:$0x3FAF] =	sst s4  }
0xd: {  	[smem:$0x3FB0] =	sst s5  }
0xe: {  	[smem:$0x3FB1] =	sst s6  }
0xf: {  	[smem:$0x3FB2] =	sst s7  }
0x10: {  	[smem:$0x3FB3] =	sst s8  }
0x11: {  	[smem:$0x3FB4] =	sst s9;
	s0 =	simm.s32 @!p0 $0x0  }
0x12: {  	s1 =	sld [smem:$0x3F9A];
	s0 =	simm.s32 @p0 $0x1  }
0x13: {  	[smem:$0x3FB5] =	sst s0;
	s0 =	simm.s32 @!p1 $0x0  }
0x14: {  	s2 =	sld [smem:$0x3F99];
	s0 =	simm.s32 @p1 $0x1  }
0x15: {  	[smem:$0x3FB6] =	sst s0;
	s0 =	simm.s32 @!p2 $0x0  }
0x16: {  	s3 =	sld [smem:$0x3FDB];
	s0 =	simm.s32 @p2 $0x1  }
0x17: {  	s4 =	simm.s32 $0x1BF5;
	[smem:$0x3FB8] =	sst s0  }
0x18: {  	s0 =	sld [smem:$0x3F9B];
	_ =	swait.ge [sflag:s4], $0x0  }
0x19: {  	s7 =	sld [smem:$0x3F9C]  }
0x1a: {  	s8 =	sadd.s32 $0xFFFFE003, lr  }
0x1b: {  	s9 =	sadd.s32 $0xFFFFFEF7, lr;
	s5 =	simm.s32 $0xFFFFFFFF;
	p2 =	slt.u32 s8, $0xFFFFF086  }
0x1c: {  	p1 =	slt.u32 s9, $0xF7A;
	s5 =	simm.s32 @!p2 $0x0  }
0x1d: {  	s5 =	simm.s32 @p1 $0x1;
	p0 =	seq.s32 s7, s2  }
0x1e: {  	s7 =	smul.u32 @!p0 $0xF7A, s2;
	p2 =	seq.s32 @!p0 s5, $0x0  }
0x1f: {  	s9 =	smul.u32 $0xF7A, s1;
	s8 =	simm.s32 @!p0 $0x1BF5;
	p2 =	por !p2, p0  }
0x20: {  	[sflag:s8] =	ssyncset.s32 @!p0 $0xFFFFF086;
	s6 =	sadd.s32 @!p0 s3, s7;
	s7 =	simm.s32 @!p0 $0x108  }
0x21: {  	s3 =	sadd.s32 s3, s9;
	s6 =	sadd.s32 @!p0 $0x88, s6;
	s7 =	simm.s32 @p2 $0x1082  }
0x22: {  	[simem:s7], [sflag:s8] =	dma.local @!p0 [hbm:s6], $0xF7A  }
0x23: {  	s9 =	sor.u32 $0xD0000000, s2;
	s6 =	simm.s32 $0x108;
	_ =	swait.ge @!p0 [sflag:s8], $0x0  }
0x24: {  	s3 =	sadd.s32 $0x88, s3;
	s6 =	simm.s32 @!p1 $0x1082;
	[sflag:s4] =	ssyncset.s32 $0xFFFFF086  }
0x25: {  	[simem:s6], [sflag:s4] =	dma.local [hbm:s3], $0xF7A  }
0x26: {  	[smem:$0x3F9C] =	sst s1;
	(tag) =	ssettag s2;
	_ =	strace s9  }
0x27: {  	s1 =	sld [smem:$0x3FAC]  }
0x28: {  	s2 =	sld [smem:$0x3FAD]  }
0x29: {  	s4 =	sld [smem:$0x3FAF]  }
0x2a: {  	p0 =	seq.s32 s5, $0x0;
	s5 =	sld [smem:$0x3FB0]  }
0x2b: {  	s6 =	sld [smem:$0x3FB1]  }
0x2c: {  	s7 =	sld [smem:$0x3FB2]  }
0x2d: {  	s3 =	simm.s32 $0x108;
	s8 =	sld [smem:$0x3FB3]  }
0x2e: {  	s3 =	simm.s32 @!p0 $0x1082;
	s9 =	sld [smem:$0x3FB4]  }
0x2f: {  	lr =	sadd.s32 s0, s3;
	s0 =	sld [smem:$0x3FAB]  }
0x30: {  	s3 =	sld [smem:$0x3FAE]  }
0x31: {  	[smem:$0x3FB7] =	sst s10  }
0x32: {  	s10 =	sld [smem:$0x3FB5];
	_ =	sdelay $0x3  }
0x33: {  	p0 =	seq.s32 s10, $0x1;
	s10 =	sld [smem:$0x3FB7];
	_ =	sdelay $0x3  }
0x34: {  	[smem:$0x3FB7] =	sst s10  }
0x35: {  	s10 =	sld [smem:$0x3FB6];
	_ =	sdelay $0x3  }
0x36: {  	p1 =	seq.s32 s10, $0x1;
	s10 =	sld [smem:$0x3FB7];
	_ =	sdelay $0x3  }
0x37: {  	[smem:$0x3FB7] =	sst s10  }
0x38: {  	s10 =	sld [smem:$0x3FB8]  }
0x39: {  	_ = 	snop;
	(pc) =	sbr.ind lr, $3  }
0x3a: {  	_ = 	snop  }
0x3b: {  	_ = 	snop  }
0x3c: {  	p2 =	seq.s32 s10, $0x1;
	s10 =	sld [smem:$0x3FB7]  }
0x3d: {  	_ =	shalt  }
0x3e: {  	_ =	shalt  }
0x3f: {  	_ =	shalt  }
0x40: {  	_ =	shalt  }
0x41: {  	_ =	shalt  }
0x42: {  	_ =	shalt  }
0x43: {  	_ =	shalt  }
0x44: {  	_ =	shalt  }
0x45: {  	_ =	shalt  }
0x46: {  	_ =	shalt  }
0x47: {  	_ =	shalt  }
0x48: {  	_ =	shalt  }
0x49: {  	_ =	shalt  }
0x4a: {  	_ =	shalt  }
0x4b: {  	_ =	shalt  }
0x4c: {  	_ =	shalt  }
0x4d: {  	_ =	shalt  }
0x4e: {  	_ =	shalt  }
0x4f: {  	_ =	shalt  }
0x50: {  	_ =	shalt  }
0x51: {  	_ =	shalt  }
0x52: {  	_ =	shalt  }
0x53: {  	_ =	shalt  }
0x54: {  	_ =	shalt  }
0x55: {  	_ =	shalt  }
0x56: {  	_ =	shalt  }
0x57: {  	_ =	shalt  }
0x58: {  	_ =	shalt  }
0x59: {  	_ =	shalt  }
0x5a: {  	_ =	shalt  }
0x5b: {  	_ =	shalt  }
0x5c: {  	_ =	shalt  }
0x5d: {  	_ =	shalt  }
0x5e: {  	_ =	shalt  }
0x5f: {  	_ =	shalt  }
0x60: {  	_ =	shalt  }
0x61: {  	_ =	shalt  }
0x62: {  	_ =	shalt  }
0x63: {  	_ =	shalt  }
0x64: {  	_ =	shalt  }
0x65: {  	_ =	shalt  }
0x66: {  	_ =	shalt  }
0x67: {  	_ =	shalt  }
0x68: {  	_ =	shalt  }
0x69: {  	_ =	shalt  }
0x6a: {  	_ =	shalt  }
0x6b: {  	_ =	shalt  }
0x6c: {  	_ =	shalt  }
0x6d: {  	_ =	shalt  }
0x6e: {  	_ =	shalt  }
0x6f: {  	_ =	shalt  }
0x70: {  	_ =	shalt  }
0x71: {  	_ =	shalt  }
0x72: {  	_ =	shalt  }
0x73: {  	_ =	shalt  }
0x74: {  	_ =	shalt  }
0x75: {  	_ =	shalt  }
0x76: {  	_ =	shalt  }
0x77: {  	_ =	shalt  }
0x78: {  	_ =	shalt  }
0x79: {  	_ =	shalt  }
0x7a: {  	_ =	shalt  }
0x7b: {  	_ =	shalt  }
0x7c: {  	_ =	shalt  }
0x7d: {  	_ =	shalt  }
0x7e: {  	_ =	shalt  }
0x7f: {  	_ =	shalt  }
0x80: {  	_ =	shalt  }
0x81: {  	_ =	shalt  }
0x82: {  	_ =	shalt  }
0x83: {  	_ =	shalt  }
0x84: {  	_ =	shalt  }
0x85: {  	_ =	shalt  }
0x86: {  	_ =	shalt  }
0x87: {  	_ =	shalt  }
.Lfunc_end0:
.L_simem_size_0:
called_computation_lowered:
.L_overlay_start_0:
0x88: {  	s2 =	sld [smem:$0x3FD9]  }
0x89: {  	s3 =	sld [smem:$0x3FFE];
	_ =	sdelay $0x1  }
0x8a: {  	s1 =	srdreg.scid  }
0x8b: {  	s0 =	sand.u32 $0x1, s1  }
0x8c: {  	s16 =	sshll.u32 s0, $0xA;
	s2 =	sadd.s32 s3, s2  }
0x8d: {  	s2 =	sadd.s32 s2, s16  }
0x8e: {  	[smem:$0x3FC3] =	sst s2  }
0x8f: {  	_ = 	snop  }
0x90: {  	(tm) =	ssettm $0x1  }
0x91: {  	s17 =	sld [smem:$0x3FFB];
	_ =	sdelay $0x3  }
0x92: {  	_ =	strace s17  }
0x93: {  	s2 =	sld [smem:$0x3FFC];
	_ =	sdelay $0x3  }
0x94: {  	_ =	strace s2  }
0x95: {  	s2 =	sld [smem:$0x3FFD];
	_ =	sdelay $0x3  }
0x96: {  	_ =	strace s2  }
0x97: {  	_ =	strace $0x8FFFFFFF  }
0x98: {  	s18 =	sld [smem:$0x3FDB];
	_ =	sdelay $0x1  }
0x99: {  	s19 =	simm.s32 $_scs_section_size  }
0x9a: {  	s4 =	simm.s32 $_size__tile_overlayer_lowered;
	s5 =	simm.s32 $_tile_overlayer_lowered  }
0x9b: {  	s22 =	simm.s32 $0x1BFF;
	s21 =	sshll.u32 s5, $0x1;
	s2 =	sadd.s32 s19, s18  }
0x9c: {  	s6 =	simm.s32 $0x0;
	s20 =	sshll.u32 s4, $0x1;
	s4 =	sadd.s32 s21, s2  }
0x9d: {  	[timem:s6], [sflag:s22] =	dma.local [hbm:s4], s20  }
0x9e: {  	_ =	swait.ge [sflag:s22], s20  }
0x9f: {  	s3 =	ssub.s32 $0x0, s20;
	[sflag:s22] =	ssyncset.done $0x0  }
0xa0: {  	[sflag:s22] =	ssyncadd.s32 s3;
	_ =	sdelay $0x1  }
0xa1: {  	s23 =	simm.s32 $0x1B8B  }
0xa2: {  	_ =	swait.ge [sflag:s23], $0x1  }
0xa3: {  	[sflag:s23] =	ssyncset.done $0x0  }
0xa4: {  	s25 =	simm.s32 $0x1B8E;
	s24 =	sld [smem:$0x3FFE];
	[sflag:s23] =	ssyncadd.s32 $0xFFFFFFFF  }
0xa5: {  	s26 =	simm.s32 $execute0_lowered;
	[smem:$0x3FD2] =	sst s25  }
0xa6: {  	s4 =	sshll.u32 s26, $0x1;
	_ =	strace $0x80000046;
	[dreg:$0x1] =	wrdreg $0xFFFFFFFF  }
0xa7: {  	s28 =	simm.s32 $_size_execute0_lowered;
	s2 =	sadd.s32 s2, s4;
	[dreg:$0x0] =	wrdreg $0x0  }
0xa8: {  	s4 =	sshll.u32 s28, $0x1;
	[dreg:$0x2] =	wrdreg s2  }
0xa9: {  	[dreg:$0x3] =	wrdreg s4  }
0xaa: {  	[dreg:$0x4] =	wrdreg $0xC0  }
0xab: {  	_ =	task [dreg:s6], $0x5FFFF  }
0xac: {  	[dreg:$0x1] =	wrdreg $0xFFFFFFFF  }
0xad: {  	[dreg:$0x0] =	wrdreg $0x60  }
0xae: {  	[dreg:$0x2] =	wrdreg s24  }
0xaf: {  	[dreg:$0x3] =	wrdreg $0x9  }
0xb0: {  	_ =	task.clear_ibuf [dreg:s6], $0x4FFFF;
	_ =	strace $0x90000046  }
0xb1: {  	s29 =	simm.s32 $0x9;
	_ =	strace $0x80000048  }
0xb2: {  	_ =	swait.ge [sflag:s29], $0x1  }
0xb3: {  	[sflag:s29] =	ssyncadd.s32 $0xFFFFFFFF  }
0xb4: {  	_ =	strace $0x90000048  }
0xb5: {  	_ =	sfence  }
0xb6: {  	s30 =	sld [smem:$0x0];
	_ =	sdelay $0x2  }
0xb7: {  	s31 =	sshll.u32 s1, $0xD;
	s1 =	sshrl.u32 s1, $0x2  }
0xb8: {  	s3 =	sand.u32 $0x4000, s31;
	s1 =	sadd.s32 s1, s30  }
0xb9: {  	s0 =	sor.u32 s3, s0;
	s1 =	sshll.u32 s1, $0x11  }
0xba: {  	s0 =	sor.u32 s1, s0  }
0xbb: {  	s0 =	sadd.s32 $0x8F2B, s0  }
0xbc: {  	[sflag:s0] =	ssyncadd.remote.s32 $0x1  }
0xbd: {  	_ =	sfence.sel $0xFFFF  }
0xbe: {  	[dreg:$0x0] =	wrdreg $0xFFFFFFFF;
	(pc) =	sbr.abs _section_cstart, $3  }
0xbf: {  	[dreg:$0x1] =	wrdreg $0xFFFFFFFF  }
0xc0: {  	_ =	task.clear_ibuf [dreg:s6], $0x2FFFF;
	_ =	strace $0x9FFFFFFF  }
0xc1: {  	(tm) =	ssettm $0x7FFFFFFF  }
tec
execute0_lowered:
.L_overlay_start_1:
0x0: {  	(tag) =	ssettag $0x1  }
0x1: {  	s0 =	rddreg [dreg:$0x0];
	s2 =	simm.s32 $0x0  }
0x2: {  	s1 =	srdreg.scid;
	s3 =	stileid.u32;
	s17 =	simm.s32 $0x0  }
0x3: {  	[smem:$0x7FF] =	sst s2;
	s1 =	sand.u32 $0x1, s1;
	s3 =	sshll.u32 s3, $0x1  }
0x4: {  	s4 =	sadd.s32 $0xC00, s0;
	s5 =	sadd.s32 $0x20C00, s0;
	s10 =	sadd.s32 $0x40C00, s0  }
0x5: {  	s9 =	sadd.s32 $0x60C00, s0;
	s3 =	sor.u32 s1, s3;
	s1 =	ssub.s32 $0x2, s1  }
0x6: {  	s6 =	smul.u32 $0xC00, s3;
	s7 =	sshrl.u32 s1, $0x1;
	s3 =	sshll.u32 s3, $0xC  }
0x7: {  	_ =	strace $0x80000047;
	s1 =	ssub.s32 s1, s7;
	s19 =	sadd.s32 s5, s3  }
0x8: {  	s20 =	sadd.s32 s10, s3;
	s21 =	sadd.s32 s4, s3;
	[dreg:$0x2] =	wrdreg s19  }
0x9: {  	s11 =	sor.u32 $0x10, s3;
	s12 =	sor.u32 $0x20, s3;
	[dreg:$0x3] =	wrdreg s20  }
0xa: {  	s0 =	sadd.s32 s6, s0;
	[dreg:$0x4] =	wrdreg s21;
	s6 =	sadd.s32 s9, s3  }
0xb: {  	s3 =	sor.u32 $0x30, s3;
	s7 =	sadd.s32 s9, s11;
	s13 =	sadd.s32 s5, s11  }
0xc: {  	s8 =	sadd.s32 s9, s12;
	s22 =	sadd.s32 s10, s11;
	[dreg:$0x5] =	wrdreg s13  }
0xd: {  	s11 =	sadd.s32 s4, s11;
	s23 =	sadd.s32 s5, s12;
	[dreg:$0x6] =	wrdreg s22  }
0xe: {  	s24 =	sadd.s32 s10, s12;
	s25 =	sadd.s32 s4, s12;
	[dreg:$0x7] =	wrdreg s11  }
0xf: {  	s12 =	simm.s32 $0xE000;
	s9 =	sadd.s32 s9, s3;
	[dreg:$0x8] =	wrdreg s23  }
0x10: {  	v0 =	vlaneseq.u32;
	s13 =	sadd.s32 $0x20000, s6;
	s14 =	sadd.s32 $0x20010, s6;
	[dreg:$0x9] =	wrdreg s24  }
0x11: {  	v1 =	vimm.f32 $0.0e+00;
	v2 =	vor.u32 $0x400, v0;
	v3 =	vor.u32 $0x800, v0;
	s15 =	sadd.s32 $0x20020, s6;
	s16 =	sadd.s32 $0x20030, s6;
	[dreg:$0xa] =	wrdreg s25  }
0x12: {  	v4 =	vor.u32 $0xC00, v0;
	v5 =	vor.u32 $0x1000, v0;
	v6 =	vor.u32 $0x1400, v0;
	s5 =	sadd.s32 s5, s3;
	s26 =	sadd.s32 s10, s3;
	s3 =	sadd.s32 s4, s3  }
0x13: {  	v7 =	vor.u32 $0x1800, v0;
	v8 =	vor.u32 $0x1C00, v0;
	v9 =	vor.u32 $0x2000, v0;
	s23 =	sadd.s32 $0x40000, s6;
	s24 =	sadd.s32 $0xE0C00, s0;
	s25 =	smax.u32 s1, $0x1  }
0x14: {  	v10 =	vor.u32 $0x2400, v0;
	v11 =	vor.u32 $0x2800, v0;
	v12 =	vor.u32 $0x2C00, v0;
	s28 =	sadd.s32 $0x40020, s6;
	s29 =	sadd.s32 $0x40030, s6;
	s30 =	sadd.s32 $0x60000, s6  }
0x15: {  	v13 =	vor.u32 $0x3000, v0;
	v14 =	vor.u32 $0x3400, v0;
	v15 =	vor.u32 $0x3800, v0;
	s31 =	sadd.s32 $0x60010, s6;
	s0 =	sadd.s32 $0x60020, s6;
	[dreg:$0xb] =	wrdreg s5  }
0x16: {  	v16 =	vor.u32 $0x3C00, v0;
	v17 =	vor.u32 $0x4000, v0;
	v18 =	vor.u32 $0x4400, v0;
	s1 =	sadd.s32 $0x60030, s6;
	s4 =	simm.s32 $0x200;
	[dreg:$0xc] =	wrdreg s26  }
0x17: {  	v19 =	vor.u32 $0x4800, v0;
	v20 =	vor.u32 $0x4C00, v0;
	v21 =	vor.u32 $0x5000, v0;
	s10 =	simm.s32 $0x2000;
	s11 =	simm.s32 $0x4000;
	[dreg:$0xd] =	wrdreg s3  }
0x18: {  	v22 =	vor.u32 $0x5400, v0;
	v23 =	vor.u32 $0x5800, v0;
	v24 =	vor.u32 $0x5C00, v0;
	s26 =	sadd.s32 $0x40010, s6;
	s3 =	simm.s32 $0x80;
	s5 =	simm.s32 $0x1  }
.LBB2_1:
0x19: {  	[tilespmem:$0xE000] =	vst v1  }
0x1a: {  	[tilespmem:$0xE080] =	vst v1  }
0x1b: {  	[tilespmem:$0xE100] =	vst v1  }
0x1c: {  	[tilespmem:$0xE180] =	vst v1  }
0x1d: {  	[tilespmem:$0xE200] =	vst v1  }
0x1e: {  	[tilespmem:$0xE280] =	vst v1  }
0x1f: {  	[tilespmem:$0xE300] =	vst v1  }
0x20: {  	[tilespmem:$0xE380] =	vst v1  }
0x21: {  	[tilespmem:$0xE400] =	vst v1  }
0x22: {  	[tilespmem:$0xE480] =	vst v1  }
0x23: {  	[tilespmem:$0xE500] =	vst v1  }
0x24: {  	[tilespmem:$0xE580] =	vst v1  }
0x25: {  	[tilespmem:$0xE600] =	vst v1  }
0x26: {  	[tilespmem:$0xE680] =	vst v1  }
0x27: {  	[tilespmem:$0xE700] =	vst v1  }
0x28: {  	[tilespmem:$0xE780] =	vst v1  }
0x29: {  	[tilespmem:$0xE800] =	vst v1  }
0x2a: {  	[tilespmem:$0xE880] =	vst v1  }
0x2b: {  	[tilespmem:$0xE900] =	vst v1  }
0x2c: {  	[tilespmem:$0xE980] =	vst v1  }
0x2d: {  	[tilespmem:$0xEA00] =	vst v1  }
0x2e: {  	[tilespmem:$0xEA80] =	vst v1  }
0x2f: {  	[tilespmem:$0xEB00] =	vst v1  }
0x30: {  	[tilespmem:$0xEB80] =	vst v1  }
0x31: {  	[tilespmem:$0xEC00] =	vst v1  }
0x32: {  	[tilespmem:$0xEC80] =	vst v1  }
0x33: {  	[tilespmem:$0xED00] =	vst v1  }
0x34: {  	[tilespmem:$0xED80] =	vst v1  }
0x35: {  	[tilespmem:$0xEE00] =	vst v1  }
0x36: {  	[tilespmem:$0xEE80] =	vst v1  }
0x37: {  	[tilespmem:$0xEF00] =	vst v1  }
0x38: {  	[tilespmem:$0xEF80] =	vst v1  }
0x39: {  	[tilespmem:$0xF000] =	vst v1  }
0x3a: {  	[tilespmem:$0xF080] =	vst v1  }
0x3b: {  	[tilespmem:$0xF100] =	vst v1  }
0x3c: {  	[tilespmem:$0xF180] =	vst v1  }
0x3d: {  	[tilespmem:$0xF200] =	vst v1  }
0x3e: {  	[tilespmem:$0xF280] =	vst v1  }
0x3f: {  	[tilespmem:$0xF300] =	vst v1  }
0x40: {  	[tilespmem:$0xF380] =	vst v1  }
0x41: {  	[tilespmem:$0xF400] =	vst v1  }
0x42: {  	[tilespmem:$0xF480] =	vst v1  }
0x43: {  	[tilespmem:$0xF500] =	vst v1  }
0x44: {  	[tilespmem:$0xF580] =	vst v1  }
0x45: {  	[tilespmem:$0xF600] =	vst v1  }
0x46: {  	[tilespmem:$0xF680] =	vst v1  }
0x47: {  	[tilespmem:$0xF700] =	vst v1  }
0x48: {  	[tilespmem:$0xF780] =	vst v1  }
0x49: {  	[tilespmem:$0xF800] =	vst v1  }
0x4a: {  	[tilespmem:$0xF880] =	vst v1  }
0x4b: {  	[tilespmem:$0xF900] =	vst v1  }
0x4c: {  	[tilespmem:$0xF980] =	vst v1  }
0x4d: {  	[tilespmem:$0xFA00] =	vst v1  }
0x4e: {  	[tilespmem:$0xFA80] =	vst v1  }
0x4f: {  	[tilespmem:$0xFB00] =	vst v1  }
0x50: {  	[tilespmem:$0xFB80] =	vst v1  }
0x51: {  	[tilespmem:$0xFC00] =	vst v1  }
0x52: {  	[tilespmem:$0xFC80] =	vst v1  }
0x53: {  	[tilespmem:$0xFD00] =	vst v1  }
0x54: {  	[tilespmem:$0xFD80] =	vst v1  }
0x55: {  	[tilespmem:$0xFE00] =	vst v1  }
0x56: {  	[tilespmem:$0xFE80] =	vst v1  }
0x57: {  	[tilespmem:$0xFF00] =	vst v1  }
0x58: {  	[tilespmem:$0xFF80] =	vst v1  }
0x59: {  	[tilespmem:$0x10000] =	vst v1  }
0x5a: {  	[tilespmem:$0x10080] =	vst v1  }
0x5b: {  	[tilespmem:$0x10100] =	vst v1  }
0x5c: {  	[tilespmem:$0x10180] =	vst v1  }
0x5d: {  	[tilespmem:$0x10200] =	vst v1  }
0x5e: {  	[tilespmem:$0x10280] =	vst v1  }
0x5f: {  	[tilespmem:$0x10300] =	vst v1  }
0x60: {  	[tilespmem:$0x10380] =	vst v1  }
0x61: {  	[tilespmem:$0x10400] =	vst v1  }
0x62: {  	[tilespmem:$0x10480] =	vst v1  }
0x63: {  	[tilespmem:$0x10500] =	vst v1  }
0x64: {  	[tilespmem:$0x10580] =	vst v1  }
0x65: {  	[tilespmem:$0x10600] =	vst v1  }
0x66: {  	[tilespmem:$0x10680] =	vst v1  }
0x67: {  	[tilespmem:$0x10700] =	vst v1  }
0x68: {  	[tilespmem:$0x10780] =	vst v1  }
0x69: {  	[tilespmem:$0x10800] =	vst v1  }
0x6a: {  	[tilespmem:$0x10880] =	vst v1  }
0x6b: {  	[tilespmem:$0x10900] =	vst v1  }
0x6c: {  	[tilespmem:$0x10980] =	vst v1  }
0x6d: {  	[tilespmem:$0x10A00] =	vst v1  }
0x6e: {  	[tilespmem:$0x10A80] =	vst v1  }
0x6f: {  	[tilespmem:$0x10B00] =	vst v1  }
0x70: {  	[tilespmem:$0x10B80] =	vst v1  }
0x71: {  	[tilespmem:$0x10C00] =	vst v1  }
0x72: {  	[tilespmem:$0x10C80] =	vst v1  }
0x73: {  	[tilespmem:$0x10D00] =	vst v1  }
0x74: {  	[tilespmem:$0x10D80] =	vst v1  }
0x75: {  	[tilespmem:$0x10E00] =	vst v1  }
0x76: {  	[tilespmem:$0x10E80] =	vst v1  }
0x77: {  	[tilespmem:$0x10F00] =	vst v1  }
0x78: {  	[tilespmem:$0x10F80] =	vst v1  }
0x79: {  	[tilespmem:$0x11000] =	vst v1  }
0x7a: {  	[tilespmem:$0x11080] =	vst v1  }
0x7b: {  	[tilespmem:$0x11100] =	vst v1  }
0x7c: {  	[tilespmem:$0x11180] =	vst v1  }
0x7d: {  	[tilespmem:$0x11200] =	vst v1  }
0x7e: {  	[tilespmem:$0x11280] =	vst v1  }
0x7f: {  	[tilespmem:$0x11300] =	vst v1  }
0x80: {  	[tilespmem:$0x11380] =	vst v1  }
0x81: {  	[tilespmem:$0x11400] =	vst v1  }
0x82: {  	[tilespmem:$0x11480] =	vst v1  }
0x83: {  	[tilespmem:$0x11500] =	vst v1  }
0x84: {  	[tilespmem:$0x11580] =	vst v1  }
0x85: {  	[tilespmem:$0x11600] =	vst v1  }
0x86: {  	[tilespmem:$0x11680] =	vst v1  }
0x87: {  	[tilespmem:$0x11700] =	vst v1  }
0x88: {  	[tilespmem:$0x11780] =	vst v1  }
0x89: {  	[tilespmem:$0x11800] =	vst v1  }
0x8a: {  	[tilespmem:$0x11880] =	vst v1  }
0x8b: {  	[tilespmem:$0x11900] =	vst v1  }
0x8c: {  	[tilespmem:$0x11980] =	vst v1  }
0x8d: {  	[tilespmem:$0x11A00] =	vst v1  }
0x8e: {  	[tilespmem:$0x11A80] =	vst v1  }
0x8f: {  	[tilespmem:$0x11B00] =	vst v1  }
0x90: {  	[tilespmem:$0x11B80] =	vst v1  }
0x91: {  	[tilespmem:$0x11C00] =	vst v1  }
0x92: {  	[tilespmem:$0x11C80] =	vst v1  }
0x93: {  	[tilespmem:$0x11D00] =	vst v1  }
0x94: {  	[tilespmem:$0x11D80] =	vst v1  }
0x95: {  	[tilespmem:$0x11E00] =	vst v1  }
0x96: {  	[tilespmem:$0x11E80] =	vst v1  }
0x97: {  	[tilespmem:$0x11F00] =	vst v1  }
0x98: {  	[tilespmem:$0x11F80] =	vst v1  }
0x99: {  	[tilespmem:$0x12000] =	vst v1  }
0x9a: {  	[tilespmem:$0x12080] =	vst v1  }
0x9b: {  	[tilespmem:$0x12100] =	vst v1  }
0x9c: {  	[tilespmem:$0x12180] =	vst v1  }
0x9d: {  	[tilespmem:$0x12200] =	vst v1  }
0x9e: {  	[tilespmem:$0x12280] =	vst v1  }
0x9f: {  	[tilespmem:$0x12300] =	vst v1  }
0xa0: {  	[tilespmem:$0x12380] =	vst v1  }
0xa1: {  	[tilespmem:$0x12400] =	vst v1  }
0xa2: {  	[tilespmem:$0x12480] =	vst v1  }
0xa3: {  	[tilespmem:$0x12500] =	vst v1  }
0xa4: {  	[tilespmem:$0x12580] =	vst v1  }
0xa5: {  	[tilespmem:$0x12600] =	vst v1  }
0xa6: {  	[tilespmem:$0x12680] =	vst v1  }
0xa7: {  	[tilespmem:$0x12700] =	vst v1  }
0xa8: {  	[tilespmem:$0x12780] =	vst v1  }
0xa9: {  	[tilespmem:$0x12800] =	vst v1  }
0xaa: {  	[tilespmem:$0x12880] =	vst v1  }
0xab: {  	[tilespmem:$0x12900] =	vst v1  }
0xac: {  	[tilespmem:$0x12980] =	vst v1  }
0xad: {  	[tilespmem:$0x12A00] =	vst v1  }
0xae: {  	[tilespmem:$0x12A80] =	vst v1  }
0xaf: {  	[tilespmem:$0x12B00] =	vst v1  }
0xb0: {  	[tilespmem:$0x12B80] =	vst v1  }
0xb1: {  	[tilespmem:$0x12C00] =	vst v1  }
0xb2: {  	[tilespmem:$0x12C80] =	vst v1  }
0xb3: {  	[tilespmem:$0x12D00] =	vst v1  }
0xb4: {  	[tilespmem:$0x12D80] =	vst v1  }
0xb5: {  	[tilespmem:$0x12E00] =	vst v1  }
0xb6: {  	[tilespmem:$0x12E80] =	vst v1  }
0xb7: {  	[tilespmem:$0x12F00] =	vst v1  }
0xb8: {  	[tilespmem:$0x12F80] =	vst v1  }
0xb9: {  	[tilespmem:$0x13000] =	vst v1  }
0xba: {  	[tilespmem:$0x13080] =	vst v1  }
0xbb: {  	[tilespmem:$0x13100] =	vst v1  }
0xbc: {  	[tilespmem:$0x13180] =	vst v1  }
0xbd: {  	[tilespmem:$0x13200] =	vst v1  }
0xbe: {  	[tilespmem:$0x13280] =	vst v1  }
0xbf: {  	[tilespmem:$0x13300] =	vst v1  }
0xc0: {  	[tilespmem:$0x13380] =	vst v1  }
0xc1: {  	[tilespmem:$0x13400] =	vst v1  }
0xc2: {  	[tilespmem:$0x13480] =	vst v1  }
0xc3: {  	[tilespmem:$0x13500] =	vst v1  }
0xc4: {  	[tilespmem:$0x13580] =	vst v1  }
0xc5: {  	[tilespmem:$0x13600] =	vst v1  }
0xc6: {  	[tilespmem:$0x13680] =	vst v1  }
0xc7: {  	[tilespmem:$0x13700] =	vst v1  }
0xc8: {  	[tilespmem:$0x13780] =	vst v1  }
0xc9: {  	[tilespmem:$0x13800] =	vst v1  }
0xca: {  	[tilespmem:$0x13880] =	vst v1  }
0xcb: {  	[tilespmem:$0x13900] =	vst v1  }
0xcc: {  	[tilespmem:$0x13980] =	vst v1  }
0xcd: {  	[tilespmem:$0x13A00] =	vst v1  }
0xce: {  	[tilespmem:$0x13A80] =	vst v1  }
0xcf: {  	[tilespmem:$0x13B00] =	vst v1  }
0xd0: {  	[tilespmem:$0x13B80] =	vst v1  }
0xd1: {  	[tilespmem:$0x13C00] =	vst v1  }
0xd2: {  	[tilespmem:$0x13C80] =	vst v1  }
0xd3: {  	[tilespmem:$0x13D00] =	vst v1  }
0xd4: {  	[tilespmem:$0x13D80] =	vst v1  }
0xd5: {  	[tilespmem:$0x13E00] =	vst v1  }
0xd6: {  	[tilespmem:$0x13E80] =	vst v1  }
0xd7: {  	[tilespmem:$0x13F00] =	vst v1  }
0xd8: {  	[tilespmem:$0x13F80] =	vst v1;
	s18 =	rddreg [dreg:$0x2]  }
0xd9: {  	[tilespmem:s2], [sflag:$0x1] =	stream.strided.gather [hbm4b:s18+s3], $0x2000, s4, s3, $0x38;
	[tilespmem:$0x14000] =	vst v63  }
0xda: {  	_ =	swait.ge [sflag:s5], $0x2000  }
0xdb: {  	[sflag:s5] =	ssyncset.done $0x0  }
0xdc: {  	s21 =	rddreg [dreg:$0x3];
	[sflag:s5] =	ssyncadd.s32 $0xFFFFE000  }
0xdd: {  	[tilespmem:s10], [sflag:$0x1] =	stream.strided.gather [hbm4b:s21+s3], $0x2000, s4, s3, $0x38;
	[tilespmem:$0x14000] =	vst v63  }
0xde: {  	_ =	swait.ge [sflag:s5], $0x2000  }
0xdf: {  	[sflag:s5] =	ssyncset.done $0x0  }
0xe0: {  	s22 =	rddreg [dreg:$0x4];
	[sflag:s5] =	ssyncadd.s32 $0xFFFFE000  }
0xe1: {  	[tilespmem:s11], [sflag:$0x1] =	stream.strided.gather [hbm4b:s22+s3], $0x2000, s4, s3, $0x38;
	[tilespmem:$0x14000] =	vst v63  }
0xe2: {  	_ =	swait.ge [sflag:s5], $0x2000  }
0xe3: {  	s19 =	simm.s32 $0x40;
	s20 =	simm.s32 $0x6200;
	[sflag:s5] =	ssyncset.done $0x0  }
0xe4: {  	s18 =	simm.s32 $0x6000;
	s21 =	sadd.s32 $0x0, s6;
	[sflag:s5] =	ssyncadd.s32 $0xFFFFE000  }
.LBB2_2:
0xe5: {  	[tilespmem:s18], [sflag:$0x1] =	stream.linear.gather [hbm4b:s21+s2], $0x80, $0x38;
	[tilespmem:$0x14000] =	vst v63  }
0xe6: {  	s21 =	smov.u32 s19;
	s18 =	smov.u32 s20;
	p0 =	sne.s32 s19, $0xFC0  }
.Ltmp0:
0xe7: {  	s19 =	sadd.s32 $0x40, s19;
	(pc) =	sbr.rel @p0 .LBB2_2-.Ltmp0, $2  }
0xe8: {  	_ =	sdelay $0x2  }
0xe9: {  	s20 =	sadd.s32 $0x200, s20;
	s21 =	sadd.s32 s21, s6  }
0xea: {  	[tilespmem:s18], [sflag:$0x1] =	stream.linear.gather [hbm4b:s21+s2], $0x80, $0x38;
	[tilespmem:$0x14000] =	vst v63  }
0xeb: {  	_ =	swait.ge [sflag:s5], $0x2000  }
0xec: {  	s18 =	simm.s32 $0x6080;
	s19 =	simm.s32 $0x40;
	[sflag:s5] =	ssyncset.done $0x0  }
0xed: {  	s21 =	sadd.s32 $0x0, s7;
	s20 =	simm.s32 $0x6280;
	[sflag:s5] =	ssyncadd.s32 $0xFFFFE000  }
.LBB2_4:
0xee: {  	[tilespmem:s18], [sflag:$0x1] =	stream.linear.gather [hbm4b:s21+s2], $0x80, $0x38;
	[tilespmem:$0x14000] =	vst v63  }
0xef: {  	s21 =	smov.u32 s19;
	s18 =	smov.u32 s20;
	p0 =	sne.s32 s19, $0xFC0  }
.Ltmp1:
0xf0: {  	s19 =	sadd.s32 $0x40, s19;
	(pc) =	sbr.rel @p0 .LBB2_4-.Ltmp1, $2  }
0xf1: {  	_ =	sdelay $0x2  }
0xf2: {  	s20 =	sadd.s32 $0x200, s20;
	s21 =	sadd.s32 s21, s7  }
0xf3: {  	[tilespmem:s18], [sflag:$0x1] =	stream.linear.gather [hbm4b:s21+s2], $0x80, $0x38;
	[tilespmem:$0x14000] =	vst v63  }
0xf4: {  	_ =	swait.ge [sflag:s5], $0x2000  }
0xf5: {  	s18 =	simm.s32 $0x6100;
	s19 =	simm.s32 $0x40;
	[sflag:s5] =	ssyncset.done $0x0  }
0xf6: {  	s21 =	sadd.s32 $0x0, s8;
	s20 =	simm.s32 $0x6300;
	[sflag:s5] =	ssyncadd.s32 $0xFFFFE000  }
.LBB2_6:
0xf7: {  	[tilespmem:s18], [sflag:$0x1] =	stream.linear.gather [hbm4b:s21+s2], $0x80, $0x38;
	[tilespmem:$0x14000] =	vst v63  }
0xf8: {  	s21 =	smov.u32 s19;
	s18 =	smov.u32 s20;
	p0 =	sne.s32 s19, $0xFC0  }
.Ltmp2:
0xf9: {  	s19 =	sadd.s32 $0x40, s19;
	(pc) =	sbr.rel @p0 .LBB2_6-.Ltmp2, $2  }
0xfa: {  	_ =	sdelay $0x2  }
0xfb: {  	s20 =	sadd.s32 $0x200, s20;
	s21 =	sadd.s32 s21, s8  }
0xfc: {  	[tilespmem:s18], [sflag:$0x1] =	stream.linear.gather [hbm4b:s21+s2], $0x80, $0x38;
	[tilespmem:$0x14000] =	vst v63  }
0xfd: {  	_ =	swait.ge [sflag:s5], $0x2000  }
0xfe: {  	s18 =	simm.s32 $0x6180;
	s19 =	simm.s32 $0x40;
	[sflag:s5] =	ssyncset.done $0x0  }
0xff: {  	s21 =	sadd.s32 $0x0, s9;
	s20 =	simm.s32 $0x6380;
	[sflag:s5] =	ssyncadd.s32 $0xFFFFE000  }
.LBB2_8:
0x100: {  	[tilespmem:s18], [sflag:$0x1] =	stream.linear.gather [hbm4b:s21+s2], $0x80, $0x38;
	[tilespmem:$0x14000] =	vst v63  }
0x101: {  	s21 =	smov.u32 s19;
	s18 =	smov.u32 s20;
	p0 =	sne.s32 s19, $0xFC0  }
.Ltmp3:
0x102: {  	s19 =	sadd.s32 $0x40, s19;
	(pc) =	sbr.rel @p0 .LBB2_8-.Ltmp3, $2  }
0x103: {  	_ =	sdelay $0x2  }
0x104: {  	s20 =	sadd.s32 $0x200, s20;
	s21 =	sadd.s32 s21, s9  }
0x105: {  	[tilespmem:s18], [sflag:$0x1] =	stream.linear.gather [hbm4b:s21+s2], $0x80, $0x38;
	[tilespmem:$0x14000] =	vst v63  }
0x106: {  	_ =	swait.ge [sflag:s5], $0x2000  }
0x107: {  	[sflag:s5] =	ssyncset.done $0x0  }
0x108: {  	s21 =	simm.s32 $0x0;
	[sflag:s5] =	ssyncadd.s32 $0xFFFFE000  }
0x109: {  	s18 =	simm.s32 $0x0;
	s20 =	simm.s32 $0x10;
	s19 =	simm.s32 $0x0;
	v25 =	vld [tilespmem:s21+$0x0]  }
.LBB2_10:
0x10a: {  	p0 =	sne.s32 s20, $0x1FF0;
	v26 =	vld [tilespmem:s21+$0x4000]  }
0x10b: {  	v27 =	vld [tilespmem:s21+$0x2000];
	_ =	sdelay $0x2  }
0x10c: {  	v25 =	vshll.u32 v25, $0x7  }
0x10d: {  	v28 =	vor.u32 v0, v25  }
0x10e: {  	v27 =	vshll.u32 v27, $0x7;
	_ =	sdelay $0x2  }
0x10f: {  	s22 =	sand.u32 $0x7E00, s19;
	s21 =	sand.u32 $0x70, s18;
	s18 =	smov.u32 s20  }
0x110: {  	s21 =	sor.u32 s21, s22;
	[tilespmem:v28+s12+$0x0] =	vst.idx.add.f32.msk $0xffff, v26  }
0x111: {  	v29 =	vadd.s32 v2, v25;
	v28 =	vld [tilespmem:s21+$0x6000];
	_ =	sdelay $0x4  }
0x112: {  	[tilespmem:v29+s12+$0x0] =	vst.idx.add.f32.msk $0xffff, v28  }
0x113: {  	v29 =	vadd.s32 v3, v25;
	v28 =	vld [tilespmem:s21+$0x6080];
	_ =	sdelay $0x4  }
0x114: {  	[tilespmem:v29+s12+$0x0] =	vst.idx.add.f32.msk $0xffff, v28  }
0x115: {  	v29 =	vadd.s32 v4, v25;
	v28 =	vld [tilespmem:s21+$0x6100];
	_ =	sdelay $0x4  }
0x116: {  	[tilespmem:v29+s12+$0x0] =	vst.idx.add.f32.msk $0xffff, v28  }
0x117: {  	v25 =	vadd.s32 v5, v25;
	v28 =	vld [tilespmem:s21+$0x6180]  }
0x118: {  	v27 =	vadd.s32 v6, v27;
	_ =	sdelay $0x1  }
.Ltmp4:
0x119: {  	(pc) =	sbr.rel @p0 .LBB2_10-.Ltmp4, $4  }
0x11a: {  	_ = 	snop  }
0x11b: {  	s19 =	sadd.s32 $0x40, s19;
	[tilespmem:v25+s12+$0x0] =	vst.idx.add.f32.msk $0xffff, v28  }
0x11c: {  	s21 =	sshra.s32 s19, $0x2;
	[tilespmem:v27+s12+$0x0] =	vst.idx.add.f32.msk $0xffff, v26  }
0x11d: {  	s20 =	sadd.s32 $0x10, s20;
	v25 =	vld [tilespmem:s21+$0x0]  }
0x11e: {  	_ =	sdelay $0x3  }
0x11f: {  	v25 =	vshll.u32 v25, $0x7  }
0x120: {  	v26 =	vld [tilespmem:s21+$0x4000];
	v27 =	vor.u32 v0, v25;
	_ =	sdelay $0x3  }
0x121: {  	v28 =	vld [tilespmem:s21+$0x2000];
	s18 =	sand.u32 $0x70, s18;
	s19 =	sand.u32 $0x7E00, s19  }
0x122: {  	s18 =	sor.u32 s18, s19;
	[tilespmem:v27+s12+$0x0] =	vst.idx.add.f32.msk $0xffff, v26  }
0x123: {  	v29 =	vadd.s32 v2, v25;
	v27 =	vld [tilespmem:s18+$0x6000];
	_ =	sdelay $0x4  }
0x124: {  	[tilespmem:v29+s12+$0x0] =	vst.idx.add.f32.msk $0xffff, v27  }
0x125: {  	v61 =	vadd.s32 v3, v25;
	v27 =	vld [tilespmem:s18+$0x6080];
	_ =	sdelay $0x4  }
0x126: {  	[tilespmem:v61+s12+$0x0] =	vst.idx.add.f32.msk $0xffff, v27  }
0x127: {  	v62 =	vadd.s32 v4, v25;
	v27 =	vld [tilespmem:s18+$0x6100];
	_ =	sdelay $0x4  }
0x128: {  	[tilespmem:v62+s12+$0x0] =	vst.idx.add.f32.msk $0xffff, v27  }
0x129: {  	v25 =	vadd.s32 v5, v25;
	v27 =	vshll.u32 v28, $0x7;
	v63 =	vld [tilespmem:s18+$0x6180]  }
0x12a: {  	v27 =	vadd.s32 v6, v27;
	_ =	sdelay $0x3  }
0x12b: {  	[tilespmem:v25+s12+$0x0] =	vst.idx.add.f32.msk $0xffff, v63  }
0x12c: {  	s20 =	rddreg [dreg:$0x5];
	s19 =	simm.s32 $0x0;
	[tilespmem:v27+s12+$0x0] =	vst.idx.add.f32.msk $0xffff, v26  }
0x12d: {  	[tilespmem:s19], [sflag:$0x1] =	stream.strided.gather [hbm4b:s20+s3], $0x2000, s4, s3, $0x38;
	[tilespmem:$0x14000] =	vst v63  }
0x12e: {  	_ =	swait.ge [sflag:s5], $0x2000  }
0x12f: {  	[sflag:s5] =	ssyncset.done $0x0  }
0x130: {  	s21 =	rddreg [dreg:$0x6];
	[sflag:s5] =	ssyncadd.s32 $0xFFFFE000  }
0x131: {  	[tilespmem:s10], [sflag:$0x1] =	stream.strided.gather [hbm4b:s21+s3], $0x2000, s4, s3, $0x38;
	[tilespmem:$0x14000] =	vst v63  }
0x132: {  	_ =	swait.ge [sflag:s5], $0x2000  }
0x133: {  	[sflag:s5] =	ssyncset.done $0x0  }
0x134: {  	s22 =	rddreg [dreg:$0x7];
	[sflag:s5] =	ssyncadd.s32 $0xFFFFE000  }
0x135: {  	[tilespmem:s11], [sflag:$0x1] =	stream.strided.gather [hbm4b:s22+s3], $0x2000, s4, s3, $0x38;
	[tilespmem:$0x14000] =	vst v63  }
0x136: {  	_ =	swait.ge [sflag:s5], $0x2000  }
0x137: {  	s18 =	simm.s32 $0x6000;
	s19 =	simm.s32 $0x40;
	[sflag:s5] =	ssyncset.done $0x0  }
0x138: {  	s20 =	simm.s32 $0x6200;
	s21 =	sadd.s32 $0x0, s13;
	[sflag:s5] =	ssyncadd.s32 $0xFFFFE000  }
.LBB2_12:
0x139: {  	[tilespmem:s18], [sflag:$0x1] =	stream.linear.gather [hbm4b:s21+s2], $0x80, $0x38;
	[tilespmem:$0x14000] =	vst v63  }
0x13a: {  	s21 =	smov.u32 s19;
	s18 =	smov.u32 s20;
	p0 =	sne.s32 s19, $0xFC0  }
.Ltmp5:
0x13b: {  	s19 =	sadd.s32 $0x40, s19;
	(pc) =	sbr.rel @p0 .LBB2_12-.Ltmp5, $2  }
0x13c: {  	_ =	sdelay $0x2  }
0x13d: {  	s20 =	sadd.s32 $0x200, s20;
	s21 =	sadd.s32 s21, s13  }
0x13e: {  	[tilespmem:s18], [sflag:$0x1] =	stream.linear.gather [hbm4b:s21+s2], $0x80, $0x38;
	[tilespmem:$0x14000] =	vst v63  }
0x13f: {  	_ =	swait.ge [sflag:s5], $0x2000  }
0x140: {  	s18 =	simm.s32 $0x6080;
	s19 =	simm.s32 $0x40;
	[sflag:s5] =	ssyncset.done $0x0  }
0x141: {  	s21 =	sadd.s32 $0x0, s14;
	s20 =	simm.s32 $0x6280;
	[sflag:s5] =	ssyncadd.s32 $0xFFFFE000  }
.LBB2_14:
0x142: {  	[tilespmem:s18], [sflag:$0x1] =	stream.linear.gather [hbm4b:s21+s2], $0x80, $0x38;
	[tilespmem:$0x14000] =	vst v63  }
0x143: {  	s21 =	smov.u32 s19;
	s18 =	smov.u32 s20;
	p0 =	sne.s32 s19, $0xFC0  }
.Ltmp6:
0x144: {  	s19 =	sadd.s32 $0x40, s19;
	(pc) =	sbr.rel @p0 .LBB2_14-.Ltmp6, $2  }
0x145: {  	_ =	sdelay $0x2  }
0x146: {  	s20 =	sadd.s32 $0x200, s20;
	s21 =	sadd.s32 s21, s14  }
0x147: {  	[tilespmem:s18], [sflag:$0x1] =	stream.linear.gather [hbm4b:s21+s2], $0x80, $0x38;
	[tilespmem:$0x14000] =	vst v63  }
0x148: {  	_ =	swait.ge [sflag:s5], $0x2000  }
0x149: {  	s18 =	simm.s32 $0x6100;
	s19 =	simm.s32 $0x40;
	[sflag:s5] =	ssyncset.done $0x0  }
0x14a: {  	s21 =	sadd.s32 $0x0, s15;
	s20 =	simm.s32 $0x6300;
	[sflag:s5] =	ssyncadd.s32 $0xFFFFE000  }
.LBB2_16:
0x14b: {  	[tilespmem:s18], [sflag:$0x1] =	stream.linear.gather [hbm4b:s21+s2], $0x80, $0x38;
	[tilespmem:$0x14000] =	vst v63  }
0x14c: {  	s21 =	smov.u32 s19;
	s18 =	smov.u32 s20;
	p0 =	sne.s32 s19, $0xFC0  }
.Ltmp7:
0x14d: {  	s19 =	sadd.s32 $0x40, s19;
	(pc) =	sbr.rel @p0 .LBB2_16-.Ltmp7, $2  }
0x14e: {  	_ =	sdelay $0x2  }
0x14f: {  	s20 =	sadd.s32 $0x200, s20;
	s21 =	sadd.s32 s21, s15  }
0x150: {  	[tilespmem:s18], [sflag:$0x1] =	stream.linear.gather [hbm4b:s21+s2], $0x80, $0x38;
	[tilespmem:$0x14000] =	vst v63  }
0x151: {  	_ =	swait.ge [sflag:s5], $0x2000  }
0x152: {  	s18 =	simm.s32 $0x6180;
	s19 =	simm.s32 $0x40;
	[sflag:s5] =	ssyncset.done $0x0  }
0x153: {  	s21 =	sadd.s32 $0x0, s16;
	s20 =	simm.s32 $0x6380;
	[sflag:s5] =	ssyncadd.s32 $0xFFFFE000  }
.LBB2_18:
0x154: {  	[tilespmem:s18], [sflag:$0x1] =	stream.linear.gather [hbm4b:s21+s2], $0x80, $0x38;
	[tilespmem:$0x14000] =	vst v63  }
0x155: {  	s21 =	smov.u32 s19;
	s18 =	smov.u32 s20;
	p0 =	sne.s32 s19, $0xFC0  }
.Ltmp8:
0x156: {  	s19 =	sadd.s32 $0x40, s19;
	(pc) =	sbr.rel @p0 .LBB2_18-.Ltmp8, $2  }
0x157: {  	_ =	sdelay $0x2  }
0x158: {  	s20 =	sadd.s32 $0x200, s20;
	s21 =	sadd.s32 s21, s16  }
0x159: {  	[tilespmem:s18], [sflag:$0x1] =	stream.linear.gather [hbm4b:s21+s2], $0x80, $0x38;
	[tilespmem:$0x14000] =	vst v63  }
0x15a: {  	_ =	swait.ge [sflag:s5], $0x2000  }
0x15b: {  	[sflag:s5] =	ssyncset.done $0x0  }
0x15c: {  	s21 =	simm.s32 $0x0;
	[sflag:s5] =	ssyncadd.s32 $0xFFFFE000  }
0x15d: {  	s18 =	simm.s32 $0x0;
	s20 =	simm.s32 $0x10;
	s19 =	simm.s32 $0x0;
	v25 =	vld [tilespmem:s21+$0x0]  }
.LBB2_20:
0x15e: {  	p0 =	sne.s32 s20, $0x1FF0;
	v26 =	vld [tilespmem:s21+$0x4000]  }
0x15f: {  	v27 =	vld [tilespmem:s21+$0x2000];
	_ =	sdelay $0x2  }
0x160: {  	v25 =	vshll.u32 v25, $0x7  }
0x161: {  	v28 =	vadd.s32 v7, v25  }
0x162: {  	v27 =	vshll.u32 v27, $0x7;
	_ =	sdelay $0x2  }
0x163: {  	s22 =	sand.u32 $0x7E00, s19;
	s21 =	sand.u32 $0x70, s18;
	s18 =	smov.u32 s20  }
0x164: {  	s21 =	sor.u32 s21, s22;
	[tilespmem:v28+s12+$0x0] =	vst.idx.add.f32.msk $0xffff, v26  }
0x165: {  	v29 =	vadd.s32 v8, v25;
	v28 =	vld [tilespmem:s21+$0x6000];
	_ =	sdelay $0x4  }
0x166: {  	[tilespmem:v29+s12+$0x0] =	vst.idx.add.f32.msk $0xffff, v28  }
0x167: {  	v29 =	vadd.s32 v9, v25;
	v28 =	vld [tilespmem:s21+$0x6080];
	_ =	sdelay $0x4  }
0x168: {  	[tilespmem:v29+s12+$0x0] =	vst.idx.add.f32.msk $0xffff, v28  }
0x169: {  	v29 =	vadd.s32 v10, v25;
	v28 =	vld [tilespmem:s21+$0x6100];
	_ =	sdelay $0x4  }
0x16a: {  	[tilespmem:v29+s12+$0x0] =	vst.idx.add.f32.msk $0xffff, v28  }
0x16b: {  	v25 =	vadd.s32 v11, v25;
	v28 =	vld [tilespmem:s21+$0x6180]  }
0x16c: {  	v27 =	vadd.s32 v12, v27;
	_ =	sdelay $0x1  }
.Ltmp9:
0x16d: {  	(pc) =	sbr.rel @p0 .LBB2_20-.Ltmp9, $4  }
0x16e: {  	_ = 	snop  }
0x16f: {  	s19 =	sadd.s32 $0x40, s19;
	[tilespmem:v25+s12+$0x0] =	vst.idx.add.f32.msk $0xffff, v28  }
0x170: {  	s21 =	sshra.s32 s19, $0x2;
	[tilespmem:v27+s12+$0x0] =	vst.idx.add.f32.msk $0xffff, v26  }
0x171: {  	s20 =	sadd.s32 $0x10, s20;
	v25 =	vld [tilespmem:s21+$0x0]  }
0x172: {  	_ =	sdelay $0x3  }
0x173: {  	v25 =	vshll.u32 v25, $0x7  }
0x174: {  	v26 =	vld [tilespmem:s21+$0x4000];
	v27 =	vadd.s32 v7, v25;
	_ =	sdelay $0x3  }
0x175: {  	v28 =	vld [tilespmem:s21+$0x2000];
	s18 =	sand.u32 $0x70, s18;
	s19 =	sand.u32 $0x7E00, s19  }
0x176: {  	s18 =	sor.u32 s18, s19;
	[tilespmem:v27+s12+$0x0] =	vst.idx.add.f32.msk $0xffff, v26  }
0x177: {  	v29 =	vadd.s32 v8, v25;
	v27 =	vld [tilespmem:s18+$0x6000];
	_ =	sdelay $0x4  }
0x178: {  	[tilespmem:v29+s12+$0x0] =	vst.idx.add.f32.msk $0xffff, v27  }
0x179: {  	v61 =	vadd.s32 v9, v25;
	v27 =	vld [tilespmem:s18+$0x6080];
	_ =	sdelay $0x4  }
0x17a: {  	[tilespmem:v61+s12+$0x0] =	vst.idx.add.f32.msk $0xffff, v27  }
0x17b: {  	v62 =	vadd.s32 v10, v25;
	v27 =	vld [tilespmem:s18+$0x6100];
	_ =	sdelay $0x4  }
0x17c: {  	[tilespmem:v62+s12+$0x0] =	vst.idx.add.f32.msk $0xffff, v27  }
0x17d: {  	v25 =	vadd.s32 v11, v25;
	v27 =	vshll.u32 v28, $0x7;
	v63 =	vld [tilespmem:s18+$0x6180]  }
0x17e: {  	v27 =	vadd.s32 v12, v27;
	_ =	sdelay $0x3  }
0x17f: {  	[tilespmem:v25+s12+$0x0] =	vst.idx.add.f32.msk $0xffff, v63  }
0x180: {  	s20 =	rddreg [dreg:$0x8];
	s19 =	simm.s32 $0x0;
	[tilespmem:v27+s12+$0x0] =	vst.idx.add.f32.msk $0xffff, v26  }
0x181: {  	[tilespmem:s19], [sflag:$0x1] =	stream.strided.gather [hbm4b:s20+s3], $0x2000, s4, s3, $0x38;
	[tilespmem:$0x14000] =	vst v63  }
0x182: {  	_ =	swait.ge [sflag:s5], $0x2000  }
0x183: {  	[sflag:s5] =	ssyncset.done $0x0  }
0x184: {  	s21 =	rddreg [dreg:$0x9];
	[sflag:s5] =	ssyncadd.s32 $0xFFFFE000  }
0x185: {  	[tilespmem:s10], [sflag:$0x1] =	stream.strided.gather [hbm4b:s21+s3], $0x2000, s4, s3, $0x38;
	[tilespmem:$0x14000] =	vst v63  }
0x186: {  	_ =	swait.ge [sflag:s5], $0x2000  }
0x187: {  	[sflag:s5] =	ssyncset.done $0x0  }
0x188: {  	s22 =	rddreg [dreg:$0xa];
	[sflag:s5] =	ssyncadd.s32 $0xFFFFE000  }
0x189: {  	[tilespmem:s11], [sflag:$0x1] =	stream.strided.gather [hbm4b:s22+s3], $0x2000, s4, s3, $0x38;
	[tilespmem:$0x14000] =	vst v63  }
0x18a: {  	_ =	swait.ge [sflag:s5], $0x2000  }
0x18b: {  	s18 =	simm.s32 $0x6000;
	s19 =	simm.s32 $0x40;
	[sflag:s5] =	ssyncset.done $0x0  }
0x18c: {  	s20 =	simm.s32 $0x6200;
	s21 =	sadd.s32 $0x0, s23;
	[sflag:s5] =	ssyncadd.s32 $0xFFFFE000  }
.LBB2_22:
0x18d: {  	[tilespmem:s18], [sflag:$0x1] =	stream.linear.gather [hbm4b:s21+s2], $0x80, $0x38;
	[tilespmem:$0x14000] =	vst v63  }
0x18e: {  	s21 =	smov.u32 s19;
	s18 =	smov.u32 s20;
	p0 =	sne.s32 s19, $0xFC0  }
.Ltmp10:
0x18f: {  	s19 =	sadd.s32 $0x40, s19;
	(pc) =	sbr.rel @p0 .LBB2_22-.Ltmp10, $2  }
0x190: {  	_ =	sdelay $0x2  }
0x191: {  	s20 =	sadd.s32 $0x200, s20;
	s21 =	sadd.s32 s21, s23  }
0x192: {  	[tilespmem:s18], [sflag:$0x1] =	stream.linear.gather [hbm4b:s21+s2], $0x80, $0x38;
	[tilespmem:$0x14000] =	vst v63  }
0x193: {  	_ =	swait.ge [sflag:s5], $0x2000  }
0x194: {  	s18 =	simm.s32 $0x6080;
	s19 =	simm.s32 $0x40;
	[sflag:s5] =	ssyncset.done $0x0  }
0x195: {  	s21 =	sadd.s32 $0x0, s26;
	s20 =	simm.s32 $0x6280;
	[sflag:s5] =	ssyncadd.s32 $0xFFFFE000  }
.LBB2_24:
0x196: {  	[tilespmem:s18], [sflag:$0x1] =	stream.linear.gather [hbm4b:s21+s2], $0x80, $0x38;
	[tilespmem:$0x14000] =	vst v63  }
0x197: {  	s21 =	smov.u32 s19;
	s18 =	smov.u32 s20;
	p0 =	sne.s32 s19, $0xFC0  }
.Ltmp11:
0x198: {  	s19 =	sadd.s32 $0x40, s19;
	(pc) =	sbr.rel @p0 .LBB2_24-.Ltmp11, $2  }
0x199: {  	_ =	sdelay $0x2  }
0x19a: {  	s20 =	sadd.s32 $0x200, s20;
	s21 =	sadd.s32 s21, s26  }
0x19b: {  	[tilespmem:s18], [sflag:$0x1] =	stream.linear.gather [hbm4b:s21+s2], $0x80, $0x38;
	[tilespmem:$0x14000] =	vst v63  }
0x19c: {  	_ =	swait.ge [sflag:s5], $0x2000  }
0x19d: {  	s18 =	simm.s32 $0x6100;
	s19 =	simm.s32 $0x40;
	[sflag:s5] =	ssyncset.done $0x0  }
0x19e: {  	s21 =	sadd.s32 $0x0, s28;
	s20 =	simm.s32 $0x6300;
	[sflag:s5] =	ssyncadd.s32 $0xFFFFE000  }
.LBB2_26:
0x19f: {  	[tilespmem:s18], [sflag:$0x1] =	stream.linear.gather [hbm4b:s21+s2], $0x80, $0x38;
	[tilespmem:$0x14000] =	vst v63  }
0x1a0: {  	s21 =	smov.u32 s19;
	s18 =	smov.u32 s20;
	p0 =	sne.s32 s19, $0xFC0  }
.Ltmp12:
0x1a1: {  	s19 =	sadd.s32 $0x40, s19;
	(pc) =	sbr.rel @p0 .LBB2_26-.Ltmp12, $2  }
0x1a2: {  	_ =	sdelay $0x2  }
0x1a3: {  	s20 =	sadd.s32 $0x200, s20;
	s21 =	sadd.s32 s21, s28  }
0x1a4: {  	[tilespmem:s18], [sflag:$0x1] =	stream.linear.gather [hbm4b:s21+s2], $0x80, $0x38;
	[tilespmem:$0x14000] =	vst v63  }
0x1a5: {  	_ =	swait.ge [sflag:s5], $0x2000  }
0x1a6: {  	s18 =	simm.s32 $0x6180;
	s19 =	simm.s32 $0x40;
	[sflag:s5] =	ssyncset.done $0x0  }
0x1a7: {  	s21 =	sadd.s32 $0x0, s29;
	s20 =	simm.s32 $0x6380;
	[sflag:s5] =	ssyncadd.s32 $0xFFFFE000  }
.LBB2_28:
0x1a8: {  	[tilespmem:s18], [sflag:$0x1] =	stream.linear.gather [hbm4b:s21+s2], $0x80, $0x38;
	[tilespmem:$0x14000] =	vst v63  }
0x1a9: {  	s21 =	smov.u32 s19;
	s18 =	smov.u32 s20;
	p0 =	sne.s32 s19, $0xFC0  }
.Ltmp13:
0x1aa: {  	s19 =	sadd.s32 $0x40, s19;
	(pc) =	sbr.rel @p0 .LBB2_28-.Ltmp13, $2  }
0x1ab: {  	_ =	sdelay $0x2  }
0x1ac: {  	s20 =	sadd.s32 $0x200, s20;
	s21 =	sadd.s32 s21, s29  }
0x1ad: {  	[tilespmem:s18], [sflag:$0x1] =	stream.linear.gather [hbm4b:s21+s2], $0x80, $0x38;
	[tilespmem:$0x14000] =	vst v63  }
0x1ae: {  	_ =	swait.ge [sflag:s5], $0x2000  }
0x1af: {  	[sflag:s5] =	ssyncset.done $0x0  }
0x1b0: {  	s21 =	simm.s32 $0x0;
	[sflag:s5] =	ssyncadd.s32 $0xFFFFE000  }
0x1b1: {  	s18 =	simm.s32 $0x0;
	s20 =	simm.s32 $0x10;
	s19 =	simm.s32 $0x0;
	v25 =	vld [tilespmem:s21+$0x0]  }
.LBB2_30:
0x1b2: {  	p0 =	sne.s32 s20, $0x1FF0;
	v26 =	vld [tilespmem:s21+$0x4000]  }
0x1b3: {  	v27 =	vld [tilespmem:s21+$0x2000];
	_ =	sdelay $0x2  }
0x1b4: {  	v25 =	vshll.u32 v25, $0x7  }
0x1b5: {  	v28 =	vadd.s32 v13, v25  }
0x1b6: {  	v27 =	vshll.u32 v27, $0x7;
	_ =	sdelay $0x2  }
0x1b7: {  	s22 =	sand.u32 $0x7E00, s19;
	s21 =	sand.u32 $0x70, s18;
	s18 =	smov.u32 s20  }
0x1b8: {  	s21 =	sor.u32 s21, s22;
	[tilespmem:v28+s12+$0x0] =	vst.idx.add.f32.msk $0xffff, v26  }
0x1b9: {  	v29 =	vadd.s32 v14, v25;
	v28 =	vld [tilespmem:s21+$0x6000];
	_ =	sdelay $0x4  }
0x1ba: {  	[tilespmem:v29+s12+$0x0] =	vst.idx.add.f32.msk $0xffff, v28  }
0x1bb: {  	v29 =	vadd.s32 v15, v25;
	v28 =	vld [tilespmem:s21+$0x6080];
	_ =	sdelay $0x4  }
0x1bc: {  	[tilespmem:v29+s12+$0x0] =	vst.idx.add.f32.msk $0xffff, v28  }
0x1bd: {  	v29 =	vadd.s32 v16, v25;
	v28 =	vld [tilespmem:s21+$0x6100];
	_ =	sdelay $0x4  }
0x1be: {  	[tilespmem:v29+s12+$0x0] =	vst.idx.add.f32.msk $0xffff, v28  }
0x1bf: {  	v25 =	vadd.s32 v17, v25;
	v28 =	vld [tilespmem:s21+$0x6180]  }
0x1c0: {  	v27 =	vadd.s32 v18, v27;
	_ =	sdelay $0x1  }
.Ltmp14:
0x1c1: {  	(pc) =	sbr.rel @p0 .LBB2_30-.Ltmp14, $4  }
0x1c2: {  	_ = 	snop  }
0x1c3: {  	s19 =	sadd.s32 $0x40, s19;
	[tilespmem:v25+s12+$0x0] =	vst.idx.add.f32.msk $0xffff, v28  }
0x1c4: {  	s21 =	sshra.s32 s19, $0x2;
	[tilespmem:v27+s12+$0x0] =	vst.idx.add.f32.msk $0xffff, v26  }
0x1c5: {  	s20 =	sadd.s32 $0x10, s20;
	v25 =	vld [tilespmem:s21+$0x0]  }
0x1c6: {  	_ =	sdelay $0x3  }
0x1c7: {  	v25 =	vshll.u32 v25, $0x7  }
0x1c8: {  	v26 =	vld [tilespmem:s21+$0x4000];
	v27 =	vadd.s32 v13, v25;
	_ =	sdelay $0x3  }
0x1c9: {  	v28 =	vld [tilespmem:s21+$0x2000];
	s18 =	sand.u32 $0x70, s18;
	s19 =	sand.u32 $0x7E00, s19  }
0x1ca: {  	s18 =	sor.u32 s18, s19;
	[tilespmem:v27+s12+$0x0] =	vst.idx.add.f32.msk $0xffff, v26  }
0x1cb: {  	v29 =	vadd.s32 v14, v25;
	v27 =	vld [tilespmem:s18+$0x6000];
	_ =	sdelay $0x4  }
0x1cc: {  	[tilespmem:v29+s12+$0x0] =	vst.idx.add.f32.msk $0xffff, v27  }
0x1cd: {  	v61 =	vadd.s32 v15, v25;
	v27 =	vld [tilespmem:s18+$0x6080];
	_ =	sdelay $0x4  }
0x1ce: {  	[tilespmem:v61+s12+$0x0] =	vst.idx.add.f32.msk $0xffff, v27  }
0x1cf: {  	v62 =	vadd.s32 v16, v25;
	v27 =	vld [tilespmem:s18+$0x6100];
	_ =	sdelay $0x4  }
0x1d0: {  	[tilespmem:v62+s12+$0x0] =	vst.idx.add.f32.msk $0xffff, v27  }
0x1d1: {  	v25 =	vadd.s32 v17, v25;
	v27 =	vshll.u32 v28, $0x7;
	v63 =	vld [tilespmem:s18+$0x6180]  }
0x1d2: {  	v27 =	vadd.s32 v18, v27;
	_ =	sdelay $0x3  }
0x1d3: {  	[tilespmem:v25+s12+$0x0] =	vst.idx.add.f32.msk $0xffff, v63  }
0x1d4: {  	s20 =	rddreg [dreg:$0xb];
	s19 =	simm.s32 $0x0;
	[tilespmem:v27+s12+$0x0] =	vst.idx.add.f32.msk $0xffff, v26  }
0x1d5: {  	[tilespmem:s19], [sflag:$0x1] =	stream.strided.gather [hbm4b:s20+s3], $0x2000, s4, s3, $0x38;
	[tilespmem:$0x14000] =	vst v63  }
0x1d6: {  	_ =	swait.ge [sflag:s5], $0x2000  }
0x1d7: {  	[sflag:s5] =	ssyncset.done $0x0  }
0x1d8: {  	s21 =	rddreg [dreg:$0xc];
	[sflag:s5] =	ssyncadd.s32 $0xFFFFE000  }
0x1d9: {  	[tilespmem:s10], [sflag:$0x1] =	stream.strided.gather [hbm4b:s21+s3], $0x2000, s4, s3, $0x38;
	[tilespmem:$0x14000] =	vst v63  }
0x1da: {  	_ =	swait.ge [sflag:s5], $0x2000  }
0x1db: {  	[sflag:s5] =	ssyncset.done $0x0  }
0x1dc: {  	s22 =	rddreg [dreg:$0xd];
	[sflag:s5] =	ssyncadd.s32 $0xFFFFE000  }
0x1dd: {  	[tilespmem:s11], [sflag:$0x1] =	stream.strided.gather [hbm4b:s22+s3], $0x2000, s4, s3, $0x38;
	[tilespmem:$0x14000] =	vst v63  }
0x1de: {  	_ =	swait.ge [sflag:s5], $0x2000  }
0x1df: {  	s18 =	simm.s32 $0x6000;
	s19 =	simm.s32 $0x40;
	[sflag:s5] =	ssyncset.done $0x0  }
0x1e0: {  	s20 =	simm.s32 $0x6200;
	s21 =	sadd.s32 $0x0, s30;
	[sflag:s5] =	ssyncadd.s32 $0xFFFFE000  }
.LBB2_32:
0x1e1: {  	[tilespmem:s18], [sflag:$0x1] =	stream.linear.gather [hbm4b:s21+s2], $0x80, $0x38;
	[tilespmem:$0x14000] =	vst v63  }
0x1e2: {  	s21 =	smov.u32 s19;
	s18 =	smov.u32 s20;
	p0 =	sne.s32 s19, $0xFC0  }
.Ltmp15:
0x1e3: {  	s19 =	sadd.s32 $0x40, s19;
	(pc) =	sbr.rel @p0 .LBB2_32-.Ltmp15, $2  }
0x1e4: {  	_ =	sdelay $0x2  }
0x1e5: {  	s20 =	sadd.s32 $0x200, s20;
	s21 =	sadd.s32 s21, s30  }
0x1e6: {  	[tilespmem:s18], [sflag:$0x1] =	stream.linear.gather [hbm4b:s21+s2], $0x80, $0x38;
	[tilespmem:$0x14000] =	vst v63  }
0x1e7: {  	_ =	swait.ge [sflag:s5], $0x2000  }
0x1e8: {  	s18 =	simm.s32 $0x6080;
	s19 =	simm.s32 $0x40;
	[sflag:s5] =	ssyncset.done $0x0  }
0x1e9: {  	s21 =	sadd.s32 $0x0, s31;
	s20 =	simm.s32 $0x6280;
	[sflag:s5] =	ssyncadd.s32 $0xFFFFE000  }
.LBB2_34:
0x1ea: {  	[tilespmem:s18], [sflag:$0x1] =	stream.linear.gather [hbm4b:s21+s2], $0x80, $0x38;
	[tilespmem:$0x14000] =	vst v63  }
0x1eb: {  	s21 =	smov.u32 s19;
	s18 =	smov.u32 s20;
	p0 =	sne.s32 s19, $0xFC0  }
.Ltmp16:
0x1ec: {  	s19 =	sadd.s32 $0x40, s19;
	(pc) =	sbr.rel @p0 .LBB2_34-.Ltmp16, $2  }
0x1ed: {  	_ =	sdelay $0x2  }
0x1ee: {  	s20 =	sadd.s32 $0x200, s20;
	s21 =	sadd.s32 s21, s31  }
0x1ef: {  	[tilespmem:s18], [sflag:$0x1] =	stream.linear.gather [hbm4b:s21+s2], $0x80, $0x38;
	[tilespmem:$0x14000] =	vst v63  }
0x1f0: {  	_ =	swait.ge [sflag:s5], $0x2000  }
0x1f1: {  	s18 =	simm.s32 $0x6100;
	s19 =	simm.s32 $0x40;
	[sflag:s5] =	ssyncset.done $0x0  }
0x1f2: {  	s21 =	sadd.s32 $0x0, s0;
	s20 =	simm.s32 $0x6300;
	[sflag:s5] =	ssyncadd.s32 $0xFFFFE000  }
.LBB2_36:
0x1f3: {  	[tilespmem:s18], [sflag:$0x1] =	stream.linear.gather [hbm4b:s21+s2], $0x80, $0x38;
	[tilespmem:$0x14000] =	vst v63  }
0x1f4: {  	s21 =	smov.u32 s19;
	s18 =	smov.u32 s20;
	p0 =	sne.s32 s19, $0xFC0  }
.Ltmp17:
0x1f5: {  	s19 =	sadd.s32 $0x40, s19;
	(pc) =	sbr.rel @p0 .LBB2_36-.Ltmp17, $2  }
0x1f6: {  	_ =	sdelay $0x2  }
0x1f7: {  	s20 =	sadd.s32 $0x200, s20;
	s21 =	sadd.s32 s21, s0  }
0x1f8: {  	[tilespmem:s18], [sflag:$0x1] =	stream.linear.gather [hbm4b:s21+s2], $0x80, $0x38;
	[tilespmem:$0x14000] =	vst v63  }
0x1f9: {  	_ =	swait.ge [sflag:s5], $0x2000  }
0x1fa: {  	s18 =	simm.s32 $0x6180;
	s19 =	simm.s32 $0x40;
	[sflag:s5] =	ssyncset.done $0x0  }
0x1fb: {  	s21 =	sadd.s32 $0x0, s1;
	s20 =	simm.s32 $0x6380;
	[sflag:s5] =	ssyncadd.s32 $0xFFFFE000  }
.LBB2_38:
0x1fc: {  	[tilespmem:s18], [sflag:$0x1] =	stream.linear.gather [hbm4b:s21+s2], $0x80, $0x38;
	[tilespmem:$0x14000] =	vst v63  }
0x1fd: {  	s21 =	smov.u32 s19;
	s18 =	smov.u32 s20;
	p0 =	sne.s32 s19, $0xFC0  }
.Ltmp18:
0x1fe: {  	s19 =	sadd.s32 $0x40, s19;
	(pc) =	sbr.rel @p0 .LBB2_38-.Ltmp18, $2  }
0x1ff: {  	_ =	sdelay $0x2  }
0x200: {  	s20 =	sadd.s32 $0x200, s20;
	s21 =	sadd.s32 s21, s1  }
0x201: {  	[tilespmem:s18], [sflag:$0x1] =	stream.linear.gather [hbm4b:s21+s2], $0x80, $0x38;
	[tilespmem:$0x14000] =	vst v63  }
0x202: {  	_ =	swait.ge [sflag:s5], $0x2000  }
0x203: {  	[sflag:s5] =	ssyncset.done $0x0  }
0x204: {  	s21 =	simm.s32 $0x0;
	[sflag:s5] =	ssyncadd.s32 $0xFFFFE000  }
0x205: {  	s18 =	simm.s32 $0x0;
	s20 =	simm.s32 $0x10;
	s19 =	simm.s32 $0x0;
	v25 =	vld [tilespmem:s21+$0x0]  }
.LBB2_40:
0x206: {  	p0 =	sne.s32 s20, $0x1FF0;
	v26 =	vld [tilespmem:s21+$0x4000]  }
0x207: {  	v27 =	vld [tilespmem:s21+$0x2000];
	_ =	sdelay $0x2  }
0x208: {  	v25 =	vshll.u32 v25, $0x7  }
0x209: {  	v28 =	vadd.s32 v19, v25  }
0x20a: {  	v27 =	vshll.u32 v27, $0x7;
	_ =	sdelay $0x2  }
0x20b: {  	s22 =	sand.u32 $0x7E00, s19;
	s21 =	sand.u32 $0x70, s18;
	s18 =	smov.u32 s20  }
0x20c: {  	s21 =	sor.u32 s21, s22;
	[tilespmem:v28+s12+$0x0] =	vst.idx.add.f32.msk $0xffff, v26  }
0x20d: {  	v29 =	vadd.s32 v20, v25;
	v28 =	vld [tilespmem:s21+$0x6000];
	_ =	sdelay $0x4  }
0x20e: {  	[tilespmem:v29+s12+$0x0] =	vst.idx.add.f32.msk $0xffff, v28  }
0x20f: {  	v29 =	vadd.s32 v21, v25;
	v28 =	vld [tilespmem:s21+$0x6080];
	_ =	sdelay $0x4  }
0x210: {  	[tilespmem:v29+s12+$0x0] =	vst.idx.add.f32.msk $0xffff, v28  }
0x211: {  	v29 =	vadd.s32 v22, v25;
	v28 =	vld [tilespmem:s21+$0x6100];
	_ =	sdelay $0x4  }
0x212: {  	[tilespmem:v29+s12+$0x0] =	vst.idx.add.f32.msk $0xffff, v28  }
0x213: {  	v25 =	vadd.s32 v23, v25;
	v28 =	vld [tilespmem:s21+$0x6180]  }
0x214: {  	v27 =	vadd.s32 v24, v27;
	_ =	sdelay $0x1  }
.Ltmp19:
0x215: {  	(pc) =	sbr.rel @p0 .LBB2_40-.Ltmp19, $4  }
0x216: {  	_ = 	snop  }
0x217: {  	s19 =	sadd.s32 $0x40, s19;
	[tilespmem:v25+s12+$0x0] =	vst.idx.add.f32.msk $0xffff, v28  }
0x218: {  	s21 =	sshra.s32 s19, $0x2;
	[tilespmem:v27+s12+$0x0] =	vst.idx.add.f32.msk $0xffff, v26  }
0x219: {  	s20 =	sadd.s32 $0x10, s20;
	v25 =	vld [tilespmem:s21+$0x0]  }
0x21a: {  	_ =	sdelay $0x3  }
0x21b: {  	v25 =	vshll.u32 v25, $0x7  }
0x21c: {  	v26 =	vld [tilespmem:s21+$0x4000];
	v27 =	vadd.s32 v19, v25;
	_ =	sdelay $0x3  }
0x21d: {  	v28 =	vld [tilespmem:s21+$0x2000];
	s18 =	sand.u32 $0x70, s18;
	s19 =	sand.u32 $0x7E00, s19  }
0x21e: {  	s18 =	sor.u32 s18, s19;
	[tilespmem:v27+s12+$0x0] =	vst.idx.add.f32.msk $0xffff, v26  }
0x21f: {  	v29 =	vadd.s32 v20, v25;
	v27 =	vld [tilespmem:s18+$0x6000];
	_ =	sdelay $0x4  }
0x220: {  	[tilespmem:v29+s12+$0x0] =	vst.idx.add.f32.msk $0xffff, v27  }
0x221: {  	v61 =	vadd.s32 v21, v25;
	v27 =	vld [tilespmem:s18+$0x6080];
	_ =	sdelay $0x4  }
0x222: {  	[tilespmem:v61+s12+$0x0] =	vst.idx.add.f32.msk $0xffff, v27  }
0x223: {  	v62 =	vadd.s32 v22, v25;
	v27 =	vld [tilespmem:s18+$0x6100];
	_ =	sdelay $0x4  }
0x224: {  	[tilespmem:v62+s12+$0x0] =	vst.idx.add.f32.msk $0xffff, v27  }
0x225: {  	v25 =	vadd.s32 v23, v25;
	v27 =	vshll.u32 v28, $0x7;
	v63 =	vld [tilespmem:s18+$0x6180]  }
0x226: {  	v27 =	vadd.s32 v24, v27;
	_ =	sdelay $0x2  }
0x227: {  	s17 =	sadd.s32 $0x1, s17  }
0x228: {  	p0 =	sne.s32 s17, s25;
	[tilespmem:v25+s12+$0x0] =	vst.idx.add.f32.msk $0xffff, v63  }
.Ltmp20:
0x229: {  	[tilespmem:v27+s12+$0x0] =	vst.idx.add.f32.msk $0xffff, v26;
	(pc) =	sbr.rel @p0 .LBB2_1-.Ltmp20, $4  }
0x22a: {  	[hbm4b:s24+s2] =	stream.linear.scatter [tilespmem:s12], [sflag:$0x1], $0x6000, $0x38;
	[tilespmem:$0x14000] =	vst v63  }
0x22b: {  	_ =	swait.ge [sflag:s5], $0x6000  }
0x22c: {  	[sflag:s5] =	ssyncset.done $0x0  }
0x22d: {  	[sflag:s5] =	ssyncadd.s32 $0xFFFFA000  }
0x22e: {  	_ =	sfence.sel $0x180000  }
0x22f: {  	[bflag:$0x0] =	sbarrier.arrive $0xFFFF  }
0x230: {  	_ =	strace $0x90000047  }
0x231: {  	s0 =	stileid.u32;
	[bflag:$0x2] =	sbarrier.arrive $0xFFFF  }
0x232: {  	p0 =	sne.s32 s0, $0x0;
	s0 =	rddreg [dreg:$0x1]  }
0x233: {  	s0 =	sadd.s32 @!p0 $0x100000, s0  }
0x234: {  	[sflag:s0] =	ssyncadd.tile.s32 @!p0 $0x1;
	_ =	shalt  }
.Lfunc_end2:
_tile_overlayer_lowered:
.L_overlay_start_2:
0x235: {  	(tag) =	ssettag $0x2  }
0x236: {  	s0 =	rddreg [dreg:$0x0];
	s2 =	stileid.u32  }
0x237: {  	s1 =	rddreg [dreg:$0x1];
	p0 =	sne.s32 s2, $0x0  }
0x238: {  	s3 =	rddreg [dreg:$0x2];
	[bflag:$0x3] =	sbarrier.arrive $0xFFFF;
	s2 =	simm.s32 @!p0 $0x1C01  }
0x239: {  	[timem:s3], [sflag:s2] =	dma.local @!p0 [hbm:s0], s1  }
0x23a: {  	s0 =	simm.s32 @!p0 $0x1  }
0x23b: {  	_ =	swait.ge @!p0 [sflag:s0], s1  }
0x23c: {  	s1 =	ssub.s32 @!p0 $0x0, s1;
	[sflag:s0] =	ssyncset.done @!p0 $0x0  }
0x23d: {  	[sflag:s0] =	ssyncadd.s32 @!p0 s1  }
0x23e: {  	[bflag:$0x3] =	sbarrier.arrive $0xFFFF  }
0x23f: {  	_ =	shalt  }

</sc_bundles>
